<compile_context>
chip_gen: v7x
topology: tpu7x:2x2x1
jax: 0.10.2.dev20260603
libtpu: 0.0.44.dev20260713+nightly
codegen_flags: <defaults>
</compile_context>

<pallas_src>
import functools

import numpy as np
import jax
import jax.numpy as jnp
from jax import lax
from jax.experimental import pallas as pl
from jax.experimental.pallas import tpu as pltpu
from jax.experimental.pallas import tpu_sc as plsc

_AVG = 16.0
_SILU_NORM = 0.5595081467
_SH_C = float(np.sqrt(3.0 / (4.0 * np.pi)))

_N = 10000
_E = 160000
_D = 128

_NW = 32
_SC_NS = 16
_BLK = 128

_E_A = 81920


def _pipe2(nblk, fire, do, fire_first=None):
    fire_first = fire_first or fire
    fire_first(0, 0)
    fire_first(1, 1)

    @pl.loop(0, nblk // 2)
    def _(p):
        g = p * 2
        do(g, 0)

        @pl.when(g + 2 < nblk)
        def _():
            fire(g + 2, 0)

        do(g + 1, 1)

        @pl.when(g + 3 < nblk)
        def _():
            fire(g + 3, 1)

    if nblk % 2:
        do(nblk - 1, 0)


def _make_k1(e0, nblk_w, ntail):
    span = nblk_w * _BLK
    e_count = (nblk_w * _NW + ntail) * _BLK
    mesh = plsc.VectorSubcoreMesh(core_axis_name="c", subcore_axis_name="s")

    @functools.partial(
        pl.kernel,
        out_type=jax.ShapeDtypeStruct((e_count, _D), jnp.float32),
        mesh=mesh,
        scratch_types=[
            pltpu.VMEM((_BLK,), jnp.int32),
            pltpu.VMEM((_BLK,), jnp.int32),
            pltpu.VMEM((_BLK, _D), jnp.float32),
            pltpu.VMEM((_BLK, _D), jnp.float32),
            pltpu.SemaphoreType.DMA,
            pltpu.SemaphoreType.DMA,
        ],
    )
    def k(nf_hbm, idx_hbm, out_hbm, idx0, idx1, rows0, rows1, semi0, semi1):
        idx_b = (idx0, idx1)
        rows_b = (rows0, rows1)
        semi_b = (semi0, semi1)
        wid = lax.axis_index("s") * 2 + lax.axis_index("c")
        base_w = wid * span

        def fire(g, s):
            b = pl.multiple_of(base_w + g * _BLK, _BLK)
            pltpu.make_async_copy(idx_hbm.at[pl.ds(e0 + b, _BLK)],
                                  idx_b[s], semi_b[s]).start()

        def do(g, s):
            b = pl.multiple_of(base_w + g * _BLK, _BLK)
            pltpu.make_async_copy(idx_hbm.at[pl.ds(e0 + b, _BLK)],
                                  idx_b[s], semi_b[s]).wait()
            pltpu.sync_copy(nf_hbm.at[idx_b[s]], rows_b[s])
            pltpu.sync_copy(rows_b[s], out_hbm.at[pl.ds(b, _BLK)])

        _pipe2(nblk_w, fire, do)

        if ntail:
            @pl.when(wid < ntail)
            def _():
                tb = pl.multiple_of(_NW * span + wid * _BLK, _BLK)
                pltpu.sync_copy(idx_hbm.at[pl.ds(e0 + tb, _BLK)], idx0)
                pltpu.sync_copy(nf_hbm.at[idx0], rows0)
                pltpu.sync_copy(rows0, out_hbm.at[pl.ds(tb, _BLK)])

    return k


_BE = 1280


def _act(x):
    return jax.nn.silu(x) / _SILU_NORM


def _dgt(a, b):
    return lax.dot_general(a, b, (((0,), (0,)), ((), ())),
                           preferred_element_type=jnp.float32,
                           precision=lax.Precision.DEFAULT)


def _k2_body(ms_ref, rad_ref, vec_ref, w1_ref, w2_ref, w3_ref, w4_ref,
             out_ref):
    x = rad_ref[...]
    h = _act(_dgt(w1_ref[...], x))
    h = _act(_dgt(w2_ref[...], h))
    h = _act(_dgt(w3_ref[...], h)) * (1.0 / _AVG)

    v = -vec_ref[...]
    n2 = v[0:1, :] * v[0:1, :] + v[1:2, :] * v[1:2, :] + v[2:3, :] * v[2:3, :]
    inv = _SH_C / jnp.maximum(jnp.sqrt(n2), 1e-12)
    n = v * inv

    w4 = w4_ref[...]
    w4s = w4[:, 0:_D]
    w4v = w4[:, _D:]
    ms = ms_ref[...]
    out_ref[:, 0:_D] = ms * _dgt(h, w4s)
    out_ref[:, _D:2 * _D] = ms * _dgt(h * n[1:2, :], w4v)
    out_ref[:, 2 * _D:3 * _D] = ms * _dgt(h * n[2:3, :], w4v)
    out_ref[:, 3 * _D:4 * _D] = ms * _dgt(h * n[0:1, :], w4v)


def _k2_messages(msg_s, radial_t, vectors_t, W1, W2, W3, W4, e0):
    e_count = msg_s.shape[0]
    go = e0 // _BE
    grid = (e_count // _BE,)
    return pl.pallas_call(
        _k2_body,
        grid=grid,
        in_specs=[
            pl.BlockSpec((_BE, _D), lambda i: (i, 0)),
            pl.BlockSpec((8, _BE), lambda i: (0, i + go)),
            pl.BlockSpec((3, _BE), lambda i: (0, i + go)),
            pl.BlockSpec((8, 64), lambda i: (0, 0)),
            pl.BlockSpec((64, 64), lambda i: (0, 0)),
            pl.BlockSpec((64, 64), lambda i: (0, 0)),
            pl.BlockSpec((64, 256), lambda i: (0, 0)),
        ],
        out_specs=pl.BlockSpec((_BE, 4 * _D), lambda i: (i, 0)),
        out_shape=jax.ShapeDtypeStruct((e_count, 4 * _D), jnp.float32),
    )(msg_s, radial_t, vectors_t, W1, W2, W3, W4)


_C_W = 128
_NCHUNK = (4 * _D) // _C_W
_R_STRIPE = 624
_R_TAIL = _N - _SC_NS * _R_STRIPE
_Z_BLK = 48


def _make_k3(e0, nblk_s, ntail):
    span = nblk_s * _BLK
    mesh = plsc.VectorSubcoreMesh(core_axis_name="c", subcore_axis_name="s")

    @functools.partial(
        pl.kernel,
        out_type=jax.ShapeDtypeStruct((_N, 4 * _D), jnp.float32),
        mesh=mesh,
        scratch_types=[
            pltpu.VMEM((_BLK,), jnp.int32),
            pltpu.VMEM((_BLK,), jnp.int32),
            pltpu.VMEM((_BLK, _C_W), jnp.float32),
            pltpu.VMEM((_BLK, _C_W), jnp.float32),
            pltpu.VMEM((_Z_BLK, _C_W), jnp.float32),
            pltpu.VMEM_SHARED((_N, _C_W), jnp.float32),
            pltpu.SemaphoreType.DMA,
            pltpu.SemaphoreType.DMA,
            pltpu.SemaphoreType.DMA,
            pltpu.SemaphoreType.DMA,
            pltpu.SemaphoreType.DMA,
            pltpu.SemaphoreType.DMA,
        ],
    )
    def k(msg_hbm, rcv_hbm, out_hbm,
          ia0, ib0, dat0, dat1, zero_v, acc_sh,
          semi0, semi1, semd0, semd1, sems0, sems1):
        idx_b = (ia0, ib0)
        dat_b = (dat0, dat1)
        semi_b = (semi0, semi1)
        semd_b = (semd0, semd1)
        sems_b = (sems0, sems1)
        cid = lax.axis_index("c")
        sid = lax.axis_index("s")

        @pl.loop(0, _Z_BLK)
        def _(r):
            @pl.loop(0, _C_W, step=16)
            def _(cc):
                zero_v[r, pl.ds(cc, 16)] = jnp.zeros((16,), jnp.float32)

        row0 = pl.multiple_of(sid * _R_STRIPE, 16)
        for qq in range(_NCHUNK // 2):
            q = cid * (_NCHUNK // 2) + qq
            col = q * _C_W

            def fire0(g, s, col=col):
                b = pl.multiple_of(sid * span + g * _BLK, _BLK)
                pltpu.make_async_copy(
                    rcv_hbm.at[pl.ds(e0 + b, _BLK)], idx_b[s], semi_b[s]).start()
                pltpu.make_async_copy(
                    msg_hbm.at[pl.ds(b, _BLK), pl.ds(col, _C_W)],
                    dat_b[s], semd_b[s]).start()

            def fire(g, s, col=col):
                pltpu.make_async_copy(dat_b[s], acc_sh.at[idx_b[s]],
                                      sems_b[s]).wait()
                fire0(g, s)

            def do_group(g, s, col=col):
                b = pl.multiple_of(sid * span + g * _BLK, _BLK)
                pltpu.make_async_copy(
                    rcv_hbm.at[pl.ds(e0 + b, _BLK)], idx_b[s], semi_b[s]).wait()
                pltpu.make_async_copy(
                    msg_hbm.at[pl.ds(b, _BLK), pl.ds(col, _C_W)],
                    dat_b[s], semd_b[s]).wait()
                pltpu.make_async_copy(dat_b[s], acc_sh.at[idx_b[s]],
                                      sems_b[s]).start(add=True)

            @pl.loop(0, _R_STRIPE // _Z_BLK)
            def _(zz):
                zr = pl.multiple_of(row0 + zz * _Z_BLK, 16)
                pltpu.sync_copy(zero_v, acc_sh.at[pl.ds(zr, _Z_BLK)])

            @pl.when(sid == 0)
            def _():
                pltpu.sync_copy(zero_v.at[pl.ds(0, _R_TAIL)],
                                acc_sh.at[pl.ds(_SC_NS * _R_STRIPE, _R_TAIL)])

            plsc.subcore_barrier()

            _pipe2(nblk_s, fire, do_group, fire0)
            pltpu.make_async_copy(dat0, acc_sh.at[ia0], sems0).wait()
            pltpu.make_async_copy(dat1, acc_sh.at[ib0], sems1).wait()

            if ntail:
                @pl.when(sid < ntail)
                def _():
                    tb = pl.multiple_of(_SC_NS * span + sid * _BLK, _BLK)
                    pltpu.sync_copy(rcv_hbm.at[pl.ds(e0 + tb, _BLK)], ia0)
                    pltpu.sync_copy(
                        msg_hbm.at[pl.ds(tb, _BLK), pl.ds(col, _C_W)], dat0)
                    pltpu.sync_copy(dat0, acc_sh.at[ia0], add=True)

            plsc.subcore_barrier()

            pltpu.sync_copy(
                acc_sh.at[pl.ds(row0, _R_STRIPE)],
                out_hbm.at[pl.ds(row0, _R_STRIPE), pl.ds(col, _C_W)],
            )

            @pl.when(sid == 0)
            def _():
                pltpu.sync_copy(
                    acc_sh.at[pl.ds(_SC_NS * _R_STRIPE, _R_TAIL)],
                    out_hbm.at[pl.ds(_SC_NS * _R_STRIPE, _R_TAIL), pl.ds(col, _C_W)],
                )

    return k


def _perm_matrix():
    p = np.zeros((3 * _D, 3 * _D), np.float32)
    for j in range(3):
        for d in range(_D):
            p[_D * j + d, 3 * d + j] = 1.0
    return p


_P = _perm_matrix()
_BR = 1000


def _k4_body(a_ref, b_ref, p_ref, out_ref):
    x = a_ref[...] + b_ref[...]
    out_ref[:, 0:_D] = x[:, 0:_D]
    out_ref[:, _D:] = jnp.dot(x[:, _D:], p_ref[...],
                              preferred_element_type=jnp.float32)


def _k4_permute(out_a, out_b):
    grid = (_N // _BR,)
    return pl.pallas_call(
        _k4_body,
        grid=grid,
        in_specs=[
            pl.BlockSpec((_BR, 4 * _D), lambda i: (i, 0)),
            pl.BlockSpec((_BR, 4 * _D), lambda i: (i, 0)),
            pl.BlockSpec((3 * _D, 3 * _D), lambda i: (0, 0)),
        ],
        out_specs=pl.BlockSpec((_BR, 4 * _D), lambda i: (i, 0)),
        out_shape=jax.ShapeDtypeStruct((_N, 4 * _D), jnp.float32),
    )(out_a, out_b, jnp.asarray(_P))


def kernel(vectors, node_feats, radial_embedding, senders, receivers,
           W1, W2, W3, W4):
    assert node_feats.shape == (_N, _D) and senders.shape == (_E,)
    senders = senders.astype(jnp.int32)
    receivers = receivers.astype(jnp.int32)
    rad_t = radial_embedding.T
    vec_t = vectors.T

    k1a = _make_k1(0, 20, 0)
    k1b = _make_k1(_E_A, 19, 2)
    k3a = _make_k3(0, 40, 0)
    k3b = _make_k3(_E_A, 38, 2)

    ms_a = k1a(node_feats, senders)
    ms_b = k1b(node_feats, senders)
    mg_a = _k2_messages(ms_a, rad_t, vec_t, W1, W2, W3, W4, 0)
    mg_b = _k2_messages(ms_b, rad_t, vec_t, W1, W2, W3, W4, _E_A)
    out_a = k3a(mg_a, receivers)
    out_b = k3b(mg_b, receivers)
    return _k4_permute(out_a, out_b)

# --- scband reference (transcript-rebuilt; emitter-appended) ---
"""Pipeline reference for scband-message-passing-convolution-30176440222431 (READ-ONLY COPY).

The authoritative reference and input builder live on the scoring server;
editing this copy changes nothing except your own understanding.
"""

import jax, jax.numpy as jnp
import numpy as np

AVG_NUM_NEIGHBORS = 16.0
_SILU_NORM = 0.5595081467  # sqrt(E[silu(x)^2]) under N(0,1), e3nn normalizes activations this way


def _act(x):
    return jax.nn.silu(x) / _SILU_NORM


def _mlp(x, Ws):
    # e3nn MultiLayerPerceptron, gradient_normalization=1.0, no bias:
    # weights drawn with std 1/sqrt(fan_in) (done in setup), plain matmul, normalized act between layers
    for i, W in enumerate(Ws):
        x = x @ W
        if i < len(Ws) - 1:
            x = _act(x)
    return x


def _sh_l1(v):
    # e3nn spherical_harmonics(l=1, v, normalize=True), 'integral' normalization
    n = v / jnp.clip(jnp.linalg.norm(v, axis=-1, keepdims=True), 1e-12)
    c = jnp.sqrt(3.0 / (4.0 * jnp.pi))
    # e3nn component ordering for l=1 is (y, z, x)
    return c * jnp.stack([n[..., 1], n[..., 2], n[..., 0]], axis=-1)


def setup_inputs(seed: int = 0):
    key = jax.random.key(seed)
    ks = jax.random.split(key, 10)
    N, E, D, R = 10000, 160000, 128, 8
    vectors = jax.random.normal(ks[0], (E, 3), jnp.float32)
    node_feats = jax.random.normal(ks[1], (N, D), jnp.float32)
    radial_embedding = jax.random.normal(ks[2], (E, R), jnp.float32)
    senders = jax.random.randint(ks[3], (E,), 0, N)
    receivers = jax.random.randint(ks[4], (E,), 0, N)

    def w(k, i, o):
        return jax.random.normal(k, (i, o), jnp.float32) / jnp.sqrt(i)

    W1 = w(ks[5], R, 64)
    W2 = w(ks[6], 64, 64)
    W3 = w(ks[7], 64, 64)
    W4 = w(ks[8], 64, 256)  # out_irreps = 128x0e + 128x1o -> num_irreps = 256
    return {"vectors": vectors, "node_feats": node_feats, "radial_embedding": radial_embedding,
            "senders": senders, "receivers": receivers, "W1": W1, "W2": W2, "W3": W3, "W4": W4}


def reference(vectors, node_feats, radial_embedding, senders, receivers, W1, W2, W3, W4):
    N, D = node_feats.shape
    E = senders.shape[0]
    # gather source node features (128x0e)
    msg_s = node_feats[senders]                              # [E, 128]
    sh = _sh_l1(-vectors)                                    # [E, 3] (1x1o)
    # tensor_product(128x0e, 1x1o) -> 128x1o; for the 0e x 1o path the CG path is exactly s * Y
    msg_v = msg_s[:, :, None] * sh[:, None, :]               # [E, 128, 3]
    # radial MLP mixing weights per output irrep (256 irreps)
    mix = _mlp(radial_embedding, [W1, W2, W3, W4])           # [E, 256]
    out_s = msg_s * mix[:, :D]                               # scale 128x0e
    out_v = msg_v * mix[:, D:, None]                         # scale 128x1o per-mul
    messages = jnp.concatenate([out_s, out_v.reshape(E, 3 * D)], axis=-1)  # [E, 512]
    # scatter-add over receivers
    out = jnp.zeros((N, messages.shape[-1]), messages.dtype).at[receivers].add(messages)
    return out / AVG_NUM_NEIGHBORS

if __name__ == "__main__":
    import jax
    _d = setup_inputs()
    print(jax.jit(kernel)(*tuple(_d.values())))

</pallas_src>

<mosaic_0001>
#map = affine_map<(d0, d1) -> (0, 0)>
#map1 = affine_map<(d0, d1) -> (0)>
module attributes {stable_mosaic.version = 14 : i64} {
  func.func @k(%arg0: i32, %arg1: i32, %arg2: memref<78080x512xf32, #tpu.memory_space<hbm>>, %arg3: memref<160000xi32, #tpu.memory_space<hbm>>, %arg4: memref<10000x512xf32, #tpu.memory_space<hbm>>, %arg5: memref<128xi32, #tpu.memory_space<vmem>>, %arg6: memref<128xi32, #tpu.memory_space<vmem>>, %arg7: memref<128x128xf32, #tpu.memory_space<vmem>>, %arg8: memref<128x128xf32, #tpu.memory_space<vmem>>, %arg9: memref<48x128xf32, #tpu.memory_space<vmem>>, %arg10: memref<10000x128xf32, #tpu.memory_space<vmem_shared>>, %arg11: memref<!tpu.dma_semaphore, #tpu.memory_space<semaphore_mem>>, %arg12: memref<!tpu.dma_semaphore, #tpu.memory_space<semaphore_mem>>, %arg13: memref<!tpu.dma_semaphore, #tpu.memory_space<semaphore_mem>>, %arg14: memref<!tpu.dma_semaphore, #tpu.memory_space<semaphore_mem>>, %arg15: memref<!tpu.dma_semaphore, #tpu.memory_space<semaphore_mem>>, %arg16: memref<!tpu.dma_semaphore, #tpu.memory_space<semaphore_mem>>) attributes {dimension_semantics = [#tpu.dimension_semantics<core_parallel>, #tpu.dimension_semantics<subcore_parallel>], iteration_bounds = array<i64: 2, 16>, scalar_prefetch = 0 : i64, scratch_operands = 12 : i64, tpu.core_type = #tpu.core_type<sc_vector_subcore>, window_params = [{transform_indices = #map}, {transform_indices = #map1}, {transform_indices = #map}]} {
    %scan3A = arith.constant 0 : i32
    %scan3A_0 = arith.constant 48 : i32
    %scan3A_1 = arith.addi %scan3A, %scan3A_0 : i32
    %scan3A_2 = arith.constant 1 : i32
    scf.for %scan3A_119 = %scan3A to %scan3A_1 step %scan3A_2  : i32 {
      %mul3A_120 = arith.constant 1 : i32
      %mul3A_121 = arith.muli %scan3A_119, %mul3A_120 : i32
      %add3A_122 = arith.constant 0 : i32
      %add3A_123 = arith.addi %add3A_122, %mul3A_121 : i32
      %scan3A_124 = arith.constant 0 : i32
      %scan3A_125 = arith.constant 8 : i32
      %scan3A_126 = arith.addi %scan3A_124, %scan3A_125 : i32
      %scan3A_127 = arith.constant 1 : i32
      scf.for %scan3A_129 = %scan3A_124 to %scan3A_126 step %scan3A_127  : i32 {
        %mul3A_130 = arith.constant 16 : i32
        %mul3A_131 = arith.muli %scan3A_129, %mul3A_130 : i32
        %add3A_132 = arith.constant 0 : i32
        %add3A_133 = arith.addi %add3A_132, %mul3A_131 : i32
        %broadcast_in_dim3A = arith.constant 0.000000e+00 : f32
        %broadcast_in_dim3A_134 = vector.broadcast %broadcast_in_dim3A : f32 to vector<16xf32>
        %swap3A = arith.index_cast %add3A_123 : i32 to index
        %swap3A_135 = arith.index_cast %add3A_133 : i32 to index
        %swap3A_136 = tpu.vector_load %arg9[%swap3A, %swap3A_135] {strides = array<i32>} : memref<48x128xf32, #tpu.memory_space<vmem>>, vector<1x16xf32>,
        %swap3A_137 = vector.shape_cast %swap3A_136 : vector<1x16xf32> to vector<16xf32>
        %swap3A_138 = vector.shape_cast %broadcast_in_dim3A_134 : vector<16xf32> to vector<1x16xf32>
        tpu.vector_store %arg9[%swap3A, %swap3A_135], %swap3A_138 {strides = array<i32>} : memref<48x128xf32, #tpu.memory_space<vmem>>, vector<1x16xf32>,
      }
      %scan3A_128 = arith.constant 8 : i32
    }
    %scan3A_3 = arith.constant 48 : i32
    %mul3A = arith.constant 624 : i32
    %mul3A_4 = arith.muli %arg1, %mul3A : i32
    %multiple_of3A = tpu.assume_multiple %mul3A_4, 16 : i32
    %mul3A_5 = arith.constant 2 : i32
    %mul3A_6 = arith.muli %arg0, %mul3A_5 : i32
    %add3A = arith.constant 0 : i32
    %add3A_7 = arith.addi %mul3A_6, %add3A : i32
    %mul3A_8 = arith.constant 128 : i32
    %mul3A_9 = arith.muli %add3A_7, %mul3A_8 : i32
    %scan3A_10 = arith.constant 0 : i32
    %scan3A_11 = arith.constant 13 : i32
    %scan3A_12 = arith.addi %scan3A_10, %scan3A_11 : i32
    %scan3A_13 = arith.constant 1 : i32
    scf.for %scan3A_119 = %scan3A_10 to %scan3A_12 step %scan3A_13  : i32 {
      %mul3A_120 = arith.constant 1 : i32
      %mul3A_121 = arith.muli %scan3A_119, %mul3A_120 : i32
      %add3A_122 = arith.constant 0 : i32
      %add3A_123 = arith.addi %add3A_122, %mul3A_121 : i32
      %mul3A_124 = arith.constant 48 : i32
      %mul3A_125 = arith.muli %add3A_123, %mul3A_124 : i32
      %add3A_126 = arith.addi %multiple_of3A, %mul3A_125 : i32
      %multiple_of3A_127 = tpu.assume_multiple %add3A_126, 16 : i32
      "tpu.region"() ({
        %run_scoped3A = tpu.sem_alloc : memref<!tpu.dma_semaphore, #tpu.memory_space<semaphore_mem>>
        %dma_start3A_128 = arith.constant 0 : i32
        %dma_start3A_129 = tpu.memref_slice %arg10[%multiple_of3A_127, %dma_start3A_128] : memref<10000x128xf32, #tpu.memory_space<vmem_shared>> -> memref<48x128xf32, #tpu.memory_space<vmem_shared>>
        %dma_start3A_130 = arith.constant 0 : i32
        %dma_start3A_131 = tpu.memref_slice %arg10[%multiple_of3A_127, %dma_start3A_130] : memref<10000x128xf32, #tpu.memory_space<vmem_shared>> -> memref<48x128xf32, #tpu.memory_space<vmem_shared>>
        tpu.enqueue_dma source(%arg9 : memref<48x128xf32, #tpu.memory_space<vmem>>) target(%dma_start3A_131 : memref<48x128xf32, #tpu.memory_space<vmem_shared>>) target_semaphore(%run_scoped3A : memref<!tpu.dma_semaphore, #tpu.memory_space<semaphore_mem>>)
        %dma_wait3A_132 = arith.constant 0 : i32
        %dma_wait3A_133 = tpu.memref_slice %arg10[%multiple_of3A_127, %dma_wait3A_132] : memref<10000x128xf32, #tpu.memory_space<vmem_shared>> -> memref<48x128xf32, #tpu.memory_space<vmem_shared>>
        %dma_wait3A_134 = arith.constant 0 : i32
        %dma_wait3A_135 = tpu.memref_slice %arg10[%multiple_of3A_127, %dma_wait3A_134] : memref<10000x128xf32, #tpu.memory_space<vmem_shared>> -> memref<48x128xf32, #tpu.memory_space<vmem_shared>>
        tpu.wait_dma2 semaphore(%run_scoped3A : memref<!tpu.dma_semaphore, #tpu.memory_space<semaphore_mem>>) src(%arg9 : memref<48x128xf32, #tpu.memory_space<vmem>>) dst(%dma_wait3A_135 : memref<48x128xf32, #tpu.memory_space<vmem_shared>>)
        tpu.yield
      }) : () -> ()
    }
    %scan3A_14 = arith.constant 13 : i32
    %eq3A = arith.constant 0 : i32
    %eq3A_15 = arith.cmpi eq, %arg1, %eq3A : i32
    %convert_element_type3A = arith.extui %eq3A_15 : i1 to i32
    %cond3A = arith.constant 0 : i32
    %cond3A_16 = arith.cmpi ne, %convert_element_type3A, %cond3A : i32
    scf.if %cond3A_16 {
      "tpu.region"() ({
        %run_scoped3A = tpu.sem_alloc : memref<!tpu.dma_semaphore, #tpu.memory_space<semaphore_mem>>
        %dma_start3A_119 = arith.constant 0 : i32
        %dma_start3A_120 = arith.constant 0 : i32
        %dma_start3A_121 = tpu.memref_slice %arg9[%dma_start3A_119, %dma_start3A_120] : memref<48x128xf32, #tpu.memory_space<vmem>> -> memref<16x128xf32, #tpu.memory_space<vmem>>
        %dma_start3A_122 = arith.constant 9984 : i32
        %dma_start3A_123 = arith.constant 0 : i32
        %dma_start3A_124 = tpu.memref_slice %arg10[%dma_start3A_122, %dma_start3A_123] : memref<10000x128xf32, #tpu.memory_space<vmem_shared>> -> memref<16x128xf32, #tpu.memory_space<vmem_shared>>
        %dma_start3A_125 = arith.constant 9984 : i32
        %dma_start3A_126 = arith.constant 0 : i32
        %dma_start3A_127 = tpu.memref_slice %arg10[%dma_start3A_125, %dma_start3A_126] : memref<10000x128xf32, #tpu.memory_space<vmem_shared>> -> memref<16x128xf32, #tpu.memory_space<vmem_shared>>
        %dma_start3A_128 = arith.constant 0 : i32
        %dma_start3A_129 = arith.constant 0 : i32
        %dma_start3A_130 = tpu.memref_slice %arg9[%dma_start3A_128, %dma_start3A_129] : memref<48x128xf32, #tpu.memory_space<vmem>> -> memref<16x128xf32, #tpu.memory_space<vmem>>
        tpu.enqueue_dma source(%dma_start3A_130 : memref<16x128xf32, #tpu.memory_space<vmem>>) target(%dma_start3A_127 : memref<16x128xf32, #tpu.memory_space<vmem_shared>>) target_semaphore(%run_scoped3A : memref<!tpu.dma_semaphore, #tpu.memory_space<semaphore_mem>>)
        %dma_wait3A_131 = arith.constant 0 : i32
        %dma_wait3A_132 = arith.constant 0 : i32
        %dma_wait3A_133 = tpu.memref_slice %arg9[%dma_wait3A_131, %dma_wait3A_132] : memref<48x128xf32, #tpu.memory_space<vmem>> -> memref<16x128xf32, #tpu.memory_space<vmem>>
        %dma_wait3A_134 = arith.constant 9984 : i32
        %dma_wait3A_135 = arith.constant 0 : i32
        %dma_wait3A_136 = tpu.memref_slice %arg10[%dma_wait3A_134, %dma_wait3A_135] : memref<10000x128xf32, #tpu.memory_space<vmem_shared>> -> memref<16x128xf32, #tpu.memory_space<vmem_shared>>
        %dma_wait3A_137 = arith.constant 9984 : i32
        %dma_wait3A_138 = arith.constant 0 : i32
        %dma_wait3A_139 = tpu.memref_slice %arg10[%dma_wait3A_137, %dma_wait3A_138] : memref<10000x128xf32, #tpu.memory_space<vmem_shared>> -> memref<16x128xf32, #tpu.memory_space<vmem_shared>>
        %dma_wait3A_140 = arith.constant 0 : i32
        %dma_wait3A_141 = arith.constant 0 : i32
        %dma_wait3A_142 = tpu.memref_slice %arg9[%dma_wait3A_140, %dma_wait3A_141] : memref<48x128xf32, #tpu.memory_space<vmem>> -> memref<16x128xf32, #tpu.memory_space<vmem>>
        tpu.wait_dma2 semaphore(%run_scoped3A : memref<!tpu.dma_semaphore, #tpu.memory_space<semaphore_mem>>) src(%dma_wait3A_142 : memref<16x128xf32, #tpu.memory_space<vmem>>) dst(%dma_wait3A_139 : memref<16x128xf32, #tpu.memory_space<vmem_shared>>)
        tpu.yield
      }) : () -> ()
    } else {
    }
    %barrier3A = arith.constant 0 : index
    tpu.barrier barrier_id(%barrier3A)
    %mul3A_17 = arith.constant 4864 : i32
    %mul3A_18 = arith.muli %arg1, %mul3A_17 : i32
    %add3A_19 = arith.constant 0 : i32
    %add3A_20 = arith.addi %mul3A_18, %add3A_19 : i32
    %multiple_of3A_21 = tpu.assume_multiple %add3A_20, 128 : i32
    %add3A_22 = arith.constant 81920 : i32
    %add3A_23 = arith.addi %add3A_22, %multiple_of3A_21 : i32
    %dma_start3A = tpu.memref_slice %arg3[%add3A_23] : memref<160000xi32, #tpu.memory_space<hbm>> -> memref<128xi32, #tpu.memory_space<hbm>>
    %dma_start3A_24 = tpu.memref_slice %arg3[%add3A_23] : memref<160000xi32, #tpu.memory_space<hbm>> -> memref<128xi32, #tpu.memory_space<hbm>>
    tpu.enqueue_dma source(%dma_start3A_24 : memref<128xi32, #tpu.memory_space<hbm>>) target(%arg5 : memref<128xi32, #tpu.memory_space<vmem>>) target_semaphore(%arg11 : memref<!tpu.dma_semaphore, #tpu.memory_space<semaphore_mem>>)
    %dma_start3A_25 = tpu.memref_slice %arg2[%multiple_of3A_21, %mul3A_9] : memref<78080x512xf32, #tpu.memory_space<hbm>> -> memref<128x128xf32, #tpu.memory_space<hbm>>
    %dma_start3A_26 = tpu.memref_slice %arg2[%multiple_of3A_21, %mul3A_9] : memref<78080x512xf32, #tpu.memory_space<hbm>> -> memref<128x128xf32, #tpu.memory_space<hbm>>
    tpu.enqueue_dma source(%dma_start3A_26 : memref<128x128xf32, #tpu.memory_space<hbm>>) target(%arg7 : memref<128x128xf32, #tpu.memory_space<vmem>>) target_semaphore(%arg13 : memref<!tpu.dma_semaphore, #tpu.memory_space<semaphore_mem>>)
    %mul3A_27 = arith.constant 4864 : i32
    %mul3A_28 = arith.muli %arg1, %mul3A_27 : i32
    %add3A_29 = arith.constant 128 : i32
    %add3A_30 = arith.addi %mul3A_28, %add3A_29 : i32
    %multiple_of3A_31 = tpu.assume_multiple %add3A_30, 128 : i32
    %add3A_32 = arith.constant 81920 : i32
    %add3A_33 = arith.addi %add3A_32, %multiple_of3A_31 : i32
    %dma_start3A_34 = tpu.memref_slice %arg3[%add3A_33] : memref<160000xi32, #tpu.memory_space<hbm>> -> memref<128xi32, #tpu.memory_space<hbm>>
    %dma_start3A_35 = tpu.memref_slice %arg3[%add3A_33] : memref<160000xi32, #tpu.memory_space<hbm>> -> memref<128xi32, #tpu.memory_space<hbm>>
    tpu.enqueue_dma source(%dma_start3A_35 : memref<128xi32, #tpu.memory_space<hbm>>) target(%arg6 : memref<128xi32, #tpu.memory_space<vmem>>) target_semaphore(%arg12 : memref<!tpu.dma_semaphore, #tpu.memory_space<semaphore_mem>>)
    %dma_start3A_36 = tpu.memref_slice %arg2[%multiple_of3A_31, %mul3A_9] : memref<78080x512xf32, #tpu.memory_space<hbm>> -> memref<128x128xf32, #tpu.memory_space<hbm>>
    %dma_start3A_37 = tpu.memref_slice %arg2[%multiple_of3A_31, %mul3A_9] : memref<78080x512xf32, #tpu.memory_space<hbm>> -> memref<128x128xf32, #tpu.memory_space<hbm>>
    tpu.enqueue_dma source(%dma_start3A_37 : memref<128x128xf32, #tpu.memory_space<hbm>>) target(%arg8 : memref<128x128xf32, #tpu.memory_space<vmem>>) target_semaphore(%arg14 : memref<!tpu.dma_semaphore, #tpu.memory_space<semaphore_mem>>)
    %scan3A_38 = arith.constant 0 : i32
    %scan3A_39 = arith.constant 19 : i32
    %scan3A_40 = arith.addi %scan3A_38, %scan3A_39 : i32
    %scan3A_41 = arith.constant 1 : i32
    scf.for %scan3A_119 = %scan3A_38 to %scan3A_40 step %scan3A_41  : i32 {
      %mul3A_120 = arith.constant 1 : i32
      %mul3A_121 = arith.muli %scan3A_119, %mul3A_120 : i32
      %add3A_122 = arith.constant 0 : i32
      %add3A_123 = arith.addi %add3A_122, %mul3A_121 : i32
      %mul3A_124 = arith.constant 2 : i32
      %mul3A_125 = arith.muli %add3A_123, %mul3A_124 : i32
      %mul3A_126 = arith.constant 4864 : i32
      %mul3A_127 = arith.muli %arg1, %mul3A_126 : i32
      %mul3A_128 = arith.constant 128 : i32
      %mul3A_129 = arith.muli %mul3A_125, %mul3A_128 : i32
      %add3A_130 = arith.addi %mul3A_127, %mul3A_129 : i32
      %multiple_of3A_131 = tpu.assume_multiple %add3A_130, 128 : i32
      %add3A_132 = arith.constant 81920 : i32
      %add3A_133 = arith.addi %add3A_132, %multiple_of3A_131 : i32
      %dma_wait3A_134 = tpu.memref_slice %arg3[%add3A_133] : memref<160000xi32, #tpu.memory_space<hbm>> -> memref<128xi32, #tpu.memory_space<hbm>>
      %dma_wait3A_135 = tpu.memref_slice %arg3[%add3A_133] : memref<160000xi32, #tpu.memory_space<hbm>> -> memref<128xi32, #tpu.memory_space<hbm>>
      tpu.wait_dma2 semaphore(%arg11 : memref<!tpu.dma_semaphore, #tpu.memory_space<semaphore_mem>>) src(%dma_wait3A_135 : memref<128xi32, #tpu.memory_space<hbm>>) dst(%arg5 : memref<128xi32, #tpu.memory_space<vmem>>)
      %dma_wait3A_136 = tpu.memref_slice %arg2[%multiple_of3A_131, %mul3A_9] : memref<78080x512xf32, #tpu.memory_space<hbm>> -> memref<128x128xf32, #tpu.memory_space<hbm>>
      %dma_wait3A_137 = tpu.memref_slice %arg2[%multiple_of3A_131, %mul3A_9] : memref<78080x512xf32, #tpu.memory_space<hbm>> -> memref<128x128xf32, #tpu.memory_space<hbm>>
      tpu.wait_dma2 semaphore(%arg13 : memref<!tpu.dma_semaphore, #tpu.memory_space<semaphore_mem>>) src(%dma_wait3A_137 : memref<128x128xf32, #tpu.memory_space<hbm>>) dst(%arg7 : memref<128x128xf32, #tpu.memory_space<vmem>>)
      %dma_start3A_138 = arith.constant 0 : i32
      %dma_start3A_139 = arith.constant 0 : i32
      %dma_start3A_140 = tpu.memref_slice %arg10[%dma_start3A_138, %dma_start3A_139] : memref<10000x128xf32, #tpu.memory_space<vmem_shared>> -> memref<10000x128xf32, #tpu.memory_space<vmem_shared>>
      tpu.enqueue_indirect_dma source(%arg7 : memref<128x128xf32, #tpu.memory_space<vmem>>) target(%dma_start3A_140 : memref<10000x128xf32, #tpu.memory_space<vmem_shared>>) offsets(%arg5 : memref<128xi32, #tpu.memory_space<vmem>>) semaphore(%arg15 : memref<!tpu.dma_semaphore, #tpu.memory_space<semaphore_mem>>) {add = true}
      %add3A_141 = arith.constant 2 : i32
      %add3A_142 = arith.addi %mul3A_125, %add3A_141 : i32
      %lt3A_143 = arith.constant 38 : i32
      %lt3A_144 = arith.cmpi slt, %add3A_142, %lt3A_143 : i32
      %convert_element_type3A_145 = arith.extui %lt3A_144 : i1 to i32
      %cond3A_146 = arith.constant 0 : i32
      %cond3A_147 = arith.cmpi ne, %convert_element_type3A_145, %cond3A_146 : i32
      scf.if %cond3A_147 {
        %add3A_172 = arith.constant 2 : i32
        %add3A_173 = arith.addi %mul3A_125, %add3A_172 : i32
        %dma_wait3A_174 = arith.constant 0 : i32
        %dma_wait3A_175 = arith.constant 0 : i32
        %dma_wait3A_176 = tpu.memref_slice %arg10[%dma_wait3A_174, %dma_wait3A_175] : memref<10000x128xf32, #tpu.memory_space<vmem_shared>> -> memref<10000x128xf32, #tpu.memory_space<vmem_shared>>
        tpu.wait_indirect_dma semaphore(%arg15 : memref<!tpu.dma_semaphore, #tpu.memory_space<semaphore_mem>>) src(%arg7 : memref<128x128xf32, #tpu.memory_space<vmem>>) dst(%dma_wait3A_176 : memref<10000x128xf32, #tpu.memory_space<vmem_shared>>)
        %mul3A_177 = arith.constant 4864 : i32
        %mul3A_178 = arith.muli %arg1, %mul3A_177 : i32
        %mul3A_179 = arith.constant 128 : i32
        %mul3A_180 = arith.muli %add3A_173, %mul3A_179 : i32
        %add3A_181 = arith.addi %mul3A_178, %mul3A_180 : i32
        %multiple_of3A_182 = tpu.assume_multiple %add3A_181, 128 : i32
        %add3A_183 = arith.constant 81920 : i32
        %add3A_184 = arith.addi %add3A_183, %multiple_of3A_182 : i32
        %dma_start3A_185 = tpu.memref_slice %arg3[%add3A_184] : memref<160000xi32, #tpu.memory_space<hbm>> -> memref<128xi32, #tpu.memory_space<hbm>>
        %dma_start3A_186 = tpu.memref_slice %arg3[%add3A_184] : memref<160000xi32, #tpu.memory_space<hbm>> -> memref<128xi32, #tpu.memory_space<hbm>>
        tpu.enqueue_dma source(%dma_start3A_186 : memref<128xi32, #tpu.memory_space<hbm>>) target(%arg5 : memref<128xi32, #tpu.memory_space<vmem>>) target_semaphore(%arg11 : memref<!tpu.dma_semaphore, #tpu.memory_space<semaphore_mem>>)
        %dma_start3A_187 = tpu.memref_slice %arg2[%multiple_of3A_182, %mul3A_9] : memref<78080x512xf32, #tpu.memory_space<hbm>> -> memref<128x128xf32, #tpu.memory_space<hbm>>
        %dma_start3A_188 = tpu.memref_slice %arg2[%multiple_of3A_182, %mul3A_9] : memref<78080x512xf32, #tpu.memory_space<hbm>> -> memref<128x128xf32, #tpu.memory_space<hbm>>
        tpu.enqueue_dma source(%dma_start3A_188 : memref<128x128xf32, #tpu.memory_space<hbm>>) target(%arg7 : memref<128x128xf32, #tpu.memory_space<vmem>>) target_semaphore(%arg13 : memref<!tpu.dma_semaphore, #tpu.memory_space<semaphore_mem>>)
      } else {
      }
      %add3A_148 = arith.constant 1 : i32
      %add3A_149 = arith.addi %mul3A_125, %add3A_148 : i32
      %mul3A_150 = arith.constant 4864 : i32
      %mul3A_151 = arith.muli %arg1, %mul3A_150 : i32
      %mul3A_152 = arith.constant 128 : i32
      %mul3A_153 = arith.muli %add3A_149, %mul3A_152 : i32
      %add3A_154 = arith.addi %mul3A_151, %mul3A_153 : i32
      %multiple_of3A_155 = tpu.assume_multiple %add3A_154, 128 : i32
      %add3A_156 = arith.constant 81920 : i32
      %add3A_157 = arith.addi %add3A_156, %multiple_of3A_155 : i32
      %dma_wait3A_158 = tpu.memref_slice %arg3[%add3A_157] : memref<160000xi32, #tpu.memory_space<hbm>> -> memref<128xi32, #tpu.memory_space<hbm>>
      %dma_wait3A_159 = tpu.memref_slice %arg3[%add3A_157] : memref<160000xi32, #tpu.memory_space<hbm>> -> memref<128xi32, #tpu.memory_space<hbm>>
      tpu.wait_dma2 semaphore(%arg12 : memref<!tpu.dma_semaphore, #tpu.memory_space<semaphore_mem>>) src(%dma_wait3A_159 : memref<128xi32, #tpu.memory_space<hbm>>) dst(%arg6 : memref<128xi32, #tpu.memory_space<vmem>>)
      %dma_wait3A_160 = tpu.memref_slice %arg2[%multiple_of3A_155, %mul3A_9] : memref<78080x512xf32, #tpu.memory_space<hbm>> -> memref<128x128xf32, #tpu.memory_space<hbm>>
      %dma_wait3A_161 = tpu.memref_slice %arg2[%multiple_of3A_155, %mul3A_9] : memref<78080x512xf32, #tpu.memory_space<hbm>> -> memref<128x128xf32, #tpu.memory_space<hbm>>
      tpu.wait_dma2 semaphore(%arg14 : memref<!tpu.dma_semaphore, #tpu.memory_space<semaphore_mem>>) src(%dma_wait3A_161 : memref<128x128xf32, #tpu.memory_space<hbm>>) dst(%arg8 : memref<128x128xf32, #tpu.memory_space<vmem>>)
      %dma_start3A_162 = arith.constant 0 : i32
      %dma_start3A_163 = arith.constant 0 : i32
      %dma_start3A_164 = tpu.memref_slice %arg10[%dma_start3A_162, %dma_start3A_163] : memref<10000x128xf32, #tpu.memory_space<vmem_shared>> -> memref<10000x128xf32, #tpu.memory_space<vmem_shared>>
      tpu.enqueue_indirect_dma source(%arg8 : memref<128x128xf32, #tpu.memory_space<vmem>>) target(%dma_start3A_164 : memref<10000x128xf32, #tpu.memory_space<vmem_shared>>) offsets(%arg6 : memref<128xi32, #tpu.memory_space<vmem>>) semaphore(%arg16 : memref<!tpu.dma_semaphore, #tpu.memory_space<semaphore_mem>>) {add = true}
      %add3A_165 = arith.constant 3 : i32
      %add3A_166 = arith.addi %mul3A_125, %add3A_165 : i32
      %lt3A_167 = arith.constant 38 : i32
      %lt3A_168 = arith.cmpi slt, %add3A_166, %lt3A_167 : i32
      %convert_element_type3A_169 = arith.extui %lt3A_168 : i1 to i32
      %cond3A_170 = arith.constant 0 : i32
      %cond3A_171 = arith.cmpi ne, %convert_element_type3A_169, %cond3A_170 : i32
      scf.if %cond3A_171 {
        %add3A_172 = arith.constant 3 : i32
        %add3A_173 = arith.addi %mul3A_125, %add3A_172 : i32
        %dma_wait3A_174 = arith.constant 0 : i32
        %dma_wait3A_175 = arith.constant 0 : i32
        %dma_wait3A_176 = tpu.memref_slice %arg10[%dma_wait3A_174, %dma_wait3A_175] : memref<10000x128xf32, #tpu.memory_space<vmem_shared>> -> memref<10000x128xf32, #tpu.memory_space<vmem_shared>>
        tpu.wait_indirect_dma semaphore(%arg16 : memref<!tpu.dma_semaphore, #tpu.memory_space<semaphore_mem>>) src(%arg8 : memref<128x128xf32, #tpu.memory_space<vmem>>) dst(%dma_wait3A_176 : memref<10000x128xf32, #tpu.memory_space<vmem_shared>>)
        %mul3A_177 = arith.constant 4864 : i32
        %mul3A_178 = arith.muli %arg1, %mul3A_177 : i32
        %mul3A_179 = arith.constant 128 : i32
        %mul3A_180 = arith.muli %add3A_173, %mul3A_179 : i32
        %add3A_181 = arith.addi %mul3A_178, %mul3A_180 : i32
        %multiple_of3A_182 = tpu.assume_multiple %add3A_181, 128 : i32
        %add3A_183 = arith.constant 81920 : i32
        %add3A_184 = arith.addi %add3A_183, %multiple_of3A_182 : i32
        %dma_start3A_185 = tpu.memref_slice %arg3[%add3A_184] : memref<160000xi32, #tpu.memory_space<hbm>> -> memref<128xi32, #tpu.memory_space<hbm>>
        %dma_start3A_186 = tpu.memref_slice %arg3[%add3A_184] : memref<160000xi32, #tpu.memory_space<hbm>> -> memref<128xi32, #tpu.memory_space<hbm>>
        tpu.enqueue_dma source(%dma_start3A_186 : memref<128xi32, #tpu.memory_space<hbm>>) target(%arg6 : memref<128xi32, #tpu.memory_space<vmem>>) target_semaphore(%arg12 : memref<!tpu.dma_semaphore, #tpu.memory_space<semaphore_mem>>)
        %dma_start3A_187 = tpu.memref_slice %arg2[%multiple_of3A_182, %mul3A_9] : memref<78080x512xf32, #tpu.memory_space<hbm>> -> memref<128x128xf32, #tpu.memory_space<hbm>>
        %dma_start3A_188 = tpu.memref_slice %arg2[%multiple_of3A_182, %mul3A_9] : memref<78080x512xf32, #tpu.memory_space<hbm>> -> memref<128x128xf32, #tpu.memory_space<hbm>>
        tpu.enqueue_dma source(%dma_start3A_188 : memref<128x128xf32, #tpu.memory_space<hbm>>) target(%arg8 : memref<128x128xf32, #tpu.memory_space<vmem>>) target_semaphore(%arg14 : memref<!tpu.dma_semaphore, #tpu.memory_space<semaphore_mem>>)
      } else {
      }
    }
    %scan3A_42 = arith.constant 19 : i32
    %dma_wait3A = arith.constant 0 : i32
    %dma_wait3A_43 = arith.constant 0 : i32
    %dma_wait3A_44 = tpu.memref_slice %arg10[%dma_wait3A, %dma_wait3A_43] : memref<10000x128xf32, #tpu.memory_space<vmem_shared>> -> memref<10000x128xf32, #tpu.memory_space<vmem_shared>>
    tpu.wait_indirect_dma semaphore(%arg15 : memref<!tpu.dma_semaphore, #tpu.memory_space<semaphore_mem>>) src(%arg7 : memref<128x128xf32, #tpu.memory_space<vmem>>) dst(%dma_wait3A_44 : memref<10000x128xf32, #tpu.memory_space<vmem_shared>>)
    %dma_wait3A_45 = arith.constant 0 : i32
    %dma_wait3A_46 = arith.constant 0 : i32
    %dma_wait3A_47 = tpu.memref_slice %arg10[%dma_wait3A_45, %dma_wait3A_46] : memref<10000x128xf32, #tpu.memory_space<vmem_shared>> -> memref<10000x128xf32, #tpu.memory_space<vmem_shared>>
    tpu.wait_indirect_dma semaphore(%arg16 : memref<!tpu.dma_semaphore, #tpu.memory_space<semaphore_mem>>) src(%arg8 : memref<128x128xf32, #tpu.memory_space<vmem>>) dst(%dma_wait3A_47 : memref<10000x128xf32, #tpu.memory_space<vmem_shared>>)
    %lt3A = arith.constant 2 : i32
    %lt3A_48 = arith.cmpi slt, %arg1, %lt3A : i32
    %convert_element_type3A_49 = arith.extui %lt3A_48 : i1 to i32
    %cond3A_50 = arith.constant 0 : i32
    %cond3A_51 = arith.cmpi ne, %convert_element_type3A_49, %cond3A_50 : i32
    scf.if %cond3A_51 {
      %mul3A_119 = arith.constant 128 : i32
      %mul3A_120 = arith.muli %arg1, %mul3A_119 : i32
      %add3A_121 = arith.constant 77824 : i32
      %add3A_122 = arith.addi %add3A_121, %mul3A_120 : i32
      %multiple_of3A_123 = tpu.assume_multiple %add3A_122, 128 : i32
      %add3A_124 = arith.constant 81920 : i32
      %add3A_125 = arith.addi %add3A_124, %multiple_of3A_123 : i32
      "tpu.region"() ({
        %run_scoped3A = tpu.sem_alloc : memref<!tpu.dma_semaphore, #tpu.memory_space<semaphore_mem>>
        %dma_start3A_126 = tpu.memref_slice %arg3[%add3A_125] : memref<160000xi32, #tpu.memory_space<hbm>> -> memref<128xi32, #tpu.memory_space<hbm>>
        %dma_start3A_127 = tpu.memref_slice %arg3[%add3A_125] : memref<160000xi32, #tpu.memory_space<hbm>> -> memref<128xi32, #tpu.memory_space<hbm>>
        tpu.enqueue_dma source(%dma_start3A_127 : memref<128xi32, #tpu.memory_space<hbm>>) target(%arg5 : memref<128xi32, #tpu.memory_space<vmem>>) target_semaphore(%run_scoped3A : memref<!tpu.dma_semaphore, #tpu.memory_space<semaphore_mem>>)
        %dma_wait3A_128 = tpu.memref_slice %arg3[%add3A_125] : memref<160000xi32, #tpu.memory_space<hbm>> -> memref<128xi32, #tpu.memory_space<hbm>>
        %dma_wait3A_129 = tpu.memref_slice %arg3[%add3A_125] : memref<160000xi32, #tpu.memory_space<hbm>> -> memref<128xi32, #tpu.memory_space<hbm>>
        tpu.wait_dma2 semaphore(%run_scoped3A : memref<!tpu.dma_semaphore, #tpu.memory_space<semaphore_mem>>) src(%dma_wait3A_129 : memref<128xi32, #tpu.memory_space<hbm>>) dst(%arg5 : memref<128xi32, #tpu.memory_space<vmem>>)
        tpu.yield
      }) : () -> ()
      "tpu.region"() ({
        %run_scoped3A = tpu.sem_alloc : memref<!tpu.dma_semaphore, #tpu.memory_space<semaphore_mem>>
        %dma_start3A_126 = tpu.memref_slice %arg2[%multiple_of3A_123, %mul3A_9] : memref<78080x512xf32, #tpu.memory_space<hbm>> -> memref<128x128xf32, #tpu.memory_space<hbm>>
        %dma_start3A_127 = tpu.memref_slice %arg2[%multiple_of3A_123, %mul3A_9] : memref<78080x512xf32, #tpu.memory_space<hbm>> -> memref<128x128xf32, #tpu.memory_space<hbm>>
        tpu.enqueue_dma source(%dma_start3A_127 : memref<128x128xf32, #tpu.memory_space<hbm>>) target(%arg7 : memref<128x128xf32, #tpu.memory_space<vmem>>) target_semaphore(%run_scoped3A : memref<!tpu.dma_semaphore, #tpu.memory_space<semaphore_mem>>)
        %dma_wait3A_128 = tpu.memref_slice %arg2[%multiple_of3A_123, %mul3A_9] : memref<78080x512xf32, #tpu.memory_space<hbm>> -> memref<128x128xf32, #tpu.memory_space<hbm>>
        %dma_wait3A_129 = tpu.memref_slice %arg2[%multiple_of3A_123, %mul3A_9] : memref<78080x512xf32, #tpu.memory_space<hbm>> -> memref<128x128xf32, #tpu.memory_space<hbm>>
        tpu.wait_dma2 semaphore(%run_scoped3A : memref<!tpu.dma_semaphore, #tpu.memory_space<semaphore_mem>>) src(%dma_wait3A_129 : memref<128x128xf32, #tpu.memory_space<hbm>>) dst(%arg7 : memref<128x128xf32, #tpu.memory_space<vmem>>)
        tpu.yield
      }) : () -> ()
      "tpu.region"() ({
        %run_scoped3A = tpu.sem_alloc : memref<!tpu.dma_semaphore, #tpu.memory_space<semaphore_mem>>
        %dma_start3A_126 = arith.constant 0 : i32
        %dma_start3A_127 = arith.constant 0 : i32
        %dma_start3A_128 = tpu.memref_slice %arg10[%dma_start3A_126, %dma_start3A_127] : memref<10000x128xf32, #tpu.memory_space<vmem_shared>> -> memref<10000x128xf32, #tpu.memory_space<vmem_shared>>
        tpu.enqueue_indirect_dma source(%arg7 : memref<128x128xf32, #tpu.memory_space<vmem>>) target(%dma_start3A_128 : memref<10000x128xf32, #tpu.memory_space<vmem_shared>>) offsets(%arg5 : memref<128xi32, #tpu.memory_space<vmem>>) semaphore(%run_scoped3A : memref<!tpu.dma_semaphore, #tpu.memory_space<semaphore_mem>>) {add = true}
        %dma_wait3A_129 = arith.constant 0 : i32
        %dma_wait3A_130 = arith.constant 0 : i32
        %dma_wait3A_131 = tpu.memref_slice %arg10[%dma_wait3A_129, %dma_wait3A_130] : memref<10000x128xf32, #tpu.memory_space<vmem_shared>> -> memref<10000x128xf32, #tpu.memory_space<vmem_shared>>
        tpu.wait_indirect_dma semaphore(%run_scoped3A : memref<!tpu.dma_semaphore, #tpu.memory_space<semaphore_mem>>) src(%arg7 : memref<128x128xf32, #tpu.memory_space<vmem>>) dst(%dma_wait3A_131 : memref<10000x128xf32, #tpu.memory_space<vmem_shared>>)
        tpu.yield
      }) : () -> ()
    } else {
    }
    %barrier3A_52 = arith.constant 0 : index
    tpu.barrier barrier_id(%barrier3A_52)
    "tpu.region"() ({
      %run_scoped3A = tpu.sem_alloc : memref<!tpu.dma_semaphore, #tpu.memory_space<semaphore_mem>>
      %dma_start3A_119 = tpu.memref_slice %arg4[%multiple_of3A, %mul3A_9] : memref<10000x512xf32, #tpu.memory_space<hbm>> -> memref<624x128xf32, #tpu.memory_space<hbm>>
      %dma_start3A_120 = arith.constant 0 : i32
      %dma_start3A_121 = tpu.memref_slice %arg10[%multiple_of3A, %dma_start3A_120] : memref<10000x128xf32, #tpu.memory_space<vmem_shared>> -> memref<624x128xf32, #tpu.memory_space<vmem_shared>>
      tpu.enqueue_dma source(%dma_start3A_121 : memref<624x128xf32, #tpu.memory_space<vmem_shared>>) target(%dma_start3A_119 : memref<624x128xf32, #tpu.memory_space<hbm>>) target_semaphore(%run_scoped3A : memref<!tpu.dma_semaphore, #tpu.memory_space<semaphore_mem>>)
      %dma_wait3A_122 = tpu.memref_slice %arg4[%multiple_of3A, %mul3A_9] : memref<10000x512xf32, #tpu.memory_space<hbm>> -> memref<624x128xf32, #tpu.memory_space<hbm>>
      %dma_wait3A_123 = arith.constant 0 : i32
      %dma_wait3A_124 = tpu.memref_slice %arg10[%multiple_of3A, %dma_wait3A_123] : memref<10000x128xf32, #tpu.memory_space<vmem_shared>> -> memref<624x128xf32, #tpu.memory_space<vmem_shared>>
      tpu.wait_dma2 semaphore(%run_scoped3A : memref<!tpu.dma_semaphore, #tpu.memory_space<semaphore_mem>>) src(%dma_wait3A_124 : memref<624x128xf32, #tpu.memory_space<vmem_shared>>) dst(%dma_wait3A_122 : memref<624x128xf32, #tpu.memory_space<hbm>>)
      tpu.yield
    }) : () -> ()
    %eq3A_53 = arith.constant 0 : i32
    %eq3A_54 = arith.cmpi eq, %arg1, %eq3A_53 : i32
    %convert_element_type3A_55 = arith.extui %eq3A_54 : i1 to i32
    %cond3A_56 = arith.constant 0 : i32
    %cond3A_57 = arith.cmpi ne, %convert_element_type3A_55, %cond3A_56 : i32
    scf.if %cond3A_57 {
      "tpu.region"() ({
        %run_scoped3A = tpu.sem_alloc : memref<!tpu.dma_semaphore, #tpu.memory_space<semaphore_mem>>
        %dma_start3A_119 = arith.constant 9984 : i32
        %dma_start3A_120 = tpu.memref_slice %arg4[%dma_start3A_119, %mul3A_9] : memref<10000x512xf32, #tpu.memory_space<hbm>> -> memref<16x128xf32, #tpu.memory_space<hbm>>
        %dma_start3A_121 = arith.constant 9984 : i32
        %dma_start3A_122 = arith.constant 0 : i32
        %dma_start3A_123 = tpu.memref_slice %arg10[%dma_start3A_121, %dma_start3A_122] : memref<10000x128xf32, #tpu.memory_space<vmem_shared>> -> memref<16x128xf32, #tpu.memory_space<vmem_shared>>
        tpu.enqueue_dma source(%dma_start3A_123 : memref<16x128xf32, #tpu.memory_space<vmem_shared>>) target(%dma_start3A_120 : memref<16x128xf32, #tpu.memory_space<hbm>>) target_semaphore(%run_scoped3A : memref<!tpu.dma_semaphore, #tpu.memory_space<semaphore_mem>>)
        %dma_wait3A_124 = arith.constant 9984 : i32
        %dma_wait3A_125 = tpu.memref_slice %arg4[%dma_wait3A_124, %mul3A_9] : memref<10000x512xf32, #tpu.memory_space<hbm>> -> memref<16x128xf32, #tpu.memory_space<hbm>>
        %dma_wait3A_126 = arith.constant 9984 : i32
        %dma_wait3A_127 = arith.constant 0 : i32
        %dma_wait3A_128 = tpu.memref_slice %arg10[%dma_wait3A_126, %dma_wait3A_127] : memref<10000x128xf32, #tpu.memory_space<vmem_shared>> -> memref<16x128xf32, #tpu.memory_space<vmem_shared>>
        tpu.wait_dma2 semaphore(%run_scoped3A : memref<!tpu.dma_semaphore, #tpu.memory_space<semaphore_mem>>) src(%dma_wait3A_128 : memref<16x128xf32, #tpu.memory_space<vmem_shared>>) dst(%dma_wait3A_125 : memref<16x128xf32, #tpu.memory_space<hbm>>)
        tpu.yield
      }) : () -> ()
    } else {
    }
    %mul3A_58 = arith.constant 2 : i32
    %mul3A_59 = arith.muli %arg0, %mul3A_58 : i32
    %add3A_60 = arith.constant 1 : i32
    %add3A_61 = arith.addi %mul3A_59, %add3A_60 : i32
    %mul3A_62 = arith.constant 128 : i32
    %mul3A_63 = arith.muli %add3A_61, %mul3A_62 : i32
    %scan3A_64 = arith.constant 0 : i32
    %scan3A_65 = arith.constant 13 : i32
    %scan3A_66 = arith.addi %scan3A_64, %scan3A_65 : i32
    %scan3A_67 = arith.constant 1 : i32
    scf.for %scan3A_119 = %scan3A_64 to %scan3A_66 step %scan3A_67  : i32 {
      %mul3A_120 = arith.constant 1 : i32
      %mul3A_121 = arith.muli %scan3A_119, %mul3A_120 : i32
      %add3A_122 = arith.constant 0 : i32
      %add3A_123 = arith.addi %add3A_122, %mul3A_121 : i32
      %mul3A_124 = arith.constant 48 : i32
      %mul3A_125 = arith.muli %add3A_123, %mul3A_124 : i32
      %add3A_126 = arith.addi %multiple_of3A, %mul3A_125 : i32
      %multiple_of3A_127 = tpu.assume_multiple %add3A_126, 16 : i32
      "tpu.region"() ({
        %run_scoped3A = tpu.sem_alloc : memref<!tpu.dma_semaphore, #tpu.memory_space<semaphore_mem>>
        %dma_start3A_128 = arith.constant 0 : i32
        %dma_start3A_129 = tpu.memref_slice %arg10[%multiple_of3A_127, %dma_start3A_128] : memref<10000x128xf32, #tpu.memory_space<vmem_shared>> -> memref<48x128xf32, #tpu.memory_space<vmem_shared>>
        %dma_start3A_130 = arith.constant 0 : i32
        %dma_start3A_131 = tpu.memref_slice %arg10[%multiple_of3A_127, %dma_start3A_130] : memref<10000x128xf32, #tpu.memory_space<vmem_shared>> -> memref<48x128xf32, #tpu.memory_space<vmem_shared>>
        tpu.enqueue_dma source(%arg9 : memref<48x128xf32, #tpu.memory_space<vmem>>) target(%dma_start3A_131 : memref<48x128xf32, #tpu.memory_space<vmem_shared>>) target_semaphore(%run_scoped3A : memref<!tpu.dma_semaphore, #tpu.memory_space<semaphore_mem>>)
        %dma_wait3A_132 = arith.constant 0 : i32
        %dma_wait3A_133 = tpu.memref_slice %arg10[%multiple_of3A_127, %dma_wait3A_132] : memref<10000x128xf32, #tpu.memory_space<vmem_shared>> -> memref<48x128xf32, #tpu.memory_space<vmem_shared>>
        %dma_wait3A_134 = arith.constant 0 : i32
        %dma_wait3A_135 = tpu.memref_slice %arg10[%multiple_of3A_127, %dma_wait3A_134] : memref<10000x128xf32, #tpu.memory_space<vmem_shared>> -> memref<48x128xf32, #tpu.memory_space<vmem_shared>>
        tpu.wait_dma2 semaphore(%run_scoped3A : memref<!tpu.dma_semaphore, #tpu.memory_space<semaphore_mem>>) src(%arg9 : memref<48x128xf32, #tpu.memory_space<vmem>>) dst(%dma_wait3A_135 : memref<48x128xf32, #tpu.memory_space<vmem_shared>>)
        tpu.yield
      }) : () -> ()
    }
    %scan3A_68 = arith.constant 13 : i32
    %eq3A_69 = arith.constant 0 : i32
    %eq3A_70 = arith.cmpi eq, %arg1, %eq3A_69 : i32
    %convert_element_type3A_71 = arith.extui %eq3A_70 : i1 to i32
    %cond3A_72 = arith.constant 0 : i32
    %cond3A_73 = arith.cmpi ne, %convert_element_type3A_71, %cond3A_72 : i32
    scf.if %cond3A_73 {
      "tpu.region"() ({
        %run_scoped3A = tpu.sem_alloc : memref<!tpu.dma_semaphore, #tpu.memory_space<semaphore_mem>>
        %dma_start3A_119 = arith.constant 0 : i32
        %dma_start3A_120 = arith.constant 0 : i32
        %dma_start3A_121 = tpu.memref_slice %arg9[%dma_start3A_119, %dma_start3A_120] : memref<48x128xf32, #tpu.memory_space<vmem>> -> memref<16x128xf32, #tpu.memory_space<vmem>>
        %dma_start3A_122 = arith.constant 9984 : i32
        %dma_start3A_123 = arith.constant 0 : i32
        %dma_start3A_124 = tpu.memref_slice %arg10[%dma_start3A_122, %dma_start3A_123] : memref<10000x128xf32, #tpu.memory_space<vmem_shared>> -> memref<16x128xf32, #tpu.memory_space<vmem_shared>>
        %dma_start3A_125 = arith.constant 9984 : i32
        %dma_start3A_126 = arith.constant 0 : i32
        %dma_start3A_127 = tpu.memref_slice %arg10[%dma_start3A_125, %dma_start3A_126] : memref<10000x128xf32, #tpu.memory_space<vmem_shared>> -> memref<16x128xf32, #tpu.memory_space<vmem_shared>>
        %dma_start3A_128 = arith.constant 0 : i32
        %dma_start3A_129 = arith.constant 0 : i32
        %dma_start3A_130 = tpu.memref_slice %arg9[%dma_start3A_128, %dma_start3A_129] : memref<48x128xf32, #tpu.memory_space<vmem>> -> memref<16x128xf32, #tpu.memory_space<vmem>>
        tpu.enqueue_dma source(%dma_start3A_130 : memref<16x128xf32, #tpu.memory_space<vmem>>) target(%dma_start3A_127 : memref<16x128xf32, #tpu.memory_space<vmem_shared>>) target_semaphore(%run_scoped3A : memref<!tpu.dma_semaphore, #tpu.memory_space<semaphore_mem>>)
        %dma_wait3A_131 = arith.constant 0 : i32
        %dma_wait3A_132 = arith.constant 0 : i32
        %dma_wait3A_133 = tpu.memref_slice %arg9[%dma_wait3A_131, %dma_wait3A_132] : memref<48x128xf32, #tpu.memory_space<vmem>> -> memref<16x128xf32, #tpu.memory_space<vmem>>
        %dma_wait3A_134 = arith.constant 9984 : i32
        %dma_wait3A_135 = arith.constant 0 : i32
        %dma_wait3A_136 = tpu.memref_slice %arg10[%dma_wait3A_134, %dma_wait3A_135] : memref<10000x128xf32, #tpu.memory_space<vmem_shared>> -> memref<16x128xf32, #tpu.memory_space<vmem_shared>>
        %dma_wait3A_137 = arith.constant 9984 : i32
        %dma_wait3A_138 = arith.constant 0 : i32
        %dma_wait3A_139 = tpu.memref_slice %arg10[%dma_wait3A_137, %dma_wait3A_138] : memref<10000x128xf32, #tpu.memory_space<vmem_shared>> -> memref<16x128xf32, #tpu.memory_space<vmem_shared>>
        %dma_wait3A_140 = arith.constant 0 : i32
        %dma_wait3A_141 = arith.constant 0 : i32
        %dma_wait3A_142 = tpu.memref_slice %arg9[%dma_wait3A_140, %dma_wait3A_141] : memref<48x128xf32, #tpu.memory_space<vmem>> -> memref<16x128xf32, #tpu.memory_space<vmem>>
        tpu.wait_dma2 semaphore(%run_scoped3A : memref<!tpu.dma_semaphore, #tpu.memory_space<semaphore_mem>>) src(%dma_wait3A_142 : memref<16x128xf32, #tpu.memory_space<vmem>>) dst(%dma_wait3A_139 : memref<16x128xf32, #tpu.memory_space<vmem_shared>>)
        tpu.yield
      }) : () -> ()
    } else {
    }
    %barrier3A_74 = arith.constant 0 : index
    tpu.barrier barrier_id(%barrier3A_74)
    %mul3A_75 = arith.constant 4864 : i32
    %mul3A_76 = arith.muli %arg1, %mul3A_75 : i32
    %add3A_77 = arith.constant 0 : i32
    %add3A_78 = arith.addi %mul3A_76, %add3A_77 : i32
    %multiple_of3A_79 = tpu.assume_multiple %add3A_78, 128 : i32
    %add3A_80 = arith.constant 81920 : i32
    %add3A_81 = arith.addi %add3A_80, %multiple_of3A_79 : i32
    %dma_start3A_82 = tpu.memref_slice %arg3[%add3A_81] : memref<160000xi32, #tpu.memory_space<hbm>> -> memref<128xi32, #tpu.memory_space<hbm>>
    %dma_start3A_83 = tpu.memref_slice %arg3[%add3A_81] : memref<160000xi32, #tpu.memory_space<hbm>> -> memref<128xi32, #tpu.memory_space<hbm>>
    tpu.enqueue_dma source(%dma_start3A_83 : memref<128xi32, #tpu.memory_space<hbm>>) target(%arg5 : memref<128xi32, #tpu.memory_space<vmem>>) target_semaphore(%arg11 : memref<!tpu.dma_semaphore, #tpu.memory_space<semaphore_mem>>)
    %dma_start3A_84 = tpu.memref_slice %arg2[%multiple_of3A_79, %mul3A_63] : memref<78080x512xf32, #tpu.memory_space<hbm>> -> memref<128x128xf32, #tpu.memory_space<hbm>>
    %dma_start3A_85 = tpu.memref_slice %arg2[%multiple_of3A_79, %mul3A_63] : memref<78080x512xf32, #tpu.memory_space<hbm>> -> memref<128x128xf32, #tpu.memory_space<hbm>>
    tpu.enqueue_dma source(%dma_start3A_85 : memref<128x128xf32, #tpu.memory_space<hbm>>) target(%arg7 : memref<128x128xf32, #tpu.memory_space<vmem>>) target_semaphore(%arg13 : memref<!tpu.dma_semaphore, #tpu.memory_space<semaphore_mem>>)
    %mul3A_86 = arith.constant 4864 : i32
    %mul3A_87 = arith.muli %arg1, %mul3A_86 : i32
    %add3A_88 = arith.constant 128 : i32
    %add3A_89 = arith.addi %mul3A_87, %add3A_88 : i32
    %multiple_of3A_90 = tpu.assume_multiple %add3A_89, 128 : i32
    %add3A_91 = arith.constant 81920 : i32
    %add3A_92 = arith.addi %add3A_91, %multiple_of3A_90 : i32
    %dma_start3A_93 = tpu.memref_slice %arg3[%add3A_92] : memref<160000xi32, #tpu.memory_space<hbm>> -> memref<128xi32, #tpu.memory_space<hbm>>
    %dma_start3A_94 = tpu.memref_slice %arg3[%add3A_92] : memref<160000xi32, #tpu.memory_space<hbm>> -> memref<128xi32, #tpu.memory_space<hbm>>
    tpu.enqueue_dma source(%dma_start3A_94 : memref<128xi32, #tpu.memory_space<hbm>>) target(%arg6 : memref<128xi32, #tpu.memory_space<vmem>>) target_semaphore(%arg12 : memref<!tpu.dma_semaphore, #tpu.memory_space<semaphore_mem>>)
    %dma_start3A_95 = tpu.memref_slice %arg2[%multiple_of3A_90, %mul3A_63] : memref<78080x512xf32, #tpu.memory_space<hbm>> -> memref<128x128xf32, #tpu.memory_space<hbm>>
    %dma_start3A_96 = tpu.memref_slice %arg2[%multiple_of3A_90, %mul3A_63] : memref<78080x512xf32, #tpu.memory_space<hbm>> -> memref<128x128xf32, #tpu.memory_space<hbm>>
    tpu.enqueue_dma source(%dma_start3A_96 : memref<128x128xf32, #tpu.memory_space<hbm>>) target(%arg8 : memref<128x128xf32, #tpu.memory_space<vmem>>) target_semaphore(%arg14 : memref<!tpu.dma_semaphore, #tpu.memory_space<semaphore_mem>>)
    %scan3A_97 = arith.constant 0 : i32
    %scan3A_98 = arith.constant 19 : i32
    %scan3A_99 = arith.addi %scan3A_97, %scan3A_98 : i32
    %scan3A_100 = arith.constant 1 : i32
    scf.for %scan3A_119 = %scan3A_97 to %scan3A_99 step %scan3A_100  : i32 {
      %mul3A_120 = arith.constant 1 : i32
      %mul3A_121 = arith.muli %scan3A_119, %mul3A_120 : i32
      %add3A_122 = arith.constant 0 : i32
      %add3A_123 = arith.addi %add3A_122, %mul3A_121 : i32
      %mul3A_124 = arith.constant 2 : i32
      %mul3A_125 = arith.muli %add3A_123, %mul3A_124 : i32
      %mul3A_126 = arith.constant 4864 : i32
      %mul3A_127 = arith.muli %arg1, %mul3A_126 : i32
      %mul3A_128 = arith.constant 128 : i32
      %mul3A_129 = arith.muli %mul3A_125, %mul3A_128 : i32
      %add3A_130 = arith.addi %mul3A_127, %mul3A_129 : i32
      %multiple_of3A_131 = tpu.assume_multiple %add3A_130, 128 : i32
      %add3A_132 = arith.constant 81920 : i32
      %add3A_133 = arith.addi %add3A_132, %multiple_of3A_131 : i32
      %dma_wait3A_134 = tpu.memref_slice %arg3[%add3A_133] : memref<160000xi32, #tpu.memory_space<hbm>> -> memref<128xi32, #tpu.memory_space<hbm>>
      %dma_wait3A_135 = tpu.memref_slice %arg3[%add3A_133] : memref<160000xi32, #tpu.memory_space<hbm>> -> memref<128xi32, #tpu.memory_space<hbm>>
      tpu.wait_dma2 semaphore(%arg11 : memref<!tpu.dma_semaphore, #tpu.memory_space<semaphore_mem>>) src(%dma_wait3A_135 : memref<128xi32, #tpu.memory_space<hbm>>) dst(%arg5 : memref<128xi32, #tpu.memory_space<vmem>>)
      %dma_wait3A_136 = tpu.memref_slice %arg2[%multiple_of3A_131, %mul3A_63] : memref<78080x512xf32, #tpu.memory_space<hbm>> -> memref<128x128xf32, #tpu.memory_space<hbm>>
      %dma_wait3A_137 = tpu.memref_slice %arg2[%multiple_of3A_131, %mul3A_63] : memref<78080x512xf32, #tpu.memory_space<hbm>> -> memref<128x128xf32, #tpu.memory_space<hbm>>
      tpu.wait_dma2 semaphore(%arg13 : memref<!tpu.dma_semaphore, #tpu.memory_space<semaphore_mem>>) src(%dma_wait3A_137 : memref<128x128xf32, #tpu.memory_space<hbm>>) dst(%arg7 : memref<128x128xf32, #tpu.memory_space<vmem>>)
      %dma_start3A_138 = arith.constant 0 : i32
      %dma_start3A_139 = arith.constant 0 : i32
      %dma_start3A_140 = tpu.memref_slice %arg10[%dma_start3A_138, %dma_start3A_139] : memref<10000x128xf32, #tpu.memory_space<vmem_shared>> -> memref<10000x128xf32, #tpu.memory_space<vmem_shared>>
      tpu.enqueue_indirect_dma source(%arg7 : memref<128x128xf32, #tpu.memory_space<vmem>>) target(%dma_start3A_140 : memref<10000x128xf32, #tpu.memory_space<vmem_shared>>) offsets(%arg5 : memref<128xi32, #tpu.memory_space<vmem>>) semaphore(%arg15 : memref<!tpu.dma_semaphore, #tpu.memory_space<semaphore_mem>>) {add = true}
      %add3A_141 = arith.constant 2 : i32
      %add3A_142 = arith.addi %mul3A_125, %add3A_141 : i32
      %lt3A_143 = arith.constant 38 : i32
      %lt3A_144 = arith.cmpi slt, %add3A_142, %lt3A_143 : i32
      %convert_element_type3A_145 = arith.extui %lt3A_144 : i1 to i32
      %cond3A_146 = arith.constant 0 : i32
      %cond3A_147 = arith.cmpi ne, %convert_element_type3A_145, %cond3A_146 : i32
      scf.if %cond3A_147 {
        %add3A_172 = arith.constant 2 : i32
        %add3A_173 = arith.addi %mul3A_125, %add3A_172 : i32
        %dma_wait3A_174 = arith.constant 0 : i32
        %dma_wait3A_175 = arith.constant 0 : i32
        %dma_wait3A_176 = tpu.memref_slice %arg10[%dma_wait3A_174, %dma_wait3A_175] : memref<10000x128xf32, #tpu.memory_space<vmem_shared>> -> memref<10000x128xf32, #tpu.memory_space<vmem_shared>>
        tpu.wait_indirect_dma semaphore(%arg15 : memref<!tpu.dma_semaphore, #tpu.memory_space<semaphore_mem>>) src(%arg7 : memref<128x128xf32, #tpu.memory_space<vmem>>) dst(%dma_wait3A_176 : memref<10000x128xf32, #tpu.memory_space<vmem_shared>>)
        %mul3A_177 = arith.constant 4864 : i32
        %mul3A_178 = arith.muli %arg1, %mul3A_177 : i32
        %mul3A_179 = arith.constant 128 : i32
        %mul3A_180 = arith.muli %add3A_173, %mul3A_179 : i32
        %add3A_181 = arith.addi %mul3A_178, %mul3A_180 : i32
        %multiple_of3A_182 = tpu.assume_multiple %add3A_181, 128 : i32
        %add3A_183 = arith.constant 81920 : i32
        %add3A_184 = arith.addi %add3A_183, %multiple_of3A_182 : i32
        %dma_start3A_185 = tpu.memref_slice %arg3[%add3A_184] : memref<160000xi32, #tpu.memory_space<hbm>> -> memref<128xi32, #tpu.memory_space<hbm>>
        %dma_start3A_186 = tpu.memref_slice %arg3[%add3A_184] : memref<160000xi32, #tpu.memory_space<hbm>> -> memref<128xi32, #tpu.memory_space<hbm>>
        tpu.enqueue_dma source(%dma_start3A_186 : memref<128xi32, #tpu.memory_space<hbm>>) target(%arg5 : memref<128xi32, #tpu.memory_space<vmem>>) target_semaphore(%arg11 : memref<!tpu.dma_semaphore, #tpu.memory_space<semaphore_mem>>)
        %dma_start3A_187 = tpu.memref_slice %arg2[%multiple_of3A_182, %mul3A_63] : memref<78080x512xf32, #tpu.memory_space<hbm>> -> memref<128x128xf32, #tpu.memory_space<hbm>>
        %dma_start3A_188 = tpu.memref_slice %arg2[%multiple_of3A_182, %mul3A_63] : memref<78080x512xf32, #tpu.memory_space<hbm>> -> memref<128x128xf32, #tpu.memory_space<hbm>>
        tpu.enqueue_dma source(%dma_start3A_188 : memref<128x128xf32, #tpu.memory_space<hbm>>) target(%arg7 : memref<128x128xf32, #tpu.memory_space<vmem>>) target_semaphore(%arg13 : memref<!tpu.dma_semaphore, #tpu.memory_space<semaphore_mem>>)
      } else {
      }
      %add3A_148 = arith.constant 1 : i32
      %add3A_149 = arith.addi %mul3A_125, %add3A_148 : i32
      %mul3A_150 = arith.constant 4864 : i32
      %mul3A_151 = arith.muli %arg1, %mul3A_150 : i32
      %mul3A_152 = arith.constant 128 : i32
      %mul3A_153 = arith.muli %add3A_149, %mul3A_152 : i32
      %add3A_154 = arith.addi %mul3A_151, %mul3A_153 : i32
      %multiple_of3A_155 = tpu.assume_multiple %add3A_154, 128 : i32
      %add3A_156 = arith.constant 81920 : i32
      %add3A_157 = arith.addi %add3A_156, %multiple_of3A_155 : i32
      %dma_wait3A_158 = tpu.memref_slice %arg3[%add3A_157] : memref<160000xi32, #tpu.memory_space<hbm>> -> memref<128xi32, #tpu.memory_space<hbm>>
      %dma_wait3A_159 = tpu.memref_slice %arg3[%add3A_157] : memref<160000xi32, #tpu.memory_space<hbm>> -> memref<128xi32, #tpu.memory_space<hbm>>
      tpu.wait_dma2 semaphore(%arg12 : memref<!tpu.dma_semaphore, #tpu.memory_space<semaphore_mem>>) src(%dma_wait3A_159 : memref<128xi32, #tpu.memory_space<hbm>>) dst(%arg6 : memref<128xi32, #tpu.memory_space<vmem>>)
      %dma_wait3A_160 = tpu.memref_slice %arg2[%multiple_of3A_155, %mul3A_63] : memref<78080x512xf32, #tpu.memory_space<hbm>> -> memref<128x128xf32, #tpu.memory_space<hbm>>
      %dma_wait3A_161 = tpu.memref_slice %arg2[%multiple_of3A_155, %mul3A_63] : memref<78080x512xf32, #tpu.memory_space<hbm>> -> memref<128x128xf32, #tpu.memory_space<hbm>>
      tpu.wait_dma2 semaphore(%arg14 : memref<!tpu.dma_semaphore, #tpu.memory_space<semaphore_mem>>) src(%dma_wait3A_161 : memref<128x128xf32, #tpu.memory_space<hbm>>) dst(%arg8 : memref<128x128xf32, #tpu.memory_space<vmem>>)
      %dma_start3A_162 = arith.constant 0 : i32
      %dma_start3A_163 = arith.constant 0 : i32
      %dma_start3A_164 = tpu.memref_slice %arg10[%dma_start3A_162, %dma_start3A_163] : memref<10000x128xf32, #tpu.memory_space<vmem_shared>> -> memref<10000x128xf32, #tpu.memory_space<vmem_shared>>
      tpu.enqueue_indirect_dma source(%arg8 : memref<128x128xf32, #tpu.memory_space<vmem>>) target(%dma_start3A_164 : memref<10000x128xf32, #tpu.memory_space<vmem_shared>>) offsets(%arg6 : memref<128xi32, #tpu.memory_space<vmem>>) semaphore(%arg16 : memref<!tpu.dma_semaphore, #tpu.memory_space<semaphore_mem>>) {add = true}
      %add3A_165 = arith.constant 3 : i32
      %add3A_166 = arith.addi %mul3A_125, %add3A_165 : i32
      %lt3A_167 = arith.constant 38 : i32
      %lt3A_168 = arith.cmpi slt, %add3A_166, %lt3A_167 : i32
      %convert_element_type3A_169 = arith.extui %lt3A_168 : i1 to i32
      %cond3A_170 = arith.constant 0 : i32
      %cond3A_171 = arith.cmpi ne, %convert_element_type3A_169, %cond3A_170 : i32
      scf.if %cond3A_171 {
        %add3A_172 = arith.constant 3 : i32
        %add3A_173 = arith.addi %mul3A_125, %add3A_172 : i32
        %dma_wait3A_174 = arith.constant 0 : i32
        %dma_wait3A_175 = arith.constant 0 : i32
        %dma_wait3A_176 = tpu.memref_slice %arg10[%dma_wait3A_174, %dma_wait3A_175] : memref<10000x128xf32, #tpu.memory_space<vmem_shared>> -> memref<10000x128xf32, #tpu.memory_space<vmem_shared>>
        tpu.wait_indirect_dma semaphore(%arg16 : memref<!tpu.dma_semaphore, #tpu.memory_space<semaphore_mem>>) src(%arg8 : memref<128x128xf32, #tpu.memory_space<vmem>>) dst(%dma_wait3A_176 : memref<10000x128xf32, #tpu.memory_space<vmem_shared>>)
        %mul3A_177 = arith.constant 4864 : i32
        %mul3A_178 = arith.muli %arg1, %mul3A_177 : i32
        %mul3A_179 = arith.constant 128 : i32
        %mul3A_180 = arith.muli %add3A_173, %mul3A_179 : i32
        %add3A_181 = arith.addi %mul3A_178, %mul3A_180 : i32
        %multiple_of3A_182 = tpu.assume_multiple %add3A_181, 128 : i32
        %add3A_183 = arith.constant 81920 : i32
        %add3A_184 = arith.addi %add3A_183, %multiple_of3A_182 : i32
        %dma_start3A_185 = tpu.memref_slice %arg3[%add3A_184] : memref<160000xi32, #tpu.memory_space<hbm>> -> memref<128xi32, #tpu.memory_space<hbm>>
        %dma_start3A_186 = tpu.memref_slice %arg3[%add3A_184] : memref<160000xi32, #tpu.memory_space<hbm>> -> memref<128xi32, #tpu.memory_space<hbm>>
        tpu.enqueue_dma source(%dma_start3A_186 : memref<128xi32, #tpu.memory_space<hbm>>) target(%arg6 : memref<128xi32, #tpu.memory_space<vmem>>) target_semaphore(%arg12 : memref<!tpu.dma_semaphore, #tpu.memory_space<semaphore_mem>>)
        %dma_start3A_187 = tpu.memref_slice %arg2[%multiple_of3A_182, %mul3A_63] : memref<78080x512xf32, #tpu.memory_space<hbm>> -> memref<128x128xf32, #tpu.memory_space<hbm>>
        %dma_start3A_188 = tpu.memref_slice %arg2[%multiple_of3A_182, %mul3A_63] : memref<78080x512xf32, #tpu.memory_space<hbm>> -> memref<128x128xf32, #tpu.memory_space<hbm>>
        tpu.enqueue_dma source(%dma_start3A_188 : memref<128x128xf32, #tpu.memory_space<hbm>>) target(%arg8 : memref<128x128xf32, #tpu.memory_space<vmem>>) target_semaphore(%arg14 : memref<!tpu.dma_semaphore, #tpu.memory_space<semaphore_mem>>)
      } else {
      }
    }
    %scan3A_101 = arith.constant 19 : i32
    %dma_wait3A_102 = arith.constant 0 : i32
    %dma_wait3A_103 = arith.constant 0 : i32
    %dma_wait3A_104 = tpu.memref_slice %arg10[%dma_wait3A_102, %dma_wait3A_103] : memref<10000x128xf32, #tpu.memory_space<vmem_shared>> -> memref<10000x128xf32, #tpu.memory_space<vmem_shared>>
    tpu.wait_indirect_dma semaphore(%arg15 : memref<!tpu.dma_semaphore, #tpu.memory_space<semaphore_mem>>) src(%arg7 : memref<128x128xf32, #tpu.memory_space<vmem>>) dst(%dma_wait3A_104 : memref<10000x128xf32, #tpu.memory_space<vmem_shared>>)
    %dma_wait3A_105 = arith.constant 0 : i32
    %dma_wait3A_106 = arith.constant 0 : i32
    %dma_wait3A_107 = tpu.memref_slice %arg10[%dma_wait3A_105, %dma_wait3A_106] : memref<10000x128xf32, #tpu.memory_space<vmem_shared>> -> memref<10000x128xf32, #tpu.memory_space<vmem_shared>>
    tpu.wait_indirect_dma semaphore(%arg16 : memref<!tpu.dma_semaphore, #tpu.memory_space<semaphore_mem>>) src(%arg8 : memref<128x128xf32, #tpu.memory_space<vmem>>) dst(%dma_wait3A_107 : memref<10000x128xf32, #tpu.memory_space<vmem_shared>>)
    %lt3A_108 = arith.constant 2 : i32
    %lt3A_109 = arith.cmpi slt, %arg1, %lt3A_108 : i32
    %convert_element_type3A_110 = arith.extui %lt3A_109 : i1 to i32
    %cond3A_111 = arith.constant 0 : i32
    %cond3A_112 = arith.cmpi ne, %convert_element_type3A_110, %cond3A_111 : i32
    scf.if %cond3A_112 {
      %mul3A_119 = arith.constant 128 : i32
      %mul3A_120 = arith.muli %arg1, %mul3A_119 : i32
      %add3A_121 = arith.constant 77824 : i32
      %add3A_122 = arith.addi %add3A_121, %mul3A_120 : i32
      %multiple_of3A_123 = tpu.assume_multiple %add3A_122, 128 : i32
      %add3A_124 = arith.constant 81920 : i32
      %add3A_125 = arith.addi %add3A_124, %multiple_of3A_123 : i32
      "tpu.region"() ({
        %run_scoped3A = tpu.sem_alloc : memref<!tpu.dma_semaphore, #tpu.memory_space<semaphore_mem>>
        %dma_start3A_126 = tpu.memref_slice %arg3[%add3A_125] : memref<160000xi32, #tpu.memory_space<hbm>> -> memref<128xi32, #tpu.memory_space<hbm>>
        %dma_start3A_127 = tpu.memref_slice %arg3[%add3A_125] : memref<160000xi32, #tpu.memory_space<hbm>> -> memref<128xi32, #tpu.memory_space<hbm>>
        tpu.enqueue_dma source(%dma_start3A_127 : memref<128xi32, #tpu.memory_space<hbm>>) target(%arg5 : memref<128xi32, #tpu.memory_space<vmem>>) target_semaphore(%run_scoped3A : memref<!tpu.dma_semaphore, #tpu.memory_space<semaphore_mem>>)
        %dma_wait3A_128 = tpu.memref_slice %arg3[%add3A_125] : memref<160000xi32, #tpu.memory_space<hbm>> -> memref<128xi32, #tpu.memory_space<hbm>>
        %dma_wait3A_129 = tpu.memref_slice %arg3[%add3A_125] : memref<160000xi32, #tpu.memory_space<hbm>> -> memref<128xi32, #tpu.memory_space<hbm>>
        tpu.wait_dma2 semaphore(%run_scoped3A : memref<!tpu.dma_semaphore, #tpu.memory_space<semaphore_mem>>) src(%dma_wait3A_129 : memref<128xi32, #tpu.memory_space<hbm>>) dst(%arg5 : memref<128xi32, #tpu.memory_space<vmem>>)
        tpu.yield
      }) : () -> ()
      "tpu.region"() ({
        %run_scoped3A = tpu.sem_alloc : memref<!tpu.dma_semaphore, #tpu.memory_space<semaphore_mem>>
        %dma_start3A_126 = tpu.memref_slice %arg2[%multiple_of3A_123, %mul3A_63] : memref<78080x512xf32, #tpu.memory_space<hbm>> -> memref<128x128xf32, #tpu.memory_space<hbm>>
        %dma_start3A_127 = tpu.memref_slice %arg2[%multiple_of3A_123, %mul3A_63] : memref<78080x512xf32, #tpu.memory_space<hbm>> -> memref<128x128xf32, #tpu.memory_space<hbm>>
        tpu.enqueue_dma source(%dma_start3A_127 : memref<128x128xf32, #tpu.memory_space<hbm>>) target(%arg7 : memref<128x128xf32, #tpu.memory_space<vmem>>) target_semaphore(%run_scoped3A : memref<!tpu.dma_semaphore, #tpu.memory_space<semaphore_mem>>)
        %dma_wait3A_128 = tpu.memref_slice %arg2[%multiple_of3A_123, %mul3A_63] : memref<78080x512xf32, #tpu.memory_space<hbm>> -> memref<128x128xf32, #tpu.memory_space<hbm>>
        %dma_wait3A_129 = tpu.memref_slice %arg2[%multiple_of3A_123, %mul3A_63] : memref<78080x512xf32, #tpu.memory_space<hbm>> -> memref<128x128xf32, #tpu.memory_space<hbm>>
        tpu.wait_dma2 semaphore(%run_scoped3A : memref<!tpu.dma_semaphore, #tpu.memory_space<semaphore_mem>>) src(%dma_wait3A_129 : memref<128x128xf32, #tpu.memory_space<hbm>>) dst(%arg7 : memref<128x128xf32, #tpu.memory_space<vmem>>)
        tpu.yield
      }) : () -> ()
      "tpu.region"() ({
        %run_scoped3A = tpu.sem_alloc : memref<!tpu.dma_semaphore, #tpu.memory_space<semaphore_mem>>
        %dma_start3A_126 = arith.constant 0 : i32
        %dma_start3A_127 = arith.constant 0 : i32
        %dma_start3A_128 = tpu.memref_slice %arg10[%dma_start3A_126, %dma_start3A_127] : memref<10000x128xf32, #tpu.memory_space<vmem_shared>> -> memref<10000x128xf32, #tpu.memory_space<vmem_shared>>
        tpu.enqueue_indirect_dma source(%arg7 : memref<128x128xf32, #tpu.memory_space<vmem>>) target(%dma_start3A_128 : memref<10000x128xf32, #tpu.memory_space<vmem_shared>>) offsets(%arg5 : memref<128xi32, #tpu.memory_space<vmem>>) semaphore(%run_scoped3A : memref<!tpu.dma_semaphore, #tpu.memory_space<semaphore_mem>>) {add = true}
        %dma_wait3A_129 = arith.constant 0 : i32
        %dma_wait3A_130 = arith.constant 0 : i32
        %dma_wait3A_131 = tpu.memref_slice %arg10[%dma_wait3A_129, %dma_wait3A_130] : memref<10000x128xf32, #tpu.memory_space<vmem_shared>> -> memref<10000x128xf32, #tpu.memory_space<vmem_shared>>
        tpu.wait_indirect_dma semaphore(%run_scoped3A : memref<!tpu.dma_semaphore, #tpu.memory_space<semaphore_mem>>) src(%arg7 : memref<128x128xf32, #tpu.memory_space<vmem>>) dst(%dma_wait3A_131 : memref<10000x128xf32, #tpu.memory_space<vmem_shared>>)
        tpu.yield
      }) : () -> ()
    } else {
    }
    %barrier3A_113 = arith.constant 0 : index
    tpu.barrier barrier_id(%barrier3A_113)
    "tpu.region"() ({
      %run_scoped3A = tpu.sem_alloc : memref<!tpu.dma_semaphore, #tpu.memory_space<semaphore_mem>>
      %dma_start3A_119 = tpu.memref_slice %arg4[%multiple_of3A, %mul3A_63] : memref<10000x512xf32, #tpu.memory_space<hbm>> -> memref<624x128xf32, #tpu.memory_space<hbm>>
      %dma_start3A_120 = arith.constant 0 : i32
      %dma_start3A_121 = tpu.memref_slice %arg10[%multiple_of3A, %dma_start3A_120] : memref<10000x128xf32, #tpu.memory_space<vmem_shared>> -> memref<624x128xf32, #tpu.memory_space<vmem_shared>>
      tpu.enqueue_dma source(%dma_start3A_121 : memref<624x128xf32, #tpu.memory_space<vmem_shared>>) target(%dma_start3A_119 : memref<624x128xf32, #tpu.memory_space<hbm>>) target_semaphore(%run_scoped3A : memref<!tpu.dma_semaphore, #tpu.memory_space<semaphore_mem>>)
      %dma_wait3A_122 = tpu.memref_slice %arg4[%multiple_of3A, %mul3A_63] : memref<10000x512xf32, #tpu.memory_space<hbm>> -> memref<624x128xf32, #tpu.memory_space<hbm>>
      %dma_wait3A_123 = arith.constant 0 : i32
      %dma_wait3A_124 = tpu.memref_slice %arg10[%multiple_of3A, %dma_wait3A_123] : memref<10000x128xf32, #tpu.memory_space<vmem_shared>> -> memref<624x128xf32, #tpu.memory_space<vmem_shared>>
      tpu.wait_dma2 semaphore(%run_scoped3A : memref<!tpu.dma_semaphore, #tpu.memory_space<semaphore_mem>>) src(%dma_wait3A_124 : memref<624x128xf32, #tpu.memory_space<vmem_shared>>) dst(%dma_wait3A_122 : memref<624x128xf32, #tpu.memory_space<hbm>>)
      tpu.yield
    }) : () -> ()
    %eq3A_114 = arith.constant 0 : i32
    %eq3A_115 = arith.cmpi eq, %arg1, %eq3A_114 : i32
    %convert_element_type3A_116 = arith.extui %eq3A_115 : i1 to i32
    %cond3A_117 = arith.constant 0 : i32
    %cond3A_118 = arith.cmpi ne, %convert_element_type3A_116, %cond3A_117 : i32
    scf.if %cond3A_118 {
      "tpu.region"() ({
        %run_scoped3A = tpu.sem_alloc : memref<!tpu.dma_semaphore, #tpu.memory_space<semaphore_mem>>
        %dma_start3A_119 = arith.constant 9984 : i32
        %dma_start3A_120 = tpu.memref_slice %arg4[%dma_start3A_119, %mul3A_63] : memref<10000x512xf32, #tpu.memory_space<hbm>> -> memref<16x128xf32, #tpu.memory_space<hbm>>
        %dma_start3A_121 = arith.constant 9984 : i32
        %dma_start3A_122 = arith.constant 0 : i32
        %dma_start3A_123 = tpu.memref_slice %arg10[%dma_start3A_121, %dma_start3A_122] : memref<10000x128xf32, #tpu.memory_space<vmem_shared>> -> memref<16x128xf32, #tpu.memory_space<vmem_shared>>
        tpu.enqueue_dma source(%dma_start3A_123 : memref<16x128xf32, #tpu.memory_space<vmem_shared>>) target(%dma_start3A_120 : memref<16x128xf32, #tpu.memory_space<hbm>>) target_semaphore(%run_scoped3A : memref<!tpu.dma_semaphore, #tpu.memory_space<semaphore_mem>>)
        %dma_wait3A_124 = arith.constant 9984 : i32
        %dma_wait3A_125 = tpu.memref_slice %arg4[%dma_wait3A_124, %mul3A_63] : memref<10000x512xf32, #tpu.memory_space<hbm>> -> memref<16x128xf32, #tpu.memory_space<hbm>>
        %dma_wait3A_126 = arith.constant 9984 : i32
        %dma_wait3A_127 = arith.constant 0 : i32
        %dma_wait3A_128 = tpu.memref_slice %arg10[%dma_wait3A_126, %dma_wait3A_127] : memref<10000x128xf32, #tpu.memory_space<vmem_shared>> -> memref<16x128xf32, #tpu.memory_space<vmem_shared>>
        tpu.wait_dma2 semaphore(%run_scoped3A : memref<!tpu.dma_semaphore, #tpu.memory_space<semaphore_mem>>) src(%dma_wait3A_128 : memref<16x128xf32, #tpu.memory_space<vmem_shared>>) dst(%dma_wait3A_125 : memref<16x128xf32, #tpu.memory_space<hbm>>)
        tpu.yield
      }) : () -> ()
    } else {
    }
    return
  }
}

#map = affine_map<(d0, d1) -> (0, 0)>
#map1 = affine_map<(d0, d1) -> (0)>
module attributes {stable_mosaic.version = 14 : i64} {
  func.func @k(%arg0: i32, %arg1: i32, %arg2: memref<10000x128xf32, #tpu.memory_space<hbm>>, %arg3: memref<160000xi32, #tpu.memory_space<hbm>>, %arg4: memref<81920x128xf32, #tpu.memory_space<hbm>>, %arg5: memref<128xi32, #tpu.memory_space<vmem>>, %arg6: memref<128xi32, #tpu.memory_space<vmem>>, %arg7: memref<128x128xf32, #tpu.memory_space<vmem>>, %arg8: memref<128x128xf32, #tpu.memory_space<vmem>>, %arg9: memref<!tpu.dma_semaphore, #tpu.memory_space<semaphore_mem>>, %arg10: memref<!tpu.dma_semaphore, #tpu.memory_space<semaphore_mem>>) attributes {dimension_semantics = [#tpu.dimension_semantics<core_parallel>, #tpu.dimension_semantics<subcore_parallel>], iteration_bounds = array<i64: 2, 16>, scalar_prefetch = 0 : i64, scratch_operands = 6 : i64, tpu.core_type = #tpu.core_type<sc_vector_subcore>, window_params = [{transform_indices = #map}, {transform_indices = #map1}, {transform_indices = #map}]} {
    %mul3A = arith.constant 2 : i32
    %mul3A_0 = arith.muli %arg1, %mul3A : i32
    %add3A = arith.addi %mul3A_0, %arg0 : i32
    %mul3A_1 = arith.constant 2560 : i32
    %mul3A_2 = arith.muli %add3A, %mul3A_1 : i32
    %add3A_3 = arith.constant 0 : i32
    %add3A_4 = arith.addi %mul3A_2, %add3A_3 : i32
    %multiple_of3A = tpu.assume_multiple %add3A_4, 128 : i32
    %add3A_5 = arith.constant 0 : i32
    %add3A_6 = arith.addi %add3A_5, %multiple_of3A : i32
    %dma_start3A = tpu.memref_slice %arg3[%add3A_6] : memref<160000xi32, #tpu.memory_space<hbm>> -> memref<128xi32, #tpu.memory_space<hbm>>
    %dma_start3A_7 = tpu.memref_slice %arg3[%add3A_6] : memref<160000xi32, #tpu.memory_space<hbm>> -> memref<128xi32, #tpu.memory_space<hbm>>
    tpu.enqueue_dma source(%dma_start3A_7 : memref<128xi32, #tpu.memory_space<hbm>>) target(%arg5 : memref<128xi32, #tpu.memory_space<vmem>>) target_semaphore(%arg9 : memref<!tpu.dma_semaphore, #tpu.memory_space<semaphore_mem>>)
    %add3A_8 = arith.constant 128 : i32
    %add3A_9 = arith.addi %mul3A_2, %add3A_8 : i32
    %multiple_of3A_10 = tpu.assume_multiple %add3A_9, 128 : i32
    %add3A_11 = arith.constant 0 : i32
    %add3A_12 = arith.addi %add3A_11, %multiple_of3A_10 : i32
    %dma_start3A_13 = tpu.memref_slice %arg3[%add3A_12] : memref<160000xi32, #tpu.memory_space<hbm>> -> memref<128xi32, #tpu.memory_space<hbm>>
    %dma_start3A_14 = tpu.memref_slice %arg3[%add3A_12] : memref<160000xi32, #tpu.memory_space<hbm>> -> memref<128xi32, #tpu.memory_space<hbm>>
    tpu.enqueue_dma source(%dma_start3A_14 : memref<128xi32, #tpu.memory_space<hbm>>) target(%arg6 : memref<128xi32, #tpu.memory_space<vmem>>) target_semaphore(%arg10 : memref<!tpu.dma_semaphore, #tpu.memory_space<semaphore_mem>>)
    %scan3A = arith.constant 0 : i32
    %scan3A_15 = arith.constant 10 : i32
    %scan3A_16 = arith.addi %scan3A, %scan3A_15 : i32
    %scan3A_17 = arith.constant 1 : i32
    scf.for %scan3A_19 = %scan3A to %scan3A_16 step %scan3A_17  : i32 {
      %mul3A_20 = arith.constant 1 : i32
      %mul3A_21 = arith.muli %scan3A_19, %mul3A_20 : i32
      %add3A_22 = arith.constant 0 : i32
      %add3A_23 = arith.addi %add3A_22, %mul3A_21 : i32
      %mul3A_24 = arith.constant 2 : i32
      %mul3A_25 = arith.muli %add3A_23, %mul3A_24 : i32
      %mul3A_26 = arith.constant 128 : i32
      %mul3A_27 = arith.muli %mul3A_25, %mul3A_26 : i32
      %add3A_28 = arith.addi %mul3A_2, %mul3A_27 : i32
      %multiple_of3A_29 = tpu.assume_multiple %add3A_28, 128 : i32
      %add3A_30 = arith.constant 0 : i32
      %add3A_31 = arith.addi %add3A_30, %multiple_of3A_29 : i32
      %dma_wait3A = tpu.memref_slice %arg3[%add3A_31] : memref<160000xi32, #tpu.memory_space<hbm>> -> memref<128xi32, #tpu.memory_space<hbm>>
      %dma_wait3A_32 = tpu.memref_slice %arg3[%add3A_31] : memref<160000xi32, #tpu.memory_space<hbm>> -> memref<128xi32, #tpu.memory_space<hbm>>
      tpu.wait_dma2 semaphore(%arg9 : memref<!tpu.dma_semaphore, #tpu.memory_space<semaphore_mem>>) src(%dma_wait3A_32 : memref<128xi32, #tpu.memory_space<hbm>>) dst(%arg5 : memref<128xi32, #tpu.memory_space<vmem>>)
      "tpu.region"() ({
        %run_scoped3A = tpu.sem_alloc : memref<!tpu.dma_semaphore, #tpu.memory_space<semaphore_mem>>
        %dma_start3A_54 = arith.constant 0 : i32
        %dma_start3A_55 = arith.constant 0 : i32
        %dma_start3A_56 = tpu.memref_slice %arg2[%dma_start3A_54, %dma_start3A_55] : memref<10000x128xf32, #tpu.memory_space<hbm>> -> memref<10000x128xf32, #tpu.memory_space<hbm>>
        tpu.enqueue_indirect_dma source(%dma_start3A_56 : memref<10000x128xf32, #tpu.memory_space<hbm>>) target(%arg7 : memref<128x128xf32, #tpu.memory_space<vmem>>) offsets(%arg5 : memref<128xi32, #tpu.memory_space<vmem>>) semaphore(%run_scoped3A : memref<!tpu.dma_semaphore, #tpu.memory_space<semaphore_mem>>)
        %dma_wait3A_57 = arith.constant 0 : i32
        %dma_wait3A_58 = arith.constant 0 : i32
        %dma_wait3A_59 = tpu.memref_slice %arg2[%dma_wait3A_57, %dma_wait3A_58] : memref<10000x128xf32, #tpu.memory_space<hbm>> -> memref<10000x128xf32, #tpu.memory_space<hbm>>
        tpu.wait_indirect_dma semaphore(%run_scoped3A : memref<!tpu.dma_semaphore, #tpu.memory_space<semaphore_mem>>) src(%dma_wait3A_59 : memref<10000x128xf32, #tpu.memory_space<hbm>>) dst(%arg7 : memref<128x128xf32, #tpu.memory_space<vmem>>)
        tpu.yield
      }) : () -> ()
      "tpu.region"() ({
        %run_scoped3A = tpu.sem_alloc : memref<!tpu.dma_semaphore, #tpu.memory_space<semaphore_mem>>
        %dma_start3A_54 = arith.constant 0 : i32
        %dma_start3A_55 = tpu.memref_slice %arg4[%multiple_of3A_29, %dma_start3A_54] : memref<81920x128xf32, #tpu.memory_space<hbm>> -> memref<128x128xf32, #tpu.memory_space<hbm>>
        %dma_start3A_56 = arith.constant 0 : i32
        %dma_start3A_57 = tpu.memref_slice %arg4[%multiple_of3A_29, %dma_start3A_56] : memref<81920x128xf32, #tpu.memory_space<hbm>> -> memref<128x128xf32, #tpu.memory_space<hbm>>
        tpu.enqueue_dma source(%arg7 : memref<128x128xf32, #tpu.memory_space<vmem>>) target(%dma_start3A_57 : memref<128x128xf32, #tpu.memory_space<hbm>>) target_semaphore(%run_scoped3A : memref<!tpu.dma_semaphore, #tpu.memory_space<semaphore_mem>>)
        %dma_wait3A_58 = arith.constant 0 : i32
        %dma_wait3A_59 = tpu.memref_slice %arg4[%multiple_of3A_29, %dma_wait3A_58] : memref<81920x128xf32, #tpu.memory_space<hbm>> -> memref<128x128xf32, #tpu.memory_space<hbm>>
        %dma_wait3A_60 = arith.constant 0 : i32
        %dma_wait3A_61 = tpu.memref_slice %arg4[%multiple_of3A_29, %dma_wait3A_60] : memref<81920x128xf32, #tpu.memory_space<hbm>> -> memref<128x128xf32, #tpu.memory_space<hbm>>
        tpu.wait_dma2 semaphore(%run_scoped3A : memref<!tpu.dma_semaphore, #tpu.memory_space<semaphore_mem>>) src(%arg7 : memref<128x128xf32, #tpu.memory_space<vmem>>) dst(%dma_wait3A_61 : memref<128x128xf32, #tpu.memory_space<hbm>>)
        tpu.yield
      }) : () -> ()
      %add3A_33 = arith.constant 2 : i32
      %add3A_34 = arith.addi %mul3A_25, %add3A_33 : i32
      %lt3A = arith.constant 20 : i32
      %lt3A_35 = arith.cmpi slt, %add3A_34, %lt3A : i32
      %convert_element_type3A = arith.extui %lt3A_35 : i1 to i32
      %cond3A = arith.constant 0 : i32
      %cond3A_36 = arith.cmpi ne, %convert_element_type3A, %cond3A : i32
      scf.if %cond3A_36 {
        %add3A_54 = arith.constant 2 : i32
        %add3A_55 = arith.addi %mul3A_25, %add3A_54 : i32
        %mul3A_56 = arith.constant 128 : i32
        %mul3A_57 = arith.muli %add3A_55, %mul3A_56 : i32
        %add3A_58 = arith.addi %mul3A_2, %mul3A_57 : i32
        %multiple_of3A_59 = tpu.assume_multiple %add3A_58, 128 : i32
        %add3A_60 = arith.constant 0 : i32
        %add3A_61 = arith.addi %add3A_60, %multiple_of3A_59 : i32
        %dma_start3A_62 = tpu.memref_slice %arg3[%add3A_61] : memref<160000xi32, #tpu.memory_space<hbm>> -> memref<128xi32, #tpu.memory_space<hbm>>
        %dma_start3A_63 = tpu.memref_slice %arg3[%add3A_61] : memref<160000xi32, #tpu.memory_space<hbm>> -> memref<128xi32, #tpu.memory_space<hbm>>
        tpu.enqueue_dma source(%dma_start3A_63 : memref<128xi32, #tpu.memory_space<hbm>>) target(%arg5 : memref<128xi32, #tpu.memory_space<vmem>>) target_semaphore(%arg9 : memref<!tpu.dma_semaphore, #tpu.memory_space<semaphore_mem>>)
      } else {
      }
      %add3A_37 = arith.constant 1 : i32
      %add3A_38 = arith.addi %mul3A_25, %add3A_37 : i32
      %mul3A_39 = arith.constant 128 : i32
      %mul3A_40 = arith.muli %add3A_38, %mul3A_39 : i32
      %add3A_41 = arith.addi %mul3A_2, %mul3A_40 : i32
      %multiple_of3A_42 = tpu.assume_multiple %add3A_41, 128 : i32
      %add3A_43 = arith.constant 0 : i32
      %add3A_44 = arith.addi %add3A_43, %multiple_of3A_42 : i32
      %dma_wait3A_45 = tpu.memref_slice %arg3[%add3A_44] : memref<160000xi32, #tpu.memory_space<hbm>> -> memref<128xi32, #tpu.memory_space<hbm>>
      %dma_wait3A_46 = tpu.memref_slice %arg3[%add3A_44] : memref<160000xi32, #tpu.memory_space<hbm>> -> memref<128xi32, #tpu.memory_space<hbm>>
      tpu.wait_dma2 semaphore(%arg10 : memref<!tpu.dma_semaphore, #tpu.memory_space<semaphore_mem>>) src(%dma_wait3A_46 : memref<128xi32, #tpu.memory_space<hbm>>) dst(%arg6 : memref<128xi32, #tpu.memory_space<vmem>>)
      "tpu.region"() ({
        %run_scoped3A = tpu.sem_alloc : memref<!tpu.dma_semaphore, #tpu.memory_space<semaphore_mem>>
        %dma_start3A_54 = arith.constant 0 : i32
        %dma_start3A_55 = arith.constant 0 : i32
        %dma_start3A_56 = tpu.memref_slice %arg2[%dma_start3A_54, %dma_start3A_55] : memref<10000x128xf32, #tpu.memory_space<hbm>> -> memref<10000x128xf32, #tpu.memory_space<hbm>>
        tpu.enqueue_indirect_dma source(%dma_start3A_56 : memref<10000x128xf32, #tpu.memory_space<hbm>>) target(%arg8 : memref<128x128xf32, #tpu.memory_space<vmem>>) offsets(%arg6 : memref<128xi32, #tpu.memory_space<vmem>>) semaphore(%run_scoped3A : memref<!tpu.dma_semaphore, #tpu.memory_space<semaphore_mem>>)
        %dma_wait3A_57 = arith.constant 0 : i32
        %dma_wait3A_58 = arith.constant 0 : i32
        %dma_wait3A_59 = tpu.memref_slice %arg2[%dma_wait3A_57, %dma_wait3A_58] : memref<10000x128xf32, #tpu.memory_space<hbm>> -> memref<10000x128xf32, #tpu.memory_space<hbm>>
        tpu.wait_indirect_dma semaphore(%run_scoped3A : memref<!tpu.dma_semaphore, #tpu.memory_space<semaphore_mem>>) src(%dma_wait3A_59 : memref<10000x128xf32, #tpu.memory_space<hbm>>) dst(%arg8 : memref<128x128xf32, #tpu.memory_space<vmem>>)
        tpu.yield
      }) : () -> ()
      "tpu.region"() ({
        %run_scoped3A = tpu.sem_alloc : memref<!tpu.dma_semaphore, #tpu.memory_space<semaphore_mem>>
        %dma_start3A_54 = arith.constant 0 : i32
        %dma_start3A_55 = tpu.memref_slice %arg4[%multiple_of3A_42, %dma_start3A_54] : memref<81920x128xf32, #tpu.memory_space<hbm>> -> memref<128x128xf32, #tpu.memory_space<hbm>>
        %dma_start3A_56 = arith.constant 0 : i32
        %dma_start3A_57 = tpu.memref_slice %arg4[%multiple_of3A_42, %dma_start3A_56] : memref<81920x128xf32, #tpu.memory_space<hbm>> -> memref<128x128xf32, #tpu.memory_space<hbm>>
        tpu.enqueue_dma source(%arg8 : memref<128x128xf32, #tpu.memory_space<vmem>>) target(%dma_start3A_57 : memref<128x128xf32, #tpu.memory_space<hbm>>) target_semaphore(%run_scoped3A : memref<!tpu.dma_semaphore, #tpu.memory_space<semaphore_mem>>)
        %dma_wait3A_58 = arith.constant 0 : i32
        %dma_wait3A_59 = tpu.memref_slice %arg4[%multiple_of3A_42, %dma_wait3A_58] : memref<81920x128xf32, #tpu.memory_space<hbm>> -> memref<128x128xf32, #tpu.memory_space<hbm>>
        %dma_wait3A_60 = arith.constant 0 : i32
        %dma_wait3A_61 = tpu.memref_slice %arg4[%multiple_of3A_42, %dma_wait3A_60] : memref<81920x128xf32, #tpu.memory_space<hbm>> -> memref<128x128xf32, #tpu.memory_space<hbm>>
        tpu.wait_dma2 semaphore(%run_scoped3A : memref<!tpu.dma_semaphore, #tpu.memory_space<semaphore_mem>>) src(%arg8 : memref<128x128xf32, #tpu.memory_space<vmem>>) dst(%dma_wait3A_61 : memref<128x128xf32, #tpu.memory_space<hbm>>)
        tpu.yield
      }) : () -> ()
      %add3A_47 = arith.constant 3 : i32
      %add3A_48 = arith.addi %mul3A_25, %add3A_47 : i32
      %lt3A_49 = arith.constant 20 : i32
      %lt3A_50 = arith.cmpi slt, %add3A_48, %lt3A_49 : i32
      %convert_element_type3A_51 = arith.extui %lt3A_50 : i1 to i32
      %cond3A_52 = arith.constant 0 : i32
      %cond3A_53 = arith.cmpi ne, %convert_element_type3A_51, %cond3A_52 : i32
      scf.if %cond3A_53 {
        %add3A_54 = arith.constant 3 : i32
        %add3A_55 = arith.addi %mul3A_25, %add3A_54 : i32
        %mul3A_56 = arith.constant 128 : i32
        %mul3A_57 = arith.muli %add3A_55, %mul3A_56 : i32
        %add3A_58 = arith.addi %mul3A_2, %mul3A_57 : i32
        %multiple_of3A_59 = tpu.assume_multiple %add3A_58, 128 : i32
        %add3A_60 = arith.constant 0 : i32
        %add3A_61 = arith.addi %add3A_60, %multiple_of3A_59 : i32
        %dma_start3A_62 = tpu.memref_slice %arg3[%add3A_61] : memref<160000xi32, #tpu.memory_space<hbm>> -> memref<128xi32, #tpu.memory_space<hbm>>
        %dma_start3A_63 = tpu.memref_slice %arg3[%add3A_61] : memref<160000xi32, #tpu.memory_space<hbm>> -> memref<128xi32, #tpu.memory_space<hbm>>
        tpu.enqueue_dma source(%dma_start3A_63 : memref<128xi32, #tpu.memory_space<hbm>>) target(%arg6 : memref<128xi32, #tpu.memory_space<vmem>>) target_semaphore(%arg10 : memref<!tpu.dma_semaphore, #tpu.memory_space<semaphore_mem>>)
      } else {
      }
    }
    %scan3A_18 = arith.constant 10 : i32
    return
  }
}

#map = affine_map<(d0, d1) -> (0, 0)>
#map1 = affine_map<(d0, d1) -> (0)>
module attributes {stable_mosaic.version = 14 : i64} {
  func.func @k(%arg0: i32, %arg1: i32, %arg2: memref<10000x128xf32, #tpu.memory_space<hbm>>, %arg3: memref<160000xi32, #tpu.memory_space<hbm>>, %arg4: memref<78080x128xf32, #tpu.memory_space<hbm>>, %arg5: memref<128xi32, #tpu.memory_space<vmem>>, %arg6: memref<128xi32, #tpu.memory_space<vmem>>, %arg7: memref<128x128xf32, #tpu.memory_space<vmem>>, %arg8: memref<128x128xf32, #tpu.memory_space<vmem>>, %arg9: memref<!tpu.dma_semaphore, #tpu.memory_space<semaphore_mem>>, %arg10: memref<!tpu.dma_semaphore, #tpu.memory_space<semaphore_mem>>) attributes {dimension_semantics = [#tpu.dimension_semantics<core_parallel>, #tpu.dimension_semantics<subcore_parallel>], iteration_bounds = array<i64: 2, 16>, scalar_prefetch = 0 : i64, scratch_operands = 6 : i64, tpu.core_type = #tpu.core_type<sc_vector_subcore>, window_params = [{transform_indices = #map}, {transform_indices = #map1}, {transform_indices = #map}]} {
    %mul3A = arith.constant 2 : i32
    %mul3A_0 = arith.muli %arg1, %mul3A : i32
    %add3A = arith.addi %mul3A_0, %arg0 : i32
    %mul3A_1 = arith.constant 2432 : i32
    %mul3A_2 = arith.muli %add3A, %mul3A_1 : i32
    %add3A_3 = arith.constant 0 : i32
    %add3A_4 = arith.addi %mul3A_2, %add3A_3 : i32
    %multiple_of3A = tpu.assume_multiple %add3A_4, 128 : i32
    %add3A_5 = arith.constant 81920 : i32
    %add3A_6 = arith.addi %add3A_5, %multiple_of3A : i32
    %dma_start3A = tpu.memref_slice %arg3[%add3A_6] : memref<160000xi32, #tpu.memory_space<hbm>> -> memref<128xi32, #tpu.memory_space<hbm>>
    %dma_start3A_7 = tpu.memref_slice %arg3[%add3A_6] : memref<160000xi32, #tpu.memory_space<hbm>> -> memref<128xi32, #tpu.memory_space<hbm>>
    tpu.enqueue_dma source(%dma_start3A_7 : memref<128xi32, #tpu.memory_space<hbm>>) target(%arg5 : memref<128xi32, #tpu.memory_space<vmem>>) target_semaphore(%arg9 : memref<!tpu.dma_semaphore, #tpu.memory_space<semaphore_mem>>)
    %add3A_8 = arith.constant 128 : i32
    %add3A_9 = arith.addi %mul3A_2, %add3A_8 : i32
    %multiple_of3A_10 = tpu.assume_multiple %add3A_9, 128 : i32
    %add3A_11 = arith.constant 81920 : i32
    %add3A_12 = arith.addi %add3A_11, %multiple_of3A_10 : i32
    %dma_start3A_13 = tpu.memref_slice %arg3[%add3A_12] : memref<160000xi32, #tpu.memory_space<hbm>> -> memref<128xi32, #tpu.memory_space<hbm>>
    %dma_start3A_14 = tpu.memref_slice %arg3[%add3A_12] : memref<160000xi32, #tpu.memory_space<hbm>> -> memref<128xi32, #tpu.memory_space<hbm>>
    tpu.enqueue_dma source(%dma_start3A_14 : memref<128xi32, #tpu.memory_space<hbm>>) target(%arg6 : memref<128xi32, #tpu.memory_space<vmem>>) target_semaphore(%arg10 : memref<!tpu.dma_semaphore, #tpu.memory_space<semaphore_mem>>)
    %scan3A = arith.constant 0 : i32
    %scan3A_15 = arith.constant 9 : i32
    %scan3A_16 = arith.addi %scan3A, %scan3A_15 : i32
    %scan3A_17 = arith.constant 1 : i32
    scf.for %scan3A_27 = %scan3A to %scan3A_16 step %scan3A_17  : i32 {
      %mul3A_28 = arith.constant 1 : i32
      %mul3A_29 = arith.muli %scan3A_27, %mul3A_28 : i32
      %add3A_30 = arith.constant 0 : i32
      %add3A_31 = arith.addi %add3A_30, %mul3A_29 : i32
      %mul3A_32 = arith.constant 2 : i32
      %mul3A_33 = arith.muli %add3A_31, %mul3A_32 : i32
      %mul3A_34 = arith.constant 128 : i32
      %mul3A_35 = arith.muli %mul3A_33, %mul3A_34 : i32
      %add3A_36 = arith.addi %mul3A_2, %mul3A_35 : i32
      %multiple_of3A_37 = tpu.assume_multiple %add3A_36, 128 : i32
      %add3A_38 = arith.constant 81920 : i32
      %add3A_39 = arith.addi %add3A_38, %multiple_of3A_37 : i32
      %dma_wait3A_40 = tpu.memref_slice %arg3[%add3A_39] : memref<160000xi32, #tpu.memory_space<hbm>> -> memref<128xi32, #tpu.memory_space<hbm>>
      %dma_wait3A_41 = tpu.memref_slice %arg3[%add3A_39] : memref<160000xi32, #tpu.memory_space<hbm>> -> memref<128xi32, #tpu.memory_space<hbm>>
      tpu.wait_dma2 semaphore(%arg9 : memref<!tpu.dma_semaphore, #tpu.memory_space<semaphore_mem>>) src(%dma_wait3A_41 : memref<128xi32, #tpu.memory_space<hbm>>) dst(%arg5 : memref<128xi32, #tpu.memory_space<vmem>>)
      "tpu.region"() ({
        %run_scoped3A = tpu.sem_alloc : memref<!tpu.dma_semaphore, #tpu.memory_space<semaphore_mem>>
        %dma_start3A_66 = arith.constant 0 : i32
        %dma_start3A_67 = arith.constant 0 : i32
        %dma_start3A_68 = tpu.memref_slice %arg2[%dma_start3A_66, %dma_start3A_67] : memref<10000x128xf32, #tpu.memory_space<hbm>> -> memref<10000x128xf32, #tpu.memory_space<hbm>>
        tpu.enqueue_indirect_dma source(%dma_start3A_68 : memref<10000x128xf32, #tpu.memory_space<hbm>>) target(%arg7 : memref<128x128xf32, #tpu.memory_space<vmem>>) offsets(%arg5 : memref<128xi32, #tpu.memory_space<vmem>>) semaphore(%run_scoped3A : memref<!tpu.dma_semaphore, #tpu.memory_space<semaphore_mem>>)
        %dma_wait3A_69 = arith.constant 0 : i32
        %dma_wait3A_70 = arith.constant 0 : i32
        %dma_wait3A_71 = tpu.memref_slice %arg2[%dma_wait3A_69, %dma_wait3A_70] : memref<10000x128xf32, #tpu.memory_space<hbm>> -> memref<10000x128xf32, #tpu.memory_space<hbm>>
        tpu.wait_indirect_dma semaphore(%run_scoped3A : memref<!tpu.dma_semaphore, #tpu.memory_space<semaphore_mem>>) src(%dma_wait3A_71 : memref<10000x128xf32, #tpu.memory_space<hbm>>) dst(%arg7 : memref<128x128xf32, #tpu.memory_space<vmem>>)
        tpu.yield
      }) : () -> ()
      "tpu.region"() ({
        %run_scoped3A = tpu.sem_alloc : memref<!tpu.dma_semaphore, #tpu.memory_space<semaphore_mem>>
        %dma_start3A_66 = arith.constant 0 : i32
        %dma_start3A_67 = tpu.memref_slice %arg4[%multiple_of3A_37, %dma_start3A_66] : memref<78080x128xf32, #tpu.memory_space<hbm>> -> memref<128x128xf32, #tpu.memory_space<hbm>>
        %dma_start3A_68 = arith.constant 0 : i32
        %dma_start3A_69 = tpu.memref_slice %arg4[%multiple_of3A_37, %dma_start3A_68] : memref<78080x128xf32, #tpu.memory_space<hbm>> -> memref<128x128xf32, #tpu.memory_space<hbm>>
        tpu.enqueue_dma source(%arg7 : memref<128x128xf32, #tpu.memory_space<vmem>>) target(%dma_start3A_69 : memref<128x128xf32, #tpu.memory_space<hbm>>) target_semaphore(%run_scoped3A : memref<!tpu.dma_semaphore, #tpu.memory_space<semaphore_mem>>)
        %dma_wait3A_70 = arith.constant 0 : i32
        %dma_wait3A_71 = tpu.memref_slice %arg4[%multiple_of3A_37, %dma_wait3A_70] : memref<78080x128xf32, #tpu.memory_space<hbm>> -> memref<128x128xf32, #tpu.memory_space<hbm>>
        %dma_wait3A_72 = arith.constant 0 : i32
        %dma_wait3A_73 = tpu.memref_slice %arg4[%multiple_of3A_37, %dma_wait3A_72] : memref<78080x128xf32, #tpu.memory_space<hbm>> -> memref<128x128xf32, #tpu.memory_space<hbm>>
        tpu.wait_dma2 semaphore(%run_scoped3A : memref<!tpu.dma_semaphore, #tpu.memory_space<semaphore_mem>>) src(%arg7 : memref<128x128xf32, #tpu.memory_space<vmem>>) dst(%dma_wait3A_73 : memref<128x128xf32, #tpu.memory_space<hbm>>)
        tpu.yield
      }) : () -> ()
      %add3A_42 = arith.constant 2 : i32
      %add3A_43 = arith.addi %mul3A_33, %add3A_42 : i32
      %lt3A_44 = arith.constant 19 : i32
      %lt3A_45 = arith.cmpi slt, %add3A_43, %lt3A_44 : i32
      %convert_element_type3A_46 = arith.extui %lt3A_45 : i1 to i32
      %cond3A_47 = arith.constant 0 : i32
      %cond3A_48 = arith.cmpi ne, %convert_element_type3A_46, %cond3A_47 : i32
      scf.if %cond3A_48 {
        %add3A_66 = arith.constant 2 : i32
        %add3A_67 = arith.addi %mul3A_33, %add3A_66 : i32
        %mul3A_68 = arith.constant 128 : i32
        %mul3A_69 = arith.muli %add3A_67, %mul3A_68 : i32
        %add3A_70 = arith.addi %mul3A_2, %mul3A_69 : i32
        %multiple_of3A_71 = tpu.assume_multiple %add3A_70, 128 : i32
        %add3A_72 = arith.constant 81920 : i32
        %add3A_73 = arith.addi %add3A_72, %multiple_of3A_71 : i32
        %dma_start3A_74 = tpu.memref_slice %arg3[%add3A_73] : memref<160000xi32, #tpu.memory_space<hbm>> -> memref<128xi32, #tpu.memory_space<hbm>>
        %dma_start3A_75 = tpu.memref_slice %arg3[%add3A_73] : memref<160000xi32, #tpu.memory_space<hbm>> -> memref<128xi32, #tpu.memory_space<hbm>>
        tpu.enqueue_dma source(%dma_start3A_75 : memref<128xi32, #tpu.memory_space<hbm>>) target(%arg5 : memref<128xi32, #tpu.memory_space<vmem>>) target_semaphore(%arg9 : memref<!tpu.dma_semaphore, #tpu.memory_space<semaphore_mem>>)
      } else {
      }
      %add3A_49 = arith.constant 1 : i32
      %add3A_50 = arith.addi %mul3A_33, %add3A_49 : i32
      %mul3A_51 = arith.constant 128 : i32
      %mul3A_52 = arith.muli %add3A_50, %mul3A_51 : i32
      %add3A_53 = arith.addi %mul3A_2, %mul3A_52 : i32
      %multiple_of3A_54 = tpu.assume_multiple %add3A_53, 128 : i32
      %add3A_55 = arith.constant 81920 : i32
      %add3A_56 = arith.addi %add3A_55, %multiple_of3A_54 : i32
      %dma_wait3A_57 = tpu.memref_slice %arg3[%add3A_56] : memref<160000xi32, #tpu.memory_space<hbm>> -> memref<128xi32, #tpu.memory_space<hbm>>
      %dma_wait3A_58 = tpu.memref_slice %arg3[%add3A_56] : memref<160000xi32, #tpu.memory_space<hbm>> -> memref<128xi32, #tpu.memory_space<hbm>>
      tpu.wait_dma2 semaphore(%arg10 : memref<!tpu.dma_semaphore, #tpu.memory_space<semaphore_mem>>) src(%dma_wait3A_58 : memref<128xi32, #tpu.memory_space<hbm>>) dst(%arg6 : memref<128xi32, #tpu.memory_space<vmem>>)
      "tpu.region"() ({
        %run_scoped3A = tpu.sem_alloc : memref<!tpu.dma_semaphore, #tpu.memory_space<semaphore_mem>>
        %dma_start3A_66 = arith.constant 0 : i32
        %dma_start3A_67 = arith.constant 0 : i32
        %dma_start3A_68 = tpu.memref_slice %arg2[%dma_start3A_66, %dma_start3A_67] : memref<10000x128xf32, #tpu.memory_space<hbm>> -> memref<10000x128xf32, #tpu.memory_space<hbm>>
        tpu.enqueue_indirect_dma source(%dma_start3A_68 : memref<10000x128xf32, #tpu.memory_space<hbm>>) target(%arg8 : memref<128x128xf32, #tpu.memory_space<vmem>>) offsets(%arg6 : memref<128xi32, #tpu.memory_space<vmem>>) semaphore(%run_scoped3A : memref<!tpu.dma_semaphore, #tpu.memory_space<semaphore_mem>>)
        %dma_wait3A_69 = arith.constant 0 : i32
        %dma_wait3A_70 = arith.constant 0 : i32
        %dma_wait3A_71 = tpu.memref_slice %arg2[%dma_wait3A_69, %dma_wait3A_70] : memref<10000x128xf32, #tpu.memory_space<hbm>> -> memref<10000x128xf32, #tpu.memory_space<hbm>>
        tpu.wait_indirect_dma semaphore(%run_scoped3A : memref<!tpu.dma_semaphore, #tpu.memory_space<semaphore_mem>>) src(%dma_wait3A_71 : memref<10000x128xf32, #tpu.memory_space<hbm>>) dst(%arg8 : memref<128x128xf32, #tpu.memory_space<vmem>>)
        tpu.yield
      }) : () -> ()
      "tpu.region"() ({
        %run_scoped3A = tpu.sem_alloc : memref<!tpu.dma_semaphore, #tpu.memory_space<semaphore_mem>>
        %dma_start3A_66 = arith.constant 0 : i32
        %dma_start3A_67 = tpu.memref_slice %arg4[%multiple_of3A_54, %dma_start3A_66] : memref<78080x128xf32, #tpu.memory_space<hbm>> -> memref<128x128xf32, #tpu.memory_space<hbm>>
        %dma_start3A_68 = arith.constant 0 : i32
        %dma_start3A_69 = tpu.memref_slice %arg4[%multiple_of3A_54, %dma_start3A_68] : memref<78080x128xf32, #tpu.memory_space<hbm>> -> memref<128x128xf32, #tpu.memory_space<hbm>>
        tpu.enqueue_dma source(%arg8 : memref<128x128xf32, #tpu.memory_space<vmem>>) target(%dma_start3A_69 : memref<128x128xf32, #tpu.memory_space<hbm>>) target_semaphore(%run_scoped3A : memref<!tpu.dma_semaphore, #tpu.memory_space<semaphore_mem>>)
        %dma_wait3A_70 = arith.constant 0 : i32
        %dma_wait3A_71 = tpu.memref_slice %arg4[%multiple_of3A_54, %dma_wait3A_70] : memref<78080x128xf32, #tpu.memory_space<hbm>> -> memref<128x128xf32, #tpu.memory_space<hbm>>
        %dma_wait3A_72 = arith.constant 0 : i32
        %dma_wait3A_73 = tpu.memref_slice %arg4[%multiple_of3A_54, %dma_wait3A_72] : memref<78080x128xf32, #tpu.memory_space<hbm>> -> memref<128x128xf32, #tpu.memory_space<hbm>>
        tpu.wait_dma2 semaphore(%run_scoped3A : memref<!tpu.dma_semaphore, #tpu.memory_space<semaphore_mem>>) src(%arg8 : memref<128x128xf32, #tpu.memory_space<vmem>>) dst(%dma_wait3A_73 : memref<128x128xf32, #tpu.memory_space<hbm>>)
        tpu.yield
      }) : () -> ()
      %add3A_59 = arith.constant 3 : i32
      %add3A_60 = arith.addi %mul3A_33, %add3A_59 : i32
      %lt3A_61 = arith.constant 19 : i32
      %lt3A_62 = arith.cmpi slt, %add3A_60, %lt3A_61 : i32
      %convert_element_type3A_63 = arith.extui %lt3A_62 : i1 to i32
      %cond3A_64 = arith.constant 0 : i32
      %cond3A_65 = arith.cmpi ne, %convert_element_type3A_63, %cond3A_64 : i32
      scf.if %cond3A_65 {
        %add3A_66 = arith.constant 3 : i32
        %add3A_67 = arith.addi %mul3A_33, %add3A_66 : i32
        %mul3A_68 = arith.constant 128 : i32
        %mul3A_69 = arith.muli %add3A_67, %mul3A_68 : i32
        %add3A_70 = arith.addi %mul3A_2, %mul3A_69 : i32
        %multiple_of3A_71 = tpu.assume_multiple %add3A_70, 128 : i32
        %add3A_72 = arith.constant 81920 : i32
        %add3A_73 = arith.addi %add3A_72, %multiple_of3A_71 : i32
        %dma_start3A_74 = tpu.memref_slice %arg3[%add3A_73] : memref<160000xi32, #tpu.memory_space<hbm>> -> memref<128xi32, #tpu.memory_space<hbm>>
        %dma_start3A_75 = tpu.memref_slice %arg3[%add3A_73] : memref<160000xi32, #tpu.memory_space<hbm>> -> memref<128xi32, #tpu.memory_space<hbm>>
        tpu.enqueue_dma source(%dma_start3A_75 : memref<128xi32, #tpu.memory_space<hbm>>) target(%arg6 : memref<128xi32, #tpu.memory_space<vmem>>) target_semaphore(%arg10 : memref<!tpu.dma_semaphore, #tpu.memory_space<semaphore_mem>>)
      } else {
      }
    }
    %scan3A_18 = arith.constant 9 : i32
    %add3A_19 = arith.constant 2304 : i32
    %add3A_20 = arith.addi %mul3A_2, %add3A_19 : i32
    %multiple_of3A_21 = tpu.assume_multiple %add3A_20, 128 : i32
    %add3A_22 = arith.constant 81920 : i32
    %add3A_23 = arith.addi %add3A_22, %multiple_of3A_21 : i32
    %dma_wait3A = tpu.memref_slice %arg3[%add3A_23] : memref<160000xi32, #tpu.memory_space<hbm>> -> memref<128xi32, #tpu.memory_space<hbm>>
    %dma_wait3A_24 = tpu.memref_slice %arg3[%add3A_23] : memref<160000xi32, #tpu.memory_space<hbm>> -> memref<128xi32, #tpu.memory_space<hbm>>
    tpu.wait_dma2 semaphore(%arg9 : memref<!tpu.dma_semaphore, #tpu.memory_space<semaphore_mem>>) src(%dma_wait3A_24 : memref<128xi32, #tpu.memory_space<hbm>>) dst(%arg5 : memref<128xi32, #tpu.memory_space<vmem>>)
    "tpu.region"() ({
      %run_scoped3A = tpu.sem_alloc : memref<!tpu.dma_semaphore, #tpu.memory_space<semaphore_mem>>
      %dma_start3A_27 = arith.constant 0 : i32
      %dma_start3A_28 = arith.constant 0 : i32
      %dma_start3A_29 = tpu.memref_slice %arg2[%dma_start3A_27, %dma_start3A_28] : memref<10000x128xf32, #tpu.memory_space<hbm>> -> memref<10000x128xf32, #tpu.memory_space<hbm>>
      tpu.enqueue_indirect_dma source(%dma_start3A_29 : memref<10000x128xf32, #tpu.memory_space<hbm>>) target(%arg7 : memref<128x128xf32, #tpu.memory_space<vmem>>) offsets(%arg5 : memref<128xi32, #tpu.memory_space<vmem>>) semaphore(%run_scoped3A : memref<!tpu.dma_semaphore, #tpu.memory_space<semaphore_mem>>)
      %dma_wait3A_30 = arith.constant 0 : i32
      %dma_wait3A_31 = arith.constant 0 : i32
      %dma_wait3A_32 = tpu.memref_slice %arg2[%dma_wait3A_30, %dma_wait3A_31] : memref<10000x128xf32, #tpu.memory_space<hbm>> -> memref<10000x128xf32, #tpu.memory_space<hbm>>
      tpu.wait_indirect_dma semaphore(%run_scoped3A : memref<!tpu.dma_semaphore, #tpu.memory_space<semaphore_mem>>) src(%dma_wait3A_32 : memref<10000x128xf32, #tpu.memory_space<hbm>>) dst(%arg7 : memref<128x128xf32, #tpu.memory_space<vmem>>)
      tpu.yield
    }) : () -> ()
    "tpu.region"() ({
      %run_scoped3A = tpu.sem_alloc : memref<!tpu.dma_semaphore, #tpu.memory_space<semaphore_mem>>
      %dma_start3A_27 = arith.constant 0 : i32
      %dma_start3A_28 = tpu.memref_slice %arg4[%multiple_of3A_21, %dma_start3A_27] : memref<78080x128xf32, #tpu.memory_space<hbm>> -> memref<128x128xf32, #tpu.memory_space<hbm>>
      %dma_start3A_29 = arith.constant 0 : i32
      %dma_start3A_30 = tpu.memref_slice %arg4[%multiple_of3A_21, %dma_start3A_29] : memref<78080x128xf32, #tpu.memory_space<hbm>> -> memref<128x128xf32, #tpu.memory_space<hbm>>
      tpu.enqueue_dma source(%arg7 : memref<128x128xf32, #tpu.memory_space<vmem>>) target(%dma_start3A_30 : memref<128x128xf32, #tpu.memory_space<hbm>>) target_semaphore(%run_scoped3A : memref<!tpu.dma_semaphore, #tpu.memory_space<semaphore_mem>>)
      %dma_wait3A_31 = arith.constant 0 : i32
      %dma_wait3A_32 = tpu.memref_slice %arg4[%multiple_of3A_21, %dma_wait3A_31] : memref<78080x128xf32, #tpu.memory_space<hbm>> -> memref<128x128xf32, #tpu.memory_space<hbm>>
      %dma_wait3A_33 = arith.constant 0 : i32
      %dma_wait3A_34 = tpu.memref_slice %arg4[%multiple_of3A_21, %dma_wait3A_33] : memref<78080x128xf32, #tpu.memory_space<hbm>> -> memref<128x128xf32, #tpu.memory_space<hbm>>
      tpu.wait_dma2 semaphore(%run_scoped3A : memref<!tpu.dma_semaphore, #tpu.memory_space<semaphore_mem>>) src(%arg7 : memref<128x128xf32, #tpu.memory_space<vmem>>) dst(%dma_wait3A_34 : memref<128x128xf32, #tpu.memory_space<hbm>>)
      tpu.yield
    }) : () -> ()
    %lt3A = arith.constant 2 : i32
    %lt3A_25 = arith.cmpi slt, %add3A, %lt3A : i32
    %convert_element_type3A = arith.extui %lt3A_25 : i1 to i32
    %cond3A = arith.constant 0 : i32
    %cond3A_26 = arith.cmpi ne, %convert_element_type3A, %cond3A : i32
    scf.if %cond3A_26 {
      %mul3A_27 = arith.constant 128 : i32
      %mul3A_28 = arith.muli %add3A, %mul3A_27 : i32
      %add3A_29 = arith.constant 77824 : i32
      %add3A_30 = arith.addi %add3A_29, %mul3A_28 : i32
      %multiple_of3A_31 = tpu.assume_multiple %add3A_30, 128 : i32
      %add3A_32 = arith.constant 81920 : i32
      %add3A_33 = arith.addi %add3A_32, %multiple_of3A_31 : i32
      "tpu.region"() ({
        %run_scoped3A = tpu.sem_alloc : memref<!tpu.dma_semaphore, #tpu.memory_space<semaphore_mem>>
        %dma_start3A_34 = tpu.memref_slice %arg3[%add3A_33] : memref<160000xi32, #tpu.memory_space<hbm>> -> memref<128xi32, #tpu.memory_space<hbm>>
        %dma_start3A_35 = tpu.memref_slice %arg3[%add3A_33] : memref<160000xi32, #tpu.memory_space<hbm>> -> memref<128xi32, #tpu.memory_space<hbm>>
        tpu.enqueue_dma source(%dma_start3A_35 : memref<128xi32, #tpu.memory_space<hbm>>) target(%arg5 : memref<128xi32, #tpu.memory_space<vmem>>) target_semaphore(%run_scoped3A : memref<!tpu.dma_semaphore, #tpu.memory_space<semaphore_mem>>)
        %dma_wait3A_36 = tpu.memref_slice %arg3[%add3A_33] : memref<160000xi32, #tpu.memory_space<hbm>> -> memref<128xi32, #tpu.memory_space<hbm>>
        %dma_wait3A_37 = tpu.memref_slice %arg3[%add3A_33] : memref<160000xi32, #tpu.memory_space<hbm>> -> memref<128xi32, #tpu.memory_space<hbm>>
        tpu.wait_dma2 semaphore(%run_scoped3A : memref<!tpu.dma_semaphore, #tpu.memory_space<semaphore_mem>>) src(%dma_wait3A_37 : memref<128xi32, #tpu.memory_space<hbm>>) dst(%arg5 : memref<128xi32, #tpu.memory_space<vmem>>)
        tpu.yield
      }) : () -> ()
      "tpu.region"() ({
        %run_scoped3A = tpu.sem_alloc : memref<!tpu.dma_semaphore, #tpu.memory_space<semaphore_mem>>
        %dma_start3A_34 = arith.constant 0 : i32
        %dma_start3A_35 = arith.constant 0 : i32
        %dma_start3A_36 = tpu.memref_slice %arg2[%dma_start3A_34, %dma_start3A_35] : memref<10000x128xf32, #tpu.memory_space<hbm>> -> memref<10000x128xf32, #tpu.memory_space<hbm>>
        tpu.enqueue_indirect_dma source(%dma_start3A_36 : memref<10000x128xf32, #tpu.memory_space<hbm>>) target(%arg7 : memref<128x128xf32, #tpu.memory_space<vmem>>) offsets(%arg5 : memref<128xi32, #tpu.memory_space<vmem>>) semaphore(%run_scoped3A : memref<!tpu.dma_semaphore, #tpu.memory_space<semaphore_mem>>)
        %dma_wait3A_37 = arith.constant 0 : i32
        %dma_wait3A_38 = arith.constant 0 : i32
        %dma_wait3A_39 = tpu.memref_slice %arg2[%dma_wait3A_37, %dma_wait3A_38] : memref<10000x128xf32, #tpu.memory_space<hbm>> -> memref<10000x128xf32, #tpu.memory_space<hbm>>
        tpu.wait_indirect_dma semaphore(%run_scoped3A : memref<!tpu.dma_semaphore, #tpu.memory_space<semaphore_mem>>) src(%dma_wait3A_39 : memref<10000x128xf32, #tpu.memory_space<hbm>>) dst(%arg7 : memref<128x128xf32, #tpu.memory_space<vmem>>)
        tpu.yield
      }) : () -> ()
      "tpu.region"() ({
        %run_scoped3A = tpu.sem_alloc : memref<!tpu.dma_semaphore, #tpu.memory_space<semaphore_mem>>
        %dma_start3A_34 = arith.constant 0 : i32
        %dma_start3A_35 = tpu.memref_slice %arg4[%multiple_of3A_31, %dma_start3A_34] : memref<78080x128xf32, #tpu.memory_space<hbm>> -> memref<128x128xf32, #tpu.memory_space<hbm>>
        %dma_start3A_36 = arith.constant 0 : i32
        %dma_start3A_37 = tpu.memref_slice %arg4[%multiple_of3A_31, %dma_start3A_36] : memref<78080x128xf32, #tpu.memory_space<hbm>> -> memref<128x128xf32, #tpu.memory_space<hbm>>
        tpu.enqueue_dma source(%arg7 : memref<128x128xf32, #tpu.memory_space<vmem>>) target(%dma_start3A_37 : memref<128x128xf32, #tpu.memory_space<hbm>>) target_semaphore(%run_scoped3A : memref<!tpu.dma_semaphore, #tpu.memory_space<semaphore_mem>>)
        %dma_wait3A_38 = arith.constant 0 : i32
        %dma_wait3A_39 = tpu.memref_slice %arg4[%multiple_of3A_31, %dma_wait3A_38] : memref<78080x128xf32, #tpu.memory_space<hbm>> -> memref<128x128xf32, #tpu.memory_space<hbm>>
        %dma_wait3A_40 = arith.constant 0 : i32
        %dma_wait3A_41 = tpu.memref_slice %arg4[%multiple_of3A_31, %dma_wait3A_40] : memref<78080x128xf32, #tpu.memory_space<hbm>> -> memref<128x128xf32, #tpu.memory_space<hbm>>
        tpu.wait_dma2 semaphore(%run_scoped3A : memref<!tpu.dma_semaphore, #tpu.memory_space<semaphore_mem>>) src(%arg7 : memref<128x128xf32, #tpu.memory_space<vmem>>) dst(%dma_wait3A_41 : memref<128x128xf32, #tpu.memory_space<hbm>>)
        tpu.yield
      }) : () -> ()
    } else {
    }
    return
  }
}

#map = affine_map<(d0, d1) -> (0, 0)>
#map1 = affine_map<(d0, d1) -> (0)>
module attributes {stable_mosaic.version = 14 : i64} {
  func.func @k(%arg0: i32, %arg1: i32, %arg2: memref<81920x512xf32, #tpu.memory_space<hbm>>, %arg3: memref<160000xi32, #tpu.memory_space<hbm>>, %arg4: memref<10000x512xf32, #tpu.memory_space<hbm>>, %arg5: memref<128xi32, #tpu.memory_space<vmem>>, %arg6: memref<128xi32, #tpu.memory_space<vmem>>, %arg7: memref<128x128xf32, #tpu.memory_space<vmem>>, %arg8: memref<128x128xf32, #tpu.memory_space<vmem>>, %arg9: memref<48x128xf32, #tpu.memory_space<vmem>>, %arg10: memref<10000x128xf32, #tpu.memory_space<vmem_shared>>, %arg11: memref<!tpu.dma_semaphore, #tpu.memory_space<semaphore_mem>>, %arg12: memref<!tpu.dma_semaphore, #tpu.memory_space<semaphore_mem>>, %arg13: memref<!tpu.dma_semaphore, #tpu.memory_space<semaphore_mem>>, %arg14: memref<!tpu.dma_semaphore, #tpu.memory_space<semaphore_mem>>, %arg15: memref<!tpu.dma_semaphore, #tpu.memory_space<semaphore_mem>>, %arg16: memref<!tpu.dma_semaphore, #tpu.memory_space<semaphore_mem>>) attributes {dimension_semantics = [#tpu.dimension_semantics<core_parallel>, #tpu.dimension_semantics<subcore_parallel>], iteration_bounds = array<i64: 2, 16>, scalar_prefetch = 0 : i64, scratch_operands = 12 : i64, tpu.core_type = #tpu.core_type<sc_vector_subcore>, window_params = [{transform_indices = #map}, {transform_indices = #map1}, {transform_indices = #map}]} {
    %scan3A = arith.constant 0 : i32
    %scan3A_0 = arith.constant 48 : i32
    %scan3A_1 = arith.addi %scan3A, %scan3A_0 : i32
    %scan3A_2 = arith.constant 1 : i32
    scf.for %scan3A_110 = %scan3A to %scan3A_1 step %scan3A_2  : i32 {
      %mul3A_111 = arith.constant 1 : i32
      %mul3A_112 = arith.muli %scan3A_110, %mul3A_111 : i32
      %add3A_113 = arith.constant 0 : i32
      %add3A_114 = arith.addi %add3A_113, %mul3A_112 : i32
      %scan3A_115 = arith.constant 0 : i32
      %scan3A_116 = arith.constant 8 : i32
      %scan3A_117 = arith.addi %scan3A_115, %scan3A_116 : i32
      %scan3A_118 = arith.constant 1 : i32
      scf.for %scan3A_120 = %scan3A_115 to %scan3A_117 step %scan3A_118  : i32 {
        %mul3A_121 = arith.constant 16 : i32
        %mul3A_122 = arith.muli %scan3A_120, %mul3A_121 : i32
        %add3A_123 = arith.constant 0 : i32
        %add3A_124 = arith.addi %add3A_123, %mul3A_122 : i32
        %broadcast_in_dim3A = arith.constant 0.000000e+00 : f32
        %broadcast_in_dim3A_125 = vector.broadcast %broadcast_in_dim3A : f32 to vector<16xf32>
        %swap3A = arith.index_cast %add3A_114 : i32 to index
        %swap3A_126 = arith.index_cast %add3A_124 : i32 to index
        %swap3A_127 = tpu.vector_load %arg9[%swap3A, %swap3A_126] {strides = array<i32>} : memref<48x128xf32, #tpu.memory_space<vmem>>, vector<1x16xf32>,
        %swap3A_128 = vector.shape_cast %swap3A_127 : vector<1x16xf32> to vector<16xf32>
        %swap3A_129 = vector.shape_cast %broadcast_in_dim3A_125 : vector<16xf32> to vector<1x16xf32>
        tpu.vector_store %arg9[%swap3A, %swap3A_126], %swap3A_129 {strides = array<i32>} : memref<48x128xf32, #tpu.memory_space<vmem>>, vector<1x16xf32>,
      }
      %scan3A_119 = arith.constant 8 : i32
    }
    %scan3A_3 = arith.constant 48 : i32
    %mul3A = arith.constant 624 : i32
    %mul3A_4 = arith.muli %arg1, %mul3A : i32
    %multiple_of3A = tpu.assume_multiple %mul3A_4, 16 : i32
    %mul3A_5 = arith.constant 2 : i32
    %mul3A_6 = arith.muli %arg0, %mul3A_5 : i32
    %add3A = arith.constant 0 : i32
    %add3A_7 = arith.addi %mul3A_6, %add3A : i32
    %mul3A_8 = arith.constant 128 : i32
    %mul3A_9 = arith.muli %add3A_7, %mul3A_8 : i32
    %scan3A_10 = arith.constant 0 : i32
    %scan3A_11 = arith.constant 13 : i32
    %scan3A_12 = arith.addi %scan3A_10, %scan3A_11 : i32
    %scan3A_13 = arith.constant 1 : i32
    scf.for %scan3A_110 = %scan3A_10 to %scan3A_12 step %scan3A_13  : i32 {
      %mul3A_111 = arith.constant 1 : i32
      %mul3A_112 = arith.muli %scan3A_110, %mul3A_111 : i32
      %add3A_113 = arith.constant 0 : i32
      %add3A_114 = arith.addi %add3A_113, %mul3A_112 : i32
      %mul3A_115 = arith.constant 48 : i32
      %mul3A_116 = arith.muli %add3A_114, %mul3A_115 : i32
      %add3A_117 = arith.addi %multiple_of3A, %mul3A_116 : i32
      %multiple_of3A_118 = tpu.assume_multiple %add3A_117, 16 : i32
      "tpu.region"() ({
        %run_scoped3A = tpu.sem_alloc : memref<!tpu.dma_semaphore, #tpu.memory_space<semaphore_mem>>
        %dma_start3A_119 = arith.constant 0 : i32
        %dma_start3A_120 = tpu.memref_slice %arg10[%multiple_of3A_118, %dma_start3A_119] : memref<10000x128xf32, #tpu.memory_space<vmem_shared>> -> memref<48x128xf32, #tpu.memory_space<vmem_shared>>
        %dma_start3A_121 = arith.constant 0 : i32
        %dma_start3A_122 = tpu.memref_slice %arg10[%multiple_of3A_118, %dma_start3A_121] : memref<10000x128xf32, #tpu.memory_space<vmem_shared>> -> memref<48x128xf32, #tpu.memory_space<vmem_shared>>
        tpu.enqueue_dma source(%arg9 : memref<48x128xf32, #tpu.memory_space<vmem>>) target(%dma_start3A_122 : memref<48x128xf32, #tpu.memory_space<vmem_shared>>) target_semaphore(%run_scoped3A : memref<!tpu.dma_semaphore, #tpu.memory_space<semaphore_mem>>)
        %dma_wait3A_123 = arith.constant 0 : i32
        %dma_wait3A_124 = tpu.memref_slice %arg10[%multiple_of3A_118, %dma_wait3A_123] : memref<10000x128xf32, #tpu.memory_space<vmem_shared>> -> memref<48x128xf32, #tpu.memory_space<vmem_shared>>
        %dma_wait3A_125 = arith.constant 0 : i32
        %dma_wait3A_126 = tpu.memref_slice %arg10[%multiple_of3A_118, %dma_wait3A_125] : memref<10000x128xf32, #tpu.memory_space<vmem_shared>> -> memref<48x128xf32, #tpu.memory_space<vmem_shared>>
        tpu.wait_dma2 semaphore(%run_scoped3A : memref<!tpu.dma_semaphore, #tpu.memory_space<semaphore_mem>>) src(%arg9 : memref<48x128xf32, #tpu.memory_space<vmem>>) dst(%dma_wait3A_126 : memref<48x128xf32, #tpu.memory_space<vmem_shared>>)
        tpu.yield
      }) : () -> ()
    }
    %scan3A_14 = arith.constant 13 : i32
    %eq3A = arith.constant 0 : i32
    %eq3A_15 = arith.cmpi eq, %arg1, %eq3A : i32
    %convert_element_type3A = arith.extui %eq3A_15 : i1 to i32
    %cond3A = arith.constant 0 : i32
    %cond3A_16 = arith.cmpi ne, %convert_element_type3A, %cond3A : i32
    scf.if %cond3A_16 {
      "tpu.region"() ({
        %run_scoped3A = tpu.sem_alloc : memref<!tpu.dma_semaphore, #tpu.memory_space<semaphore_mem>>
        %dma_start3A_110 = arith.constant 0 : i32
        %dma_start3A_111 = arith.constant 0 : i32
        %dma_start3A_112 = tpu.memref_slice %arg9[%dma_start3A_110, %dma_start3A_111] : memref<48x128xf32, #tpu.memory_space<vmem>> -> memref<16x128xf32, #tpu.memory_space<vmem>>
        %dma_start3A_113 = arith.constant 9984 : i32
        %dma_start3A_114 = arith.constant 0 : i32
        %dma_start3A_115 = tpu.memref_slice %arg10[%dma_start3A_113, %dma_start3A_114] : memref<10000x128xf32, #tpu.memory_space<vmem_shared>> -> memref<16x128xf32, #tpu.memory_space<vmem_shared>>
        %dma_start3A_116 = arith.constant 9984 : i32
        %dma_start3A_117 = arith.constant 0 : i32
        %dma_start3A_118 = tpu.memref_slice %arg10[%dma_start3A_116, %dma_start3A_117] : memref<10000x128xf32, #tpu.memory_space<vmem_shared>> -> memref<16x128xf32, #tpu.memory_space<vmem_shared>>
        %dma_start3A_119 = arith.constant 0 : i32
        %dma_start3A_120 = arith.constant 0 : i32
        %dma_start3A_121 = tpu.memref_slice %arg9[%dma_start3A_119, %dma_start3A_120] : memref<48x128xf32, #tpu.memory_space<vmem>> -> memref<16x128xf32, #tpu.memory_space<vmem>>
        tpu.enqueue_dma source(%dma_start3A_121 : memref<16x128xf32, #tpu.memory_space<vmem>>) target(%dma_start3A_118 : memref<16x128xf32, #tpu.memory_space<vmem_shared>>) target_semaphore(%run_scoped3A : memref<!tpu.dma_semaphore, #tpu.memory_space<semaphore_mem>>)
        %dma_wait3A_122 = arith.constant 0 : i32
        %dma_wait3A_123 = arith.constant 0 : i32
        %dma_wait3A_124 = tpu.memref_slice %arg9[%dma_wait3A_122, %dma_wait3A_123] : memref<48x128xf32, #tpu.memory_space<vmem>> -> memref<16x128xf32, #tpu.memory_space<vmem>>
        %dma_wait3A_125 = arith.constant 9984 : i32
        %dma_wait3A_126 = arith.constant 0 : i32
        %dma_wait3A_127 = tpu.memref_slice %arg10[%dma_wait3A_125, %dma_wait3A_126] : memref<10000x128xf32, #tpu.memory_space<vmem_shared>> -> memref<16x128xf32, #tpu.memory_space<vmem_shared>>
        %dma_wait3A_128 = arith.constant 9984 : i32
        %dma_wait3A_129 = arith.constant 0 : i32
        %dma_wait3A_130 = tpu.memref_slice %arg10[%dma_wait3A_128, %dma_wait3A_129] : memref<10000x128xf32, #tpu.memory_space<vmem_shared>> -> memref<16x128xf32, #tpu.memory_space<vmem_shared>>
        %dma_wait3A_131 = arith.constant 0 : i32
        %dma_wait3A_132 = arith.constant 0 : i32
        %dma_wait3A_133 = tpu.memref_slice %arg9[%dma_wait3A_131, %dma_wait3A_132] : memref<48x128xf32, #tpu.memory_space<vmem>> -> memref<16x128xf32, #tpu.memory_space<vmem>>
        tpu.wait_dma2 semaphore(%run_scoped3A : memref<!tpu.dma_semaphore, #tpu.memory_space<semaphore_mem>>) src(%dma_wait3A_133 : memref<16x128xf32, #tpu.memory_space<vmem>>) dst(%dma_wait3A_130 : memref<16x128xf32, #tpu.memory_space<vmem_shared>>)
        tpu.yield
      }) : () -> ()
    } else {
    }
    %barrier3A = arith.constant 0 : index
    tpu.barrier barrier_id(%barrier3A)
    %mul3A_17 = arith.constant 5120 : i32
    %mul3A_18 = arith.muli %arg1, %mul3A_17 : i32
    %add3A_19 = arith.constant 0 : i32
    %add3A_20 = arith.addi %mul3A_18, %add3A_19 : i32
    %multiple_of3A_21 = tpu.assume_multiple %add3A_20, 128 : i32
    %add3A_22 = arith.constant 0 : i32
    %add3A_23 = arith.addi %add3A_22, %multiple_of3A_21 : i32
    %dma_start3A = tpu.memref_slice %arg3[%add3A_23] : memref<160000xi32, #tpu.memory_space<hbm>> -> memref<128xi32, #tpu.memory_space<hbm>>
    %dma_start3A_24 = tpu.memref_slice %arg3[%add3A_23] : memref<160000xi32, #tpu.memory_space<hbm>> -> memref<128xi32, #tpu.memory_space<hbm>>
    tpu.enqueue_dma source(%dma_start3A_24 : memref<128xi32, #tpu.memory_space<hbm>>) target(%arg5 : memref<128xi32, #tpu.memory_space<vmem>>) target_semaphore(%arg11 : memref<!tpu.dma_semaphore, #tpu.memory_space<semaphore_mem>>)
    %dma_start3A_25 = tpu.memref_slice %arg2[%multiple_of3A_21, %mul3A_9] : memref<81920x512xf32, #tpu.memory_space<hbm>> -> memref<128x128xf32, #tpu.memory_space<hbm>>
    %dma_start3A_26 = tpu.memref_slice %arg2[%multiple_of3A_21, %mul3A_9] : memref<81920x512xf32, #tpu.memory_space<hbm>> -> memref<128x128xf32, #tpu.memory_space<hbm>>
    tpu.enqueue_dma source(%dma_start3A_26 : memref<128x128xf32, #tpu.memory_space<hbm>>) target(%arg7 : memref<128x128xf32, #tpu.memory_space<vmem>>) target_semaphore(%arg13 : memref<!tpu.dma_semaphore, #tpu.memory_space<semaphore_mem>>)
    %mul3A_27 = arith.constant 5120 : i32
    %mul3A_28 = arith.muli %arg1, %mul3A_27 : i32
    %add3A_29 = arith.constant 128 : i32
    %add3A_30 = arith.addi %mul3A_28, %add3A_29 : i32
    %multiple_of3A_31 = tpu.assume_multiple %add3A_30, 128 : i32
    %add3A_32 = arith.constant 0 : i32
    %add3A_33 = arith.addi %add3A_32, %multiple_of3A_31 : i32
    %dma_start3A_34 = tpu.memref_slice %arg3[%add3A_33] : memref<160000xi32, #tpu.memory_space<hbm>> -> memref<128xi32, #tpu.memory_space<hbm>>
    %dma_start3A_35 = tpu.memref_slice %arg3[%add3A_33] : memref<160000xi32, #tpu.memory_space<hbm>> -> memref<128xi32, #tpu.memory_space<hbm>>
    tpu.enqueue_dma source(%dma_start3A_35 : memref<128xi32, #tpu.memory_space<hbm>>) target(%arg6 : memref<128xi32, #tpu.memory_space<vmem>>) target_semaphore(%arg12 : memref<!tpu.dma_semaphore, #tpu.memory_space<semaphore_mem>>)
    %dma_start3A_36 = tpu.memref_slice %arg2[%multiple_of3A_31, %mul3A_9] : memref<81920x512xf32, #tpu.memory_space<hbm>> -> memref<128x128xf32, #tpu.memory_space<hbm>>
    %dma_start3A_37 = tpu.memref_slice %arg2[%multiple_of3A_31, %mul3A_9] : memref<81920x512xf32, #tpu.memory_space<hbm>> -> memref<128x128xf32, #tpu.memory_space<hbm>>
    tpu.enqueue_dma source(%dma_start3A_37 : memref<128x128xf32, #tpu.memory_space<hbm>>) target(%arg8 : memref<128x128xf32, #tpu.memory_space<vmem>>) target_semaphore(%arg14 : memref<!tpu.dma_semaphore, #tpu.memory_space<semaphore_mem>>)
    %scan3A_38 = arith.constant 0 : i32
    %scan3A_39 = arith.constant 20 : i32
    %scan3A_40 = arith.addi %scan3A_38, %scan3A_39 : i32
    %scan3A_41 = arith.constant 1 : i32
    scf.for %scan3A_110 = %scan3A_38 to %scan3A_40 step %scan3A_41  : i32 {
      %mul3A_111 = arith.constant 1 : i32
      %mul3A_112 = arith.muli %scan3A_110, %mul3A_111 : i32
      %add3A_113 = arith.constant 0 : i32
      %add3A_114 = arith.addi %add3A_113, %mul3A_112 : i32
      %mul3A_115 = arith.constant 2 : i32
      %mul3A_116 = arith.muli %add3A_114, %mul3A_115 : i32
      %mul3A_117 = arith.constant 5120 : i32
      %mul3A_118 = arith.muli %arg1, %mul3A_117 : i32
      %mul3A_119 = arith.constant 128 : i32
      %mul3A_120 = arith.muli %mul3A_116, %mul3A_119 : i32
      %add3A_121 = arith.addi %mul3A_118, %mul3A_120 : i32
      %multiple_of3A_122 = tpu.assume_multiple %add3A_121, 128 : i32
      %add3A_123 = arith.constant 0 : i32
      %add3A_124 = arith.addi %add3A_123, %multiple_of3A_122 : i32
      %dma_wait3A_125 = tpu.memref_slice %arg3[%add3A_124] : memref<160000xi32, #tpu.memory_space<hbm>> -> memref<128xi32, #tpu.memory_space<hbm>>
      %dma_wait3A_126 = tpu.memref_slice %arg3[%add3A_124] : memref<160000xi32, #tpu.memory_space<hbm>> -> memref<128xi32, #tpu.memory_space<hbm>>
      tpu.wait_dma2 semaphore(%arg11 : memref<!tpu.dma_semaphore, #tpu.memory_space<semaphore_mem>>) src(%dma_wait3A_126 : memref<128xi32, #tpu.memory_space<hbm>>) dst(%arg5 : memref<128xi32, #tpu.memory_space<vmem>>)
      %dma_wait3A_127 = tpu.memref_slice %arg2[%multiple_of3A_122, %mul3A_9] : memref<81920x512xf32, #tpu.memory_space<hbm>> -> memref<128x128xf32, #tpu.memory_space<hbm>>
      %dma_wait3A_128 = tpu.memref_slice %arg2[%multiple_of3A_122, %mul3A_9] : memref<81920x512xf32, #tpu.memory_space<hbm>> -> memref<128x128xf32, #tpu.memory_space<hbm>>
      tpu.wait_dma2 semaphore(%arg13 : memref<!tpu.dma_semaphore, #tpu.memory_space<semaphore_mem>>) src(%dma_wait3A_128 : memref<128x128xf32, #tpu.memory_space<hbm>>) dst(%arg7 : memref<128x128xf32, #tpu.memory_space<vmem>>)
      %dma_start3A_129 = arith.constant 0 : i32
      %dma_start3A_130 = arith.constant 0 : i32
      %dma_start3A_131 = tpu.memref_slice %arg10[%dma_start3A_129, %dma_start3A_130] : memref<10000x128xf32, #tpu.memory_space<vmem_shared>> -> memref<10000x128xf32, #tpu.memory_space<vmem_shared>>
      tpu.enqueue_indirect_dma source(%arg7 : memref<128x128xf32, #tpu.memory_space<vmem>>) target(%dma_start3A_131 : memref<10000x128xf32, #tpu.memory_space<vmem_shared>>) offsets(%arg5 : memref<128xi32, #tpu.memory_space<vmem>>) semaphore(%arg15 : memref<!tpu.dma_semaphore, #tpu.memory_space<semaphore_mem>>) {add = true}
      %add3A_132 = arith.constant 2 : i32
      %add3A_133 = arith.addi %mul3A_116, %add3A_132 : i32
      %lt3A = arith.constant 40 : i32
      %lt3A_134 = arith.cmpi slt, %add3A_133, %lt3A : i32
      %convert_element_type3A_135 = arith.extui %lt3A_134 : i1 to i32
      %cond3A_136 = arith.constant 0 : i32
      %cond3A_137 = arith.cmpi ne, %convert_element_type3A_135, %cond3A_136 : i32
      scf.if %cond3A_137 {
        %add3A_162 = arith.constant 2 : i32
        %add3A_163 = arith.addi %mul3A_116, %add3A_162 : i32
        %dma_wait3A_164 = arith.constant 0 : i32
        %dma_wait3A_165 = arith.constant 0 : i32
        %dma_wait3A_166 = tpu.memref_slice %arg10[%dma_wait3A_164, %dma_wait3A_165] : memref<10000x128xf32, #tpu.memory_space<vmem_shared>> -> memref<10000x128xf32, #tpu.memory_space<vmem_shared>>
        tpu.wait_indirect_dma semaphore(%arg15 : memref<!tpu.dma_semaphore, #tpu.memory_space<semaphore_mem>>) src(%arg7 : memref<128x128xf32, #tpu.memory_space<vmem>>) dst(%dma_wait3A_166 : memref<10000x128xf32, #tpu.memory_space<vmem_shared>>)
        %mul3A_167 = arith.constant 5120 : i32
        %mul3A_168 = arith.muli %arg1, %mul3A_167 : i32
        %mul3A_169 = arith.constant 128 : i32
        %mul3A_170 = arith.muli %add3A_163, %mul3A_169 : i32
        %add3A_171 = arith.addi %mul3A_168, %mul3A_170 : i32
        %multiple_of3A_172 = tpu.assume_multiple %add3A_171, 128 : i32
        %add3A_173 = arith.constant 0 : i32
        %add3A_174 = arith.addi %add3A_173, %multiple_of3A_172 : i32
        %dma_start3A_175 = tpu.memref_slice %arg3[%add3A_174] : memref<160000xi32, #tpu.memory_space<hbm>> -> memref<128xi32, #tpu.memory_space<hbm>>
        %dma_start3A_176 = tpu.memref_slice %arg3[%add3A_174] : memref<160000xi32, #tpu.memory_space<hbm>> -> memref<128xi32, #tpu.memory_space<hbm>>
        tpu.enqueue_dma source(%dma_start3A_176 : memref<128xi32, #tpu.memory_space<hbm>>) target(%arg5 : memref<128xi32, #tpu.memory_space<vmem>>) target_semaphore(%arg11 : memref<!tpu.dma_semaphore, #tpu.memory_space<semaphore_mem>>)
        %dma_start3A_177 = tpu.memref_slice %arg2[%multiple_of3A_172, %mul3A_9] : memref<81920x512xf32, #tpu.memory_space<hbm>> -> memref<128x128xf32, #tpu.memory_space<hbm>>
        %dma_start3A_178 = tpu.memref_slice %arg2[%multiple_of3A_172, %mul3A_9] : memref<81920x512xf32, #tpu.memory_space<hbm>> -> memref<128x128xf32, #tpu.memory_space<hbm>>
        tpu.enqueue_dma source(%dma_start3A_178 : memref<128x128xf32, #tpu.memory_space<hbm>>) target(%arg7 : memref<128x128xf32, #tpu.memory_space<vmem>>) target_semaphore(%arg13 : memref<!tpu.dma_semaphore, #tpu.memory_space<semaphore_mem>>)
      } else {
      }
      %add3A_138 = arith.constant 1 : i32
      %add3A_139 = arith.addi %mul3A_116, %add3A_138 : i32
      %mul3A_140 = arith.constant 5120 : i32
      %mul3A_141 = arith.muli %arg1, %mul3A_140 : i32
      %mul3A_142 = arith.constant 128 : i32
      %mul3A_143 = arith.muli %add3A_139, %mul3A_142 : i32
      %add3A_144 = arith.addi %mul3A_141, %mul3A_143 : i32
      %multiple_of3A_145 = tpu.assume_multiple %add3A_144, 128 : i32
      %add3A_146 = arith.constant 0 : i32
      %add3A_147 = arith.addi %add3A_146, %multiple_of3A_145 : i32
      %dma_wait3A_148 = tpu.memref_slice %arg3[%add3A_147] : memref<160000xi32, #tpu.memory_space<hbm>> -> memref<128xi32, #tpu.memory_space<hbm>>
      %dma_wait3A_149 = tpu.memref_slice %arg3[%add3A_147] : memref<160000xi32, #tpu.memory_space<hbm>> -> memref<128xi32, #tpu.memory_space<hbm>>
      tpu.wait_dma2 semaphore(%arg12 : memref<!tpu.dma_semaphore, #tpu.memory_space<semaphore_mem>>) src(%dma_wait3A_149 : memref<128xi32, #tpu.memory_space<hbm>>) dst(%arg6 : memref<128xi32, #tpu.memory_space<vmem>>)
      %dma_wait3A_150 = tpu.memref_slice %arg2[%multiple_of3A_145, %mul3A_9] : memref<81920x512xf32, #tpu.memory_space<hbm>> -> memref<128x128xf32, #tpu.memory_space<hbm>>
      %dma_wait3A_151 = tpu.memref_slice %arg2[%multiple_of3A_145, %mul3A_9] : memref<81920x512xf32, #tpu.memory_space<hbm>> -> memref<128x128xf32, #tpu.memory_space<hbm>>
      tpu.wait_dma2 semaphore(%arg14 : memref<!tpu.dma_semaphore, #tpu.memory_space<semaphore_mem>>) src(%dma_wait3A_151 : memref<128x128xf32, #tpu.memory_space<hbm>>) dst(%arg8 : memref<128x128xf32, #tpu.memory_space<vmem>>)
      %dma_start3A_152 = arith.constant 0 : i32
      %dma_start3A_153 = arith.constant 0 : i32
      %dma_start3A_154 = tpu.memref_slice %arg10[%dma_start3A_152, %dma_start3A_153] : memref<10000x128xf32, #tpu.memory_space<vmem_shared>> -> memref<10000x128xf32, #tpu.memory_space<vmem_shared>>
      tpu.enqueue_indirect_dma source(%arg8 : memref<128x128xf32, #tpu.memory_space<vmem>>) target(%dma_start3A_154 : memref<10000x128xf32, #tpu.memory_space<vmem_shared>>) offsets(%arg6 : memref<128xi32, #tpu.memory_space<vmem>>) semaphore(%arg16 : memref<!tpu.dma_semaphore, #tpu.memory_space<semaphore_mem>>) {add = true}
      %add3A_155 = arith.constant 3 : i32
      %add3A_156 = arith.addi %mul3A_116, %add3A_155 : i32
      %lt3A_157 = arith.constant 40 : i32
      %lt3A_158 = arith.cmpi slt, %add3A_156, %lt3A_157 : i32
      %convert_element_type3A_159 = arith.extui %lt3A_158 : i1 to i32
      %cond3A_160 = arith.constant 0 : i32
      %cond3A_161 = arith.cmpi ne, %convert_element_type3A_159, %cond3A_160 : i32
      scf.if %cond3A_161 {
        %add3A_162 = arith.constant 3 : i32
        %add3A_163 = arith.addi %mul3A_116, %add3A_162 : i32
        %dma_wait3A_164 = arith.constant 0 : i32
        %dma_wait3A_165 = arith.constant 0 : i32
        %dma_wait3A_166 = tpu.memref_slice %arg10[%dma_wait3A_164, %dma_wait3A_165] : memref<10000x128xf32, #tpu.memory_space<vmem_shared>> -> memref<10000x128xf32, #tpu.memory_space<vmem_shared>>
        tpu.wait_indirect_dma semaphore(%arg16 : memref<!tpu.dma_semaphore, #tpu.memory_space<semaphore_mem>>) src(%arg8 : memref<128x128xf32, #tpu.memory_space<vmem>>) dst(%dma_wait3A_166 : memref<10000x128xf32, #tpu.memory_space<vmem_shared>>)
        %mul3A_167 = arith.constant 5120 : i32
        %mul3A_168 = arith.muli %arg1, %mul3A_167 : i32
        %mul3A_169 = arith.constant 128 : i32
        %mul3A_170 = arith.muli %add3A_163, %mul3A_169 : i32
        %add3A_171 = arith.addi %mul3A_168, %mul3A_170 : i32
        %multiple_of3A_172 = tpu.assume_multiple %add3A_171, 128 : i32
        %add3A_173 = arith.constant 0 : i32
        %add3A_174 = arith.addi %add3A_173, %multiple_of3A_172 : i32
        %dma_start3A_175 = tpu.memref_slice %arg3[%add3A_174] : memref<160000xi32, #tpu.memory_space<hbm>> -> memref<128xi32, #tpu.memory_space<hbm>>
        %dma_start3A_176 = tpu.memref_slice %arg3[%add3A_174] : memref<160000xi32, #tpu.memory_space<hbm>> -> memref<128xi32, #tpu.memory_space<hbm>>
        tpu.enqueue_dma source(%dma_start3A_176 : memref<128xi32, #tpu.memory_space<hbm>>) target(%arg6 : memref<128xi32, #tpu.memory_space<vmem>>) target_semaphore(%arg12 : memref<!tpu.dma_semaphore, #tpu.memory_space<semaphore_mem>>)
        %dma_start3A_177 = tpu.memref_slice %arg2[%multiple_of3A_172, %mul3A_9] : memref<81920x512xf32, #tpu.memory_space<hbm>> -> memref<128x128xf32, #tpu.memory_space<hbm>>
        %dma_start3A_178 = tpu.memref_slice %arg2[%multiple_of3A_172, %mul3A_9] : memref<81920x512xf32, #tpu.memory_space<hbm>> -> memref<128x128xf32, #tpu.memory_space<hbm>>
        tpu.enqueue_dma source(%dma_start3A_178 : memref<128x128xf32, #tpu.memory_space<hbm>>) target(%arg8 : memref<128x128xf32, #tpu.memory_space<vmem>>) target_semaphore(%arg14 : memref<!tpu.dma_semaphore, #tpu.memory_space<semaphore_mem>>)
      } else {
      }
    }
    %scan3A_42 = arith.constant 20 : i32
    %dma_wait3A = arith.constant 0 : i32
    %dma_wait3A_43 = arith.constant 0 : i32
    %dma_wait3A_44 = tpu.memref_slice %arg10[%dma_wait3A, %dma_wait3A_43] : memref<10000x128xf32, #tpu.memory_space<vmem_shared>> -> memref<10000x128xf32, #tpu.memory_space<vmem_shared>>
    tpu.wait_indirect_dma semaphore(%arg15 : memref<!tpu.dma_semaphore, #tpu.memory_space<semaphore_mem>>) src(%arg7 : memref<128x128xf32, #tpu.memory_space<vmem>>) dst(%dma_wait3A_44 : memref<10000x128xf32, #tpu.memory_space<vmem_shared>>)
    %dma_wait3A_45 = arith.constant 0 : i32
    %dma_wait3A_46 = arith.constant 0 : i32
    %dma_wait3A_47 = tpu.memref_slice %arg10[%dma_wait3A_45, %dma_wait3A_46] : memref<10000x128xf32, #tpu.memory_space<vmem_shared>> -> memref<10000x128xf32, #tpu.memory_space<vmem_shared>>
    tpu.wait_indirect_dma semaphore(%arg16 : memref<!tpu.dma_semaphore, #tpu.memory_space<semaphore_mem>>) src(%arg8 : memref<128x128xf32, #tpu.memory_space<vmem>>) dst(%dma_wait3A_47 : memref<10000x128xf32, #tpu.memory_space<vmem_shared>>)
    %barrier3A_48 = arith.constant 0 : index
    tpu.barrier barrier_id(%barrier3A_48)
    "tpu.region"() ({
      %run_scoped3A = tpu.sem_alloc : memref<!tpu.dma_semaphore, #tpu.memory_space<semaphore_mem>>
      %dma_start3A_110 = tpu.memref_slice %arg4[%multiple_of3A, %mul3A_9] : memref<10000x512xf32, #tpu.memory_space<hbm>> -> memref<624x128xf32, #tpu.memory_space<hbm>>
      %dma_start3A_111 = arith.constant 0 : i32
      %dma_start3A_112 = tpu.memref_slice %arg10[%multiple_of3A, %dma_start3A_111] : memref<10000x128xf32, #tpu.memory_space<vmem_shared>> -> memref<624x128xf32, #tpu.memory_space<vmem_shared>>
      tpu.enqueue_dma source(%dma_start3A_112 : memref<624x128xf32, #tpu.memory_space<vmem_shared>>) target(%dma_start3A_110 : memref<624x128xf32, #tpu.memory_space<hbm>>) target_semaphore(%run_scoped3A : memref<!tpu.dma_semaphore, #tpu.memory_space<semaphore_mem>>)
      %dma_wait3A_113 = tpu.memref_slice %arg4[%multiple_of3A, %mul3A_9] : memref<10000x512xf32, #tpu.memory_space<hbm>> -> memref<624x128xf32, #tpu.memory_space<hbm>>
      %dma_wait3A_114 = arith.constant 0 : i32
      %dma_wait3A_115 = tpu.memref_slice %arg10[%multiple_of3A, %dma_wait3A_114] : memref<10000x128xf32, #tpu.memory_space<vmem_shared>> -> memref<624x128xf32, #tpu.memory_space<vmem_shared>>
      tpu.wait_dma2 semaphore(%run_scoped3A : memref<!tpu.dma_semaphore, #tpu.memory_space<semaphore_mem>>) src(%dma_wait3A_115 : memref<624x128xf32, #tpu.memory_space<vmem_shared>>) dst(%dma_wait3A_113 : memref<624x128xf32, #tpu.memory_space<hbm>>)
      tpu.yield
    }) : () -> ()
    %eq3A_49 = arith.constant 0 : i32
    %eq3A_50 = arith.cmpi eq, %arg1, %eq3A_49 : i32
    %convert_element_type3A_51 = arith.extui %eq3A_50 : i1 to i32
    %cond3A_52 = arith.constant 0 : i32
    %cond3A_53 = arith.cmpi ne, %convert_element_type3A_51, %cond3A_52 : i32
    scf.if %cond3A_53 {
      "tpu.region"() ({
        %run_scoped3A = tpu.sem_alloc : memref<!tpu.dma_semaphore, #tpu.memory_space<semaphore_mem>>
        %dma_start3A_110 = arith.constant 9984 : i32
        %dma_start3A_111 = tpu.memref_slice %arg4[%dma_start3A_110, %mul3A_9] : memref<10000x512xf32, #tpu.memory_space<hbm>> -> memref<16x128xf32, #tpu.memory_space<hbm>>
        %dma_start3A_112 = arith.constant 9984 : i32
        %dma_start3A_113 = arith.constant 0 : i32
        %dma_start3A_114 = tpu.memref_slice %arg10[%dma_start3A_112, %dma_start3A_113] : memref<10000x128xf32, #tpu.memory_space<vmem_shared>> -> memref<16x128xf32, #tpu.memory_space<vmem_shared>>
        tpu.enqueue_dma source(%dma_start3A_114 : memref<16x128xf32, #tpu.memory_space<vmem_shared>>) target(%dma_start3A_111 : memref<16x128xf32, #tpu.memory_space<hbm>>) target_semaphore(%run_scoped3A : memref<!tpu.dma_semaphore, #tpu.memory_space<semaphore_mem>>)
        %dma_wait3A_115 = arith.constant 9984 : i32
        %dma_wait3A_116 = tpu.memref_slice %arg4[%dma_wait3A_115, %mul3A_9] : memref<10000x512xf32, #tpu.memory_space<hbm>> -> memref<16x128xf32, #tpu.memory_space<hbm>>
        %dma_wait3A_117 = arith.constant 9984 : i32
        %dma_wait3A_118 = arith.constant 0 : i32
        %dma_wait3A_119 = tpu.memref_slice %arg10[%dma_wait3A_117, %dma_wait3A_118] : memref<10000x128xf32, #tpu.memory_space<vmem_shared>> -> memref<16x128xf32, #tpu.memory_space<vmem_shared>>
        tpu.wait_dma2 semaphore(%run_scoped3A : memref<!tpu.dma_semaphore, #tpu.memory_space<semaphore_mem>>) src(%dma_wait3A_119 : memref<16x128xf32, #tpu.memory_space<vmem_shared>>) dst(%dma_wait3A_116 : memref<16x128xf32, #tpu.memory_space<hbm>>)
        tpu.yield
      }) : () -> ()
    } else {
    }
    %mul3A_54 = arith.constant 2 : i32
    %mul3A_55 = arith.muli %arg0, %mul3A_54 : i32
    %add3A_56 = arith.constant 1 : i32
    %add3A_57 = arith.addi %mul3A_55, %add3A_56 : i32
    %mul3A_58 = arith.constant 128 : i32
    %mul3A_59 = arith.muli %add3A_57, %mul3A_58 : i32
    %scan3A_60 = arith.constant 0 : i32
    %scan3A_61 = arith.constant 13 : i32
    %scan3A_62 = arith.addi %scan3A_60, %scan3A_61 : i32
    %scan3A_63 = arith.constant 1 : i32
    scf.for %scan3A_110 = %scan3A_60 to %scan3A_62 step %scan3A_63  : i32 {
      %mul3A_111 = arith.constant 1 : i32
      %mul3A_112 = arith.muli %scan3A_110, %mul3A_111 : i32
      %add3A_113 = arith.constant 0 : i32
      %add3A_114 = arith.addi %add3A_113, %mul3A_112 : i32
      %mul3A_115 = arith.constant 48 : i32
      %mul3A_116 = arith.muli %add3A_114, %mul3A_115 : i32
      %add3A_117 = arith.addi %multiple_of3A, %mul3A_116 : i32
      %multiple_of3A_118 = tpu.assume_multiple %add3A_117, 16 : i32
      "tpu.region"() ({
        %run_scoped3A = tpu.sem_alloc : memref<!tpu.dma_semaphore, #tpu.memory_space<semaphore_mem>>
        %dma_start3A_119 = arith.constant 0 : i32
        %dma_start3A_120 = tpu.memref_slice %arg10[%multiple_of3A_118, %dma_start3A_119] : memref<10000x128xf32, #tpu.memory_space<vmem_shared>> -> memref<48x128xf32, #tpu.memory_space<vmem_shared>>
        %dma_start3A_121 = arith.constant 0 : i32
        %dma_start3A_122 = tpu.memref_slice %arg10[%multiple_of3A_118, %dma_start3A_121] : memref<10000x128xf32, #tpu.memory_space<vmem_shared>> -> memref<48x128xf32, #tpu.memory_space<vmem_shared>>
        tpu.enqueue_dma source(%arg9 : memref<48x128xf32, #tpu.memory_space<vmem>>) target(%dma_start3A_122 : memref<48x128xf32, #tpu.memory_space<vmem_shared>>) target_semaphore(%run_scoped3A : memref<!tpu.dma_semaphore, #tpu.memory_space<semaphore_mem>>)
        %dma_wait3A_123 = arith.constant 0 : i32
        %dma_wait3A_124 = tpu.memref_slice %arg10[%multiple_of3A_118, %dma_wait3A_123] : memref<10000x128xf32, #tpu.memory_space<vmem_shared>> -> memref<48x128xf32, #tpu.memory_space<vmem_shared>>
        %dma_wait3A_125 = arith.constant 0 : i32
        %dma_wait3A_126 = tpu.memref_slice %arg10[%multiple_of3A_118, %dma_wait3A_125] : memref<10000x128xf32, #tpu.memory_space<vmem_shared>> -> memref<48x128xf32, #tpu.memory_space<vmem_shared>>
        tpu.wait_dma2 semaphore(%run_scoped3A : memref<!tpu.dma_semaphore, #tpu.memory_space<semaphore_mem>>) src(%arg9 : memref<48x128xf32, #tpu.memory_space<vmem>>) dst(%dma_wait3A_126 : memref<48x128xf32, #tpu.memory_space<vmem_shared>>)
        tpu.yield
      }) : () -> ()
    }
    %scan3A_64 = arith.constant 13 : i32
    %eq3A_65 = arith.constant 0 : i32
    %eq3A_66 = arith.cmpi eq, %arg1, %eq3A_65 : i32
    %convert_element_type3A_67 = arith.extui %eq3A_66 : i1 to i32
    %cond3A_68 = arith.constant 0 : i32
    %cond3A_69 = arith.cmpi ne, %convert_element_type3A_67, %cond3A_68 : i32
    scf.if %cond3A_69 {
      "tpu.region"() ({
        %run_scoped3A = tpu.sem_alloc : memref<!tpu.dma_semaphore, #tpu.memory_space<semaphore_mem>>
        %dma_start3A_110 = arith.constant 0 : i32
        %dma_start3A_111 = arith.constant 0 : i32
        %dma_start3A_112 = tpu.memref_slice %arg9[%dma_start3A_110, %dma_start3A_111] : memref<48x128xf32, #tpu.memory_space<vmem>> -> memref<16x128xf32, #tpu.memory_space<vmem>>
        %dma_start3A_113 = arith.constant 9984 : i32
        %dma_start3A_114 = arith.constant 0 : i32
        %dma_start3A_115 = tpu.memref_slice %arg10[%dma_start3A_113, %dma_start3A_114] : memref<10000x128xf32, #tpu.memory_space<vmem_shared>> -> memref<16x128xf32, #tpu.memory_space<vmem_shared>>
        %dma_start3A_116 = arith.constant 9984 : i32
        %dma_start3A_117 = arith.constant 0 : i32
        %dma_start3A_118 = tpu.memref_slice %arg10[%dma_start3A_116, %dma_start3A_117] : memref<10000x128xf32, #tpu.memory_space<vmem_shared>> -> memref<16x128xf32, #tpu.memory_space<vmem_shared>>
        %dma_start3A_119 = arith.constant 0 : i32
        %dma_start3A_120 = arith.constant 0 : i32
        %dma_start3A_121 = tpu.memref_slice %arg9[%dma_start3A_119, %dma_start3A_120] : memref<48x128xf32, #tpu.memory_space<vmem>> -> memref<16x128xf32, #tpu.memory_space<vmem>>
        tpu.enqueue_dma source(%dma_start3A_121 : memref<16x128xf32, #tpu.memory_space<vmem>>) target(%dma_start3A_118 : memref<16x128xf32, #tpu.memory_space<vmem_shared>>) target_semaphore(%run_scoped3A : memref<!tpu.dma_semaphore, #tpu.memory_space<semaphore_mem>>)
        %dma_wait3A_122 = arith.constant 0 : i32
        %dma_wait3A_123 = arith.constant 0 : i32
        %dma_wait3A_124 = tpu.memref_slice %arg9[%dma_wait3A_122, %dma_wait3A_123] : memref<48x128xf32, #tpu.memory_space<vmem>> -> memref<16x128xf32, #tpu.memory_space<vmem>>
        %dma_wait3A_125 = arith.constant 9984 : i32
        %dma_wait3A_126 = arith.constant 0 : i32
        %dma_wait3A_127 = tpu.memref_slice %arg10[%dma_wait3A_125, %dma_wait3A_126] : memref<10000x128xf32, #tpu.memory_space<vmem_shared>> -> memref<16x128xf32, #tpu.memory_space<vmem_shared>>
        %dma_wait3A_128 = arith.constant 9984 : i32
        %dma_wait3A_129 = arith.constant 0 : i32
        %dma_wait3A_130 = tpu.memref_slice %arg10[%dma_wait3A_128, %dma_wait3A_129] : memref<10000x128xf32, #tpu.memory_space<vmem_shared>> -> memref<16x128xf32, #tpu.memory_space<vmem_shared>>
        %dma_wait3A_131 = arith.constant 0 : i32
        %dma_wait3A_132 = arith.constant 0 : i32
        %dma_wait3A_133 = tpu.memref_slice %arg9[%dma_wait3A_131, %dma_wait3A_132] : memref<48x128xf32, #tpu.memory_space<vmem>> -> memref<16x128xf32, #tpu.memory_space<vmem>>
        tpu.wait_dma2 semaphore(%run_scoped3A : memref<!tpu.dma_semaphore, #tpu.memory_space<semaphore_mem>>) src(%dma_wait3A_133 : memref<16x128xf32, #tpu.memory_space<vmem>>) dst(%dma_wait3A_130 : memref<16x128xf32, #tpu.memory_space<vmem_shared>>)
        tpu.yield
      }) : () -> ()
    } else {
    }
    %barrier3A_70 = arith.constant 0 : index
    tpu.barrier barrier_id(%barrier3A_70)
    %mul3A_71 = arith.constant 5120 : i32
    %mul3A_72 = arith.muli %arg1, %mul3A_71 : i32
    %add3A_73 = arith.constant 0 : i32
    %add3A_74 = arith.addi %mul3A_72, %add3A_73 : i32
    %multiple_of3A_75 = tpu.assume_multiple %add3A_74, 128 : i32
    %add3A_76 = arith.constant 0 : i32
    %add3A_77 = arith.addi %add3A_76, %multiple_of3A_75 : i32
    %dma_start3A_78 = tpu.memref_slice %arg3[%add3A_77] : memref<160000xi32, #tpu.memory_space<hbm>> -> memref<128xi32, #tpu.memory_space<hbm>>
    %dma_start3A_79 = tpu.memref_slice %arg3[%add3A_77] : memref<160000xi32, #tpu.memory_space<hbm>> -> memref<128xi32, #tpu.memory_space<hbm>>
    tpu.enqueue_dma source(%dma_start3A_79 : memref<128xi32, #tpu.memory_space<hbm>>) target(%arg5 : memref<128xi32, #tpu.memory_space<vmem>>) target_semaphore(%arg11 : memref<!tpu.dma_semaphore, #tpu.memory_space<semaphore_mem>>)
    %dma_start3A_80 = tpu.memref_slice %arg2[%multiple_of3A_75, %mul3A_59] : memref<81920x512xf32, #tpu.memory_space<hbm>> -> memref<128x128xf32, #tpu.memory_space<hbm>>
    %dma_start3A_81 = tpu.memref_slice %arg2[%multiple_of3A_75, %mul3A_59] : memref<81920x512xf32, #tpu.memory_space<hbm>> -> memref<128x128xf32, #tpu.memory_space<hbm>>
    tpu.enqueue_dma source(%dma_start3A_81 : memref<128x128xf32, #tpu.memory_space<hbm>>) target(%arg7 : memref<128x128xf32, #tpu.memory_space<vmem>>) target_semaphore(%arg13 : memref<!tpu.dma_semaphore, #tpu.memory_space<semaphore_mem>>)
    %mul3A_82 = arith.constant 5120 : i32
    %mul3A_83 = arith.muli %arg1, %mul3A_82 : i32
    %add3A_84 = arith.constant 128 : i32
    %add3A_85 = arith.addi %mul3A_83, %add3A_84 : i32
    %multiple_of3A_86 = tpu.assume_multiple %add3A_85, 128 : i32
    %add3A_87 = arith.constant 0 : i32
    %add3A_88 = arith.addi %add3A_87, %multiple_of3A_86 : i32
    %dma_start3A_89 = tpu.memref_slice %arg3[%add3A_88] : memref<160000xi32, #tpu.memory_space<hbm>> -> memref<128xi32, #tpu.memory_space<hbm>>
    %dma_start3A_90 = tpu.memref_slice %arg3[%add3A_88] : memref<160000xi32, #tpu.memory_space<hbm>> -> memref<128xi32, #tpu.memory_space<hbm>>
    tpu.enqueue_dma source(%dma_start3A_90 : memref<128xi32, #tpu.memory_space<hbm>>) target(%arg6 : memref<128xi32, #tpu.memory_space<vmem>>) target_semaphore(%arg12 : memref<!tpu.dma_semaphore, #tpu.memory_space<semaphore_mem>>)
    %dma_start3A_91 = tpu.memref_slice %arg2[%multiple_of3A_86, %mul3A_59] : memref<81920x512xf32, #tpu.memory_space<hbm>> -> memref<128x128xf32, #tpu.memory_space<hbm>>
    %dma_start3A_92 = tpu.memref_slice %arg2[%multiple_of3A_86, %mul3A_59] : memref<81920x512xf32, #tpu.memory_space<hbm>> -> memref<128x128xf32, #tpu.memory_space<hbm>>
    tpu.enqueue_dma source(%dma_start3A_92 : memref<128x128xf32, #tpu.memory_space<hbm>>) target(%arg8 : memref<128x128xf32, #tpu.memory_space<vmem>>) target_semaphore(%arg14 : memref<!tpu.dma_semaphore, #tpu.memory_space<semaphore_mem>>)
    %scan3A_93 = arith.constant 0 : i32
    %scan3A_94 = arith.constant 20 : i32
    %scan3A_95 = arith.addi %scan3A_93, %scan3A_94 : i32
    %scan3A_96 = arith.constant 1 : i32
    scf.for %scan3A_110 = %scan3A_93 to %scan3A_95 step %scan3A_96  : i32 {
      %mul3A_111 = arith.constant 1 : i32
      %mul3A_112 = arith.muli %scan3A_110, %mul3A_111 : i32
      %add3A_113 = arith.constant 0 : i32
      %add3A_114 = arith.addi %add3A_113, %mul3A_112 : i32
      %mul3A_115 = arith.constant 2 : i32
      %mul3A_116 = arith.muli %add3A_114, %mul3A_115 : i32
      %mul3A_117 = arith.constant 5120 : i32
      %mul3A_118 = arith.muli %arg1, %mul3A_117 : i32
      %mul3A_119 = arith.constant 128 : i32
      %mul3A_120 = arith.muli %mul3A_116, %mul3A_119 : i32
      %add3A_121 = arith.addi %mul3A_118, %mul3A_120 : i32
      %multiple_of3A_122 = tpu.assume_multiple %add3A_121, 128 : i32
      %add3A_123 = arith.constant 0 : i32
      %add3A_124 = arith.addi %add3A_123, %multiple_of3A_122 : i32
      %dma_wait3A_125 = tpu.memref_slice %arg3[%add3A_124] : memref<160000xi32, #tpu.memory_space<hbm>> -> memref<128xi32, #tpu.memory_space<hbm>>
      %dma_wait3A_126 = tpu.memref_slice %arg3[%add3A_124] : memref<160000xi32, #tpu.memory_space<hbm>> -> memref<128xi32, #tpu.memory_space<hbm>>
      tpu.wait_dma2 semaphore(%arg11 : memref<!tpu.dma_semaphore, #tpu.memory_space<semaphore_mem>>) src(%dma_wait3A_126 : memref<128xi32, #tpu.memory_space<hbm>>) dst(%arg5 : memref<128xi32, #tpu.memory_space<vmem>>)
      %dma_wait3A_127 = tpu.memref_slice %arg2[%multiple_of3A_122, %mul3A_59] : memref<81920x512xf32, #tpu.memory_space<hbm>> -> memref<128x128xf32, #tpu.memory_space<hbm>>
      %dma_wait3A_128 = tpu.memref_slice %arg2[%multiple_of3A_122, %mul3A_59] : memref<81920x512xf32, #tpu.memory_space<hbm>> -> memref<128x128xf32, #tpu.memory_space<hbm>>
      tpu.wait_dma2 semaphore(%arg13 : memref<!tpu.dma_semaphore, #tpu.memory_space<semaphore_mem>>) src(%dma_wait3A_128 : memref<128x128xf32, #tpu.memory_space<hbm>>) dst(%arg7 : memref<128x128xf32, #tpu.memory_space<vmem>>)
      %dma_start3A_129 = arith.constant 0 : i32
      %dma_start3A_130 = arith.constant 0 : i32
      %dma_start3A_131 = tpu.memref_slice %arg10[%dma_start3A_129, %dma_start3A_130] : memref<10000x128xf32, #tpu.memory_space<vmem_shared>> -> memref<10000x128xf32, #tpu.memory_space<vmem_shared>>
      tpu.enqueue_indirect_dma source(%arg7 : memref<128x128xf32, #tpu.memory_space<vmem>>) target(%dma_start3A_131 : memref<10000x128xf32, #tpu.memory_space<vmem_shared>>) offsets(%arg5 : memref<128xi32, #tpu.memory_space<vmem>>) semaphore(%arg15 : memref<!tpu.dma_semaphore, #tpu.memory_space<semaphore_mem>>) {add = true}
      %add3A_132 = arith.constant 2 : i32
      %add3A_133 = arith.addi %mul3A_116, %add3A_132 : i32
      %lt3A = arith.constant 40 : i32
      %lt3A_134 = arith.cmpi slt, %add3A_133, %lt3A : i32
      %convert_element_type3A_135 = arith.extui %lt3A_134 : i1 to i32
      %cond3A_136 = arith.constant 0 : i32
      %cond3A_137 = arith.cmpi ne, %convert_element_type3A_135, %cond3A_136 : i32
      scf.if %cond3A_137 {
        %add3A_162 = arith.constant 2 : i32
        %add3A_163 = arith.addi %mul3A_116, %add3A_162 : i32
        %dma_wait3A_164 = arith.constant 0 : i32
        %dma_wait3A_165 = arith.constant 0 : i32
        %dma_wait3A_166 = tpu.memref_slice %arg10[%dma_wait3A_164, %dma_wait3A_165] : memref<10000x128xf32, #tpu.memory_space<vmem_shared>> -> memref<10000x128xf32, #tpu.memory_space<vmem_shared>>
        tpu.wait_indirect_dma semaphore(%arg15 : memref<!tpu.dma_semaphore, #tpu.memory_space<semaphore_mem>>) src(%arg7 : memref<128x128xf32, #tpu.memory_space<vmem>>) dst(%dma_wait3A_166 : memref<10000x128xf32, #tpu.memory_space<vmem_shared>>)
        %mul3A_167 = arith.constant 5120 : i32
        %mul3A_168 = arith.muli %arg1, %mul3A_167 : i32
        %mul3A_169 = arith.constant 128 : i32
        %mul3A_170 = arith.muli %add3A_163, %mul3A_169 : i32
        %add3A_171 = arith.addi %mul3A_168, %mul3A_170 : i32
        %multiple_of3A_172 = tpu.assume_multiple %add3A_171, 128 : i32
        %add3A_173 = arith.constant 0 : i32
        %add3A_174 = arith.addi %add3A_173, %multiple_of3A_172 : i32
        %dma_start3A_175 = tpu.memref_slice %arg3[%add3A_174] : memref<160000xi32, #tpu.memory_space<hbm>> -> memref<128xi32, #tpu.memory_space<hbm>>
        %dma_start3A_176 = tpu.memref_slice %arg3[%add3A_174] : memref<160000xi32, #tpu.memory_space<hbm>> -> memref<128xi32, #tpu.memory_space<hbm>>
        tpu.enqueue_dma source(%dma_start3A_176 : memref<128xi32, #tpu.memory_space<hbm>>) target(%arg5 : memref<128xi32, #tpu.memory_space<vmem>>) target_semaphore(%arg11 : memref<!tpu.dma_semaphore, #tpu.memory_space<semaphore_mem>>)
        %dma_start3A_177 = tpu.memref_slice %arg2[%multiple_of3A_172, %mul3A_59] : memref<81920x512xf32, #tpu.memory_space<hbm>> -> memref<128x128xf32, #tpu.memory_space<hbm>>
        %dma_start3A_178 = tpu.memref_slice %arg2[%multiple_of3A_172, %mul3A_59] : memref<81920x512xf32, #tpu.memory_space<hbm>> -> memref<128x128xf32, #tpu.memory_space<hbm>>
        tpu.enqueue_dma source(%dma_start3A_178 : memref<128x128xf32, #tpu.memory_space<hbm>>) target(%arg7 : memref<128x128xf32, #tpu.memory_space<vmem>>) target_semaphore(%arg13 : memref<!tpu.dma_semaphore, #tpu.memory_space<semaphore_mem>>)
      } else {
      }
      %add3A_138 = arith.constant 1 : i32
      %add3A_139 = arith.addi %mul3A_116, %add3A_138 : i32
      %mul3A_140 = arith.constant 5120 : i32
      %mul3A_141 = arith.muli %arg1, %mul3A_140 : i32
      %mul3A_142 = arith.constant 128 : i32
      %mul3A_143 = arith.muli %add3A_139, %mul3A_142 : i32
      %add3A_144 = arith.addi %mul3A_141, %mul3A_143 : i32
      %multiple_of3A_145 = tpu.assume_multiple %add3A_144, 128 : i32
      %add3A_146 = arith.constant 0 : i32
      %add3A_147 = arith.addi %add3A_146, %multiple_of3A_145 : i32
      %dma_wait3A_148 = tpu.memref_slice %arg3[%add3A_147] : memref<160000xi32, #tpu.memory_space<hbm>> -> memref<128xi32, #tpu.memory_space<hbm>>
      %dma_wait3A_149 = tpu.memref_slice %arg3[%add3A_147] : memref<160000xi32, #tpu.memory_space<hbm>> -> memref<128xi32, #tpu.memory_space<hbm>>
      tpu.wait_dma2 semaphore(%arg12 : memref<!tpu.dma_semaphore, #tpu.memory_space<semaphore_mem>>) src(%dma_wait3A_149 : memref<128xi32, #tpu.memory_space<hbm>>) dst(%arg6 : memref<128xi32, #tpu.memory_space<vmem>>)
      %dma_wait3A_150 = tpu.memref_slice %arg2[%multiple_of3A_145, %mul3A_59] : memref<81920x512xf32, #tpu.memory_space<hbm>> -> memref<128x128xf32, #tpu.memory_space<hbm>>
      %dma_wait3A_151 = tpu.memref_slice %arg2[%multiple_of3A_145, %mul3A_59] : memref<81920x512xf32, #tpu.memory_space<hbm>> -> memref<128x128xf32, #tpu.memory_space<hbm>>
      tpu.wait_dma2 semaphore(%arg14 : memref<!tpu.dma_semaphore, #tpu.memory_space<semaphore_mem>>) src(%dma_wait3A_151 : memref<128x128xf32, #tpu.memory_space<hbm>>) dst(%arg8 : memref<128x128xf32, #tpu.memory_space<vmem>>)
      %dma_start3A_152 = arith.constant 0 : i32
      %dma_start3A_153 = arith.constant 0 : i32
      %dma_start3A_154 = tpu.memref_slice %arg10[%dma_start3A_152, %dma_start3A_153] : memref<10000x128xf32, #tpu.memory_space<vmem_shared>> -> memref<10000x128xf32, #tpu.memory_space<vmem_shared>>
      tpu.enqueue_indirect_dma source(%arg8 : memref<128x128xf32, #tpu.memory_space<vmem>>) target(%dma_start3A_154 : memref<10000x128xf32, #tpu.memory_space<vmem_shared>>) offsets(%arg6 : memref<128xi32, #tpu.memory_space<vmem>>) semaphore(%arg16 : memref<!tpu.dma_semaphore, #tpu.memory_space<semaphore_mem>>) {add = true}
      %add3A_155 = arith.constant 3 : i32
      %add3A_156 = arith.addi %mul3A_116, %add3A_155 : i32
      %lt3A_157 = arith.constant 40 : i32
      %lt3A_158 = arith.cmpi slt, %add3A_156, %lt3A_157 : i32
      %convert_element_type3A_159 = arith.extui %lt3A_158 : i1 to i32
      %cond3A_160 = arith.constant 0 : i32
      %cond3A_161 = arith.cmpi ne, %convert_element_type3A_159, %cond3A_160 : i32
      scf.if %cond3A_161 {
        %add3A_162 = arith.constant 3 : i32
        %add3A_163 = arith.addi %mul3A_116, %add3A_162 : i32
        %dma_wait3A_164 = arith.constant 0 : i32
        %dma_wait3A_165 = arith.constant 0 : i32
        %dma_wait3A_166 = tpu.memref_slice %arg10[%dma_wait3A_164, %dma_wait3A_165] : memref<10000x128xf32, #tpu.memory_space<vmem_shared>> -> memref<10000x128xf32, #tpu.memory_space<vmem_shared>>
        tpu.wait_indirect_dma semaphore(%arg16 : memref<!tpu.dma_semaphore, #tpu.memory_space<semaphore_mem>>) src(%arg8 : memref<128x128xf32, #tpu.memory_space<vmem>>) dst(%dma_wait3A_166 : memref<10000x128xf32, #tpu.memory_space<vmem_shared>>)
        %mul3A_167 = arith.constant 5120 : i32
        %mul3A_168 = arith.muli %arg1, %mul3A_167 : i32
        %mul3A_169 = arith.constant 128 : i32
        %mul3A_170 = arith.muli %add3A_163, %mul3A_169 : i32
        %add3A_171 = arith.addi %mul3A_168, %mul3A_170 : i32
        %multiple_of3A_172 = tpu.assume_multiple %add3A_171, 128 : i32
        %add3A_173 = arith.constant 0 : i32
        %add3A_174 = arith.addi %add3A_173, %multiple_of3A_172 : i32
        %dma_start3A_175 = tpu.memref_slice %arg3[%add3A_174] : memref<160000xi32, #tpu.memory_space<hbm>> -> memref<128xi32, #tpu.memory_space<hbm>>
        %dma_start3A_176 = tpu.memref_slice %arg3[%add3A_174] : memref<160000xi32, #tpu.memory_space<hbm>> -> memref<128xi32, #tpu.memory_space<hbm>>
        tpu.enqueue_dma source(%dma_start3A_176 : memref<128xi32, #tpu.memory_space<hbm>>) target(%arg6 : memref<128xi32, #tpu.memory_space<vmem>>) target_semaphore(%arg12 : memref<!tpu.dma_semaphore, #tpu.memory_space<semaphore_mem>>)
        %dma_start3A_177 = tpu.memref_slice %arg2[%multiple_of3A_172, %mul3A_59] : memref<81920x512xf32, #tpu.memory_space<hbm>> -> memref<128x128xf32, #tpu.memory_space<hbm>>
        %dma_start3A_178 = tpu.memref_slice %arg2[%multiple_of3A_172, %mul3A_59] : memref<81920x512xf32, #tpu.memory_space<hbm>> -> memref<128x128xf32, #tpu.memory_space<hbm>>
        tpu.enqueue_dma source(%dma_start3A_178 : memref<128x128xf32, #tpu.memory_space<hbm>>) target(%arg8 : memref<128x128xf32, #tpu.memory_space<vmem>>) target_semaphore(%arg14 : memref<!tpu.dma_semaphore, #tpu.memory_space<semaphore_mem>>)
      } else {
      }
    }
    %scan3A_97 = arith.constant 20 : i32
    %dma_wait3A_98 = arith.constant 0 : i32
    %dma_wait3A_99 = arith.constant 0 : i32
    %dma_wait3A_100 = tpu.memref_slice %arg10[%dma_wait3A_98, %dma_wait3A_99] : memref<10000x128xf32, #tpu.memory_space<vmem_shared>> -> memref<10000x128xf32, #tpu.memory_space<vmem_shared>>
    tpu.wait_indirect_dma semaphore(%arg15 : memref<!tpu.dma_semaphore, #tpu.memory_space<semaphore_mem>>) src(%arg7 : memref<128x128xf32, #tpu.memory_space<vmem>>) dst(%dma_wait3A_100 : memref<10000x128xf32, #tpu.memory_space<vmem_shared>>)
    %dma_wait3A_101 = arith.constant 0 : i32
    %dma_wait3A_102 = arith.constant 0 : i32
    %dma_wait3A_103 = tpu.memref_slice %arg10[%dma_wait3A_101, %dma_wait3A_102] : memref<10000x128xf32, #tpu.memory_space<vmem_shared>> -> memref<10000x128xf32, #tpu.memory_space<vmem_shared>>
    tpu.wait_indirect_dma semaphore(%arg16 : memref<!tpu.dma_semaphore, #tpu.memory_space<semaphore_mem>>) src(%arg8 : memref<128x128xf32, #tpu.memory_space<vmem>>) dst(%dma_wait3A_103 : memref<10000x128xf32, #tpu.memory_space<vmem_shared>>)
    %barrier3A_104 = arith.constant 0 : index
    tpu.barrier barrier_id(%barrier3A_104)
    "tpu.region"() ({
      %run_scoped3A = tpu.sem_alloc : memref<!tpu.dma_semaphore, #tpu.memory_space<semaphore_mem>>
      %dma_start3A_110 = tpu.memref_slice %arg4[%multiple_of3A, %mul3A_59] : memref<10000x512xf32, #tpu.memory_space<hbm>> -> memref<624x128xf32, #tpu.memory_space<hbm>>
      %dma_start3A_111 = arith.constant 0 : i32
      %dma_start3A_112 = tpu.memref_slice %arg10[%multiple_of3A, %dma_start3A_111] : memref<10000x128xf32, #tpu.memory_space<vmem_shared>> -> memref<624x128xf32, #tpu.memory_space<vmem_shared>>
      tpu.enqueue_dma source(%dma_start3A_112 : memref<624x128xf32, #tpu.memory_space<vmem_shared>>) target(%dma_start3A_110 : memref<624x128xf32, #tpu.memory_space<hbm>>) target_semaphore(%run_scoped3A : memref<!tpu.dma_semaphore, #tpu.memory_space<semaphore_mem>>)
      %dma_wait3A_113 = tpu.memref_slice %arg4[%multiple_of3A, %mul3A_59] : memref<10000x512xf32, #tpu.memory_space<hbm>> -> memref<624x128xf32, #tpu.memory_space<hbm>>
      %dma_wait3A_114 = arith.constant 0 : i32
      %dma_wait3A_115 = tpu.memref_slice %arg10[%multiple_of3A, %dma_wait3A_114] : memref<10000x128xf32, #tpu.memory_space<vmem_shared>> -> memref<624x128xf32, #tpu.memory_space<vmem_shared>>
      tpu.wait_dma2 semaphore(%run_scoped3A : memref<!tpu.dma_semaphore, #tpu.memory_space<semaphore_mem>>) src(%dma_wait3A_115 : memref<624x128xf32, #tpu.memory_space<vmem_shared>>) dst(%dma_wait3A_113 : memref<624x128xf32, #tpu.memory_space<hbm>>)
      tpu.yield
    }) : () -> ()
    %eq3A_105 = arith.constant 0 : i32
    %eq3A_106 = arith.cmpi eq, %arg1, %eq3A_105 : i32
    %convert_element_type3A_107 = arith.extui %eq3A_106 : i1 to i32
    %cond3A_108 = arith.constant 0 : i32
    %cond3A_109 = arith.cmpi ne, %convert_element_type3A_107, %cond3A_108 : i32
    scf.if %cond3A_109 {
      "tpu.region"() ({
        %run_scoped3A = tpu.sem_alloc : memref<!tpu.dma_semaphore, #tpu.memory_space<semaphore_mem>>
        %dma_start3A_110 = arith.constant 9984 : i32
        %dma_start3A_111 = tpu.memref_slice %arg4[%dma_start3A_110, %mul3A_59] : memref<10000x512xf32, #tpu.memory_space<hbm>> -> memref<16x128xf32, #tpu.memory_space<hbm>>
        %dma_start3A_112 = arith.constant 9984 : i32
        %dma_start3A_113 = arith.constant 0 : i32
        %dma_start3A_114 = tpu.memref_slice %arg10[%dma_start3A_112, %dma_start3A_113] : memref<10000x128xf32, #tpu.memory_space<vmem_shared>> -> memref<16x128xf32, #tpu.memory_space<vmem_shared>>
        tpu.enqueue_dma source(%dma_start3A_114 : memref<16x128xf32, #tpu.memory_space<vmem_shared>>) target(%dma_start3A_111 : memref<16x128xf32, #tpu.memory_space<hbm>>) target_semaphore(%run_scoped3A : memref<!tpu.dma_semaphore, #tpu.memory_space<semaphore_mem>>)
        %dma_wait3A_115 = arith.constant 9984 : i32
        %dma_wait3A_116 = tpu.memref_slice %arg4[%dma_wait3A_115, %mul3A_59] : memref<10000x512xf32, #tpu.memory_space<hbm>> -> memref<16x128xf32, #tpu.memory_space<hbm>>
        %dma_wait3A_117 = arith.constant 9984 : i32
        %dma_wait3A_118 = arith.constant 0 : i32
        %dma_wait3A_119 = tpu.memref_slice %arg10[%dma_wait3A_117, %dma_wait3A_118] : memref<10000x128xf32, #tpu.memory_space<vmem_shared>> -> memref<16x128xf32, #tpu.memory_space<vmem_shared>>
        tpu.wait_dma2 semaphore(%run_scoped3A : memref<!tpu.dma_semaphore, #tpu.memory_space<semaphore_mem>>) src(%dma_wait3A_119 : memref<16x128xf32, #tpu.memory_space<vmem_shared>>) dst(%dma_wait3A_116 : memref<16x128xf32, #tpu.memory_space<hbm>>)
        tpu.yield
      }) : () -> ()
    } else {
    }
    return
  }
}

module attributes {stable_mosaic.version = 14 : i64} {
  func.func @_k2_body(%arg0: i32, %arg1: memref<1280x128xf32, #tpu.memory_space<vmem>>, %arg2: memref<8x1280xf32, #tpu.memory_space<vmem>>, %arg3: memref<3x1280xf32, #tpu.memory_space<vmem>>, %arg4: memref<8x64xf32, #tpu.memory_space<vmem>>, %arg5: memref<64x64xf32, #tpu.memory_space<vmem>>, %arg6: memref<64x64xf32, #tpu.memory_space<vmem>>, %arg7: memref<64x256xf32, #tpu.memory_space<vmem>>, %arg8: memref<1280x512xf32, #tpu.memory_space<vmem>>) attributes {dimension_semantics = [#tpu.dimension_semantics<arbitrary>], iteration_bounds = array<i64: 61>, scalar_prefetch = 0 : i64, scratch_operands = 0 : i64, tpu.core_type = #tpu.core_type<tc>, window_params = [{transform_indices = @transform_0, window_bounds = array<i64: 1280, 128>}, {transform_indices = @transform_1, window_bounds = array<i64: 8, 1280>}, {transform_indices = @transform_2, window_bounds = array<i64: 3, 1280>}, {pipeline_mode = #tpu.pipeline_mode<synchronous>, transform_indices = @transform_3, window_bounds = array<i64: 8, 64>}, {pipeline_mode = #tpu.pipeline_mode<synchronous>, transform_indices = @transform_4, window_bounds = array<i64: 64, 64>}, {pipeline_mode = #tpu.pipeline_mode<synchronous>, transform_indices = @transform_5, window_bounds = array<i64: 64, 64>}, {pipeline_mode = #tpu.pipeline_mode<synchronous>, transform_indices = @transform_6, window_bounds = array<i64: 64, 256>}, {transform_indices = @transform_7, window_bounds = array<i64: 1280, 512>}]} {
    %get3A = arith.constant 0 : index
    %get3A_0 = arith.constant 0 : index
    %get3A_1 = vector.load %arg2[%get3A, %get3A_0] : memref<8x1280xf32, #tpu.memory_space<vmem>>, vector<8x1280xf32>
    %get3A_2 = arith.constant 0 : index
    %get3A_3 = arith.constant 0 : index
    %get3A_4 = vector.load %arg4[%get3A_2, %get3A_3] : memref<8x64xf32, #tpu.memory_space<vmem>>, vector<8x64xf32>
    %dot_general3A = arith.constant dense<0.000000e+00> : vector<64x1280xf32>
    %dot_general3A_5 = tpu.matmul %get3A_4, %get3A_1, %dot_general3A {dimension_numbers = #tpu.dot_dimension_numbers<[0], [0], [1], [1], [0, 1, 1, 1], [], []>, transpose_lhs_hint = false} : vector<8x64xf32>, vector<8x1280xf32>, vector<64x1280xf32> -> vector<64x1280xf32>
    %logistic3A = arith.negf %dot_general3A_5 : vector<64x1280xf32>
    %logistic3A_6 = math.exp %logistic3A : vector<64x1280xf32>
    %logistic3A_7 = arith.constant 1.000000e+00 : f32
    %logistic3A_8 = vector.broadcast %logistic3A_7 : f32 to vector<64x1280xf32>
    %logistic3A_9 = arith.addf %logistic3A_8, %logistic3A_6 : vector<64x1280xf32>
    %logistic3A_10 = arith.divf %logistic3A_8, %logistic3A_9 : vector<64x1280xf32>
    %mul3A = arith.mulf %dot_general3A_5, %logistic3A_10 : vector<64x1280xf32>
    %div3A = arith.constant 0.559508145 : f32
    %div3A_11 = vector.broadcast %div3A : f32 to vector<64x1280xf32>
    %div3A_12 = arith.divf %mul3A, %div3A_11 : vector<64x1280xf32>
    %get3A_13 = arith.constant 0 : index
    %get3A_14 = arith.constant 0 : index
    %get3A_15 = vector.load %arg5[%get3A_13, %get3A_14] : memref<64x64xf32, #tpu.memory_space<vmem>>, vector<64x64xf32>
    %dot_general3A_16 = arith.constant dense<0.000000e+00> : vector<64x1280xf32>
    %dot_general3A_17 = tpu.matmul %get3A_15, %div3A_12, %dot_general3A_16 {dimension_numbers = #tpu.dot_dimension_numbers<[0], [0], [1], [1], [0, 1, 1, 1], [], []>, transpose_lhs_hint = false} : vector<64x64xf32>, vector<64x1280xf32>, vector<64x1280xf32> -> vector<64x1280xf32>
    %logistic3A_18 = arith.negf %dot_general3A_17 : vector<64x1280xf32>
    %logistic3A_19 = math.exp %logistic3A_18 : vector<64x1280xf32>
    %logistic3A_20 = arith.constant 1.000000e+00 : f32
    %logistic3A_21 = vector.broadcast %logistic3A_20 : f32 to vector<64x1280xf32>
    %logistic3A_22 = arith.addf %logistic3A_21, %logistic3A_19 : vector<64x1280xf32>
    %logistic3A_23 = arith.divf %logistic3A_21, %logistic3A_22 : vector<64x1280xf32>
    %mul3A_24 = arith.mulf %dot_general3A_17, %logistic3A_23 : vector<64x1280xf32>
    %div3A_25 = arith.constant 0.559508145 : f32
    %div3A_26 = vector.broadcast %div3A_25 : f32 to vector<64x1280xf32>
    %div3A_27 = arith.divf %mul3A_24, %div3A_26 : vector<64x1280xf32>
    %get3A_28 = arith.constant 0 : index
    %get3A_29 = arith.constant 0 : index
    %get3A_30 = vector.load %arg6[%get3A_28, %get3A_29] : memref<64x64xf32, #tpu.memory_space<vmem>>, vector<64x64xf32>
    %dot_general3A_31 = arith.constant dense<0.000000e+00> : vector<64x1280xf32>
    %dot_general3A_32 = tpu.matmul %get3A_30, %div3A_27, %dot_general3A_31 {dimension_numbers = #tpu.dot_dimension_numbers<[0], [0], [1], [1], [0, 1, 1, 1], [], []>, transpose_lhs_hint = false} : vector<64x64xf32>, vector<64x1280xf32>, vector<64x1280xf32> -> vector<64x1280xf32>
    %logistic3A_33 = arith.negf %dot_general3A_32 : vector<64x1280xf32>
    %logistic3A_34 = math.exp %logistic3A_33 : vector<64x1280xf32>
    %logistic3A_35 = arith.constant 1.000000e+00 : f32
    %logistic3A_36 = vector.broadcast %logistic3A_35 : f32 to vector<64x1280xf32>
    %logistic3A_37 = arith.addf %logistic3A_36, %logistic3A_34 : vector<64x1280xf32>
    %logistic3A_38 = arith.divf %logistic3A_36, %logistic3A_37 : vector<64x1280xf32>
    %mul3A_39 = arith.mulf %dot_general3A_32, %logistic3A_38 : vector<64x1280xf32>
    %div3A_40 = arith.constant 0.559508145 : f32
    %div3A_41 = vector.broadcast %div3A_40 : f32 to vector<64x1280xf32>
    %div3A_42 = arith.divf %mul3A_39, %div3A_41 : vector<64x1280xf32>
    %mul3A_43 = arith.constant 6.250000e-02 : f32
    %mul3A_44 = vector.broadcast %mul3A_43 : f32 to vector<64x1280xf32>
    %mul3A_45 = arith.mulf %div3A_42, %mul3A_44 : vector<64x1280xf32>
    %get3A_46 = arith.constant 0 : index
    %get3A_47 = arith.constant 0 : index
    %get3A_48 = vector.load %arg3[%get3A_46, %get3A_47] : memref<3x1280xf32, #tpu.memory_space<vmem>>, vector<3x1280xf32>
    %neg3A = arith.constant 0.000000e+00 : f32
    %neg3A_49 = vector.broadcast %neg3A : f32 to vector<3x1280xf32>
    %neg3A_50 = arith.subf %neg3A_49, %get3A_48 : vector<3x1280xf32>
    %slice3A = vector.extract_strided_slice %neg3A_50 {offsets = [0, 0], sizes = [1, 1280], strides = [1, 1]} : vector<3x1280xf32> to vector<1x1280xf32>
    %slice3A_51 = vector.extract_strided_slice %neg3A_50 {offsets = [0, 0], sizes = [1, 1280], strides = [1, 1]} : vector<3x1280xf32> to vector<1x1280xf32>
    %mul3A_52 = arith.mulf %slice3A, %slice3A_51 : vector<1x1280xf32>
    %slice3A_53 = vector.extract_strided_slice %neg3A_50 {offsets = [1, 0], sizes = [1, 1280], strides = [1, 1]} : vector<3x1280xf32> to vector<1x1280xf32>
    %slice3A_54 = vector.extract_strided_slice %neg3A_50 {offsets = [1, 0], sizes = [1, 1280], strides = [1, 1]} : vector<3x1280xf32> to vector<1x1280xf32>
    %mul3A_55 = arith.mulf %slice3A_53, %slice3A_54 : vector<1x1280xf32>
    %add3A = arith.addf %mul3A_52, %mul3A_55 : vector<1x1280xf32>
    %slice3A_56 = vector.extract_strided_slice %neg3A_50 {offsets = [2, 0], sizes = [1, 1280], strides = [1, 1]} : vector<3x1280xf32> to vector<1x1280xf32>
    %slice3A_57 = vector.extract_strided_slice %neg3A_50 {offsets = [2, 0], sizes = [1, 1280], strides = [1, 1]} : vector<3x1280xf32> to vector<1x1280xf32>
    %mul3A_58 = arith.mulf %slice3A_56, %slice3A_57 : vector<1x1280xf32>
    %add3A_59 = arith.addf %add3A, %mul3A_58 : vector<1x1280xf32>
    %sqrt3A = math.sqrt %add3A_59 : vector<1x1280xf32>
    %max3A = arith.constant 9.99999996E-13 : f32
    %max3A_60 = vector.broadcast %max3A : f32 to vector<1x1280xf32>
    %max3A_61 = arith.maximumf %sqrt3A, %max3A_60 : vector<1x1280xf32>
    %div3A_62 = arith.constant 0.488602519 : f32
    %div3A_63 = vector.broadcast %div3A_62 : f32 to vector<1x1280xf32>
    %div3A_64 = arith.divf %div3A_63, %max3A_61 : vector<1x1280xf32>
    %mul3A_65 = vector.broadcast %div3A_64 : vector<1x1280xf32> to vector<3x1280xf32>
    %mul3A_66 = arith.mulf %neg3A_50, %mul3A_65 : vector<3x1280xf32>
    %get3A_67 = arith.constant 0 : index
    %get3A_68 = arith.constant 0 : index
    %get3A_69 = vector.load %arg7[%get3A_67, %get3A_68] : memref<64x256xf32, #tpu.memory_space<vmem>>, vector<64x256xf32>
    %slice3A_70 = vector.extract_strided_slice %get3A_69 {offsets = [0, 0], sizes = [64, 128], strides = [1, 1]} : vector<64x256xf32> to vector<64x128xf32>
    %slice3A_71 = vector.extract_strided_slice %get3A_69 {offsets = [0, 128], sizes = [64, 128], strides = [1, 1]} : vector<64x256xf32> to vector<64x128xf32>
    %get3A_72 = arith.constant 0 : index
    %get3A_73 = arith.constant 0 : index
    %get3A_74 = vector.load %arg1[%get3A_72, %get3A_73] : memref<1280x128xf32, #tpu.memory_space<vmem>>, vector<1280x128xf32>
    %dot_general3A_75 = arith.constant dense<0.000000e+00> : vector<1280x128xf32>
    %dot_general3A_76 = tpu.matmul %mul3A_45, %slice3A_70, %dot_general3A_75 {dimension_numbers = #tpu.dot_dimension_numbers<[0], [0], [1], [1], [0, 1, 1, 1], [], []>, transpose_lhs_hint = false} : vector<64x1280xf32>, vector<64x128xf32>, vector<1280x128xf32> -> vector<1280x128xf32>
    %mul3A_77 = arith.mulf %get3A_74, %dot_general3A_76 : vector<1280x128xf32>
    %swap3A = arith.constant 0 : index
    %swap3A_78 = arith.constant 0 : index
    %swap3A_79 = vector.load %arg8[%swap3A, %swap3A_78] : memref<1280x512xf32, #tpu.memory_space<vmem>>, vector<1280x128xf32>
    tpu.vector_store %arg8[%swap3A, %swap3A_78], %mul3A_77 {strides = array<i32>} : memref<1280x512xf32, #tpu.memory_space<vmem>>, vector<1280x128xf32>,
    %slice3A_80 = vector.extract_strided_slice %mul3A_66 {offsets = [1, 0], sizes = [1, 1280], strides = [1, 1]} : vector<3x1280xf32> to vector<1x1280xf32>
    %mul3A_81 = vector.broadcast %slice3A_80 : vector<1x1280xf32> to vector<64x1280xf32>
    %mul3A_82 = arith.mulf %mul3A_45, %mul3A_81 : vector<64x1280xf32>
    %dot_general3A_83 = arith.constant dense<0.000000e+00> : vector<1280x128xf32>
    %dot_general3A_84 = tpu.matmul %mul3A_82, %slice3A_71, %dot_general3A_83 {dimension_numbers = #tpu.dot_dimension_numbers<[0], [0], [1], [1], [0, 1, 1, 1], [], []>, transpose_lhs_hint = false} : vector<64x1280xf32>, vector<64x128xf32>, vector<1280x128xf32> -> vector<1280x128xf32>
    %mul3A_85 = arith.mulf %get3A_74, %dot_general3A_84 : vector<1280x128xf32>
    %swap3A_86 = arith.constant 0 : index
    %swap3A_87 = arith.constant 128 : index
    %swap3A_88 = vector.load %arg8[%swap3A_86, %swap3A_87] : memref<1280x512xf32, #tpu.memory_space<vmem>>, vector<1280x128xf32>
    tpu.vector_store %arg8[%swap3A_86, %swap3A_87], %mul3A_85 {strides = array<i32>} : memref<1280x512xf32, #tpu.memory_space<vmem>>, vector<1280x128xf32>,
    %slice3A_89 = vector.extract_strided_slice %mul3A_66 {offsets = [2, 0], sizes = [1, 1280], strides = [1, 1]} : vector<3x1280xf32> to vector<1x1280xf32>
    %mul3A_90 = vector.broadcast %slice3A_89 : vector<1x1280xf32> to vector<64x1280xf32>
    %mul3A_91 = arith.mulf %mul3A_45, %mul3A_90 : vector<64x1280xf32>
    %dot_general3A_92 = arith.constant dense<0.000000e+00> : vector<1280x128xf32>
    %dot_general3A_93 = tpu.matmul %mul3A_91, %slice3A_71, %dot_general3A_92 {dimension_numbers = #tpu.dot_dimension_numbers<[0], [0], [1], [1], [0, 1, 1, 1], [], []>, transpose_lhs_hint = false} : vector<64x1280xf32>, vector<64x128xf32>, vector<1280x128xf32> -> vector<1280x128xf32>
    %mul3A_94 = arith.mulf %get3A_74, %dot_general3A_93 : vector<1280x128xf32>
    %swap3A_95 = arith.constant 0 : index
    %swap3A_96 = arith.constant 256 : index
    %swap3A_97 = vector.load %arg8[%swap3A_95, %swap3A_96] : memref<1280x512xf32, #tpu.memory_space<vmem>>, vector<1280x128xf32>
    tpu.vector_store %arg8[%swap3A_95, %swap3A_96], %mul3A_94 {strides = array<i32>} : memref<1280x512xf32, #tpu.memory_space<vmem>>, vector<1280x128xf32>,
    %slice3A_98 = vector.extract_strided_slice %mul3A_66 {offsets = [0, 0], sizes = [1, 1280], strides = [1, 1]} : vector<3x1280xf32> to vector<1x1280xf32>
    %mul3A_99 = vector.broadcast %slice3A_98 : vector<1x1280xf32> to vector<64x1280xf32>
    %mul3A_100 = arith.mulf %mul3A_45, %mul3A_99 : vector<64x1280xf32>
    %dot_general3A_101 = arith.constant dense<0.000000e+00> : vector<1280x128xf32>
    %dot_general3A_102 = tpu.matmul %mul3A_100, %slice3A_71, %dot_general3A_101 {dimension_numbers = #tpu.dot_dimension_numbers<[0], [0], [1], [1], [0, 1, 1, 1], [], []>, transpose_lhs_hint = false} : vector<64x1280xf32>, vector<64x128xf32>, vector<1280x128xf32> -> vector<1280x128xf32>
    %mul3A_103 = arith.mulf %get3A_74, %dot_general3A_102 : vector<1280x128xf32>
    %swap3A_104 = arith.constant 0 : index
    %swap3A_105 = arith.constant 384 : index
    %swap3A_106 = vector.load %arg8[%swap3A_104, %swap3A_105] : memref<1280x512xf32, #tpu.memory_space<vmem>>, vector<1280x128xf32>
    tpu.vector_store %arg8[%swap3A_104, %swap3A_105], %mul3A_103 {strides = array<i32>} : memref<1280x512xf32, #tpu.memory_space<vmem>>, vector<1280x128xf32>,
    return
  }
  func.func @transform_0(%arg0: i32) -> (i32, i32) {
    %c0_i32 = arith.constant 0 : i32
    %c0_i32_0 = arith.constant 0 : i32
    return %arg0, %c0_i32 : i32, i32
  }
  func.func @transform_1(%arg0: i32) -> (i32, i32) {
    %add3A = arith.constant 64 : i32
    %add3A_0 = arith.addi %arg0, %add3A : i32
    %c0_i32 = arith.constant 0 : i32
    %c0_i32_1 = arith.constant 0 : i32
    return %c0_i32, %add3A_0 : i32, i32
  }
  func.func @transform_2(%arg0: i32) -> (i32, i32) {
    %add3A = arith.constant 64 : i32
    %add3A_0 = arith.addi %arg0, %add3A : i32
    %c0_i32 = arith.constant 0 : i32
    %c0_i32_1 = arith.constant 0 : i32
    return %c0_i32, %add3A_0 : i32, i32
  }
  func.func @transform_3(%arg0: i32) -> (i32, i32) {
    %c0_i32 = arith.constant 0 : i32
    %c0_i32_0 = arith.constant 0 : i32
    %c0_i32_1 = arith.constant 0 : i32
    return %c0_i32, %c0_i32_0 : i32, i32
  }
  func.func @transform_4(%arg0: i32) -> (i32, i32) {
    %c0_i32 = arith.constant 0 : i32
    %c0_i32_0 = arith.constant 0 : i32
    %c0_i32_1 = arith.constant 0 : i32
    return %c0_i32, %c0_i32_0 : i32, i32
  }
  func.func @transform_5(%arg0: i32) -> (i32, i32) {
    %c0_i32 = arith.constant 0 : i32
    %c0_i32_0 = arith.constant 0 : i32
    %c0_i32_1 = arith.constant 0 : i32
    return %c0_i32, %c0_i32_0 : i32, i32
  }
  func.func @transform_6(%arg0: i32) -> (i32, i32) {
    %c0_i32 = arith.constant 0 : i32
    %c0_i32_0 = arith.constant 0 : i32
    %c0_i32_1 = arith.constant 0 : i32
    return %c0_i32, %c0_i32_0 : i32, i32
  }
  func.func @transform_7(%arg0: i32) -> (i32, i32) {
    %c0_i32 = arith.constant 0 : i32
    %c0_i32_0 = arith.constant 0 : i32
    return %arg0, %c0_i32 : i32, i32
  }
}

module attributes {stable_mosaic.version = 14 : i64} {
  func.func @_k4_body(%arg0: i32, %arg1: memref<1000x512xf32, #tpu.memory_space<vmem>>, %arg2: memref<1000x512xf32, #tpu.memory_space<vmem>>, %arg3: memref<384x384xf32, #tpu.memory_space<vmem>>, %arg4: memref<1000x512xf32, #tpu.memory_space<vmem>>) attributes {dimension_semantics = [#tpu.dimension_semantics<arbitrary>], iteration_bounds = array<i64: 10>, scalar_prefetch = 0 : i64, scratch_operands = 0 : i64, tpu.core_type = #tpu.core_type<tc>, window_params = [{transform_indices = @transform_0, window_bounds = array<i64: 1000, 512>}, {transform_indices = @transform_1, window_bounds = array<i64: 1000, 512>}, {pipeline_mode = #tpu.pipeline_mode<synchronous>, transform_indices = @transform_2, window_bounds = array<i64: 384, 384>}, {transform_indices = @transform_3, window_bounds = array<i64: 1000, 512>}]} {
    %get3A = arith.constant 0 : index
    %get3A_0 = arith.constant 0 : index
    %get3A_1 = vector.load %arg1[%get3A, %get3A_0] : memref<1000x512xf32, #tpu.memory_space<vmem>>, vector<1000x512xf32>
    %get3A_2 = arith.constant 0 : index
    %get3A_3 = arith.constant 0 : index
    %get3A_4 = vector.load %arg2[%get3A_2, %get3A_3] : memref<1000x512xf32, #tpu.memory_space<vmem>>, vector<1000x512xf32>
    %add3A = arith.addf %get3A_1, %get3A_4 : vector<1000x512xf32>
    %slice3A = vector.extract_strided_slice %add3A {offsets = [0, 0], sizes = [1000, 128], strides = [1, 1]} : vector<1000x512xf32> to vector<1000x128xf32>
    %swap3A = arith.constant 0 : index
    %swap3A_5 = arith.constant 0 : index
    %swap3A_6 = vector.load %arg4[%swap3A, %swap3A_5] : memref<1000x512xf32, #tpu.memory_space<vmem>>, vector<1000x128xf32>
    tpu.vector_store %arg4[%swap3A, %swap3A_5], %slice3A {strides = array<i32>} : memref<1000x512xf32, #tpu.memory_space<vmem>>, vector<1000x128xf32>,
    %slice3A_7 = vector.extract_strided_slice %add3A {offsets = [0, 128], sizes = [1000, 384], strides = [1, 1]} : vector<1000x512xf32> to vector<1000x384xf32>
    %get3A_8 = arith.constant 0 : index
    %get3A_9 = arith.constant 0 : index
    %get3A_10 = vector.load %arg3[%get3A_8, %get3A_9] : memref<384x384xf32, #tpu.memory_space<vmem>>, vector<384x384xf32>
    %dot_general3A = arith.constant dense<0.000000e+00> : vector<1000x384xf32>
    %dot_general3A_11 = tpu.matmul %slice3A_7, %get3A_10, %dot_general3A {dimension_numbers = #tpu.dot_dimension_numbers<[1], [0], [0], [1], [0, 0, 1, 1], [], []>, transpose_lhs_hint = false} : vector<1000x384xf32>, vector<384x384xf32>, vector<1000x384xf32> -> vector<1000x384xf32>
    %swap3A_12 = arith.constant 0 : index
    %swap3A_13 = arith.constant 128 : index
    %swap3A_14 = vector.load %arg4[%swap3A_12, %swap3A_13] : memref<1000x512xf32, #tpu.memory_space<vmem>>, vector<1000x384xf32>
    tpu.vector_store %arg4[%swap3A_12, %swap3A_13], %dot_general3A_11 {strides = array<i32>} : memref<1000x512xf32, #tpu.memory_space<vmem>>, vector<1000x384xf32>,
    return
  }
  func.func @transform_0(%arg0: i32) -> (i32, i32) {
    %c0_i32 = arith.constant 0 : i32
    %c0_i32_0 = arith.constant 0 : i32
    return %arg0, %c0_i32 : i32, i32
  }
  func.func @transform_1(%arg0: i32) -> (i32, i32) {
    %c0_i32 = arith.constant 0 : i32
    %c0_i32_0 = arith.constant 0 : i32
    return %arg0, %c0_i32 : i32, i32
  }
  func.func @transform_2(%arg0: i32) -> (i32, i32) {
    %c0_i32 = arith.constant 0 : i32
    %c0_i32_0 = arith.constant 0 : i32
    %c0_i32_1 = arith.constant 0 : i32
    return %c0_i32, %c0_i32_0 : i32, i32
  }
  func.func @transform_3(%arg0: i32) -> (i32, i32) {
    %c0_i32 = arith.constant 0 : i32
    %c0_i32_0 = arith.constant 0 : i32
    return %arg0, %c0_i32 : i32, i32
  }
}

module attributes {stable_mosaic.version = 14 : i64} {
  func.func @_k2_body(%arg0: i32, %arg1: memref<1280x128xf32, #tpu.memory_space<vmem>>, %arg2: memref<8x1280xf32, #tpu.memory_space<vmem>>, %arg3: memref<3x1280xf32, #tpu.memory_space<vmem>>, %arg4: memref<8x64xf32, #tpu.memory_space<vmem>>, %arg5: memref<64x64xf32, #tpu.memory_space<vmem>>, %arg6: memref<64x64xf32, #tpu.memory_space<vmem>>, %arg7: memref<64x256xf32, #tpu.memory_space<vmem>>, %arg8: memref<1280x512xf32, #tpu.memory_space<vmem>>) attributes {dimension_semantics = [#tpu.dimension_semantics<arbitrary>], iteration_bounds = array<i64: 64>, scalar_prefetch = 0 : i64, scratch_operands = 0 : i64, tpu.core_type = #tpu.core_type<tc>, window_params = [{transform_indices = @transform_0, window_bounds = array<i64: 1280, 128>}, {transform_indices = @transform_1, window_bounds = array<i64: 8, 1280>}, {transform_indices = @transform_2, window_bounds = array<i64: 3, 1280>}, {pipeline_mode = #tpu.pipeline_mode<synchronous>, transform_indices = @transform_3, window_bounds = array<i64: 8, 64>}, {pipeline_mode = #tpu.pipeline_mode<synchronous>, transform_indices = @transform_4, window_bounds = array<i64: 64, 64>}, {pipeline_mode = #tpu.pipeline_mode<synchronous>, transform_indices = @transform_5, window_bounds = array<i64: 64, 64>}, {pipeline_mode = #tpu.pipeline_mode<synchronous>, transform_indices = @transform_6, window_bounds = array<i64: 64, 256>}, {transform_indices = @transform_7, window_bounds = array<i64: 1280, 512>}]} {
    %get3A = arith.constant 0 : index
    %get3A_0 = arith.constant 0 : index
    %get3A_1 = vector.load %arg2[%get3A, %get3A_0] : memref<8x1280xf32, #tpu.memory_space<vmem>>, vector<8x1280xf32>
    %get3A_2 = arith.constant 0 : index
    %get3A_3 = arith.constant 0 : index
    %get3A_4 = vector.load %arg4[%get3A_2, %get3A_3] : memref<8x64xf32, #tpu.memory_space<vmem>>, vector<8x64xf32>
    %dot_general3A = arith.constant dense<0.000000e+00> : vector<64x1280xf32>
    %dot_general3A_5 = tpu.matmul %get3A_4, %get3A_1, %dot_general3A {dimension_numbers = #tpu.dot_dimension_numbers<[0], [0], [1], [1], [0, 1, 1, 1], [], []>, transpose_lhs_hint = false} : vector<8x64xf32>, vector<8x1280xf32>, vector<64x1280xf32> -> vector<64x1280xf32>
    %logistic3A = arith.negf %dot_general3A_5 : vector<64x1280xf32>
    %logistic3A_6 = math.exp %logistic3A : vector<64x1280xf32>
    %logistic3A_7 = arith.constant 1.000000e+00 : f32
    %logistic3A_8 = vector.broadcast %logistic3A_7 : f32 to vector<64x1280xf32>
    %logistic3A_9 = arith.addf %logistic3A_8, %logistic3A_6 : vector<64x1280xf32>
    %logistic3A_10 = arith.divf %logistic3A_8, %logistic3A_9 : vector<64x1280xf32>
    %mul3A = arith.mulf %dot_general3A_5, %logistic3A_10 : vector<64x1280xf32>
    %div3A = arith.constant 0.559508145 : f32
    %div3A_11 = vector.broadcast %div3A : f32 to vector<64x1280xf32>
    %div3A_12 = arith.divf %mul3A, %div3A_11 : vector<64x1280xf32>
    %get3A_13 = arith.constant 0 : index
    %get3A_14 = arith.constant 0 : index
    %get3A_15 = vector.load %arg5[%get3A_13, %get3A_14] : memref<64x64xf32, #tpu.memory_space<vmem>>, vector<64x64xf32>
    %dot_general3A_16 = arith.constant dense<0.000000e+00> : vector<64x1280xf32>
    %dot_general3A_17 = tpu.matmul %get3A_15, %div3A_12, %dot_general3A_16 {dimension_numbers = #tpu.dot_dimension_numbers<[0], [0], [1], [1], [0, 1, 1, 1], [], []>, transpose_lhs_hint = false} : vector<64x64xf32>, vector<64x1280xf32>, vector<64x1280xf32> -> vector<64x1280xf32>
    %logistic3A_18 = arith.negf %dot_general3A_17 : vector<64x1280xf32>
    %logistic3A_19 = math.exp %logistic3A_18 : vector<64x1280xf32>
    %logistic3A_20 = arith.constant 1.000000e+00 : f32
    %logistic3A_21 = vector.broadcast %logistic3A_20 : f32 to vector<64x1280xf32>
    %logistic3A_22 = arith.addf %logistic3A_21, %logistic3A_19 : vector<64x1280xf32>
    %logistic3A_23 = arith.divf %logistic3A_21, %logistic3A_22 : vector<64x1280xf32>
    %mul3A_24 = arith.mulf %dot_general3A_17, %logistic3A_23 : vector<64x1280xf32>
    %div3A_25 = arith.constant 0.559508145 : f32
    %div3A_26 = vector.broadcast %div3A_25 : f32 to vector<64x1280xf32>
    %div3A_27 = arith.divf %mul3A_24, %div3A_26 : vector<64x1280xf32>
    %get3A_28 = arith.constant 0 : index
    %get3A_29 = arith.constant 0 : index
    %get3A_30 = vector.load %arg6[%get3A_28, %get3A_29] : memref<64x64xf32, #tpu.memory_space<vmem>>, vector<64x64xf32>
    %dot_general3A_31 = arith.constant dense<0.000000e+00> : vector<64x1280xf32>
    %dot_general3A_32 = tpu.matmul %get3A_30, %div3A_27, %dot_general3A_31 {dimension_numbers = #tpu.dot_dimension_numbers<[0], [0], [1], [1], [0, 1, 1, 1], [], []>, transpose_lhs_hint = false} : vector<64x64xf32>, vector<64x1280xf32>, vector<64x1280xf32> -> vector<64x1280xf32>
    %logistic3A_33 = arith.negf %dot_general3A_32 : vector<64x1280xf32>
    %logistic3A_34 = math.exp %logistic3A_33 : vector<64x1280xf32>
    %logistic3A_35 = arith.constant 1.000000e+00 : f32
    %logistic3A_36 = vector.broadcast %logistic3A_35 : f32 to vector<64x1280xf32>
    %logistic3A_37 = arith.addf %logistic3A_36, %logistic3A_34 : vector<64x1280xf32>
    %logistic3A_38 = arith.divf %logistic3A_36, %logistic3A_37 : vector<64x1280xf32>
    %mul3A_39 = arith.mulf %dot_general3A_32, %logistic3A_38 : vector<64x1280xf32>
    %div3A_40 = arith.constant 0.559508145 : f32
    %div3A_41 = vector.broadcast %div3A_40 : f32 to vector<64x1280xf32>
    %div3A_42 = arith.divf %mul3A_39, %div3A_41 : vector<64x1280xf32>
    %mul3A_43 = arith.constant 6.250000e-02 : f32
    %mul3A_44 = vector.broadcast %mul3A_43 : f32 to vector<64x1280xf32>
    %mul3A_45 = arith.mulf %div3A_42, %mul3A_44 : vector<64x1280xf32>
    %get3A_46 = arith.constant 0 : index
    %get3A_47 = arith.constant 0 : index
    %get3A_48 = vector.load %arg3[%get3A_46, %get3A_47] : memref<3x1280xf32, #tpu.memory_space<vmem>>, vector<3x1280xf32>
    %neg3A = arith.constant 0.000000e+00 : f32
    %neg3A_49 = vector.broadcast %neg3A : f32 to vector<3x1280xf32>
    %neg3A_50 = arith.subf %neg3A_49, %get3A_48 : vector<3x1280xf32>
    %slice3A = vector.extract_strided_slice %neg3A_50 {offsets = [0, 0], sizes = [1, 1280], strides = [1, 1]} : vector<3x1280xf32> to vector<1x1280xf32>
    %slice3A_51 = vector.extract_strided_slice %neg3A_50 {offsets = [0, 0], sizes = [1, 1280], strides = [1, 1]} : vector<3x1280xf32> to vector<1x1280xf32>
    %mul3A_52 = arith.mulf %slice3A, %slice3A_51 : vector<1x1280xf32>
    %slice3A_53 = vector.extract_strided_slice %neg3A_50 {offsets = [1, 0], sizes = [1, 1280], strides = [1, 1]} : vector<3x1280xf32> to vector<1x1280xf32>
    %slice3A_54 = vector.extract_strided_slice %neg3A_50 {offsets = [1, 0], sizes = [1, 1280], strides = [1, 1]} : vector<3x1280xf32> to vector<1x1280xf32>
    %mul3A_55 = arith.mulf %slice3A_53, %slice3A_54 : vector<1x1280xf32>
    %add3A = arith.addf %mul3A_52, %mul3A_55 : vector<1x1280xf32>
    %slice3A_56 = vector.extract_strided_slice %neg3A_50 {offsets = [2, 0], sizes = [1, 1280], strides = [1, 1]} : vector<3x1280xf32> to vector<1x1280xf32>
    %slice3A_57 = vector.extract_strided_slice %neg3A_50 {offsets = [2, 0], sizes = [1, 1280], strides = [1, 1]} : vector<3x1280xf32> to vector<1x1280xf32>
    %mul3A_58 = arith.mulf %slice3A_56, %slice3A_57 : vector<1x1280xf32>
    %add3A_59 = arith.addf %add3A, %mul3A_58 : vector<1x1280xf32>
    %sqrt3A = math.sqrt %add3A_59 : vector<1x1280xf32>
    %max3A = arith.constant 9.99999996E-13 : f32
    %max3A_60 = vector.broadcast %max3A : f32 to vector<1x1280xf32>
    %max3A_61 = arith.maximumf %sqrt3A, %max3A_60 : vector<1x1280xf32>
    %div3A_62 = arith.constant 0.488602519 : f32
    %div3A_63 = vector.broadcast %div3A_62 : f32 to vector<1x1280xf32>
    %div3A_64 = arith.divf %div3A_63, %max3A_61 : vector<1x1280xf32>
    %mul3A_65 = vector.broadcast %div3A_64 : vector<1x1280xf32> to vector<3x1280xf32>
    %mul3A_66 = arith.mulf %neg3A_50, %mul3A_65 : vector<3x1280xf32>
    %get3A_67 = arith.constant 0 : index
    %get3A_68 = arith.constant 0 : index
    %get3A_69 = vector.load %arg7[%get3A_67, %get3A_68] : memref<64x256xf32, #tpu.memory_space<vmem>>, vector<64x256xf32>
    %slice3A_70 = vector.extract_strided_slice %get3A_69 {offsets = [0, 0], sizes = [64, 128], strides = [1, 1]} : vector<64x256xf32> to vector<64x128xf32>
    %slice3A_71 = vector.extract_strided_slice %get3A_69 {offsets = [0, 128], sizes = [64, 128], strides = [1, 1]} : vector<64x256xf32> to vector<64x128xf32>
    %get3A_72 = arith.constant 0 : index
    %get3A_73 = arith.constant 0 : index
    %get3A_74 = vector.load %arg1[%get3A_72, %get3A_73] : memref<1280x128xf32, #tpu.memory_space<vmem>>, vector<1280x128xf32>
    %dot_general3A_75 = arith.constant dense<0.000000e+00> : vector<1280x128xf32>
    %dot_general3A_76 = tpu.matmul %mul3A_45, %slice3A_70, %dot_general3A_75 {dimension_numbers = #tpu.dot_dimension_numbers<[0], [0], [1], [1], [0, 1, 1, 1], [], []>, transpose_lhs_hint = false} : vector<64x1280xf32>, vector<64x128xf32>, vector<1280x128xf32> -> vector<1280x128xf32>
    %mul3A_77 = arith.mulf %get3A_74, %dot_general3A_76 : vector<1280x128xf32>
    %swap3A = arith.constant 0 : index
    %swap3A_78 = arith.constant 0 : index
    %swap3A_79 = vector.load %arg8[%swap3A, %swap3A_78] : memref<1280x512xf32, #tpu.memory_space<vmem>>, vector<1280x128xf32>
    tpu.vector_store %arg8[%swap3A, %swap3A_78], %mul3A_77 {strides = array<i32>} : memref<1280x512xf32, #tpu.memory_space<vmem>>, vector<1280x128xf32>,
    %slice3A_80 = vector.extract_strided_slice %mul3A_66 {offsets = [1, 0], sizes = [1, 1280], strides = [1, 1]} : vector<3x1280xf32> to vector<1x1280xf32>
    %mul3A_81 = vector.broadcast %slice3A_80 : vector<1x1280xf32> to vector<64x1280xf32>
    %mul3A_82 = arith.mulf %mul3A_45, %mul3A_81 : vector<64x1280xf32>
    %dot_general3A_83 = arith.constant dense<0.000000e+00> : vector<1280x128xf32>
    %dot_general3A_84 = tpu.matmul %mul3A_82, %slice3A_71, %dot_general3A_83 {dimension_numbers = #tpu.dot_dimension_numbers<[0], [0], [1], [1], [0, 1, 1, 1], [], []>, transpose_lhs_hint = false} : vector<64x1280xf32>, vector<64x128xf32>, vector<1280x128xf32> -> vector<1280x128xf32>
    %mul3A_85 = arith.mulf %get3A_74, %dot_general3A_84 : vector<1280x128xf32>
    %swap3A_86 = arith.constant 0 : index
    %swap3A_87 = arith.constant 128 : index
    %swap3A_88 = vector.load %arg8[%swap3A_86, %swap3A_87] : memref<1280x512xf32, #tpu.memory_space<vmem>>, vector<1280x128xf32>
    tpu.vector_store %arg8[%swap3A_86, %swap3A_87], %mul3A_85 {strides = array<i32>} : memref<1280x512xf32, #tpu.memory_space<vmem>>, vector<1280x128xf32>,
    %slice3A_89 = vector.extract_strided_slice %mul3A_66 {offsets = [2, 0], sizes = [1, 1280], strides = [1, 1]} : vector<3x1280xf32> to vector<1x1280xf32>
    %mul3A_90 = vector.broadcast %slice3A_89 : vector<1x1280xf32> to vector<64x1280xf32>
    %mul3A_91 = arith.mulf %mul3A_45, %mul3A_90 : vector<64x1280xf32>
    %dot_general3A_92 = arith.constant dense<0.000000e+00> : vector<1280x128xf32>
    %dot_general3A_93 = tpu.matmul %mul3A_91, %slice3A_71, %dot_general3A_92 {dimension_numbers = #tpu.dot_dimension_numbers<[0], [0], [1], [1], [0, 1, 1, 1], [], []>, transpose_lhs_hint = false} : vector<64x1280xf32>, vector<64x128xf32>, vector<1280x128xf32> -> vector<1280x128xf32>
    %mul3A_94 = arith.mulf %get3A_74, %dot_general3A_93 : vector<1280x128xf32>
    %swap3A_95 = arith.constant 0 : index
    %swap3A_96 = arith.constant 256 : index
    %swap3A_97 = vector.load %arg8[%swap3A_95, %swap3A_96] : memref<1280x512xf32, #tpu.memory_space<vmem>>, vector<1280x128xf32>
    tpu.vector_store %arg8[%swap3A_95, %swap3A_96], %mul3A_94 {strides = array<i32>} : memref<1280x512xf32, #tpu.memory_space<vmem>>, vector<1280x128xf32>,
    %slice3A_98 = vector.extract_strided_slice %mul3A_66 {offsets = [0, 0], sizes = [1, 1280], strides = [1, 1]} : vector<3x1280xf32> to vector<1x1280xf32>
    %mul3A_99 = vector.broadcast %slice3A_98 : vector<1x1280xf32> to vector<64x1280xf32>
    %mul3A_100 = arith.mulf %mul3A_45, %mul3A_99 : vector<64x1280xf32>
    %dot_general3A_101 = arith.constant dense<0.000000e+00> : vector<1280x128xf32>
    %dot_general3A_102 = tpu.matmul %mul3A_100, %slice3A_71, %dot_general3A_101 {dimension_numbers = #tpu.dot_dimension_numbers<[0], [0], [1], [1], [0, 1, 1, 1], [], []>, transpose_lhs_hint = false} : vector<64x1280xf32>, vector<64x128xf32>, vector<1280x128xf32> -> vector<1280x128xf32>
    %mul3A_103 = arith.mulf %get3A_74, %dot_general3A_102 : vector<1280x128xf32>
    %swap3A_104 = arith.constant 0 : index
    %swap3A_105 = arith.constant 384 : index
    %swap3A_106 = vector.load %arg8[%swap3A_104, %swap3A_105] : memref<1280x512xf32, #tpu.memory_space<vmem>>, vector<1280x128xf32>
    tpu.vector_store %arg8[%swap3A_104, %swap3A_105], %mul3A_103 {strides = array<i32>} : memref<1280x512xf32, #tpu.memory_space<vmem>>, vector<1280x128xf32>,
    return
  }
  func.func @transform_0(%arg0: i32) -> (i32, i32) {
    %c0_i32 = arith.constant 0 : i32
    %c0_i32_0 = arith.constant 0 : i32
    return %arg0, %c0_i32 : i32, i32
  }
  func.func @transform_1(%arg0: i32) -> (i32, i32) {
    %add3A = arith.constant 0 : i32
    %add3A_0 = arith.addi %arg0, %add3A : i32
    %c0_i32 = arith.constant 0 : i32
    %c0_i32_1 = arith.constant 0 : i32
    return %c0_i32, %add3A_0 : i32, i32
  }
  func.func @transform_2(%arg0: i32) -> (i32, i32) {
    %add3A = arith.constant 0 : i32
    %add3A_0 = arith.addi %arg0, %add3A : i32
    %c0_i32 = arith.constant 0 : i32
    %c0_i32_1 = arith.constant 0 : i32
    return %c0_i32, %add3A_0 : i32, i32
  }
  func.func @transform_3(%arg0: i32) -> (i32, i32) {
    %c0_i32 = arith.constant 0 : i32
    %c0_i32_0 = arith.constant 0 : i32
    %c0_i32_1 = arith.constant 0 : i32
    return %c0_i32, %c0_i32_0 : i32, i32
  }
  func.func @transform_4(%arg0: i32) -> (i32, i32) {
    %c0_i32 = arith.constant 0 : i32
    %c0_i32_0 = arith.constant 0 : i32
    %c0_i32_1 = arith.constant 0 : i32
    return %c0_i32, %c0_i32_0 : i32, i32
  }
  func.func @transform_5(%arg0: i32) -> (i32, i32) {
    %c0_i32 = arith.constant 0 : i32
    %c0_i32_0 = arith.constant 0 : i32
    %c0_i32_1 = arith.constant 0 : i32
    return %c0_i32, %c0_i32_0 : i32, i32
  }
  func.func @transform_6(%arg0: i32) -> (i32, i32) {
    %c0_i32 = arith.constant 0 : i32
    %c0_i32_0 = arith.constant 0 : i32
    %c0_i32_1 = arith.constant 0 : i32
    return %c0_i32, %c0_i32_0 : i32, i32
  }
  func.func @transform_7(%arg0: i32) -> (i32, i32) {
    %c0_i32 = arith.constant 0 : i32
    %c0_i32_0 = arith.constant 0 : i32
    return %arg0, %c0_i32 : i32, i32
  }
}

</mosaic_0001>

<sc_bundles>
// kernel: kernel.12.cloned.1.call-start
scs
__scs_entry_jumppad:
0x0: {  	(pc) =	sbr.rel $0x88, $3  }
0x1: {  	(tag) =	ssettag $0x0;
	lr =	simm.s32 $0x1  }
0x2: {  	[smem:$0x3F98] =	sst lr;
	_ =	strace $0xD0000000  }
0x3: {  	_ = 	snop  }
0x4: {  	_ = 	snop  }
0x5: {  	_ = 	snop  }
0x6: {  	_ = 	snop  }
0x7: {  	_ = 	snop  }
__scs_overlays_trampoline_lowered:
0x8: {  	[smem:$0x3FA7] =	sst s0  }
0x9: {  	[smem:$0x3FA8] =	sst s1  }
0xa: {  	[smem:$0x3FA9] =	sst s2  }
0xb: {  	[smem:$0x3FAA] =	sst s3  }
0xc: {  	[smem:$0x3FAB] =	sst s4  }
0xd: {  	[smem:$0x3FAC] =	sst s5  }
0xe: {  	[smem:$0x3FAD] =	sst s6  }
0xf: {  	[smem:$0x3FAE] =	sst s7  }
0x10: {  	[smem:$0x3FAF] =	sst s8  }
0x11: {  	[smem:$0x3FB0] =	sst s9;
	s0 =	simm.s32 @!p0 $0x0  }
0x12: {  	s1 =	sld [smem:$0x3F96];
	s0 =	simm.s32 @p0 $0x1  }
0x13: {  	[smem:$0x3FB1] =	sst s0;
	s0 =	simm.s32 @!p1 $0x0  }
0x14: {  	s2 =	sld [smem:$0x3F95];
	s0 =	simm.s32 @p1 $0x1  }
0x15: {  	[smem:$0x3FB2] =	sst s0;
	s0 =	simm.s32 @!p2 $0x0  }
0x16: {  	s3 =	sld [smem:$0x3FDB];
	s0 =	simm.s32 @p2 $0x1  }
0x17: {  	s4 =	simm.s32 $0x1BF5;
	[smem:$0x3FB4] =	sst s0  }
0x18: {  	s0 =	sld [smem:$0x3F97];
	_ =	swait.ge [sflag:s4], $0x0  }
0x19: {  	s7 =	sld [smem:$0x3F98]  }
0x1a: {  	s8 =	sadd.s32 $0xFFFFE003, lr  }
0x1b: {  	s9 =	sadd.s32 $0xFFFFFEF7, lr;
	s5 =	simm.s32 $0xFFFFFFFF;
	p2 =	slt.u32 s8, $0xFFFFF086  }
0x1c: {  	p1 =	slt.u32 s9, $0xF7A;
	s5 =	simm.s32 @!p2 $0x0  }
0x1d: {  	s5 =	simm.s32 @p1 $0x1;
	p0 =	seq.s32 s7, s2  }
0x1e: {  	s7 =	smul.u32 @!p0 $0xF7A, s2;
	p2 =	seq.s32 @!p0 s5, $0x0  }
0x1f: {  	s9 =	smul.u32 $0xF7A, s1;
	s8 =	simm.s32 @!p0 $0x1BF5;
	p2 =	por !p2, p0  }
0x20: {  	[sflag:s8] =	ssyncset.s32 @!p0 $0xFFFFF086;
	s6 =	sadd.s32 @!p0 s3, s7;
	s7 =	simm.s32 @!p0 $0x108  }
0x21: {  	s3 =	sadd.s32 s3, s9;
	s6 =	sadd.s32 @!p0 $0x88, s6;
	s7 =	simm.s32 @p2 $0x1082  }
0x22: {  	[simem:s7], [sflag:s8] =	dma.local @!p0 [hbm:s6], $0xF7A  }
0x23: {  	s9 =	sor.u32 $0xD0000000, s2;
	s6 =	simm.s32 $0x108;
	_ =	swait.ge @!p0 [sflag:s8], $0x0  }
0x24: {  	s3 =	sadd.s32 $0x88, s3;
	s6 =	simm.s32 @!p1 $0x1082;
	[sflag:s4] =	ssyncset.s32 $0xFFFFF086  }
0x25: {  	[simem:s6], [sflag:s4] =	dma.local [hbm:s3], $0xF7A  }
0x26: {  	[smem:$0x3F98] =	sst s1;
	(tag) =	ssettag s2;
	_ =	strace s9  }
0x27: {  	s1 =	sld [smem:$0x3FA8]  }
0x28: {  	s2 =	sld [smem:$0x3FA9]  }
0x29: {  	s4 =	sld [smem:$0x3FAB]  }
0x2a: {  	p0 =	seq.s32 s5, $0x0;
	s5 =	sld [smem:$0x3FAC]  }
0x2b: {  	s6 =	sld [smem:$0x3FAD]  }
0x2c: {  	s7 =	sld [smem:$0x3FAE]  }
0x2d: {  	s3 =	simm.s32 $0x108;
	s8 =	sld [smem:$0x3FAF]  }
0x2e: {  	s3 =	simm.s32 @!p0 $0x1082;
	s9 =	sld [smem:$0x3FB0]  }
0x2f: {  	lr =	sadd.s32 s0, s3;
	s0 =	sld [smem:$0x3FA7]  }
0x30: {  	s3 =	sld [smem:$0x3FAA]  }
0x31: {  	[smem:$0x3FB3] =	sst s10  }
0x32: {  	s10 =	sld [smem:$0x3FB1];
	_ =	sdelay $0x3  }
0x33: {  	p0 =	seq.s32 s10, $0x1;
	s10 =	sld [smem:$0x3FB3];
	_ =	sdelay $0x3  }
0x34: {  	[smem:$0x3FB3] =	sst s10  }
0x35: {  	s10 =	sld [smem:$0x3FB2];
	_ =	sdelay $0x3  }
0x36: {  	p1 =	seq.s32 s10, $0x1;
	s10 =	sld [smem:$0x3FB3];
	_ =	sdelay $0x3  }
0x37: {  	[smem:$0x3FB3] =	sst s10  }
0x38: {  	s10 =	sld [smem:$0x3FB4]  }
0x39: {  	_ = 	snop;
	(pc) =	sbr.ind lr, $3  }
0x3a: {  	_ = 	snop  }
0x3b: {  	_ = 	snop  }
0x3c: {  	p2 =	seq.s32 s10, $0x1;
	s10 =	sld [smem:$0x3FB3]  }
0x3d: {  	_ =	shalt  }
0x3e: {  	_ =	shalt  }
0x3f: {  	_ =	shalt  }
0x40: {  	_ =	shalt  }
0x41: {  	_ =	shalt  }
0x42: {  	_ =	shalt  }
0x43: {  	_ =	shalt  }
0x44: {  	_ =	shalt  }
0x45: {  	_ =	shalt  }
0x46: {  	_ =	shalt  }
0x47: {  	_ =	shalt  }
0x48: {  	_ =	shalt  }
0x49: {  	_ =	shalt  }
0x4a: {  	_ =	shalt  }
0x4b: {  	_ =	shalt  }
0x4c: {  	_ =	shalt  }
0x4d: {  	_ =	shalt  }
0x4e: {  	_ =	shalt  }
0x4f: {  	_ =	shalt  }
0x50: {  	_ =	shalt  }
0x51: {  	_ =	shalt  }
0x52: {  	_ =	shalt  }
0x53: {  	_ =	shalt  }
0x54: {  	_ =	shalt  }
0x55: {  	_ =	shalt  }
0x56: {  	_ =	shalt  }
0x57: {  	_ =	shalt  }
0x58: {  	_ =	shalt  }
0x59: {  	_ =	shalt  }
0x5a: {  	_ =	shalt  }
0x5b: {  	_ =	shalt  }
0x5c: {  	_ =	shalt  }
0x5d: {  	_ =	shalt  }
0x5e: {  	_ =	shalt  }
0x5f: {  	_ =	shalt  }
0x60: {  	_ =	shalt  }
0x61: {  	_ =	shalt  }
0x62: {  	_ =	shalt  }
0x63: {  	_ =	shalt  }
0x64: {  	_ =	shalt  }
0x65: {  	_ =	shalt  }
0x66: {  	_ =	shalt  }
0x67: {  	_ =	shalt  }
0x68: {  	_ =	shalt  }
0x69: {  	_ =	shalt  }
0x6a: {  	_ =	shalt  }
0x6b: {  	_ =	shalt  }
0x6c: {  	_ =	shalt  }
0x6d: {  	_ =	shalt  }
0x6e: {  	_ =	shalt  }
0x6f: {  	_ =	shalt  }
0x70: {  	_ =	shalt  }
0x71: {  	_ =	shalt  }
0x72: {  	_ =	shalt  }
0x73: {  	_ =	shalt  }
0x74: {  	_ =	shalt  }
0x75: {  	_ =	shalt  }
0x76: {  	_ =	shalt  }
0x77: {  	_ =	shalt  }
0x78: {  	_ =	shalt  }
0x79: {  	_ =	shalt  }
0x7a: {  	_ =	shalt  }
0x7b: {  	_ =	shalt  }
0x7c: {  	_ =	shalt  }
0x7d: {  	_ =	shalt  }
0x7e: {  	_ =	shalt  }
0x7f: {  	_ =	shalt  }
0x80: {  	_ =	shalt  }
0x81: {  	_ =	shalt  }
0x82: {  	_ =	shalt  }
0x83: {  	_ =	shalt  }
0x84: {  	_ =	shalt  }
0x85: {  	_ =	shalt  }
0x86: {  	_ =	shalt  }
0x87: {  	_ =	shalt  }
.Lfunc_end0:
.L_simem_size_0:
called_computation.1_lowered:
.L_overlay_start_0:
0x88: {  	s2 =	sld [smem:$0x3FD9]  }
0x89: {  	s3 =	sld [smem:$0x3FFE];
	_ =	sdelay $0x1  }
0x8a: {  	s1 =	srdreg.scid  }
0x8b: {  	s0 =	sand.u32 $0x1, s1  }
0x8c: {  	s17 =	sshll.u32 s0, $0xA;
	s2 =	sadd.s32 s3, s2  }
0x8d: {  	s2 =	sadd.s32 s2, s17  }
0x8e: {  	[smem:$0x3FBF] =	sst s2  }
0x8f: {  	_ = 	snop  }
0x90: {  	s18 =	sld [smem:$0x3FC8]  }
0x91: {  	s4 =	sld [smem:$0x3FC6];
	(tm) =	ssettm $0x1  }
0x92: {  	s19 =	sld [smem:$0x3FFB];
	_ =	sdelay $0x3  }
0x93: {  	_ =	strace s19  }
0x94: {  	s2 =	sld [smem:$0x3FFC];
	_ =	sdelay $0x3  }
0x95: {  	_ =	strace s2  }
0x96: {  	s2 =	sld [smem:$0x3FFD];
	_ =	sdelay $0x3  }
0x97: {  	_ =	strace s2  }
0x98: {  	_ =	strace $0x8FFFFFFF  }
0x99: {  	s20 =	sld [smem:$0x3FDB];
	_ =	sdelay $0x1  }
0x9a: {  	s5 =	simm.s32 $_scs_section_size  }
0x9b: {  	s6 =	simm.s32 $_size__tile_overlayer_lowered;
	s7 =	simm.s32 $_tile_overlayer_lowered  }
0x9c: {  	s8 =	simm.s32 $0x1BFF;
	s21 =	sshll.u32 s7, $0x1;
	s5 =	sadd.s32 s5, s20  }
0x9d: {  	s22 =	simm.s32 $0x0;
	s6 =	sshll.u32 s6, $0x1;
	s7 =	sadd.s32 s21, s5  }
0x9e: {  	[timem:s22], [sflag:s8] =	dma.local [hbm:s7], s6  }
0x9f: {  	_ =	swait.ge [sflag:s8], s6  }
0xa0: {  	s6 =	ssub.s32 $0x0, s6;
	[sflag:s8] =	ssyncset.done $0x0  }
0xa1: {  	[sflag:s8] =	ssyncadd.s32 s6;
	_ =	sdelay $0x1  }
0xa2: {  	s23 =	simm.s32 $0x1B8B  }
0xa3: {  	_ =	swait.ge [sflag:s23], $0x1  }
0xa4: {  	[sflag:s23] =	ssyncset.done $0x0  }
0xa5: {  	[sflag:s23] =	ssyncadd.s32 $0xFFFFFFFF  }
0xa6: {  	s6 =	sld [smem:$0x0]  }
0xa7: {  	s7 =	sand.u32 $0xFFFFFFFE, s1  }
0xa8: {  	p0 =	sne.s32 s1, s7  }
0xa9: {  	s7 =	sshll.u32 @p0 s7, $0xE  }
0xaa: {  	s7 =	sadd.s32 @p0 $0x11B8D, s7;
	s8 =	sshll.u32 @p0 s6, $0x11  }
0xab: {  	s7 =	sor.u32 @p0 s8, s7  }
0xac: {  	[sflag:s7] =	ssyncadd.remote.s32 @p0 $0x1;
	_ =	sdelay $0x1  }
0xad: {  	s7 =	simm.s32 @p0 $0x1B8D  }
0xae: {  	_ =	swait.eq @p0 [sflag:s7], $0x1  }
0xaf: {  	[sflag:s7] =	ssyncadd.s32 @p0 $0xFFFFFFFF  }
0xb0: {  	s8 =	sshll.u32 @!p0 s1, $0xE  }
0xb1: {  	s8 =	sor.u32 @!p0 $0x4000, s8;
	s7 =	simm.s32 @!p0 $0x1B8D  }
0xb2: {  	s6 =	sshll.u32 @!p0 s6, $0x11;
	s8 =	sadd.s32 @!p0 $0x11B8D, s8;
	_ =	swait.eq @!p0 [sflag:s7], $0x1  }
0xb3: {  	s6 =	sor.u32 @!p0 s6, s8;
	[sflag:s7] =	ssyncadd.s32 @!p0 $0xFFFFFFFF  }
0xb4: {  	s25 =	simm.s32 $0x1B8E;
	s24 =	sld [smem:$0x3FFE];
	[sflag:s6] =	ssyncadd.remote.s32 @!p0 $0x1  }
0xb5: {  	s26 =	simm.s32 $execute0_lowered;
	[smem:$0x3FD2] =	sst s25  }
0xb6: {  	s7 =	sshll.u32 s26, $0x1;
	_ =	strace $0x80000049;
	[dreg:$0x1] =	wrdreg $0xFFFFFFFF  }
0xb7: {  	s28 =	simm.s32 $_size_execute0_lowered;
	s5 =	sadd.s32 s5, s7;
	[dreg:$0x0] =	wrdreg $0x0  }
0xb8: {  	s7 =	sshll.u32 s28, $0x1;
	[dreg:$0x2] =	wrdreg s5  }
0xb9: {  	[dreg:$0x3] =	wrdreg s7  }
0xba: {  	[dreg:$0x4] =	wrdreg $0xC0  }
0xbb: {  	_ =	task [dreg:s22], $0x5FFFF  }
0xbc: {  	[dreg:$0x1] =	wrdreg $0xFFFFFFFF  }
0xbd: {  	[dreg:$0x0] =	wrdreg $0x60  }
0xbe: {  	[dreg:$0x2] =	wrdreg s18  }
0xbf: {  	[dreg:$0x3] =	wrdreg s4  }
0xc0: {  	[dreg:$0x4] =	wrdreg s24  }
0xc1: {  	[dreg:$0x5] =	wrdreg $0x9  }
0xc2: {  	_ =	task.clear_ibuf [dreg:s22], $0x6FFFF;
	_ =	strace $0x90000049  }
0xc3: {  	s29 =	simm.s32 $0x9;
	_ =	strace $0x8000004B  }
0xc4: {  	_ =	swait.ge [sflag:s29], $0x1  }
0xc5: {  	[sflag:s29] =	ssyncadd.s32 $0xFFFFFFFF  }
0xc6: {  	_ =	strace $0x9000004B  }
0xc7: {  	_ =	sfence  }
0xc8: {  	s30 =	sld [smem:$0x0];
	_ =	sdelay $0x2  }
0xc9: {  	s31 =	sshll.u32 s1, $0xD;
	s1 =	sshrl.u32 s1, $0x2  }
0xca: {  	s4 =	sand.u32 $0x4000, s31;
	s1 =	sadd.s32 s1, s30  }
0xcb: {  	s0 =	sor.u32 s4, s0;
	s1 =	sshll.u32 s1, $0x11  }
0xcc: {  	s0 =	sor.u32 s1, s0  }
0xcd: {  	s0 =	sadd.s32 $0x8F2B, s0  }
0xce: {  	[sflag:s0] =	ssyncadd.remote.s32 $0x1  }
0xcf: {  	_ =	sfence.sel $0xFFFF  }
0xd0: {  	[dreg:$0x0] =	wrdreg $0xFFFFFFFF;
	(pc) =	sbr.abs _section_cstart, $3  }
0xd1: {  	[dreg:$0x1] =	wrdreg $0xFFFFFFFF  }
0xd2: {  	_ =	task.clear_ibuf [dreg:s22], $0x2FFFF;
	_ =	strace $0x9FFFFFFF  }
0xd3: {  	(tm) =	ssettm $0x7FFFFFFF  }
tec
execute0_lowered:
.L_overlay_start_1:
0x0: {  	(tag) =	ssettag $0x1  }
0x1: {  	s0 =	rddreg [dreg:$0x0]  }
0x2: {  	s1 =	srdreg.scid;
	s22 =	stileid.u32  }
0x3: {  	s15 =	rddreg [dreg:$0x1];
	s16 =	smul.u32 $0x98000, s22  }
0x4: {  	s3 =	rddreg [dreg:$0x2];
	s12 =	sand.u32 $0x1, s1;
	s26 =	smul.u32 $0x13000, s22  }
0x5: {  	s2 =	simm.s32 $0x0;
	s18 =	sshll.u32 s22, $0x1;
	s17 =	smul.u32 $0x4C000, s12  }
0x6: {  	s1 =	rddreg [dreg:$0x3];
	s6 =	sor.u32 s12, s18;
	s18 =	smul.u32 $0x1300, s22  }
0x7: {  	[smem:$0x7FF] =	sst s2;
	s25 =	smul.u32 $0x980, s12  }
0x8: {  	s13 =	sadd.s32 $0x142C00, s3;
	p0 =	sne.s32 s22, $0x0;
	s28 =	smul.u32 $0x9800, s12  }
0x9: {  	_ =	strace $0x8000004A;
	s19 =	ssub.s32 $0x2, s12;
	s4 =	smul.u32 $0x980, s6  }
0xa: {  	s20 =	sshll.u32 s12, $0x4;
	s11 =	sshll.u32 s12, $0xB;
	s5 =	smul.u32 $0x4C000, s6  }
0xb: {  	s22 =	simm.s32 $0x0;
	s7 =	sshrl.u32 s19, $0x1;
	s14 =	smul.u32 $0x9800, s6  }
0xc: {  	s21 =	sadd.s32 s20, s15;
	s23 =	sadd.s32 s11, s13;
	s20 =	simm.s32 $0x2  }
0xd: {  	s8 =	ssub.s32 s19, s7;
	s6 =	sadd.s32 $0x4E00, s21;
	s7 =	sadd.s32 $0x130000, s23  }
0xe: {  	s16 =	sadd.s32 s17, s16;
	s19 =	simm.s32 $0x3;
	s21 =	simm.s32 $0x4100  }
0xf: {  	s4 =	sshrl.u32 s4, $0x3;
	s5 =	sshrl.u32 s5, $0x3;
	s8 =	smax.u32 s8, $0x1  }
0x10: {  	s24 =	sadd.s32 s13, s14;
	s16 =	sshrl.u32 s16, $0x3;
	s14 =	sadd.s32 s25, s18  }
0x11: {  	s18 =	simm.s32 $0x100;
	s10 =	sadd.s32 s15, s4;
	s9 =	sadd.s32 s13, s5  }
0x12: {  	s11 =	sadd.s32 $0x8800, s24;
	s12 =	sadd.s32 s16, s13;
	s29 =	sadd.s32 $0x14180, s14  }
0x13: {  	s13 =	sadd.s32 s26, s13;
	s30 =	sadd.s32 $0x14100, s14;
	s3 =	sadd.s32 $0x2800, s10  }
0x14: {  	s4 =	sadd.s32 $0x2810, s10;
	s5 =	sadd.s32 $0x9000, s9;
	s9 =	sadd.s32 $0x8000, s9  }
0x15: {  	s10 =	sadd.s32 $0x2920, s10;
	s16 =	sshrl.u32 s29, $0x3;
	s17 =	sadd.s32 s28, s13  }
0x16: {  	s31 =	sshrl.u32 s30, $0x3;
	s13 =	sadd.s32 s16, s15;
	s14 =	sadd.s32 $0x800, s17  }
0x17: {  	s15 =	sadd.s32 s31, s15;
	s16 =	simm.s32 $0x80;
	s17 =	simm.s32 $0x1  }
.LBB2_1:
0x18: {  	[tilespmem:s2], [sflag:$0x1] =	stream.linear.gather [hbm4b:s3+s2], $0x80, $0x38;
	[tilespmem:$0x8100] =	vst v63  }
0x19: {  	_ = 	snop  }
0x1a: {  	[tilespmem:s16], [sflag:$0x2] =	stream.linear.gather [hbm4b:s4+s2], $0x80, $0x38;
	[tilespmem:$0x8100] =	vst v63  }
0x1b: {  	_ =	swait.ge [sflag:s17], $0x80  }
0x1c: {  	[sflag:s17] =	ssyncset.done $0x0  }
0x1d: {  	[sflag:s17] =	ssyncadd.s32 $0xFFFFFF80  }
0x1e: {  	[tilespmem:s18], [sflag:$0x3] =	stream.indirect.gather [hbm4b:s0+s16], $0x80, s2, s16, $0xb8;
	[tilespmem:$0x8100] =	vst v63  }
0x1f: {  	_ =	swait.ge [sflag:s19], $0x4000  }
0x20: {  	[sflag:s19] =	ssyncset.done $0x0  }
0x21: {  	[sflag:s19] =	ssyncadd.s32 $0xFFFFC000  }
0x22: {  	[hbm4b:s12+s2] =	stream.linear.scatter [tilespmem:s18], [sflag:$0x3], $0x4000, $0x38;
	[tilespmem:$0x8100] =	vst v63  }
0x23: {  	_ =	swait.ge [sflag:s19], $0x4000  }
0x24: {  	[sflag:s19] =	ssyncset.done $0x0  }
0x25: {  	s23 =	sadd.s32 $0x0, s15;
	[sflag:s19] =	ssyncadd.s32 $0xFFFFC000  }
0x26: {  	[tilespmem:s2], [sflag:$0x1] =	stream.linear.gather [hbm4b:s23+s2], $0x80, $0x38;
	[tilespmem:$0x8100] =	vst v63  }
0x27: {  	_ =	swait.ge [sflag:s20], $0x80  }
0x28: {  	[sflag:s20] =	ssyncset.done $0x0  }
0x29: {  	[sflag:s20] =	ssyncadd.s32 $0xFFFFFF80  }
0x2a: {  	[tilespmem:s21], [sflag:$0x3] =	stream.indirect.gather [hbm4b:s0+s16], $0x80, s16, s16, $0xb8;
	[tilespmem:$0x8100] =	vst v63  }
0x2b: {  	_ =	swait.ge [sflag:s19], $0x4000  }
0x2c: {  	[sflag:s19] =	ssyncset.done $0x0  }
0x2d: {  	[sflag:s19] =	ssyncadd.s32 $0xFFFFC000  }
0x2e: {  	[hbm4b:s14+s2] =	stream.linear.scatter [tilespmem:s21], [sflag:$0x3], $0x4000, $0x38;
	[tilespmem:$0x8100] =	vst v63  }
0x2f: {  	_ =	swait.ge [sflag:s19], $0x4000  }
0x30: {  	s24 =	sadd.s32 $0x1000, s14;
	s26 =	sadd.s32 $0x0, s13;
	[sflag:s19] =	ssyncset.done $0x0  }
0x31: {  	s25 =	sadd.s32 $0x1000, s12;
	s23 =	simm.s32 $0x20;
	[sflag:s19] =	ssyncadd.s32 $0xFFFFC000  }
.LBB2_2:
0x32: {  	[tilespmem:s16], [sflag:$0x2] =	stream.linear.gather [hbm4b:s26+s2], $0x80, $0x38;
	[tilespmem:$0x8100] =	vst v63  }
0x33: {  	s26 =	smov.u32 s23  }
0x34: {  	p1 =	sne.s32 s23, $0xE0;
	s23 =	sadd.s32 $0x20, s23;
	_ =	swait.ge [sflag:s17], $0x80  }
0x35: {  	[sflag:s17] =	ssyncset.done $0x0  }
0x36: {  	[sflag:s17] =	ssyncadd.s32 $0xFFFFFF80  }
0x37: {  	[tilespmem:s18], [sflag:$0x3] =	stream.indirect.gather [hbm4b:s0+s16], $0x80, s2, s16, $0xb8;
	[tilespmem:$0x8100] =	vst v63  }
0x38: {  	_ =	swait.ge [sflag:s19], $0x4000  }
0x39: {  	[sflag:s19] =	ssyncset.done $0x0  }
0x3a: {  	[sflag:s19] =	ssyncadd.s32 $0xFFFFC000  }
0x3b: {  	[hbm4b:s25+s2] =	stream.linear.scatter [tilespmem:s18], [sflag:$0x3], $0x4000, $0x38;
	[tilespmem:$0x8100] =	vst v63  }
0x3c: {  	_ =	swait.ge [sflag:s19], $0x4000  }
0x3d: {  	[sflag:s19] =	ssyncset.done $0x0  }
0x3e: {  	s28 =	sadd.s32 s26, s15;
	[sflag:s19] =	ssyncadd.s32 $0xFFFFC000  }
0x3f: {  	[tilespmem:s2], [sflag:$0x1] =	stream.linear.gather [hbm4b:s28+s2], $0x80, $0x38;
	[tilespmem:$0x8100] =	vst v63  }
0x40: {  	_ =	swait.ge [sflag:s20], $0x80  }
0x41: {  	[sflag:s20] =	ssyncset.done $0x0  }
0x42: {  	[sflag:s20] =	ssyncadd.s32 $0xFFFFFF80  }
0x43: {  	[tilespmem:s21], [sflag:$0x3] =	stream.indirect.gather [hbm4b:s0+s16], $0x80, s16, s16, $0xb8;
	[tilespmem:$0x8100] =	vst v63  }
0x44: {  	_ =	swait.ge [sflag:s19], $0x4000  }
0x45: {  	[sflag:s19] =	ssyncset.done $0x0  }
.Ltmp0:
0x46: {  	[sflag:s19] =	ssyncadd.s32 $0xFFFFC000;
	(pc) =	sbr.rel @p1 .LBB2_2-.Ltmp0, $4  }
0x47: {  	[hbm4b:s24+s2] =	stream.linear.scatter [tilespmem:s21], [sflag:$0x3], $0x4000, $0x38;
	[tilespmem:$0x8100] =	vst v63  }
0x48: {  	_ =	swait.ge [sflag:s19], $0x4000  }
0x49: {  	s24 =	sadd.s32 $0x1000, s24;
	[sflag:s19] =	ssyncset.done $0x0  }
0x4a: {  	s26 =	sadd.s32 s26, s13;
	s25 =	sadd.s32 $0x1000, s25;
	[sflag:s19] =	ssyncadd.s32 $0xFFFFC000  }
0x4b: {  	[tilespmem:s16], [sflag:$0x2] =	stream.linear.gather [hbm4b:s26+s2], $0x80, $0x38;
	[tilespmem:$0x8100] =	vst v63  }
0x4c: {  	_ =	swait.ge [sflag:s17], $0x80  }
0x4d: {  	[sflag:s17] =	ssyncset.done $0x0  }
0x4e: {  	[sflag:s17] =	ssyncadd.s32 $0xFFFFFF80  }
0x4f: {  	[tilespmem:s18], [sflag:$0x3] =	stream.indirect.gather [hbm4b:s0+s16], $0x80, s2, s16, $0xb8;
	[tilespmem:$0x8100] =	vst v63  }
0x50: {  	_ =	swait.ge [sflag:s19], $0x4000  }
0x51: {  	[sflag:s19] =	ssyncset.done $0x0  }
0x52: {  	[sflag:s19] =	ssyncadd.s32 $0xFFFFC000  }
0x53: {  	[hbm4b:s9+s2] =	stream.linear.scatter [tilespmem:s18], [sflag:$0x3], $0x4000, $0x38;
	[tilespmem:$0x8100] =	vst v63  }
0x54: {  	_ =	swait.ge [sflag:s19], $0x4000  }
0x55: {  	[sflag:s19] =	ssyncset.done $0x0  }
0x56: {  	[sflag:s19] =	ssyncadd.s32 $0xFFFFC000  }
0x57: {  	[tilespmem:s2], [sflag:$0x1] =	stream.linear.gather [hbm4b:s10+s2], $0x80, $0x38;
	[tilespmem:$0x8100] =	vst v63  }
0x58: {  	_ =	swait.ge [sflag:s20], $0x80  }
0x59: {  	[sflag:s20] =	ssyncset.done $0x0  }
0x5a: {  	[sflag:s20] =	ssyncadd.s32 $0xFFFFFF80  }
0x5b: {  	[tilespmem:s21], [sflag:$0x3] =	stream.indirect.gather [hbm4b:s0+s16], $0x80, s16, s16, $0xb8;
	[tilespmem:$0x8100] =	vst v63  }
0x5c: {  	_ =	swait.ge [sflag:s19], $0x4000  }
0x5d: {  	[sflag:s19] =	ssyncset.done $0x0  }
0x5e: {  	[sflag:s19] =	ssyncadd.s32 $0xFFFFC000  }
0x5f: {  	[hbm4b:s11+s2] =	stream.linear.scatter [tilespmem:s21], [sflag:$0x3], $0x4000, $0x38;
	[tilespmem:$0x8100] =	vst v63  }
0x60: {  	_ =	swait.ge [sflag:s19], $0x4000  }
0x61: {  	[sflag:s19] =	ssyncset.done $0x0  }
0x62: {  	[sflag:s19] =	ssyncadd.s32 $0xFFFFC000  }
0x63: {  	_ =	swait.ge [sflag:s17], $0x80  }
0x64: {  	[sflag:s17] =	ssyncset.done $0x0  }
0x65: {  	[sflag:s17] =	ssyncadd.s32 $0xFFFFFF80  }
0x66: {  	[tilespmem:s18], [sflag:$0x3] =	stream.indirect.gather [hbm4b:s0+s16], $0x80, s2, s16, $0xb8;
	[tilespmem:$0x8100] =	vst v63  }
0x67: {  	_ =	swait.ge [sflag:s19], $0x4000  }
0x68: {  	[sflag:s19] =	ssyncset.done $0x0  }
0x69: {  	[sflag:s19] =	ssyncadd.s32 $0xFFFFC000  }
0x6a: {  	[hbm4b:s5+s2] =	stream.linear.scatter [tilespmem:s18], [sflag:$0x3], $0x4000, $0x38;
	[tilespmem:$0x8100] =	vst v63  }
0x6b: {  	_ =	swait.ge [sflag:s19], $0x4000  }
0x6c: {  	[sflag:s19] =	ssyncset.done $0x0  }
0x6d: {  	s23 =	simm.s32 @!p0 $0x0;
	s24 =	simm.s32 @!p0 $0x3;
	[sflag:s19] =	ssyncadd.s32 $0xFFFFC000  }
0x6e: {  	[tilespmem:s23], [sflag:$0x3] =	stream.linear.gather @!p0 [hbm4b:s6+s23], $0x80, $0x38;
	[tilespmem:$0x8100] =	vst v63  }
0x6f: {  	_ =	swait.ge @!p0 [sflag:s24], $0x80  }
0x70: {  	[sflag:s24] =	ssyncset.done @!p0 $0x0  }
0x71: {  	s25 =	simm.s32 @!p0 $0x80;
	s26 =	simm.s32 @!p0 $0x100;
	[sflag:s24] =	ssyncadd.s32 @!p0 $0xFFFFFF80  }
0x72: {  	[tilespmem:s26], [sflag:$0x3] =	stream.indirect.gather @!p0 [hbm4b:s0+s25], $0x80, s23, s25, $0xb8;
	[tilespmem:$0x8100] =	vst v63  }
0x73: {  	s22 =	sadd.s32 $0x1, s22;
	_ =	swait.ge @!p0 [sflag:s24], $0x4000  }
0x74: {  	p1 =	sne.s32 s22, s8;
	[sflag:s24] =	ssyncset.done @!p0 $0x0  }
.Ltmp1:
0x75: {  	[sflag:s24] =	ssyncadd.s32 @!p0 $0xFFFFC000;
	(pc) =	sbr.rel @p1 .LBB2_1-.Ltmp1, $4  }
0x76: {  	[hbm4b:s7+s23] =	stream.linear.scatter @!p0 [tilespmem:s26], [sflag:$0x3], $0x4000, $0x38;
	[tilespmem:$0x8100] =	vst v63  }
0x77: {  	_ =	swait.ge @!p0 [sflag:s24], $0x4000  }
0x78: {  	[sflag:s24] =	ssyncset.done @!p0 $0x0  }
0x79: {  	[sflag:s24] =	ssyncadd.s32 @!p0 $0xFFFFC000  }
0x7a: {  	_ =	sfence.sel $0x180000  }
0x7b: {  	[bflag:$0x0] =	sbarrier.arrive $0xFFFF  }
0x7c: {  	_ =	strace $0x9000004A  }
0x7d: {  	s0 =	sadd.s32 @!p0 $0x100000, s1;
	[bflag:$0x2] =	sbarrier.arrive $0xFFFF  }
0x7e: {  	[sflag:s0] =	ssyncadd.tile.s32 @!p0 $0x1;
	_ =	shalt  }
.Lfunc_end2:
_tile_overlayer_lowered:
.L_overlay_start_2:
0x7f: {  	(tag) =	ssettag $0x2  }
0x80: {  	s0 =	rddreg [dreg:$0x0];
	s2 =	stileid.u32  }
0x81: {  	s1 =	rddreg [dreg:$0x1];
	p0 =	sne.s32 s2, $0x0  }
0x82: {  	s3 =	rddreg [dreg:$0x2];
	[bflag:$0x3] =	sbarrier.arrive $0xFFFF;
	s2 =	simm.s32 @!p0 $0x1C03  }
0x83: {  	[timem:s3], [sflag:s2] =	dma.local @!p0 [hbm:s0], s1  }
0x84: {  	s0 =	simm.s32 @!p0 $0x3  }
0x85: {  	_ =	swait.ge @!p0 [sflag:s0], s1  }
0x86: {  	s1 =	ssub.s32 @!p0 $0x0, s1;
	[sflag:s0] =	ssyncset.done @!p0 $0x0  }
0x87: {  	[sflag:s0] =	ssyncadd.s32 @!p0 s1  }
0x88: {  	[bflag:$0x3] =	sbarrier.arrive $0xFFFF  }
0x89: {  	_ =	shalt  }

// kernel: kernel.15.cloned.1.call-start
scs
__scs_entry_jumppad:
0x0: {  	(pc) =	sbr.rel $0x88, $3  }
0x1: {  	(tag) =	ssettag $0x0;
	lr =	simm.s32 $0x1  }
0x2: {  	[smem:$0x3F98] =	sst lr;
	_ =	strace $0xD0000000  }
0x3: {  	_ = 	snop  }
0x4: {  	_ = 	snop  }
0x5: {  	_ = 	snop  }
0x6: {  	_ = 	snop  }
0x7: {  	_ = 	snop  }
__scs_overlays_trampoline_lowered:
0x8: {  	[smem:$0x3FA7] =	sst s0  }
0x9: {  	[smem:$0x3FA8] =	sst s1  }
0xa: {  	[smem:$0x3FA9] =	sst s2  }
0xb: {  	[smem:$0x3FAA] =	sst s3  }
0xc: {  	[smem:$0x3FAB] =	sst s4  }
0xd: {  	[smem:$0x3FAC] =	sst s5  }
0xe: {  	[smem:$0x3FAD] =	sst s6  }
0xf: {  	[smem:$0x3FAE] =	sst s7  }
0x10: {  	[smem:$0x3FAF] =	sst s8  }
0x11: {  	[smem:$0x3FB0] =	sst s9;
	s0 =	simm.s32 @!p0 $0x0  }
0x12: {  	s1 =	sld [smem:$0x3F96];
	s0 =	simm.s32 @p0 $0x1  }
0x13: {  	[smem:$0x3FB1] =	sst s0;
	s0 =	simm.s32 @!p1 $0x0  }
0x14: {  	s2 =	sld [smem:$0x3F95];
	s0 =	simm.s32 @p1 $0x1  }
0x15: {  	[smem:$0x3FB2] =	sst s0;
	s0 =	simm.s32 @!p2 $0x0  }
0x16: {  	s3 =	sld [smem:$0x3FDB];
	s0 =	simm.s32 @p2 $0x1  }
0x17: {  	s4 =	simm.s32 $0x1BF5;
	[smem:$0x3FB4] =	sst s0  }
0x18: {  	s0 =	sld [smem:$0x3F97];
	_ =	swait.ge [sflag:s4], $0x0  }
0x19: {  	s7 =	sld [smem:$0x3F98]  }
0x1a: {  	s8 =	sadd.s32 $0xFFFFE003, lr  }
0x1b: {  	s9 =	sadd.s32 $0xFFFFFEF7, lr;
	s5 =	simm.s32 $0xFFFFFFFF;
	p2 =	slt.u32 s8, $0xFFFFF086  }
0x1c: {  	p1 =	slt.u32 s9, $0xF7A;
	s5 =	simm.s32 @!p2 $0x0  }
0x1d: {  	s5 =	simm.s32 @p1 $0x1;
	p0 =	seq.s32 s7, s2  }
0x1e: {  	s7 =	smul.u32 @!p0 $0xF7A, s2;
	p2 =	seq.s32 @!p0 s5, $0x0  }
0x1f: {  	s9 =	smul.u32 $0xF7A, s1;
	s8 =	simm.s32 @!p0 $0x1BF5;
	p2 =	por !p2, p0  }
0x20: {  	[sflag:s8] =	ssyncset.s32 @!p0 $0xFFFFF086;
	s6 =	sadd.s32 @!p0 s3, s7;
	s7 =	simm.s32 @!p0 $0x108  }
0x21: {  	s3 =	sadd.s32 s3, s9;
	s6 =	sadd.s32 @!p0 $0x88, s6;
	s7 =	simm.s32 @p2 $0x1082  }
0x22: {  	[simem:s7], [sflag:s8] =	dma.local @!p0 [hbm:s6], $0xF7A  }
0x23: {  	s9 =	sor.u32 $0xD0000000, s2;
	s6 =	simm.s32 $0x108;
	_ =	swait.ge @!p0 [sflag:s8], $0x0  }
0x24: {  	s3 =	sadd.s32 $0x88, s3;
	s6 =	simm.s32 @!p1 $0x1082;
	[sflag:s4] =	ssyncset.s32 $0xFFFFF086  }
0x25: {  	[simem:s6], [sflag:s4] =	dma.local [hbm:s3], $0xF7A  }
0x26: {  	[smem:$0x3F98] =	sst s1;
	(tag) =	ssettag s2;
	_ =	strace s9  }
0x27: {  	s1 =	sld [smem:$0x3FA8]  }
0x28: {  	s2 =	sld [smem:$0x3FA9]  }
0x29: {  	s4 =	sld [smem:$0x3FAB]  }
0x2a: {  	p0 =	seq.s32 s5, $0x0;
	s5 =	sld [smem:$0x3FAC]  }
0x2b: {  	s6 =	sld [smem:$0x3FAD]  }
0x2c: {  	s7 =	sld [smem:$0x3FAE]  }
0x2d: {  	s3 =	simm.s32 $0x108;
	s8 =	sld [smem:$0x3FAF]  }
0x2e: {  	s3 =	simm.s32 @!p0 $0x1082;
	s9 =	sld [smem:$0x3FB0]  }
0x2f: {  	lr =	sadd.s32 s0, s3;
	s0 =	sld [smem:$0x3FA7]  }
0x30: {  	s3 =	sld [smem:$0x3FAA]  }
0x31: {  	[smem:$0x3FB3] =	sst s10  }
0x32: {  	s10 =	sld [smem:$0x3FB1];
	_ =	sdelay $0x3  }
0x33: {  	p0 =	seq.s32 s10, $0x1;
	s10 =	sld [smem:$0x3FB3];
	_ =	sdelay $0x3  }
0x34: {  	[smem:$0x3FB3] =	sst s10  }
0x35: {  	s10 =	sld [smem:$0x3FB2];
	_ =	sdelay $0x3  }
0x36: {  	p1 =	seq.s32 s10, $0x1;
	s10 =	sld [smem:$0x3FB3];
	_ =	sdelay $0x3  }
0x37: {  	[smem:$0x3FB3] =	sst s10  }
0x38: {  	s10 =	sld [smem:$0x3FB4]  }
0x39: {  	_ = 	snop;
	(pc) =	sbr.ind lr, $3  }
0x3a: {  	_ = 	snop  }
0x3b: {  	_ = 	snop  }
0x3c: {  	p2 =	seq.s32 s10, $0x1;
	s10 =	sld [smem:$0x3FB3]  }
0x3d: {  	_ =	shalt  }
0x3e: {  	_ =	shalt  }
0x3f: {  	_ =	shalt  }
0x40: {  	_ =	shalt  }
0x41: {  	_ =	shalt  }
0x42: {  	_ =	shalt  }
0x43: {  	_ =	shalt  }
0x44: {  	_ =	shalt  }
0x45: {  	_ =	shalt  }
0x46: {  	_ =	shalt  }
0x47: {  	_ =	shalt  }
0x48: {  	_ =	shalt  }
0x49: {  	_ =	shalt  }
0x4a: {  	_ =	shalt  }
0x4b: {  	_ =	shalt  }
0x4c: {  	_ =	shalt  }
0x4d: {  	_ =	shalt  }
0x4e: {  	_ =	shalt  }
0x4f: {  	_ =	shalt  }
0x50: {  	_ =	shalt  }
0x51: {  	_ =	shalt  }
0x52: {  	_ =	shalt  }
0x53: {  	_ =	shalt  }
0x54: {  	_ =	shalt  }
0x55: {  	_ =	shalt  }
0x56: {  	_ =	shalt  }
0x57: {  	_ =	shalt  }
0x58: {  	_ =	shalt  }
0x59: {  	_ =	shalt  }
0x5a: {  	_ =	shalt  }
0x5b: {  	_ =	shalt  }
0x5c: {  	_ =	shalt  }
0x5d: {  	_ =	shalt  }
0x5e: {  	_ =	shalt  }
0x5f: {  	_ =	shalt  }
0x60: {  	_ =	shalt  }
0x61: {  	_ =	shalt  }
0x62: {  	_ =	shalt  }
0x63: {  	_ =	shalt  }
0x64: {  	_ =	shalt  }
0x65: {  	_ =	shalt  }
0x66: {  	_ =	shalt  }
0x67: {  	_ =	shalt  }
0x68: {  	_ =	shalt  }
0x69: {  	_ =	shalt  }
0x6a: {  	_ =	shalt  }
0x6b: {  	_ =	shalt  }
0x6c: {  	_ =	shalt  }
0x6d: {  	_ =	shalt  }
0x6e: {  	_ =	shalt  }
0x6f: {  	_ =	shalt  }
0x70: {  	_ =	shalt  }
0x71: {  	_ =	shalt  }
0x72: {  	_ =	shalt  }
0x73: {  	_ =	shalt  }
0x74: {  	_ =	shalt  }
0x75: {  	_ =	shalt  }
0x76: {  	_ =	shalt  }
0x77: {  	_ =	shalt  }
0x78: {  	_ =	shalt  }
0x79: {  	_ =	shalt  }
0x7a: {  	_ =	shalt  }
0x7b: {  	_ =	shalt  }
0x7c: {  	_ =	shalt  }
0x7d: {  	_ =	shalt  }
0x7e: {  	_ =	shalt  }
0x7f: {  	_ =	shalt  }
0x80: {  	_ =	shalt  }
0x81: {  	_ =	shalt  }
0x82: {  	_ =	shalt  }
0x83: {  	_ =	shalt  }
0x84: {  	_ =	shalt  }
0x85: {  	_ =	shalt  }
0x86: {  	_ =	shalt  }
0x87: {  	_ =	shalt  }
.Lfunc_end0:
.L_simem_size_0:
called_computation.2_lowered:
.L_overlay_start_0:
0x88: {  	s2 =	sld [smem:$0x3FD9]  }
0x89: {  	s3 =	sld [smem:$0x3FFE];
	_ =	sdelay $0x1  }
0x8a: {  	s1 =	srdreg.scid  }
0x8b: {  	s0 =	sand.u32 $0x1, s1  }
0x8c: {  	s17 =	sshll.u32 s0, $0xA;
	s2 =	sadd.s32 s3, s2  }
0x8d: {  	s2 =	sadd.s32 s2, s17  }
0x8e: {  	[smem:$0x3FBF] =	sst s2  }
0x8f: {  	_ = 	snop  }
0x90: {  	s18 =	sld [smem:$0x3FC5]  }
0x91: {  	s4 =	sld [smem:$0x3FD0];
	(tm) =	ssettm $0x1  }
0x92: {  	s19 =	sld [smem:$0x3FFB];
	_ =	sdelay $0x3  }
0x93: {  	_ =	strace s19  }
0x94: {  	s2 =	sld [smem:$0x3FFC];
	_ =	sdelay $0x3  }
0x95: {  	_ =	strace s2  }
0x96: {  	s2 =	sld [smem:$0x3FFD];
	_ =	sdelay $0x3  }
0x97: {  	_ =	strace s2  }
0x98: {  	_ =	strace $0x8FFFFFFF  }
0x99: {  	s20 =	sld [smem:$0x3FDB];
	_ =	sdelay $0x1  }
0x9a: {  	s5 =	simm.s32 $_scs_section_size  }
0x9b: {  	s6 =	simm.s32 $_size__tile_overlayer_lowered;
	s7 =	simm.s32 $_tile_overlayer_lowered  }
0x9c: {  	s8 =	simm.s32 $0x1BFF;
	s21 =	sshll.u32 s7, $0x1;
	s5 =	sadd.s32 s5, s20  }
0x9d: {  	s22 =	simm.s32 $0x0;
	s6 =	sshll.u32 s6, $0x1;
	s7 =	sadd.s32 s21, s5  }
0x9e: {  	[timem:s22], [sflag:s8] =	dma.local [hbm:s7], s6  }
0x9f: {  	_ =	swait.ge [sflag:s8], s6  }
0xa0: {  	s6 =	ssub.s32 $0x0, s6;
	[sflag:s8] =	ssyncset.done $0x0  }
0xa1: {  	[sflag:s8] =	ssyncadd.s32 s6;
	_ =	sdelay $0x1  }
0xa2: {  	s23 =	simm.s32 $0x1B8B  }
0xa3: {  	_ =	swait.ge [sflag:s23], $0x1  }
0xa4: {  	[sflag:s23] =	ssyncset.done $0x0  }
0xa5: {  	[sflag:s23] =	ssyncadd.s32 $0xFFFFFFFF  }
0xa6: {  	s6 =	sld [smem:$0x0]  }
0xa7: {  	s7 =	sand.u32 $0xFFFFFFFE, s1  }
0xa8: {  	p0 =	sne.s32 s1, s7  }
0xa9: {  	s7 =	sshll.u32 @p0 s7, $0xE  }
0xaa: {  	s7 =	sadd.s32 @p0 $0x11B8D, s7;
	s8 =	sshll.u32 @p0 s6, $0x11  }
0xab: {  	s7 =	sor.u32 @p0 s8, s7  }
0xac: {  	[sflag:s7] =	ssyncadd.remote.s32 @p0 $0x1;
	_ =	sdelay $0x1  }
0xad: {  	s7 =	simm.s32 @p0 $0x1B8D  }
0xae: {  	_ =	swait.eq @p0 [sflag:s7], $0x1  }
0xaf: {  	[sflag:s7] =	ssyncadd.s32 @p0 $0xFFFFFFFF  }
0xb0: {  	s8 =	sshll.u32 @!p0 s1, $0xE  }
0xb1: {  	s8 =	sor.u32 @!p0 $0x4000, s8;
	s7 =	simm.s32 @!p0 $0x1B8D  }
0xb2: {  	s6 =	sshll.u32 @!p0 s6, $0x11;
	s8 =	sadd.s32 @!p0 $0x11B8D, s8;
	_ =	swait.eq @!p0 [sflag:s7], $0x1  }
0xb3: {  	s6 =	sor.u32 @!p0 s6, s8;
	[sflag:s7] =	ssyncadd.s32 @!p0 $0xFFFFFFFF  }
0xb4: {  	s25 =	simm.s32 $0x1B8E;
	s24 =	sld [smem:$0x3FFE];
	[sflag:s6] =	ssyncadd.remote.s32 @!p0 $0x1  }
0xb5: {  	s26 =	simm.s32 $execute0_lowered;
	[smem:$0x3FD2] =	sst s25  }
0xb6: {  	s7 =	sshll.u32 s26, $0x1;
	_ =	strace $0x8000004C;
	[dreg:$0x1] =	wrdreg $0xFFFFFFFF  }
0xb7: {  	s28 =	simm.s32 $_size_execute0_lowered;
	s5 =	sadd.s32 s5, s7;
	[dreg:$0x0] =	wrdreg $0x0  }
0xb8: {  	s7 =	sshll.u32 s28, $0x1;
	[dreg:$0x2] =	wrdreg s5  }
0xb9: {  	[dreg:$0x3] =	wrdreg s7  }
0xba: {  	[dreg:$0x4] =	wrdreg $0xC0  }
0xbb: {  	_ =	task [dreg:s22], $0x5FFFF  }
0xbc: {  	[dreg:$0x1] =	wrdreg $0xFFFFFFFF  }
0xbd: {  	[dreg:$0x0] =	wrdreg $0x60  }
0xbe: {  	[dreg:$0x2] =	wrdreg s24  }
0xbf: {  	[dreg:$0x3] =	wrdreg s18  }
0xc0: {  	[dreg:$0x4] =	wrdreg s4  }
0xc1: {  	[dreg:$0x5] =	wrdreg $0x99000  }
0xc2: {  	[dreg:$0x6] =	wrdreg $0xA  }
0xc3: {  	_ =	task.clear_ibuf [dreg:s22], $0x7FFFF;
	_ =	strace $0x9000004C  }
0xc4: {  	s29 =	simm.s32 $0xA;
	_ =	strace $0x8000004E  }
0xc5: {  	_ =	swait.ge [sflag:s29], $0x1  }
0xc6: {  	[sflag:s29] =	ssyncadd.s32 $0xFFFFFFFF  }
0xc7: {  	_ =	strace $0x9000004E  }
0xc8: {  	_ =	sfence  }
0xc9: {  	s30 =	sld [smem:$0x0];
	_ =	sdelay $0x2  }
0xca: {  	s31 =	sshll.u32 s1, $0xD;
	s1 =	sshrl.u32 s1, $0x2  }
0xcb: {  	s4 =	sand.u32 $0x4000, s31;
	s1 =	sadd.s32 s1, s30  }
0xcc: {  	s0 =	sor.u32 s4, s0;
	s1 =	sshll.u32 s1, $0x11  }
0xcd: {  	s0 =	sor.u32 s1, s0  }
0xce: {  	s0 =	sadd.s32 $0x8F2B, s0  }
0xcf: {  	[sflag:s0] =	ssyncadd.remote.s32 $0x1  }
0xd0: {  	_ =	sfence.sel $0xFFFF  }
0xd1: {  	[dreg:$0x0] =	wrdreg $0xFFFFFFFF;
	(pc) =	sbr.abs _section_cstart, $3  }
0xd2: {  	[dreg:$0x1] =	wrdreg $0xFFFFFFFF  }
0xd3: {  	_ =	task.clear_ibuf [dreg:s22], $0x2FFFF;
	_ =	strace $0x9FFFFFFF  }
0xd4: {  	(tm) =	ssettm $0x7FFFFFFF  }
0xd5: {  	_ =	shalt  }
tec
execute0_lowered:
.L_overlay_start_1:
0x0: {  	(tag) =	ssettag $0x1  }
0x1: {  	s0 =	rddreg [dreg:$0x0]  }
0x2: {  	s3 =	rddreg [dreg:$0x1]  }
0x3: {  	s6 =	rddreg [dreg:$0x2]  }
0x4: {  	s1 =	rddreg [dreg:$0x3];
	s16 =	stileid.u32  }
0x5: {  	s2 =	simm.s32 $0x0;
	s4 =	srdreg.scid;
	s8 =	smul.u32 $0x1400, s16  }
0x6: {  	[smem:$0x7FF] =	sst s2;
	s9 =	smul.u32 $0x280000, s16  }
0x7: {  	s7 =	sand.u32 $0x1, s4;
	s4 =	sadd.s32 $0x273C00, s0;
	s30 =	smul.u32 $0x280, s16  }
0x8: {  	p0 =	sne.s32 s16, $0x0;
	_ =	strace $0x8000004D;
	s5 =	ssub.s32 $0x2, s7  }
0x9: {  	s11 =	sshll.u32 s7, $0xB;
	s7 =	sshll.u32 s7, $0x8;
	s15 =	sshrl.u32 s5, $0x1  }
0xa: {  	s10 =	sshrl.u32 s8, $0x3;
	s12 =	sor.u32 s11, s9;
	s8 =	sor.u32 $0x80, s8  }
0xb: {  	s7 =	sadd.s32 s7, s6;
	s22 =	sor.u32 $0x400, s11;
	s0 =	ssub.s32 s5, s15  }
0xc: {  	s5 =	sadd.s32 $0x138000, s1;
	s10 =	sadd.s32 s3, s10;
	s17 =	sshrl.u32 s12, $0x3  }
0xd: {  	s13 =	sshll.u32 s8, $0x9;
	s8 =	sshrl.u32 s8, $0x3;
	s15 =	smul.u32 $0x4E000, s16  }
0xe: {  	s23 =	sadd.s32 $0x9C000, s7;
	s9 =	sor.u32 s9, s22;
	s26 =	sadd.s32 $0x9C080, s7  }
0xf: {  	s29 =	sor.u32 $0x30000, s12;
	s16 =	simm.s32 $0x80;
	[dreg:$0x5] =	wrdreg s10  }
0x10: {  	s14 =	sor.u32 s11, s13;
	s10 =	sadd.s32 s4, s17;
	[dreg:$0xa] =	wrdreg s23  }
0x11: {  	s8 =	sadd.s32 s3, s8;
	s24 =	sor.u32 s22, s13;
	[dreg:$0xe] =	wrdreg s26  }
0x12: {  	s9 =	sshrl.u32 s9, $0x3;
	s0 =	smax.u32 s0, $0x1;
	[dreg:$0x6] =	wrdreg s10  }
0x13: {  	[dreg:$0x7] =	wrdreg s8;
	s18 =	sshrl.u32 s14, $0x3;
	s19 =	sshrl.u32 s15, $0x2  }
0x14: {  	s20 =	sor.u32 s11, s15;
	s11 =	sshrl.u32 s24, $0x3;
	s9 =	sadd.s32 s4, s9  }
0x15: {  	[dreg:$0xf] =	wrdreg s0;
	s0 =	sshrl.u32 s29, $0x3;
	s14 =	sor.u32 $0x20400, s12  }
0x16: {  	s8 =	sadd.s32 s4, s18;
	s10 =	sadd.s32 s19, s1;
	s21 =	sshrl.u32 s20, $0x3  }
0x17: {  	[dreg:$0xb] =	wrdreg s9;
	s25 =	sadd.s32 s4, s11;
	s9 =	sadd.s32 s30, s3  }
0x18: {  	s11 =	sor.u32 $0x30400, s12;
	s17 =	sshrl.u32 s14, $0x3;
	[dreg:$0x8] =	wrdreg s8  }
0x19: {  	s14 =	simm.s32 $0x1000;
	s8 =	sadd.s32 s6, s21;
	[dreg:$0xc] =	wrdreg s25  }
0x1a: {  	s28 =	sadd.s32 $0x1800, s10;
	s31 =	sadd.s32 $0x3000, s10;
	[dreg:$0x9] =	wrdreg s8  }
0x1b: {  	s21 =	sadd.s32 s0, s4;
	s13 =	sshrl.u32 s11, $0x3;
	[dreg:$0x10] =	wrdreg s28  }
0x1c: {  	s25 =	sadd.s32 s17, s4;
	s18 =	sadd.s32 $0x6000, s10;
	[dreg:$0x11] =	wrdreg s31  }
0x1d: {  	s19 =	sadd.s32 $0x7800, s10;
	s20 =	sadd.s32 $0x9000, s10;
	[dreg:$0x14] =	wrdreg s18  }
0x1e: {  	s23 =	sadd.s32 $0xA800, s10;
	s26 =	sadd.s32 $0xC000, s10;
	[dreg:$0x15] =	wrdreg s19  }
0x1f: {  	s29 =	sadd.s32 $0xF000, s10;
	s30 =	sadd.s32 $0x10800, s10;
	[dreg:$0x16] =	wrdreg s20  }
0x20: {  	s11 =	simm.s32 $0x8100;
	s17 =	simm.s32 $0x4100;
	[dreg:$0x17] =	wrdreg s23  }
0x21: {  	s8 =	sor.u32 s15, s22;
	s22 =	sadd.s32 $0x30, s9;
	[dreg:$0x18] =	wrdreg s26  }
0x22: {  	s15 =	sor.u32 $0x20000, s12;
	s24 =	sadd.s32 s13, s4;
	[dreg:$0x1a] =	wrdreg s29  }
0x23: {  	s28 =	sadd.s32 $0xD800, s10;
	[dreg:$0x1b] =	wrdreg s30;
	s31 =	sadd.s32 $0x12000, s10  }
0x24: {  	s12 =	simm.s32 $0x7;
	s13 =	simm.s32 $0x400;
	s18 =	simm.s32 $0x5  }
0x25: {  	s19 =	simm.s32 $0x2;
	s20 =	simm.s32 $0x4;
	[dreg:$0x13] =	wrdreg s15  }
0x26: {  	s23 =	simm.s32 $0x6;
	s8 =	sshrl.u32 s8, $0x3;
	[dreg:$0x19] =	wrdreg s28  }
0x27: {  	s26 =	simm.s32 $0x0;
	[dreg:$0x1c] =	wrdreg s31;
	s6 =	sadd.s32 s6, s8  }
0x28: {  	s15 =	simm.s32 $0x100;
	s8 =	sadd.s32 $0x4800, s10;
	[dreg:$0xd] =	wrdreg s6  }
0x29: {  	v0 =	vimm.f32 $0.0e+00;
	[dreg:$0x12] =	wrdreg s8;
	s6 =	simm.s32 $0x1;
	s8 =	simm.s32 $0x3  }
.LBB2_1:
0x2a: {  	s0 =	simm.s32 $0x70;
	s28 =	simm.s32 $0x3C0  }
.LBB2_2:
0x2b: {  	p1 =	sne.s32 s28, $0x5FC0;
	[tilespmem:s0+$0x8100] =	vst v0  }
0x2c: {  	[tilespmem:s0+$0x8090] =	vst v0  }
0x2d: {  	[tilespmem:s0+$0x80A0] =	vst v0  }
.Ltmp0:
0x2e: {  	[tilespmem:s0+$0x80B0] =	vst v0;
	(pc) =	sbr.rel @p1 .LBB2_2-.Ltmp0, $4  }
0x2f: {  	[tilespmem:s0+$0x80C0] =	vst v0  }
0x30: {  	[tilespmem:s0+$0x80D0] =	vst v0  }
0x31: {  	[tilespmem:s0+$0x80E0] =	vst v0  }
0x32: {  	[tilespmem:s0+$0x80F0] =	vst v0;
	s0 =	sshra.s32 s28, $0x2;
	s28 =	sadd.s32 $0x200, s28  }
0x33: {  	[tilespmem:s0+$0x8100] =	vst v0  }
0x34: {  	[tilespmem:s0+$0x8090] =	vst v0  }
0x35: {  	[tilespmem:s0+$0x80A0] =	vst v0  }
0x36: {  	[tilespmem:s0+$0x80B0] =	vst v0  }
0x37: {  	[tilespmem:s0+$0x80C0] =	vst v0  }
0x38: {  	[tilespmem:s0+$0x80D0] =	vst v0  }
0x39: {  	[tilespmem:s0+$0x80E0] =	vst v0  }
0x3a: {  	[tilespmem:s0+$0x80F0] =	vst v0  }
0x3b: {  	[spmem:s10] =	stream.linear.scatter [tilespmem:s11], [sflag:$0x7], $0x1800, $0x38;
	[tilespmem:$0x1D180] =	vst v63  }
0x3c: {  	_ =	swait.ge [sflag:s12], $0x1800  }
0x3d: {  	[sflag:s12] =	ssyncset.done $0x0  }
0x3e: {  	s7 =	rddreg [dreg:$0x10];
	[sflag:s12] =	ssyncadd.s32 $0xFFFFE800  }
0x3f: {  	[spmem:s7] =	stream.linear.scatter [tilespmem:s11], [sflag:$0x7], $0x1800, $0x38;
	[tilespmem:$0x1D180] =	vst v63  }
0x40: {  	_ =	swait.ge [sflag:s12], $0x1800  }
0x41: {  	[sflag:s12] =	ssyncset.done $0x0  }
0x42: {  	s9 =	rddreg [dreg:$0x11];
	[sflag:s12] =	ssyncadd.s32 $0xFFFFE800  }
0x43: {  	[spmem:s9] =	stream.linear.scatter [tilespmem:s11], [sflag:$0x7], $0x1800, $0x38;
	[tilespmem:$0x1D180] =	vst v63  }
0x44: {  	_ =	swait.ge [sflag:s12], $0x1800  }
0x45: {  	[sflag:s12] =	ssyncset.done $0x0  }
0x46: {  	s3 =	rddreg [dreg:$0x12];
	[sflag:s12] =	ssyncadd.s32 $0xFFFFE800  }
0x47: {  	[spmem:s3] =	stream.linear.scatter [tilespmem:s11], [sflag:$0x7], $0x1800, $0x38;
	[tilespmem:$0x1D180] =	vst v63  }
0x48: {  	_ =	swait.ge [sflag:s12], $0x1800  }
0x49: {  	[sflag:s12] =	ssyncset.done $0x0  }
0x4a: {  	s7 =	rddreg [dreg:$0x14];
	[sflag:s12] =	ssyncadd.s32 $0xFFFFE800  }
0x4b: {  	[spmem:s7] =	stream.linear.scatter [tilespmem:s11], [sflag:$0x7], $0x1800, $0x38;
	[tilespmem:$0x1D180] =	vst v63  }
0x4c: {  	_ =	swait.ge [sflag:s12], $0x1800  }
0x4d: {  	[sflag:s12] =	ssyncset.done $0x0  }
0x4e: {  	s9 =	rddreg [dreg:$0x15];
	[sflag:s12] =	ssyncadd.s32 $0xFFFFE800  }
0x4f: {  	[spmem:s9] =	stream.linear.scatter [tilespmem:s11], [sflag:$0x7], $0x1800, $0x38;
	[tilespmem:$0x1D180] =	vst v63  }
0x50: {  	_ =	swait.ge [sflag:s12], $0x1800  }
0x51: {  	[sflag:s12] =	ssyncset.done $0x0  }
0x52: {  	s3 =	rddreg [dreg:$0x16];
	[sflag:s12] =	ssyncadd.s32 $0xFFFFE800  }
0x53: {  	[spmem:s3] =	stream.linear.scatter [tilespmem:s11], [sflag:$0x7], $0x1800, $0x38;
	[tilespmem:$0x1D180] =	vst v63  }
0x54: {  	_ =	swait.ge [sflag:s12], $0x1800  }
0x55: {  	[sflag:s12] =	ssyncset.done $0x0  }
0x56: {  	s7 =	rddreg [dreg:$0x17];
	[sflag:s12] =	ssyncadd.s32 $0xFFFFE800  }
0x57: {  	[spmem:s7] =	stream.linear.scatter [tilespmem:s11], [sflag:$0x7], $0x1800, $0x38;
	[tilespmem:$0x1D180] =	vst v63  }
0x58: {  	_ =	swait.ge [sflag:s12], $0x1800  }
0x59: {  	[sflag:s12] =	ssyncset.done $0x0  }
0x5a: {  	s9 =	rddreg [dreg:$0x18];
	[sflag:s12] =	ssyncadd.s32 $0xFFFFE800  }
0x5b: {  	[spmem:s9] =	stream.linear.scatter [tilespmem:s11], [sflag:$0x7], $0x1800, $0x38;
	[tilespmem:$0x1D180] =	vst v63  }
0x5c: {  	_ =	swait.ge [sflag:s12], $0x1800  }
0x5d: {  	[sflag:s12] =	ssyncset.done $0x0  }
0x5e: {  	s3 =	rddreg [dreg:$0x19];
	[sflag:s12] =	ssyncadd.s32 $0xFFFFE800  }
0x5f: {  	[spmem:s3] =	stream.linear.scatter [tilespmem:s11], [sflag:$0x7], $0x1800, $0x38;
	[tilespmem:$0x1D180] =	vst v63  }
0x60: {  	_ =	swait.ge [sflag:s12], $0x1800  }
0x61: {  	[sflag:s12] =	ssyncset.done $0x0  }
0x62: {  	s7 =	rddreg [dreg:$0x1a];
	[sflag:s12] =	ssyncadd.s32 $0xFFFFE800  }
0x63: {  	[spmem:s7] =	stream.linear.scatter [tilespmem:s11], [sflag:$0x7], $0x1800, $0x38;
	[tilespmem:$0x1D180] =	vst v63  }
0x64: {  	_ =	swait.ge [sflag:s12], $0x1800  }
0x65: {  	[sflag:s12] =	ssyncset.done $0x0  }
0x66: {  	s9 =	rddreg [dreg:$0x1b];
	[sflag:s12] =	ssyncadd.s32 $0xFFFFE800  }
0x67: {  	[spmem:s9] =	stream.linear.scatter [tilespmem:s11], [sflag:$0x7], $0x1800, $0x38;
	[tilespmem:$0x1D180] =	vst v63  }
0x68: {  	_ =	swait.ge [sflag:s12], $0x1800  }
0x69: {  	[sflag:s12] =	ssyncset.done $0x0  }
0x6a: {  	s3 =	rddreg [dreg:$0x1c];
	[sflag:s12] =	ssyncadd.s32 $0xFFFFE800  }
0x6b: {  	[spmem:s3] =	stream.linear.scatter [tilespmem:s11], [sflag:$0x7], $0x1800, $0x38;
	[tilespmem:$0x1D180] =	vst v63  }
0x6c: {  	_ =	swait.ge [sflag:s12], $0x1800  }
0x6d: {  	[sflag:s12] =	ssyncset.done $0x0  }
0x6e: {  	s0 =	simm.s32 @!p0 $0x8100;
	[sflag:s12] =	ssyncadd.s32 $0xFFFFE800  }
0x6f: {  	[spmem:s5] =	stream.linear.scatter @!p0 [tilespmem:s0], [sflag:$0x7], $0x800, $0x38;
	[tilespmem:$0x1D180] =	vst v63  }
0x70: {  	s0 =	simm.s32 @!p0 $0x7  }
0x71: {  	_ =	swait.ge @!p0 [sflag:s0], $0x800  }
0x72: {  	[sflag:s0] =	ssyncset.done @!p0 $0x0  }
0x73: {  	[sflag:s0] =	ssyncadd.s32 @!p0 $0xFFFFF800  }
0x74: {  	[bflag:$0x0] =	sbarrier.arrive $0xFFFF  }
0x75: {  	s0 =	simm.s32 $0x0;
	s3 =	rddreg [dreg:$0x5]  }
0x76: {  	[tilespmem:s0], [sflag:$0x1] =	stream.linear.gather [hbm4b:s3+s0], $0x80, $0x38;
	[tilespmem:$0x1D180] =	vst v63  }
0x77: {  	s7 =	rddreg [dreg:$0x6]  }
0x78: {  	[tilespmem:s15], [sflag:$0x3] =	stream.strided.gather [hbm4b:s7+s13], $0x4000, s14, s13, $0x38;
	[tilespmem:$0x1D180] =	vst v63  }
0x79: {  	s9 =	rddreg [dreg:$0x7]  }
0x7a: {  	[tilespmem:s16], [sflag:$0x2] =	stream.linear.gather [hbm4b:s9+s0], $0x80, $0x38;
	[tilespmem:$0x1D180] =	vst v63  }
0x7b: {  	s3 =	rddreg [dreg:$0x8]  }
0x7c: {  	[tilespmem:s17], [sflag:$0x4] =	stream.strided.gather [hbm4b:s3+s13], $0x4000, s14, s13, $0x38;
	[tilespmem:$0x1D180] =	vst v63  }
0x7d: {  	_ =	swait.ge [sflag:s6], $0x80  }
0x7e: {  	[sflag:s6] =	ssyncset.done $0x0  }
0x7f: {  	[sflag:s6] =	ssyncadd.s32 $0xFFFFFF80  }
0x80: {  	_ =	swait.ge [sflag:s8], $0x4000  }
0x81: {  	[sflag:s8] =	ssyncset.done $0x0  }
0x82: {  	[sflag:s8] =	ssyncadd.s32 $0xFFFFC000  }
0x83: {  	[spmem:s1] =	stream.indirect.scatter.add.f32 [tilespmem:s15], [sflag:$0x5], $0x80, s2, s16, $0xb8;
	[tilespmem:$0x1D180] =	vst v63  }
0x84: {  	_ =	swait.ge [sflag:s18], $0x4000  }
0x85: {  	[sflag:s18] =	ssyncset.done $0x0;
	s7 =	rddreg [dreg:$0x13]  }
0x86: {  	s29 =	sadd.s32 $0xFFFFFFF0, s22;
	[sflag:s18] =	ssyncadd.s32 $0xFFFFC000;
	s9 =	sshrl.u32 s7, $0x3  }
0x87: {  	[tilespmem:s2], [sflag:$0x1] =	stream.linear.gather [hbm4b:s29+s2], $0x80, $0x38;
	[tilespmem:$0x1D180] =	vst v63  }
0x88: {  	s0 =	sadd.s32 s4, s9  }
0x89: {  	[tilespmem:s15], [sflag:$0x3] =	stream.strided.gather [hbm4b:s0+s13], $0x4000, s14, s13, $0x38;
	[tilespmem:$0x1D180] =	vst v63  }
0x8a: {  	_ =	swait.ge [sflag:s19], $0x80  }
0x8b: {  	[sflag:s19] =	ssyncset.done $0x0  }
0x8c: {  	[sflag:s19] =	ssyncadd.s32 $0xFFFFFF80  }
0x8d: {  	_ =	swait.ge [sflag:s20], $0x4000  }
0x8e: {  	[sflag:s20] =	ssyncset.done $0x0  }
0x8f: {  	[sflag:s20] =	ssyncadd.s32 $0xFFFFC000  }
0x90: {  	[spmem:s1] =	stream.indirect.scatter.add.f32 [tilespmem:s17], [sflag:$0x6], $0x80, s16, s16, $0xb8;
	[tilespmem:$0x1D180] =	vst v63  }
0x91: {  	_ =	swait.ge [sflag:s23], $0x4000  }
0x92: {  	s28 =	simm.s32 $0x4000;
	s30 =	sadd.s32 $0x20, s22;
	[sflag:s23] =	ssyncset.done $0x0  }
0x93: {  	s31 =	sadd.s32 $0x20000, s7;
	s0 =	sadd.s32 $0x0, s21;
	[sflag:s23] =	ssyncadd.s32 $0xFFFFC000  }
0x94: {  	[tilespmem:s16], [sflag:$0x2] =	stream.linear.gather [hbm4b:s22+s2], $0x80, $0x38;
	[tilespmem:$0x1D180] =	vst v63  }
.LBB2_4:
0x95: {  	[tilespmem:s17], [sflag:$0x4] =	stream.strided.gather [hbm4b:s0+s13], $0x4000, s14, s13, $0x38;
	[tilespmem:$0x1D180] =	vst v63  }
0x96: {  	s0 =	smov.u32 s28  }
0x97: {  	p1 =	sne.s32 s28, $0x48000;
	s28 =	sadd.s32 $0x4000, s28;
	_ =	swait.ge [sflag:s6], $0x80  }
0x98: {  	[sflag:s6] =	ssyncset.done $0x0  }
0x99: {  	[sflag:s6] =	ssyncadd.s32 $0xFFFFFF80  }
0x9a: {  	_ =	swait.ge [sflag:s8], $0x4000  }
0x9b: {  	[sflag:s8] =	ssyncset.done $0x0  }
0x9c: {  	[sflag:s8] =	ssyncadd.s32 $0xFFFFC000  }
0x9d: {  	[spmem:s1] =	stream.indirect.scatter.add.f32 [tilespmem:s15], [sflag:$0x5], $0x80, s2, s16, $0xb8;
	[tilespmem:$0x1D180] =	vst v63  }
0x9e: {  	_ =	swait.ge [sflag:s18], $0x4000  }
0x9f: {  	[sflag:s18] =	ssyncset.done $0x0  }
0xa0: {  	s3 =	sadd.s32 $0xFFFFFFF0, s30;
	s7 =	sshrl.u32 s31, $0x3;
	[sflag:s18] =	ssyncadd.s32 $0xFFFFC000  }
0xa1: {  	[tilespmem:s2], [sflag:$0x1] =	stream.linear.gather [hbm4b:s3+s2], $0x80, $0x38;
	[tilespmem:$0x1D180] =	vst v63  }
0xa2: {  	s3 =	sadd.s32 s4, s7  }
0xa3: {  	[tilespmem:s15], [sflag:$0x3] =	stream.strided.gather [hbm4b:s3+s13], $0x4000, s14, s13, $0x38;
	[tilespmem:$0x1D180] =	vst v63  }
0xa4: {  	_ =	swait.ge [sflag:s19], $0x80  }
0xa5: {  	[sflag:s19] =	ssyncset.done $0x0  }
0xa6: {  	[sflag:s19] =	ssyncadd.s32 $0xFFFFFF80  }
0xa7: {  	_ =	swait.ge [sflag:s20], $0x4000  }
0xa8: {  	[sflag:s20] =	ssyncset.done $0x0  }
0xa9: {  	[sflag:s20] =	ssyncadd.s32 $0xFFFFC000  }
0xaa: {  	[spmem:s1] =	stream.indirect.scatter.add.f32 [tilespmem:s17], [sflag:$0x6], $0x80, s16, s16, $0xb8;
	[tilespmem:$0x1D180] =	vst v63  }
.Ltmp1:
0xab: {  	_ =	swait.ge [sflag:s23], $0x4000;
	(pc) =	sbr.rel @p1 .LBB2_4-.Ltmp1, $4  }
0xac: {  	[sflag:s23] =	ssyncset.done $0x0  }
0xad: {  	[sflag:s23] =	ssyncadd.s32 $0xFFFFC000  }
0xae: {  	[tilespmem:s16], [sflag:$0x2] =	stream.linear.gather [hbm4b:s30+s2], $0x80, $0x38;
	[tilespmem:$0x1D180] =	vst v63  }
0xaf: {  	s31 =	sadd.s32 $0x20000, s31;
	s0 =	sadd.s32 s0, s21;
	s30 =	sadd.s32 $0x20, s30  }
0xb0: {  	[tilespmem:s17], [sflag:$0x4] =	stream.strided.gather [hbm4b:s0+s13], $0x4000, s14, s13, $0x38;
	[tilespmem:$0x1D180] =	vst v63  }
0xb1: {  	_ =	swait.ge [sflag:s6], $0x80  }
0xb2: {  	[sflag:s6] =	ssyncset.done $0x0  }
0xb3: {  	[sflag:s6] =	ssyncadd.s32 $0xFFFFFF80  }
0xb4: {  	_ =	swait.ge [sflag:s8], $0x4000  }
0xb5: {  	[sflag:s8] =	ssyncset.done $0x0  }
0xb6: {  	[sflag:s8] =	ssyncadd.s32 $0xFFFFC000  }
0xb7: {  	[spmem:s1] =	stream.indirect.scatter.add.f32 [tilespmem:s15], [sflag:$0x5], $0x80, s2, s16, $0xb8;
	[tilespmem:$0x1D180] =	vst v63  }
0xb8: {  	_ =	swait.ge [sflag:s19], $0x80  }
0xb9: {  	[sflag:s19] =	ssyncset.done $0x0  }
0xba: {  	[sflag:s19] =	ssyncadd.s32 $0xFFFFFF80  }
0xbb: {  	_ =	swait.ge [sflag:s20], $0x4000  }
0xbc: {  	[sflag:s20] =	ssyncset.done $0x0  }
0xbd: {  	[sflag:s20] =	ssyncadd.s32 $0xFFFFC000  }
0xbe: {  	[spmem:s1] =	stream.indirect.scatter.add.f32 [tilespmem:s17], [sflag:$0x6], $0x80, s16, s16, $0xb8;
	[tilespmem:$0x1D180] =	vst v63  }
0xbf: {  	_ =	swait.ge [sflag:s18], $0x4000  }
0xc0: {  	[sflag:s18] =	ssyncset.done $0x0  }
0xc1: {  	[sflag:s18] =	ssyncadd.s32 $0xFFFFC000  }
0xc2: {  	_ =	swait.ge [sflag:s23], $0x4000  }
0xc3: {  	[sflag:s23] =	ssyncset.done $0x0  }
0xc4: {  	s7 =	stileid.u32;
	s31 =	sshrl.u32 s10, $0x3;
	[sflag:s23] =	ssyncadd.s32 $0xFFFFC000  }
0xc5: {  	s3 =	simm.s32 $0x8;
	s0 =	sshll.u32 s7, $0x6;
	[bflag:$0x0] =	sbarrier.arrive $0xFFFF  }
0xc6: {  	s7 =	simm.s32 $0x200;
	s28 =	sor.u32 $0x1C07, s0;
	s9 =	rddreg [dreg:$0x9]  }
0xc7: {  	[hbm:s9@s7], [sflag:s28] =	dma.strided [spmem:s31@s16], $0x2700, s3, $0x10   }
0xc8: {  	s30 =	sshrl.u32 @!p0 s5, $0x3;
	_ =	swait.ge [sflag:s12], $0x2700  }
0xc9: {  	s0 =	simm.s32 @!p0 $0x8;
	s3 =	simm.s32 @!p0 $0x200;
	[sflag:s12] =	ssyncset.done $0x0  }
0xca: {  	s7 =	simm.s32 @!p0 $0x80;
	s9 =	rddreg [dreg:$0xa];
	[sflag:s12] =	ssyncadd.s32 $0xFFFFD900  }
0xcb: {  	[hbm:s9@s3], [sflag:s28] =	dma.strided @!p0 [spmem:s30@s7], $0x100, s0, $0x10   }
0xcc: {  	s0 =	simm.s32 @!p0 $0x7  }
0xcd: {  	_ =	swait.ge @!p0 [sflag:s0], $0x100  }
0xce: {  	[sflag:s0] =	ssyncset.done @!p0 $0x0  }
0xcf: {  	[sflag:s0] =	ssyncadd.s32 @!p0 $0xFFFFFF00  }
0xd0: {  	[spmem:s10] =	stream.linear.scatter [tilespmem:s11], [sflag:$0x7], $0x1800, $0x38;
	[tilespmem:$0x1D180] =	vst v63  }
0xd1: {  	_ =	swait.ge [sflag:s12], $0x1800  }
0xd2: {  	[sflag:s12] =	ssyncset.done $0x0  }
0xd3: {  	s9 =	rddreg [dreg:$0x10];
	[sflag:s12] =	ssyncadd.s32 $0xFFFFE800  }
0xd4: {  	[spmem:s9] =	stream.linear.scatter [tilespmem:s11], [sflag:$0x7], $0x1800, $0x38;
	[tilespmem:$0x1D180] =	vst v63  }
0xd5: {  	_ =	swait.ge [sflag:s12], $0x1800  }
0xd6: {  	[sflag:s12] =	ssyncset.done $0x0  }
0xd7: {  	s7 =	rddreg [dreg:$0x11];
	[sflag:s12] =	ssyncadd.s32 $0xFFFFE800  }
0xd8: {  	[spmem:s7] =	stream.linear.scatter [tilespmem:s11], [sflag:$0x7], $0x1800, $0x38;
	[tilespmem:$0x1D180] =	vst v63  }
0xd9: {  	_ =	swait.ge [sflag:s12], $0x1800  }
0xda: {  	[sflag:s12] =	ssyncset.done $0x0  }
0xdb: {  	s9 =	rddreg [dreg:$0x12];
	[sflag:s12] =	ssyncadd.s32 $0xFFFFE800  }
0xdc: {  	[spmem:s9] =	stream.linear.scatter [tilespmem:s11], [sflag:$0x7], $0x1800, $0x38;
	[tilespmem:$0x1D180] =	vst v63  }
0xdd: {  	_ =	swait.ge [sflag:s12], $0x1800  }
0xde: {  	[sflag:s12] =	ssyncset.done $0x0  }
0xdf: {  	s7 =	rddreg [dreg:$0x14];
	[sflag:s12] =	ssyncadd.s32 $0xFFFFE800  }
0xe0: {  	[spmem:s7] =	stream.linear.scatter [tilespmem:s11], [sflag:$0x7], $0x1800, $0x38;
	[tilespmem:$0x1D180] =	vst v63  }
0xe1: {  	_ =	swait.ge [sflag:s12], $0x1800  }
0xe2: {  	[sflag:s12] =	ssyncset.done $0x0  }
0xe3: {  	s9 =	rddreg [dreg:$0x15];
	[sflag:s12] =	ssyncadd.s32 $0xFFFFE800  }
0xe4: {  	[spmem:s9] =	stream.linear.scatter [tilespmem:s11], [sflag:$0x7], $0x1800, $0x38;
	[tilespmem:$0x1D180] =	vst v63  }
0xe5: {  	_ =	swait.ge [sflag:s12], $0x1800  }
0xe6: {  	[sflag:s12] =	ssyncset.done $0x0  }
0xe7: {  	s7 =	rddreg [dreg:$0x16];
	[sflag:s12] =	ssyncadd.s32 $0xFFFFE800  }
0xe8: {  	[spmem:s7] =	stream.linear.scatter [tilespmem:s11], [sflag:$0x7], $0x1800, $0x38;
	[tilespmem:$0x1D180] =	vst v63  }
0xe9: {  	_ =	swait.ge [sflag:s12], $0x1800  }
0xea: {  	[sflag:s12] =	ssyncset.done $0x0  }
0xeb: {  	s9 =	rddreg [dreg:$0x17];
	[sflag:s12] =	ssyncadd.s32 $0xFFFFE800  }
0xec: {  	[spmem:s9] =	stream.linear.scatter [tilespmem:s11], [sflag:$0x7], $0x1800, $0x38;
	[tilespmem:$0x1D180] =	vst v63  }
0xed: {  	_ =	swait.ge [sflag:s12], $0x1800  }
0xee: {  	[sflag:s12] =	ssyncset.done $0x0  }
0xef: {  	s7 =	rddreg [dreg:$0x18];
	[sflag:s12] =	ssyncadd.s32 $0xFFFFE800  }
0xf0: {  	[spmem:s7] =	stream.linear.scatter [tilespmem:s11], [sflag:$0x7], $0x1800, $0x38;
	[tilespmem:$0x1D180] =	vst v63  }
0xf1: {  	_ =	swait.ge [sflag:s12], $0x1800  }
0xf2: {  	[sflag:s12] =	ssyncset.done $0x0  }
0xf3: {  	s9 =	rddreg [dreg:$0x19];
	[sflag:s12] =	ssyncadd.s32 $0xFFFFE800  }
0xf4: {  	[spmem:s9] =	stream.linear.scatter [tilespmem:s11], [sflag:$0x7], $0x1800, $0x38;
	[tilespmem:$0x1D180] =	vst v63  }
0xf5: {  	_ =	swait.ge [sflag:s12], $0x1800  }
0xf6: {  	[sflag:s12] =	ssyncset.done $0x0  }
0xf7: {  	s7 =	rddreg [dreg:$0x1a];
	[sflag:s12] =	ssyncadd.s32 $0xFFFFE800  }
0xf8: {  	[spmem:s7] =	stream.linear.scatter [tilespmem:s11], [sflag:$0x7], $0x1800, $0x38;
	[tilespmem:$0x1D180] =	vst v63  }
0xf9: {  	_ =	swait.ge [sflag:s12], $0x1800  }
0xfa: {  	[sflag:s12] =	ssyncset.done $0x0  }
0xfb: {  	s9 =	rddreg [dreg:$0x1b];
	[sflag:s12] =	ssyncadd.s32 $0xFFFFE800  }
0xfc: {  	[spmem:s9] =	stream.linear.scatter [tilespmem:s11], [sflag:$0x7], $0x1800, $0x38;
	[tilespmem:$0x1D180] =	vst v63  }
0xfd: {  	_ =	swait.ge [sflag:s12], $0x1800  }
0xfe: {  	[sflag:s12] =	ssyncset.done $0x0  }
0xff: {  	s7 =	rddreg [dreg:$0x1c];
	[sflag:s12] =	ssyncadd.s32 $0xFFFFE800  }
0x100: {  	[spmem:s7] =	stream.linear.scatter [tilespmem:s11], [sflag:$0x7], $0x1800, $0x38;
	[tilespmem:$0x1D180] =	vst v63  }
0x101: {  	_ =	swait.ge [sflag:s12], $0x1800  }
0x102: {  	[sflag:s12] =	ssyncset.done $0x0  }
0x103: {  	s3 =	simm.s32 @!p0 $0x8100;
	[sflag:s12] =	ssyncadd.s32 $0xFFFFE800  }
0x104: {  	[spmem:s5] =	stream.linear.scatter @!p0 [tilespmem:s3], [sflag:$0x7], $0x800, $0x38;
	[tilespmem:$0x1D180] =	vst v63  }
0x105: {  	_ =	swait.ge @!p0 [sflag:s0], $0x800  }
0x106: {  	[sflag:s0] =	ssyncset.done @!p0 $0x0  }
0x107: {  	[sflag:s0] =	ssyncadd.s32 @!p0 $0xFFFFF800  }
0x108: {  	[bflag:$0x0] =	sbarrier.arrive $0xFFFF  }
0x109: {  	s0 =	simm.s32 $0x0;
	s9 =	rddreg [dreg:$0x5]  }
0x10a: {  	[tilespmem:s0], [sflag:$0x1] =	stream.linear.gather [hbm4b:s9+s0], $0x80, $0x38;
	[tilespmem:$0x1D180] =	vst v63  }
0x10b: {  	s7 =	rddreg [dreg:$0xb]  }
0x10c: {  	[tilespmem:s15], [sflag:$0x3] =	stream.strided.gather [hbm4b:s7+s13], $0x4000, s14, s13, $0x38;
	[tilespmem:$0x1D180] =	vst v63  }
0x10d: {  	s9 =	rddreg [dreg:$0x7]  }
0x10e: {  	[tilespmem:s16], [sflag:$0x2] =	stream.linear.gather [hbm4b:s9+s0], $0x80, $0x38;
	[tilespmem:$0x1D180] =	vst v63  }
0x10f: {  	s7 =	rddreg [dreg:$0xc]  }
0x110: {  	[tilespmem:s17], [sflag:$0x4] =	stream.strided.gather [hbm4b:s7+s13], $0x4000, s14, s13, $0x38;
	[tilespmem:$0x1D180] =	vst v63  }
0x111: {  	_ =	swait.ge [sflag:s6], $0x80  }
0x112: {  	[sflag:s6] =	ssyncset.done $0x0  }
0x113: {  	[sflag:s6] =	ssyncadd.s32 $0xFFFFFF80  }
0x114: {  	_ =	swait.ge [sflag:s8], $0x4000  }
0x115: {  	[sflag:s8] =	ssyncset.done $0x0  }
0x116: {  	[sflag:s8] =	ssyncadd.s32 $0xFFFFC000  }
0x117: {  	[spmem:s1] =	stream.indirect.scatter.add.f32 [tilespmem:s15], [sflag:$0x5], $0x80, s2, s16, $0xb8;
	[tilespmem:$0x1D180] =	vst v63  }
0x118: {  	_ =	swait.ge [sflag:s18], $0x4000  }
0x119: {  	[sflag:s18] =	ssyncset.done $0x0  }
0x11a: {  	[sflag:s18] =	ssyncadd.s32 $0xFFFFC000  }
0x11b: {  	[tilespmem:s2], [sflag:$0x1] =	stream.linear.gather [hbm4b:s29+s2], $0x80, $0x38;
	[tilespmem:$0x1D180] =	vst v63  }
0x11c: {  	s9 =	sadd.s32 $0x0, s25  }
0x11d: {  	[tilespmem:s15], [sflag:$0x3] =	stream.strided.gather [hbm4b:s9+s13], $0x4000, s14, s13, $0x38;
	[tilespmem:$0x1D180] =	vst v63  }
0x11e: {  	_ =	swait.ge [sflag:s19], $0x80  }
0x11f: {  	[sflag:s19] =	ssyncset.done $0x0  }
0x120: {  	[sflag:s19] =	ssyncadd.s32 $0xFFFFFF80  }
0x121: {  	_ =	swait.ge [sflag:s20], $0x4000  }
0x122: {  	[sflag:s20] =	ssyncset.done $0x0  }
0x123: {  	[sflag:s20] =	ssyncadd.s32 $0xFFFFC000  }
0x124: {  	[spmem:s1] =	stream.indirect.scatter.add.f32 [tilespmem:s17], [sflag:$0x6], $0x80, s16, s16, $0xb8;
	[tilespmem:$0x1D180] =	vst v63  }
0x125: {  	_ =	swait.ge [sflag:s23], $0x4000  }
0x126: {  	s3 =	sadd.s32 $0x0, s24;
	[sflag:s23] =	ssyncset.done $0x0  }
0x127: {  	s0 =	sadd.s32 $0x20, s22;
	s29 =	simm.s32 $0x4000;
	[sflag:s23] =	ssyncadd.s32 $0xFFFFC000  }
0x128: {  	[tilespmem:s16], [sflag:$0x2] =	stream.linear.gather [hbm4b:s22+s2], $0x80, $0x38;
	[tilespmem:$0x1D180] =	vst v63  }
.LBB2_6:
0x129: {  	[tilespmem:s17], [sflag:$0x4] =	stream.strided.gather [hbm4b:s3+s13], $0x4000, s14, s13, $0x38;
	[tilespmem:$0x1D180] =	vst v63  }
0x12a: {  	s3 =	smov.u32 s29  }
0x12b: {  	p1 =	sne.s32 s29, $0x48000;
	s29 =	sadd.s32 $0x4000, s29;
	_ =	swait.ge [sflag:s6], $0x80  }
0x12c: {  	[sflag:s6] =	ssyncset.done $0x0  }
0x12d: {  	[sflag:s6] =	ssyncadd.s32 $0xFFFFFF80  }
0x12e: {  	_ =	swait.ge [sflag:s8], $0x4000  }
0x12f: {  	[sflag:s8] =	ssyncset.done $0x0  }
0x130: {  	[sflag:s8] =	ssyncadd.s32 $0xFFFFC000  }
0x131: {  	[spmem:s1] =	stream.indirect.scatter.add.f32 [tilespmem:s15], [sflag:$0x5], $0x80, s2, s16, $0xb8;
	[tilespmem:$0x1D180] =	vst v63  }
0x132: {  	_ =	swait.ge [sflag:s18], $0x4000  }
0x133: {  	[sflag:s18] =	ssyncset.done $0x0  }
0x134: {  	s7 =	sadd.s32 $0xFFFFFFF0, s0;
	[sflag:s18] =	ssyncadd.s32 $0xFFFFC000  }
0x135: {  	[tilespmem:s2], [sflag:$0x1] =	stream.linear.gather [hbm4b:s7+s2], $0x80, $0x38;
	[tilespmem:$0x1D180] =	vst v63  }
0x136: {  	s7 =	sadd.s32 s3, s25  }
0x137: {  	[tilespmem:s15], [sflag:$0x3] =	stream.strided.gather [hbm4b:s7+s13], $0x4000, s14, s13, $0x38;
	[tilespmem:$0x1D180] =	vst v63  }
0x138: {  	_ =	swait.ge [sflag:s19], $0x80  }
0x139: {  	[sflag:s19] =	ssyncset.done $0x0  }
0x13a: {  	[sflag:s19] =	ssyncadd.s32 $0xFFFFFF80  }
0x13b: {  	_ =	swait.ge [sflag:s20], $0x4000  }
0x13c: {  	[sflag:s20] =	ssyncset.done $0x0  }
0x13d: {  	[sflag:s20] =	ssyncadd.s32 $0xFFFFC000  }
0x13e: {  	[spmem:s1] =	stream.indirect.scatter.add.f32 [tilespmem:s17], [sflag:$0x6], $0x80, s16, s16, $0xb8;
	[tilespmem:$0x1D180] =	vst v63  }
.Ltmp2:
0x13f: {  	_ =	swait.ge [sflag:s23], $0x4000;
	(pc) =	sbr.rel @p1 .LBB2_6-.Ltmp2, $4  }
0x140: {  	[sflag:s23] =	ssyncset.done $0x0  }
0x141: {  	[sflag:s23] =	ssyncadd.s32 $0xFFFFC000  }
0x142: {  	[tilespmem:s16], [sflag:$0x2] =	stream.linear.gather [hbm4b:s0+s2], $0x80, $0x38;
	[tilespmem:$0x1D180] =	vst v63  }
0x143: {  	s3 =	sadd.s32 s3, s24;
	s0 =	sadd.s32 $0x20, s0  }
0x144: {  	[tilespmem:s17], [sflag:$0x4] =	stream.strided.gather [hbm4b:s3+s13], $0x4000, s14, s13, $0x38;
	[tilespmem:$0x1D180] =	vst v63  }
0x145: {  	_ =	swait.ge [sflag:s6], $0x80  }
0x146: {  	[sflag:s6] =	ssyncset.done $0x0  }
0x147: {  	[sflag:s6] =	ssyncadd.s32 $0xFFFFFF80  }
0x148: {  	_ =	swait.ge [sflag:s8], $0x4000  }
0x149: {  	[sflag:s8] =	ssyncset.done $0x0  }
0x14a: {  	[sflag:s8] =	ssyncadd.s32 $0xFFFFC000  }
0x14b: {  	[spmem:s1] =	stream.indirect.scatter.add.f32 [tilespmem:s15], [sflag:$0x5], $0x80, s2, s16, $0xb8;
	[tilespmem:$0x1D180] =	vst v63  }
0x14c: {  	_ =	swait.ge [sflag:s19], $0x80  }
0x14d: {  	[sflag:s19] =	ssyncset.done $0x0  }
0x14e: {  	[sflag:s19] =	ssyncadd.s32 $0xFFFFFF80  }
0x14f: {  	_ =	swait.ge [sflag:s20], $0x4000  }
0x150: {  	[sflag:s20] =	ssyncset.done $0x0  }
0x151: {  	[sflag:s20] =	ssyncadd.s32 $0xFFFFC000  }
0x152: {  	[spmem:s1] =	stream.indirect.scatter.add.f32 [tilespmem:s17], [sflag:$0x6], $0x80, s16, s16, $0xb8;
	[tilespmem:$0x1D180] =	vst v63  }
0x153: {  	_ =	swait.ge [sflag:s18], $0x4000  }
0x154: {  	[sflag:s18] =	ssyncset.done $0x0  }
0x155: {  	[sflag:s18] =	ssyncadd.s32 $0xFFFFC000  }
0x156: {  	_ =	swait.ge [sflag:s23], $0x4000  }
0x157: {  	[sflag:s23] =	ssyncset.done $0x0  }
0x158: {  	[sflag:s23] =	ssyncadd.s32 $0xFFFFC000  }
0x159: {  	[bflag:$0x0] =	sbarrier.arrive $0xFFFF  }
0x15a: {  	s29 =	simm.s32 $0x8;
	s7 =	simm.s32 $0x200;
	s0 =	rddreg [dreg:$0xd]  }
0x15b: {  	[hbm:s0@s7], [sflag:s28] =	dma.strided [spmem:s31@s16], $0x2700, s29, $0x10   }
0x15c: {  	_ =	swait.ge [sflag:s12], $0x2700  }
0x15d: {  	s3 =	simm.s32 @!p0 $0x200;
	s0 =	simm.s32 @!p0 $0x8;
	[sflag:s12] =	ssyncset.done $0x0  }
0x15e: {  	s7 =	simm.s32 @!p0 $0x80;
	s9 =	rddreg [dreg:$0xe];
	[sflag:s12] =	ssyncadd.s32 $0xFFFFD900  }
0x15f: {  	[hbm:s9@s3], [sflag:s28] =	dma.strided @!p0 [spmem:s30@s7], $0x100, s0, $0x10   }
0x160: {  	s0 =	simm.s32 @!p0 $0x7  }
0x161: {  	_ =	swait.ge @!p0 [sflag:s0], $0x100  }
0x162: {  	s26 =	sadd.s32 $0x1, s26;
	s31 =	rddreg [dreg:$0xf]  }
0x163: {  	p1 =	sne.s32 s26, s31  }
.Ltmp3:
0x164: {  	_ = 	snop;
	(pc) =	sbr.rel @p1 .LBB2_1-.Ltmp3, $3  }
0x165: {  	_ =	sdelay $0x1  }
0x166: {  	[sflag:s0] =	ssyncset.done @!p0 $0x0  }
0x167: {  	[sflag:s0] =	ssyncadd.s32 @!p0 $0xFFFFFF00  }
0x168: {  	_ =	sfence.sel $0x180000  }
0x169: {  	[bflag:$0x0] =	sbarrier.arrive $0xFFFF  }
0x16a: {  	_ =	strace $0x9000004D  }
0x16b: {  	[bflag:$0x2] =	sbarrier.arrive $0xFFFF  }
0x16c: {  	s0 =	rddreg [dreg:$0x4]  }
0x16d: {  	s0 =	sadd.s32 @!p0 $0x100000, s0  }
0x16e: {  	[sflag:s0] =	ssyncadd.tile.s32 @!p0 $0x1;
	_ =	shalt  }
.Lfunc_end2:
_tile_overlayer_lowered:
.L_overlay_start_2:
0x16f: {  	(tag) =	ssettag $0x2  }
0x170: {  	s0 =	rddreg [dreg:$0x0];
	s2 =	stileid.u32  }
0x171: {  	s1 =	rddreg [dreg:$0x1];
	p0 =	sne.s32 s2, $0x0  }
0x172: {  	s3 =	rddreg [dreg:$0x2];
	[bflag:$0x3] =	sbarrier.arrive $0xFFFF;
	s2 =	simm.s32 @!p0 $0x1C07  }
0x173: {  	[timem:s3], [sflag:s2] =	dma.local @!p0 [hbm:s0], s1  }
0x174: {  	s0 =	simm.s32 @!p0 $0x7  }
0x175: {  	_ =	swait.ge @!p0 [sflag:s0], s1  }
0x176: {  	s1 =	ssub.s32 @!p0 $0x0, s1;
	[sflag:s0] =	ssyncset.done @!p0 $0x0  }
0x177: {  	[sflag:s0] =	ssyncadd.s32 @!p0 s1  }
0x178: {  	[bflag:$0x3] =	sbarrier.arrive $0xFFFF  }
0x179: {  	_ =	shalt  }

// kernel: kernel.18.cloned.1.call-start
scs
__scs_entry_jumppad:
0x0: {  	(pc) =	sbr.rel $0x88, $3  }
0x1: {  	(tag) =	ssettag $0x0;
	lr =	simm.s32 $0x1  }
0x2: {  	[smem:$0x3F98] =	sst lr;
	_ =	strace $0xD0000000  }
0x3: {  	_ = 	snop  }
0x4: {  	_ = 	snop  }
0x5: {  	_ = 	snop  }
0x6: {  	_ = 	snop  }
0x7: {  	_ = 	snop  }
__scs_overlays_trampoline_lowered:
0x8: {  	[smem:$0x3FA7] =	sst s0  }
0x9: {  	[smem:$0x3FA8] =	sst s1  }
0xa: {  	[smem:$0x3FA9] =	sst s2  }
0xb: {  	[smem:$0x3FAA] =	sst s3  }
0xc: {  	[smem:$0x3FAB] =	sst s4  }
0xd: {  	[smem:$0x3FAC] =	sst s5  }
0xe: {  	[smem:$0x3FAD] =	sst s6  }
0xf: {  	[smem:$0x3FAE] =	sst s7  }
0x10: {  	[smem:$0x3FAF] =	sst s8  }
0x11: {  	[smem:$0x3FB0] =	sst s9;
	s0 =	simm.s32 @!p0 $0x0  }
0x12: {  	s1 =	sld [smem:$0x3F96];
	s0 =	simm.s32 @p0 $0x1  }
0x13: {  	[smem:$0x3FB1] =	sst s0;
	s0 =	simm.s32 @!p1 $0x0  }
0x14: {  	s2 =	sld [smem:$0x3F95];
	s0 =	simm.s32 @p1 $0x1  }
0x15: {  	[smem:$0x3FB2] =	sst s0;
	s0 =	simm.s32 @!p2 $0x0  }
0x16: {  	s3 =	sld [smem:$0x3FDB];
	s0 =	simm.s32 @p2 $0x1  }
0x17: {  	s4 =	simm.s32 $0x1BF5;
	[smem:$0x3FB4] =	sst s0  }
0x18: {  	s0 =	sld [smem:$0x3F97];
	_ =	swait.ge [sflag:s4], $0x0  }
0x19: {  	s7 =	sld [smem:$0x3F98]  }
0x1a: {  	s8 =	sadd.s32 $0xFFFFE003, lr  }
0x1b: {  	s9 =	sadd.s32 $0xFFFFFEF7, lr;
	s5 =	simm.s32 $0xFFFFFFFF;
	p2 =	slt.u32 s8, $0xFFFFF086  }
0x1c: {  	p1 =	slt.u32 s9, $0xF7A;
	s5 =	simm.s32 @!p2 $0x0  }
0x1d: {  	s5 =	simm.s32 @p1 $0x1;
	p0 =	seq.s32 s7, s2  }
0x1e: {  	s7 =	smul.u32 @!p0 $0xF7A, s2;
	p2 =	seq.s32 @!p0 s5, $0x0  }
0x1f: {  	s9 =	smul.u32 $0xF7A, s1;
	s8 =	simm.s32 @!p0 $0x1BF5;
	p2 =	por !p2, p0  }
0x20: {  	[sflag:s8] =	ssyncset.s32 @!p0 $0xFFFFF086;
	s6 =	sadd.s32 @!p0 s3, s7;
	s7 =	simm.s32 @!p0 $0x108  }
0x21: {  	s3 =	sadd.s32 s3, s9;
	s6 =	sadd.s32 @!p0 $0x88, s6;
	s7 =	simm.s32 @p2 $0x1082  }
0x22: {  	[simem:s7], [sflag:s8] =	dma.local @!p0 [hbm:s6], $0xF7A  }
0x23: {  	s9 =	sor.u32 $0xD0000000, s2;
	s6 =	simm.s32 $0x108;
	_ =	swait.ge @!p0 [sflag:s8], $0x0  }
0x24: {  	s3 =	sadd.s32 $0x88, s3;
	s6 =	simm.s32 @!p1 $0x1082;
	[sflag:s4] =	ssyncset.s32 $0xFFFFF086  }
0x25: {  	[simem:s6], [sflag:s4] =	dma.local [hbm:s3], $0xF7A  }
0x26: {  	[smem:$0x3F98] =	sst s1;
	(tag) =	ssettag s2;
	_ =	strace s9  }
0x27: {  	s1 =	sld [smem:$0x3FA8]  }
0x28: {  	s2 =	sld [smem:$0x3FA9]  }
0x29: {  	s4 =	sld [smem:$0x3FAB]  }
0x2a: {  	p0 =	seq.s32 s5, $0x0;
	s5 =	sld [smem:$0x3FAC]  }
0x2b: {  	s6 =	sld [smem:$0x3FAD]  }
0x2c: {  	s7 =	sld [smem:$0x3FAE]  }
0x2d: {  	s3 =	simm.s32 $0x108;
	s8 =	sld [smem:$0x3FAF]  }
0x2e: {  	s3 =	simm.s32 @!p0 $0x1082;
	s9 =	sld [smem:$0x3FB0]  }
0x2f: {  	lr =	sadd.s32 s0, s3;
	s0 =	sld [smem:$0x3FA7]  }
0x30: {  	s3 =	sld [smem:$0x3FAA]  }
0x31: {  	[smem:$0x3FB3] =	sst s10  }
0x32: {  	s10 =	sld [smem:$0x3FB1];
	_ =	sdelay $0x3  }
0x33: {  	p0 =	seq.s32 s10, $0x1;
	s10 =	sld [smem:$0x3FB3];
	_ =	sdelay $0x3  }
0x34: {  	[smem:$0x3FB3] =	sst s10  }
0x35: {  	s10 =	sld [smem:$0x3FB2];
	_ =	sdelay $0x3  }
0x36: {  	p1 =	seq.s32 s10, $0x1;
	s10 =	sld [smem:$0x3FB3];
	_ =	sdelay $0x3  }
0x37: {  	[smem:$0x3FB3] =	sst s10  }
0x38: {  	s10 =	sld [smem:$0x3FB4]  }
0x39: {  	_ = 	snop;
	(pc) =	sbr.ind lr, $3  }
0x3a: {  	_ = 	snop  }
0x3b: {  	_ = 	snop  }
0x3c: {  	p2 =	seq.s32 s10, $0x1;
	s10 =	sld [smem:$0x3FB3]  }
0x3d: {  	_ =	shalt  }
0x3e: {  	_ =	shalt  }
0x3f: {  	_ =	shalt  }
0x40: {  	_ =	shalt  }
0x41: {  	_ =	shalt  }
0x42: {  	_ =	shalt  }
0x43: {  	_ =	shalt  }
0x44: {  	_ =	shalt  }
0x45: {  	_ =	shalt  }
0x46: {  	_ =	shalt  }
0x47: {  	_ =	shalt  }
0x48: {  	_ =	shalt  }
0x49: {  	_ =	shalt  }
0x4a: {  	_ =	shalt  }
0x4b: {  	_ =	shalt  }
0x4c: {  	_ =	shalt  }
0x4d: {  	_ =	shalt  }
0x4e: {  	_ =	shalt  }
0x4f: {  	_ =	shalt  }
0x50: {  	_ =	shalt  }
0x51: {  	_ =	shalt  }
0x52: {  	_ =	shalt  }
0x53: {  	_ =	shalt  }
0x54: {  	_ =	shalt  }
0x55: {  	_ =	shalt  }
0x56: {  	_ =	shalt  }
0x57: {  	_ =	shalt  }
0x58: {  	_ =	shalt  }
0x59: {  	_ =	shalt  }
0x5a: {  	_ =	shalt  }
0x5b: {  	_ =	shalt  }
0x5c: {  	_ =	shalt  }
0x5d: {  	_ =	shalt  }
0x5e: {  	_ =	shalt  }
0x5f: {  	_ =	shalt  }
0x60: {  	_ =	shalt  }
0x61: {  	_ =	shalt  }
0x62: {  	_ =	shalt  }
0x63: {  	_ =	shalt  }
0x64: {  	_ =	shalt  }
0x65: {  	_ =	shalt  }
0x66: {  	_ =	shalt  }
0x67: {  	_ =	shalt  }
0x68: {  	_ =	shalt  }
0x69: {  	_ =	shalt  }
0x6a: {  	_ =	shalt  }
0x6b: {  	_ =	shalt  }
0x6c: {  	_ =	shalt  }
0x6d: {  	_ =	shalt  }
0x6e: {  	_ =	shalt  }
0x6f: {  	_ =	shalt  }
0x70: {  	_ =	shalt  }
0x71: {  	_ =	shalt  }
0x72: {  	_ =	shalt  }
0x73: {  	_ =	shalt  }
0x74: {  	_ =	shalt  }
0x75: {  	_ =	shalt  }
0x76: {  	_ =	shalt  }
0x77: {  	_ =	shalt  }
0x78: {  	_ =	shalt  }
0x79: {  	_ =	shalt  }
0x7a: {  	_ =	shalt  }
0x7b: {  	_ =	shalt  }
0x7c: {  	_ =	shalt  }
0x7d: {  	_ =	shalt  }
0x7e: {  	_ =	shalt  }
0x7f: {  	_ =	shalt  }
0x80: {  	_ =	shalt  }
0x81: {  	_ =	shalt  }
0x82: {  	_ =	shalt  }
0x83: {  	_ =	shalt  }
0x84: {  	_ =	shalt  }
0x85: {  	_ =	shalt  }
0x86: {  	_ =	shalt  }
0x87: {  	_ =	shalt  }
.Lfunc_end0:
.L_simem_size_0:
called_computation.3_lowered:
.L_overlay_start_0:
0x88: {  	s2 =	sld [smem:$0x3FD9]  }
0x89: {  	s3 =	sld [smem:$0x3FFE];
	_ =	sdelay $0x1  }
0x8a: {  	s1 =	srdreg.scid  }
0x8b: {  	s0 =	sand.u32 $0x1, s1  }
0x8c: {  	s17 =	sshll.u32 s0, $0xA;
	s2 =	sadd.s32 s3, s2  }
0x8d: {  	s2 =	sadd.s32 s2, s17  }
0x8e: {  	[smem:$0x3FBF] =	sst s2  }
0x8f: {  	_ = 	snop  }
0x90: {  	s18 =	sld [smem:$0x3FC5];
	(tm) =	ssettm $0x1  }
0x91: {  	s19 =	sld [smem:$0x3FFB];
	_ =	sdelay $0x3  }
0x92: {  	_ =	strace s19  }
0x93: {  	s2 =	sld [smem:$0x3FFC];
	_ =	sdelay $0x3  }
0x94: {  	_ =	strace s2  }
0x95: {  	s2 =	sld [smem:$0x3FFD];
	_ =	sdelay $0x3  }
0x96: {  	_ =	strace s2  }
0x97: {  	_ =	strace $0x8FFFFFFF  }
0x98: {  	s20 =	sld [smem:$0x3FDB];
	_ =	sdelay $0x1  }
0x99: {  	s4 =	simm.s32 $_scs_section_size  }
0x9a: {  	s5 =	simm.s32 $_size__tile_overlayer_lowered;
	s6 =	simm.s32 $_tile_overlayer_lowered  }
0x9b: {  	s7 =	simm.s32 $0x1BFF;
	s21 =	sshll.u32 s6, $0x1;
	s4 =	sadd.s32 s4, s20  }
0x9c: {  	s22 =	simm.s32 $0x0;
	s5 =	sshll.u32 s5, $0x1;
	s6 =	sadd.s32 s21, s4  }
0x9d: {  	[timem:s22], [sflag:s7] =	dma.local [hbm:s6], s5  }
0x9e: {  	_ =	swait.ge [sflag:s7], s5  }
0x9f: {  	s5 =	ssub.s32 $0x0, s5;
	[sflag:s7] =	ssyncset.done $0x0  }
0xa0: {  	[sflag:s7] =	ssyncadd.s32 s5;
	_ =	sdelay $0x1  }
0xa1: {  	s23 =	simm.s32 $0x1B8B  }
0xa2: {  	_ =	swait.ge [sflag:s23], $0x1  }
0xa3: {  	[sflag:s23] =	ssyncset.done $0x0  }
0xa4: {  	[sflag:s23] =	ssyncadd.s32 $0xFFFFFFFF  }
0xa5: {  	s5 =	sld [smem:$0x0]  }
0xa6: {  	s6 =	sand.u32 $0xFFFFFFFE, s1  }
0xa7: {  	p0 =	sne.s32 s1, s6  }
0xa8: {  	s6 =	sshll.u32 @p0 s6, $0xE  }
0xa9: {  	s6 =	sadd.s32 @p0 $0x11B8D, s6;
	s7 =	sshll.u32 @p0 s5, $0x11  }
0xaa: {  	s6 =	sor.u32 @p0 s7, s6  }
0xab: {  	[sflag:s6] =	ssyncadd.remote.s32 @p0 $0x1;
	_ =	sdelay $0x1  }
0xac: {  	s6 =	simm.s32 @p0 $0x1B8D  }
0xad: {  	_ =	swait.eq @p0 [sflag:s6], $0x1  }
0xae: {  	[sflag:s6] =	ssyncadd.s32 @p0 $0xFFFFFFFF  }
0xaf: {  	s7 =	sshll.u32 @!p0 s1, $0xE  }
0xb0: {  	s7 =	sor.u32 @!p0 $0x4000, s7;
	s6 =	simm.s32 @!p0 $0x1B8D  }
0xb1: {  	s5 =	sshll.u32 @!p0 s5, $0x11;
	s7 =	sadd.s32 @!p0 $0x11B8D, s7;
	_ =	swait.eq @!p0 [sflag:s6], $0x1  }
0xb2: {  	s5 =	sor.u32 @!p0 s5, s7;
	[sflag:s6] =	ssyncadd.s32 @!p0 $0xFFFFFFFF  }
0xb3: {  	s25 =	simm.s32 $0x1B8E;
	s24 =	sld [smem:$0x3FFE];
	[sflag:s5] =	ssyncadd.remote.s32 @!p0 $0x1  }
0xb4: {  	s26 =	simm.s32 $execute0_lowered;
	[smem:$0x3FD2] =	sst s25  }
0xb5: {  	s6 =	sshll.u32 s26, $0x1;
	_ =	strace $0x8000004F;
	[dreg:$0x1] =	wrdreg $0xFFFFFFFF  }
0xb6: {  	s28 =	simm.s32 $_size_execute0_lowered;
	s4 =	sadd.s32 s4, s6;
	[dreg:$0x0] =	wrdreg $0x0  }
0xb7: {  	s6 =	sshll.u32 s28, $0x1;
	[dreg:$0x2] =	wrdreg s4  }
0xb8: {  	[dreg:$0x3] =	wrdreg s6  }
0xb9: {  	[dreg:$0x4] =	wrdreg $0xC0  }
0xba: {  	_ =	task [dreg:s22], $0x5FFFF  }
0xbb: {  	[dreg:$0x1] =	wrdreg $0xFFFFFFFF  }
0xbc: {  	[dreg:$0x0] =	wrdreg $0x60  }
0xbd: {  	[dreg:$0x2] =	wrdreg s24  }
0xbe: {  	[dreg:$0x3] =	wrdreg s18  }
0xbf: {  	[dreg:$0x4] =	wrdreg $0x99000  }
0xc0: {  	[dreg:$0x5] =	wrdreg $0x9  }
0xc1: {  	_ =	task.clear_ibuf [dreg:s22], $0x6FFFF;
	_ =	strace $0x9000004F  }
0xc2: {  	s29 =	simm.s32 $0x9;
	_ =	strace $0x80000051  }
0xc3: {  	_ =	swait.ge [sflag:s29], $0x1  }
0xc4: {  	[sflag:s29] =	ssyncadd.s32 $0xFFFFFFFF  }
0xc5: {  	_ =	strace $0x90000051  }
0xc6: {  	_ =	sfence  }
0xc7: {  	s30 =	sld [smem:$0x0];
	_ =	sdelay $0x2  }
0xc8: {  	s31 =	sshll.u32 s1, $0xD;
	s1 =	sshrl.u32 s1, $0x2  }
0xc9: {  	s4 =	sand.u32 $0x4000, s31;
	s1 =	sadd.s32 s1, s30  }
0xca: {  	s0 =	sor.u32 s4, s0;
	s1 =	sshll.u32 s1, $0x11  }
0xcb: {  	s0 =	sor.u32 s1, s0  }
0xcc: {  	s0 =	sadd.s32 $0x8F2B, s0  }
0xcd: {  	[sflag:s0] =	ssyncadd.remote.s32 $0x1  }
0xce: {  	_ =	sfence.sel $0xFFFF  }
0xcf: {  	[dreg:$0x0] =	wrdreg $0xFFFFFFFF;
	(pc) =	sbr.abs _section_cstart, $3  }
0xd0: {  	[dreg:$0x1] =	wrdreg $0xFFFFFFFF  }
0xd1: {  	_ =	task.clear_ibuf [dreg:s22], $0x2FFFF;
	_ =	strace $0x9FFFFFFF  }
0xd2: {  	(tm) =	ssettm $0x7FFFFFFF  }
0xd3: {  	_ =	shalt  }
tec
execute0_lowered:
.L_overlay_start_1:
0x0: {  	(tag) =	ssettag $0x1  }
0x1: {  	s3 =	rddreg [dreg:$0x0]  }
0x2: {  	s0 =	rddreg [dreg:$0x1]  }
0x3: {  	s1 =	rddreg [dreg:$0x2];
	s2 =	simm.s32 $0x0  }
0x4: {  	s4 =	srdreg.scid;
	s17 =	stileid.u32;
	s28 =	simm.s32 $0x4  }
0x5: {  	s29 =	simm.s32 $0x6;
	s30 =	simm.s32 $0x0;
	[smem:$0x7FF] =	sst s2  }
0x6: {  	s6 =	sand.u32 $0x1, s4;
	s7 =	smul.u32 $0x1300, s17;
	s4 =	sadd.s32 $0x773C00, s3  }
0x7: {  	s9 =	smul.u32 $0x260000, s17;
	s10 =	sadd.s32 $0x2C00, s3;
	s20 =	sshll.u32 s17, $0x4  }
0x8: {  	s21 =	sshll.u32 s17, $0x10;
	s16 =	smul.u32 $0x4E000, s17;
	s3 =	sadd.s32 $0xC33C00, s3  }
0x9: {  	p0 =	sne.s32 s17, $0x0;
	p1 =	sgt.u32 s17, $0x1;
	_ =	strace $0x80000050  }
0xa: {  	s5 =	ssub.s32 $0x2, s6;
	s11 =	sshll.u32 s6, $0xB;
	s6 =	sshll.u32 s6, $0x8  }
0xb: {  	s8 =	sshrl.u32 s5, $0x1;
	s7 =	sshrl.u32 s7, $0x3;
	s13 =	sor.u32 s11, s9  }
0xc: {  	s14 =	sor.u32 $0x10000, s9;
	s23 =	sor.u32 s11, s21;
	s24 =	sshrl.u32 s16, $0x2  }
0xd: {  	s25 =	sor.u32 s11, s16;
	s6 =	sadd.s32 s6, s10;
	s8 =	ssub.s32 s5, s8  }
0xe: {  	s5 =	sadd.s32 $0x138000, s1;
	s7 =	sadd.s32 s0, s7;
	s12 =	sshrl.u32 s13, $0x3  }
0xf: {  	s18 =	sor.u32 s11, s14;
	s11 =	sor.u32 $0x400, s11;
	s31 =	sadd.s32 $0x9C000, s6  }
0x10: {  	s6 =	sadd.s32 $0x9C080, s6;
	s15 =	sadd.s32 $0x2800, s7;
	[dreg:$0xb] =	wrdreg s31  }
0x11: {  	s12 =	sadd.s32 s4, s12;
	s7 =	sadd.s32 $0x2810, s7;
	[dreg:$0x11] =	wrdreg s6  }
0x12: {  	s19 =	sshrl.u32 s18, $0x3;
	s26 =	sor.u32 s9, s11;
	[dreg:$0x4] =	wrdreg s15  }
0x13: {  	s18 =	sor.u32 s11, s14;
	s31 =	smax.u32 s8, $0x1;
	[dreg:$0x5] =	wrdreg s12  }
0x14: {  	s6 =	sadd.s32 $0x30400, s13;
	[dreg:$0x6] =	wrdreg s7;
	s12 =	sadd.s32 s20, s0  }
0x15: {  	s7 =	sadd.s32 s4, s19;
	s19 =	sshrl.u32 s18, $0x3;
	[dreg:$0x12] =	wrdreg s31  }
0x16: {  	s20 =	sor.u32 s21, s11;
	[dreg:$0x7] =	wrdreg s7;
	s22 =	sadd.s32 $0x4E00, s12  }
0x17: {  	s7 =	sshrl.u32 s23, $0x3;
	s12 =	sadd.s32 s24, s1;
	[dreg:$0x8] =	wrdreg s22  }
0x18: {  	s21 =	sshrl.u32 s20, $0x3;
	s7 =	sadd.s32 s7, s3;
	[dreg:$0xf] =	wrdreg s12  }
0x19: {  	s8 =	sshrl.u32 s6, $0x3;
	s3 =	sadd.s32 s21, s3;
	[dreg:$0x9] =	wrdreg s7  }
0x1a: {  	s22 =	sor.u32 s16, s11;
	s11 =	sadd.s32 $0x1800, s12;
	[dreg:$0xe] =	wrdreg s3  }
0x1b: {  	s6 =	simm.s32 $0x4100;
	s14 =	sadd.s32 $0x4800, s12;
	[dreg:$0x14] =	wrdreg s11  }
0x1c: {  	s24 =	sadd.s32 $0x30000, s13;
	s15 =	sadd.s32 $0x6000, s12;
	[dreg:$0x16] =	wrdreg s14  }
0x1d: {  	s16 =	sadd.s32 $0x7800, s12;
	s18 =	sadd.s32 $0xA800, s12;
	[dreg:$0x17] =	wrdreg s15  }
0x1e: {  	s20 =	sadd.s32 $0xD800, s12;
	s31 =	sadd.s32 $0x12000, s12;
	[dreg:$0x18] =	wrdreg s16  }
0x1f: {  	s7 =	sshrl.u32 s25, $0x3;
	s23 =	sshrl.u32 s22, $0x3;
	[dreg:$0x1a] =	wrdreg s18  }
0x20: {  	s25 =	sshrl.u32 s24, $0x3;
	s24 =	sadd.s32 s8, s4;
	[dreg:$0x1c] =	wrdreg s20  }
0x21: {  	[dreg:$0x1f] =	wrdreg s31;
	s15 =	simm.s32 $0x8100;
	s16 =	simm.s32 $0x7  }
0x22: {  	s18 =	simm.s32 $0x1000;
	s20 =	simm.s32 $0x80;
	s7 =	sadd.s32 s10, s7  }
0x23: {  	s8 =	simm.s32 $0x1;
	s3 =	sadd.s32 s10, s23;
	[dreg:$0xa] =	wrdreg s7  }
0x24: {  	s21 =	sadd.s32 s25, s4;
	s10 =	sadd.s32 $0x20000, s13;
	[dreg:$0x10] =	wrdreg s3  }
0x25: {  	s23 =	sadd.s32 $0xF000, s12;
	s7 =	sshrl.u32 s26, $0x3;
	[dreg:$0x13] =	wrdreg s10  }
0x26: {  	s26 =	smul.u32 $0x260, s17;
	s17 =	sadd.s32 $0x9000, s12;
	[dreg:$0x1d] =	wrdreg s23  }
0x27: {  	s10 =	simm.s32 $0x3;
	s7 =	sadd.s32 s4, s7;
	[dreg:$0x19] =	wrdreg s17  }
0x28: {  	s23 =	simm.s32 $0x5;
	s17 =	simm.s32 $0x400;
	[dreg:$0xc] =	wrdreg s7  }
0x29: {  	s7 =	sadd.s32 s4, s19;
	s0 =	sadd.s32 s26, s0;
	s19 =	sadd.s32 $0xC000, s12  }
0x2a: {  	s26 =	sadd.s32 $0x10800, s12;
	[dreg:$0xd] =	wrdreg s7;
	s7 =	sadd.s32 $0x20400, s13  }
0x2b: {  	s22 =	sadd.s32 $0x2830, s0;
	s13 =	sadd.s32 $0x3000, s12;
	[dreg:$0x1b] =	wrdreg s19  }
0x2c: {  	[dreg:$0x1e] =	wrdreg s26;
	s19 =	simm.s32 $0x100;
	s9 =	sshrl.u32 s7, $0x3  }
0x2d: {  	v0 =	vimm.f32 $0.0e+00;
	s26 =	simm.s32 $0x2;
	[dreg:$0x15] =	wrdreg s13;
	s25 =	sadd.s32 s9, s4  }
.LBB2_1:
0x2e: {  	s0 =	simm.s32 $0x70;
	s3 =	simm.s32 $0x3C0  }
.LBB2_2:
0x2f: {  	p2 =	sne.s32 s3, $0x5FC0;
	[tilespmem:s0+$0x8100] =	vst v0  }
0x30: {  	[tilespmem:s0+$0x8090] =	vst v0  }
0x31: {  	[tilespmem:s0+$0x80A0] =	vst v0  }
.Ltmp0:
0x32: {  	[tilespmem:s0+$0x80B0] =	vst v0;
	(pc) =	sbr.rel @p2 .LBB2_2-.Ltmp0, $4  }
0x33: {  	[tilespmem:s0+$0x80C0] =	vst v0  }
0x34: {  	[tilespmem:s0+$0x80D0] =	vst v0  }
0x35: {  	[tilespmem:s0+$0x80E0] =	vst v0  }
0x36: {  	[tilespmem:s0+$0x80F0] =	vst v0;
	s0 =	sshra.s32 s3, $0x2;
	s3 =	sadd.s32 $0x200, s3  }
0x37: {  	[tilespmem:s0+$0x8100] =	vst v0  }
0x38: {  	[tilespmem:s0+$0x8090] =	vst v0  }
0x39: {  	[tilespmem:s0+$0x80A0] =	vst v0  }
0x3a: {  	[tilespmem:s0+$0x80B0] =	vst v0  }
0x3b: {  	[tilespmem:s0+$0x80C0] =	vst v0  }
0x3c: {  	[tilespmem:s0+$0x80D0] =	vst v0  }
0x3d: {  	[tilespmem:s0+$0x80E0] =	vst v0  }
0x3e: {  	[tilespmem:s0+$0x80F0] =	vst v0  }
0x3f: {  	[spmem:s12] =	stream.linear.scatter [tilespmem:s15], [sflag:$0x7], $0x1800, $0x38;
	[tilespmem:$0x1D180] =	vst v63  }
0x40: {  	_ =	swait.ge [sflag:s16], $0x1800  }
0x41: {  	[sflag:s16] =	ssyncset.done $0x0  }
0x42: {  	s7 =	rddreg [dreg:$0x14];
	[sflag:s16] =	ssyncadd.s32 $0xFFFFE800  }
0x43: {  	[spmem:s7] =	stream.linear.scatter [tilespmem:s15], [sflag:$0x7], $0x1800, $0x38;
	[tilespmem:$0x1D180] =	vst v63  }
0x44: {  	_ =	swait.ge [sflag:s16], $0x1800  }
0x45: {  	[sflag:s16] =	ssyncset.done $0x0  }
0x46: {  	s9 =	rddreg [dreg:$0x15];
	[sflag:s16] =	ssyncadd.s32 $0xFFFFE800  }
0x47: {  	[spmem:s9] =	stream.linear.scatter [tilespmem:s15], [sflag:$0x7], $0x1800, $0x38;
	[tilespmem:$0x1D180] =	vst v63  }
0x48: {  	_ =	swait.ge [sflag:s16], $0x1800  }
0x49: {  	[sflag:s16] =	ssyncset.done $0x0  }
0x4a: {  	s11 =	rddreg [dreg:$0x16];
	[sflag:s16] =	ssyncadd.s32 $0xFFFFE800  }
0x4b: {  	[spmem:s11] =	stream.linear.scatter [tilespmem:s15], [sflag:$0x7], $0x1800, $0x38;
	[tilespmem:$0x1D180] =	vst v63  }
0x4c: {  	_ =	swait.ge [sflag:s16], $0x1800  }
0x4d: {  	[sflag:s16] =	ssyncset.done $0x0  }
0x4e: {  	s13 =	rddreg [dreg:$0x17];
	[sflag:s16] =	ssyncadd.s32 $0xFFFFE800  }
0x4f: {  	[spmem:s13] =	stream.linear.scatter [tilespmem:s15], [sflag:$0x7], $0x1800, $0x38;
	[tilespmem:$0x1D180] =	vst v63  }
0x50: {  	_ =	swait.ge [sflag:s16], $0x1800  }
0x51: {  	[sflag:s16] =	ssyncset.done $0x0  }
0x52: {  	s14 =	rddreg [dreg:$0x18];
	[sflag:s16] =	ssyncadd.s32 $0xFFFFE800  }
0x53: {  	[spmem:s14] =	stream.linear.scatter [tilespmem:s15], [sflag:$0x7], $0x1800, $0x38;
	[tilespmem:$0x1D180] =	vst v63  }
0x54: {  	_ =	swait.ge [sflag:s16], $0x1800  }
0x55: {  	[sflag:s16] =	ssyncset.done $0x0  }
0x56: {  	s3 =	rddreg [dreg:$0x19];
	[sflag:s16] =	ssyncadd.s32 $0xFFFFE800  }
0x57: {  	[spmem:s3] =	stream.linear.scatter [tilespmem:s15], [sflag:$0x7], $0x1800, $0x38;
	[tilespmem:$0x1D180] =	vst v63  }
0x58: {  	_ =	swait.ge [sflag:s16], $0x1800  }
0x59: {  	[sflag:s16] =	ssyncset.done $0x0  }
0x5a: {  	s7 =	rddreg [dreg:$0x1a];
	[sflag:s16] =	ssyncadd.s32 $0xFFFFE800  }
0x5b: {  	[spmem:s7] =	stream.linear.scatter [tilespmem:s15], [sflag:$0x7], $0x1800, $0x38;
	[tilespmem:$0x1D180] =	vst v63  }
0x5c: {  	_ =	swait.ge [sflag:s16], $0x1800  }
0x5d: {  	[sflag:s16] =	ssyncset.done $0x0  }
0x5e: {  	s9 =	rddreg [dreg:$0x1b];
	[sflag:s16] =	ssyncadd.s32 $0xFFFFE800  }
0x5f: {  	[spmem:s9] =	stream.linear.scatter [tilespmem:s15], [sflag:$0x7], $0x1800, $0x38;
	[tilespmem:$0x1D180] =	vst v63  }
0x60: {  	_ =	swait.ge [sflag:s16], $0x1800  }
0x61: {  	[sflag:s16] =	ssyncset.done $0x0  }
0x62: {  	s11 =	rddreg [dreg:$0x1c];
	[sflag:s16] =	ssyncadd.s32 $0xFFFFE800  }
0x63: {  	[spmem:s11] =	stream.linear.scatter [tilespmem:s15], [sflag:$0x7], $0x1800, $0x38;
	[tilespmem:$0x1D180] =	vst v63  }
0x64: {  	_ =	swait.ge [sflag:s16], $0x1800  }
0x65: {  	[sflag:s16] =	ssyncset.done $0x0  }
0x66: {  	s13 =	rddreg [dreg:$0x1d];
	[sflag:s16] =	ssyncadd.s32 $0xFFFFE800  }
0x67: {  	[spmem:s13] =	stream.linear.scatter [tilespmem:s15], [sflag:$0x7], $0x1800, $0x38;
	[tilespmem:$0x1D180] =	vst v63  }
0x68: {  	_ =	swait.ge [sflag:s16], $0x1800  }
0x69: {  	[sflag:s16] =	ssyncset.done $0x0  }
0x6a: {  	s14 =	rddreg [dreg:$0x1e];
	[sflag:s16] =	ssyncadd.s32 $0xFFFFE800  }
0x6b: {  	[spmem:s14] =	stream.linear.scatter [tilespmem:s15], [sflag:$0x7], $0x1800, $0x38;
	[tilespmem:$0x1D180] =	vst v63  }
0x6c: {  	_ =	swait.ge [sflag:s16], $0x1800  }
0x6d: {  	[sflag:s16] =	ssyncset.done $0x0  }
0x6e: {  	s3 =	rddreg [dreg:$0x1f];
	[sflag:s16] =	ssyncadd.s32 $0xFFFFE800  }
0x6f: {  	[spmem:s3] =	stream.linear.scatter [tilespmem:s15], [sflag:$0x7], $0x1800, $0x38;
	[tilespmem:$0x1D180] =	vst v63  }
0x70: {  	_ =	swait.ge [sflag:s16], $0x1800  }
0x71: {  	[sflag:s16] =	ssyncset.done $0x0  }
0x72: {  	s0 =	simm.s32 @!p0 $0x8100;
	[sflag:s16] =	ssyncadd.s32 $0xFFFFE800  }
0x73: {  	[spmem:s5] =	stream.linear.scatter @!p0 [tilespmem:s0], [sflag:$0x7], $0x800, $0x38;
	[tilespmem:$0x1D180] =	vst v63  }
0x74: {  	s0 =	simm.s32 @!p0 $0x7  }
0x75: {  	_ =	swait.ge @!p0 [sflag:s0], $0x800  }
0x76: {  	[sflag:s0] =	ssyncset.done @!p0 $0x0  }
0x77: {  	[sflag:s0] =	ssyncadd.s32 @!p0 $0xFFFFF800  }
0x78: {  	[bflag:$0x0] =	sbarrier.arrive $0xFFFF  }
0x79: {  	s7 =	simm.s32 $0x0;
	s3 =	rddreg [dreg:$0x4]  }
0x7a: {  	[tilespmem:s7], [sflag:$0x1] =	stream.linear.gather [hbm4b:s3+s7], $0x80, $0x38;
	[tilespmem:$0x1D180] =	vst v63  }
0x7b: {  	s9 =	rddreg [dreg:$0x5]  }
0x7c: {  	[tilespmem:s19], [sflag:$0x3] =	stream.strided.gather [hbm4b:s9+s17], $0x4000, s18, s17, $0x38;
	[tilespmem:$0x1D180] =	vst v63  }
0x7d: {  	s11 =	rddreg [dreg:$0x6]  }
0x7e: {  	[tilespmem:s20], [sflag:$0x2] =	stream.linear.gather [hbm4b:s11+s7], $0x80, $0x38;
	[tilespmem:$0x1D180] =	vst v63  }
0x7f: {  	s13 =	rddreg [dreg:$0x7]  }
0x80: {  	[tilespmem:s6], [sflag:$0x4] =	stream.strided.gather [hbm4b:s13+s17], $0x4000, s18, s17, $0x38;
	[tilespmem:$0x1D180] =	vst v63  }
0x81: {  	_ =	swait.ge [sflag:s8], $0x80  }
0x82: {  	[sflag:s8] =	ssyncset.done $0x0  }
0x83: {  	[sflag:s8] =	ssyncadd.s32 $0xFFFFFF80  }
0x84: {  	_ =	swait.ge [sflag:s10], $0x4000  }
0x85: {  	[sflag:s10] =	ssyncset.done $0x0  }
0x86: {  	[sflag:s10] =	ssyncadd.s32 $0xFFFFC000  }
0x87: {  	[spmem:s1] =	stream.indirect.scatter.add.f32 [tilespmem:s19], [sflag:$0x5], $0x80, s2, s20, $0xb8;
	[tilespmem:$0x1D180] =	vst v63  }
0x88: {  	_ =	swait.ge [sflag:s23], $0x4000  }
0x89: {  	[sflag:s23] =	ssyncset.done $0x0;
	s11 =	rddreg [dreg:$0x13]  }
0x8a: {  	s0 =	sadd.s32 $0xFFFFFFF0, s22;
	[sflag:s23] =	ssyncadd.s32 $0xFFFFC000;
	s14 =	sshrl.u32 s11, $0x3  }
0x8b: {  	[tilespmem:s2], [sflag:$0x1] =	stream.linear.gather [hbm4b:s0+s2], $0x80, $0x38;
	[tilespmem:$0x1D180] =	vst v63  }
0x8c: {  	s3 =	sadd.s32 s4, s14  }
0x8d: {  	[tilespmem:s19], [sflag:$0x3] =	stream.strided.gather [hbm4b:s3+s17], $0x4000, s18, s17, $0x38;
	[tilespmem:$0x1D180] =	vst v63  }
0x8e: {  	_ =	swait.ge [sflag:s26], $0x80  }
0x8f: {  	[sflag:s26] =	ssyncset.done $0x0  }
0x90: {  	[sflag:s26] =	ssyncadd.s32 $0xFFFFFF80  }
0x91: {  	_ =	swait.ge [sflag:s28], $0x4000  }
0x92: {  	[sflag:s28] =	ssyncset.done $0x0  }
0x93: {  	[sflag:s28] =	ssyncadd.s32 $0xFFFFC000  }
0x94: {  	[spmem:s1] =	stream.indirect.scatter.add.f32 [tilespmem:s6], [sflag:$0x6], $0x80, s20, s20, $0xb8;
	[tilespmem:$0x1D180] =	vst v63  }
0x95: {  	_ =	swait.ge [sflag:s29], $0x4000  }
0x96: {  	s9 =	sadd.s32 $0x0, s21;
	s7 =	sadd.s32 $0x20, s22;
	[sflag:s29] =	ssyncset.done $0x0  }
0x97: {  	s31 =	sadd.s32 $0x20000, s11;
	s3 =	simm.s32 $0x4000;
	[sflag:s29] =	ssyncadd.s32 $0xFFFFC000  }
0x98: {  	[tilespmem:s20], [sflag:$0x2] =	stream.linear.gather [hbm4b:s22+s2], $0x80, $0x38;
	[tilespmem:$0x1D180] =	vst v63  }
.LBB2_4:
0x99: {  	[tilespmem:s6], [sflag:$0x4] =	stream.strided.gather [hbm4b:s9+s17], $0x4000, s18, s17, $0x38;
	[tilespmem:$0x1D180] =	vst v63  }
0x9a: {  	s9 =	smov.u32 s3  }
0x9b: {  	p2 =	sne.s32 s3, $0x44000;
	s3 =	sadd.s32 $0x4000, s3;
	_ =	swait.ge [sflag:s8], $0x80  }
0x9c: {  	[sflag:s8] =	ssyncset.done $0x0  }
0x9d: {  	[sflag:s8] =	ssyncadd.s32 $0xFFFFFF80  }
0x9e: {  	_ =	swait.ge [sflag:s10], $0x4000  }
0x9f: {  	[sflag:s10] =	ssyncset.done $0x0  }
0xa0: {  	[sflag:s10] =	ssyncadd.s32 $0xFFFFC000  }
0xa1: {  	[spmem:s1] =	stream.indirect.scatter.add.f32 [tilespmem:s19], [sflag:$0x5], $0x80, s2, s20, $0xb8;
	[tilespmem:$0x1D180] =	vst v63  }
0xa2: {  	_ =	swait.ge [sflag:s23], $0x4000  }
0xa3: {  	[sflag:s23] =	ssyncset.done $0x0  }
0xa4: {  	s11 =	sadd.s32 $0xFFFFFFF0, s7;
	s13 =	sshrl.u32 s31, $0x3;
	[sflag:s23] =	ssyncadd.s32 $0xFFFFC000  }
0xa5: {  	[tilespmem:s2], [sflag:$0x1] =	stream.linear.gather [hbm4b:s11+s2], $0x80, $0x38;
	[tilespmem:$0x1D180] =	vst v63  }
0xa6: {  	s11 =	sadd.s32 s4, s13  }
0xa7: {  	[tilespmem:s19], [sflag:$0x3] =	stream.strided.gather [hbm4b:s11+s17], $0x4000, s18, s17, $0x38;
	[tilespmem:$0x1D180] =	vst v63  }
0xa8: {  	_ =	swait.ge [sflag:s26], $0x80  }
0xa9: {  	[sflag:s26] =	ssyncset.done $0x0  }
0xaa: {  	[sflag:s26] =	ssyncadd.s32 $0xFFFFFF80  }
0xab: {  	_ =	swait.ge [sflag:s28], $0x4000  }
0xac: {  	[sflag:s28] =	ssyncset.done $0x0  }
0xad: {  	[sflag:s28] =	ssyncadd.s32 $0xFFFFC000  }
0xae: {  	[spmem:s1] =	stream.indirect.scatter.add.f32 [tilespmem:s6], [sflag:$0x6], $0x80, s20, s20, $0xb8;
	[tilespmem:$0x1D180] =	vst v63  }
.Ltmp1:
0xaf: {  	_ =	swait.ge [sflag:s29], $0x4000;
	(pc) =	sbr.rel @p2 .LBB2_4-.Ltmp1, $4  }
0xb0: {  	[sflag:s29] =	ssyncset.done $0x0  }
0xb1: {  	[sflag:s29] =	ssyncadd.s32 $0xFFFFC000  }
0xb2: {  	[tilespmem:s20], [sflag:$0x2] =	stream.linear.gather [hbm4b:s7+s2], $0x80, $0x38;
	[tilespmem:$0x1D180] =	vst v63  }
0xb3: {  	s31 =	sadd.s32 $0x20000, s31;
	s9 =	sadd.s32 s9, s21;
	s7 =	sadd.s32 $0x20, s7  }
0xb4: {  	[tilespmem:s6], [sflag:$0x4] =	stream.strided.gather [hbm4b:s9+s17], $0x4000, s18, s17, $0x38;
	[tilespmem:$0x1D180] =	vst v63  }
0xb5: {  	_ =	swait.ge [sflag:s8], $0x80  }
0xb6: {  	[sflag:s8] =	ssyncset.done $0x0  }
0xb7: {  	[sflag:s8] =	ssyncadd.s32 $0xFFFFFF80  }
0xb8: {  	_ =	swait.ge [sflag:s10], $0x4000  }
0xb9: {  	[sflag:s10] =	ssyncset.done $0x0  }
0xba: {  	[sflag:s10] =	ssyncadd.s32 $0xFFFFC000  }
0xbb: {  	[spmem:s1] =	stream.indirect.scatter.add.f32 [tilespmem:s19], [sflag:$0x5], $0x80, s2, s20, $0xb8;
	[tilespmem:$0x1D180] =	vst v63  }
0xbc: {  	_ =	swait.ge [sflag:s26], $0x80  }
0xbd: {  	[sflag:s26] =	ssyncset.done $0x0  }
0xbe: {  	[sflag:s26] =	ssyncadd.s32 $0xFFFFFF80  }
0xbf: {  	_ =	swait.ge [sflag:s28], $0x4000  }
0xc0: {  	[sflag:s28] =	ssyncset.done $0x0  }
0xc1: {  	[sflag:s28] =	ssyncadd.s32 $0xFFFFC000  }
0xc2: {  	[spmem:s1] =	stream.indirect.scatter.add.f32 [tilespmem:s6], [sflag:$0x6], $0x80, s20, s20, $0xb8;
	[tilespmem:$0x1D180] =	vst v63  }
0xc3: {  	_ =	swait.ge [sflag:s23], $0x4000  }
0xc4: {  	[sflag:s23] =	ssyncset.done $0x0  }
0xc5: {  	[sflag:s23] =	ssyncadd.s32 $0xFFFFC000  }
0xc6: {  	_ =	swait.ge [sflag:s29], $0x4000  }
0xc7: {  	[sflag:s29] =	ssyncset.done $0x0  }
0xc8: {  	s3 =	simm.s32 @!p1 $0x0;
	s7 =	rddreg [dreg:$0x8];
	[sflag:s29] =	ssyncadd.s32 $0xFFFFC000  }
0xc9: {  	[tilespmem:s3], [sflag:$0x7] =	stream.linear.gather @!p1 [hbm4b:s7+s3], $0x80, $0x38;
	[tilespmem:$0x1D180] =	vst v63  }
0xca: {  	s7 =	simm.s32 @!p1 $0x7  }
0xcb: {  	_ =	swait.ge @!p1 [sflag:s7], $0x80  }
0xcc: {  	s9 =	simm.s32 @!p1 $0x400;
	s11 =	simm.s32 @!p1 $0x1000;
	[sflag:s7] =	ssyncset.done @!p1 $0x0  }
0xcd: {  	s13 =	simm.s32 @!p1 $0x100;
	s14 =	rddreg [dreg:$0x9];
	[sflag:s7] =	ssyncadd.s32 @!p1 $0xFFFFFF80  }
0xce: {  	[tilespmem:s13], [sflag:$0x7] =	stream.strided.gather @!p1 [hbm4b:s14+s9], $0x4000, s11, s9, $0x38;
	[tilespmem:$0x1D180] =	vst v63  }
0xcf: {  	_ =	swait.ge @!p1 [sflag:s7], $0x4000  }
0xd0: {  	[sflag:s7] =	ssyncset.done @!p1 $0x0  }
0xd1: {  	s9 =	simm.s32 @!p1 $0x80;
	[sflag:s7] =	ssyncadd.s32 @!p1 $0xFFFFC000  }
0xd2: {  	[spmem:s1] =	stream.indirect.scatter.add.f32 @!p1 [tilespmem:s13], [sflag:$0x7], $0x80, s3, s9, $0xb8;
	[tilespmem:$0x1D180] =	vst v63  }
0xd3: {  	_ =	swait.ge @!p1 [sflag:s7], $0x4000  }
0xd4: {  	[sflag:s7] =	ssyncset.done @!p1 $0x0  }
0xd5: {  	s14 =	simm.s32 $0x200;
	s9 =	stileid.u32;
	[sflag:s7] =	ssyncadd.s32 @!p1 $0xFFFFC000  }
0xd6: {  	s13 =	simm.s32 $0x8;
	s3 =	sshll.u32 s9, $0x6;
	[bflag:$0x0] =	sbarrier.arrive $0xFFFF  }
0xd7: {  	s31 =	sor.u32 $0x1C07, s3;
	s7 =	sshrl.u32 s12, $0x3;
	s11 =	rddreg [dreg:$0xa]  }
0xd8: {  	[hbm:s11@s14], [sflag:s31] =	dma.strided [spmem:s7@s20], $0x2700, s13, $0x10   }
0xd9: {  	s9 =	simm.s32 @!p0 $0x8;
	_ =	swait.ge [sflag:s16], $0x2700  }
0xda: {  	s3 =	sshrl.u32 @!p0 s5, $0x3;
	s11 =	simm.s32 @!p0 $0x200;
	[sflag:s16] =	ssyncset.done $0x0  }
0xdb: {  	s13 =	simm.s32 @!p0 $0x80;
	s14 =	rddreg [dreg:$0xb];
	[sflag:s16] =	ssyncadd.s32 $0xFFFFD900  }
0xdc: {  	[hbm:s14@s11], [sflag:s31] =	dma.strided @!p0 [spmem:s3@s13], $0x100, s9, $0x10   }
0xdd: {  	s9 =	simm.s32 @!p0 $0x7  }
0xde: {  	_ =	swait.ge @!p0 [sflag:s9], $0x100  }
0xdf: {  	[sflag:s9] =	ssyncset.done @!p0 $0x0  }
0xe0: {  	[sflag:s9] =	ssyncadd.s32 @!p0 $0xFFFFFF00  }
0xe1: {  	[spmem:s12] =	stream.linear.scatter [tilespmem:s15], [sflag:$0x7], $0x1800, $0x38;
	[tilespmem:$0x1D180] =	vst v63  }
0xe2: {  	_ =	swait.ge [sflag:s16], $0x1800  }
0xe3: {  	[sflag:s16] =	ssyncset.done $0x0  }
0xe4: {  	s13 =	rddreg [dreg:$0x14];
	[sflag:s16] =	ssyncadd.s32 $0xFFFFE800  }
0xe5: {  	[spmem:s13] =	stream.linear.scatter [tilespmem:s15], [sflag:$0x7], $0x1800, $0x38;
	[tilespmem:$0x1D180] =	vst v63  }
0xe6: {  	_ =	swait.ge [sflag:s16], $0x1800  }
0xe7: {  	[sflag:s16] =	ssyncset.done $0x0  }
0xe8: {  	s14 =	rddreg [dreg:$0x15];
	[sflag:s16] =	ssyncadd.s32 $0xFFFFE800  }
0xe9: {  	[spmem:s14] =	stream.linear.scatter [tilespmem:s15], [sflag:$0x7], $0x1800, $0x38;
	[tilespmem:$0x1D180] =	vst v63  }
0xea: {  	_ =	swait.ge [sflag:s16], $0x1800  }
0xeb: {  	[sflag:s16] =	ssyncset.done $0x0  }
0xec: {  	s12 =	rddreg [dreg:$0x16];
	[sflag:s16] =	ssyncadd.s32 $0xFFFFE800  }
0xed: {  	[spmem:s12] =	stream.linear.scatter [tilespmem:s15], [sflag:$0x7], $0x1800, $0x38;
	[tilespmem:$0x1D180] =	vst v63  }
0xee: {  	_ =	swait.ge [sflag:s16], $0x1800  }
0xef: {  	[sflag:s16] =	ssyncset.done $0x0  }
0xf0: {  	s13 =	rddreg [dreg:$0x17];
	[sflag:s16] =	ssyncadd.s32 $0xFFFFE800  }
0xf1: {  	[spmem:s13] =	stream.linear.scatter [tilespmem:s15], [sflag:$0x7], $0x1800, $0x38;
	[tilespmem:$0x1D180] =	vst v63  }
0xf2: {  	_ =	swait.ge [sflag:s16], $0x1800  }
0xf3: {  	[sflag:s16] =	ssyncset.done $0x0  }
0xf4: {  	s14 =	rddreg [dreg:$0x18];
	[sflag:s16] =	ssyncadd.s32 $0xFFFFE800  }
0xf5: {  	[spmem:s14] =	stream.linear.scatter [tilespmem:s15], [sflag:$0x7], $0x1800, $0x38;
	[tilespmem:$0x1D180] =	vst v63  }
0xf6: {  	_ =	swait.ge [sflag:s16], $0x1800  }
0xf7: {  	[sflag:s16] =	ssyncset.done $0x0  }
0xf8: {  	s12 =	rddreg [dreg:$0x19];
	[sflag:s16] =	ssyncadd.s32 $0xFFFFE800  }
0xf9: {  	[spmem:s12] =	stream.linear.scatter [tilespmem:s15], [sflag:$0x7], $0x1800, $0x38;
	[tilespmem:$0x1D180] =	vst v63  }
0xfa: {  	_ =	swait.ge [sflag:s16], $0x1800  }
0xfb: {  	[sflag:s16] =	ssyncset.done $0x0  }
0xfc: {  	s13 =	rddreg [dreg:$0x1a];
	[sflag:s16] =	ssyncadd.s32 $0xFFFFE800  }
0xfd: {  	[spmem:s13] =	stream.linear.scatter [tilespmem:s15], [sflag:$0x7], $0x1800, $0x38;
	[tilespmem:$0x1D180] =	vst v63  }
0xfe: {  	_ =	swait.ge [sflag:s16], $0x1800  }
0xff: {  	[sflag:s16] =	ssyncset.done $0x0  }
0x100: {  	s14 =	rddreg [dreg:$0x1b];
	[sflag:s16] =	ssyncadd.s32 $0xFFFFE800  }
0x101: {  	[spmem:s14] =	stream.linear.scatter [tilespmem:s15], [sflag:$0x7], $0x1800, $0x38;
	[tilespmem:$0x1D180] =	vst v63  }
0x102: {  	_ =	swait.ge [sflag:s16], $0x1800  }
0x103: {  	[sflag:s16] =	ssyncset.done $0x0  }
0x104: {  	s12 =	rddreg [dreg:$0x1c];
	[sflag:s16] =	ssyncadd.s32 $0xFFFFE800  }
0x105: {  	[spmem:s12] =	stream.linear.scatter [tilespmem:s15], [sflag:$0x7], $0x1800, $0x38;
	[tilespmem:$0x1D180] =	vst v63  }
0x106: {  	_ =	swait.ge [sflag:s16], $0x1800  }
0x107: {  	[sflag:s16] =	ssyncset.done $0x0  }
0x108: {  	s13 =	rddreg [dreg:$0x1d];
	[sflag:s16] =	ssyncadd.s32 $0xFFFFE800  }
0x109: {  	[spmem:s13] =	stream.linear.scatter [tilespmem:s15], [sflag:$0x7], $0x1800, $0x38;
	[tilespmem:$0x1D180] =	vst v63  }
0x10a: {  	_ =	swait.ge [sflag:s16], $0x1800  }
0x10b: {  	[sflag:s16] =	ssyncset.done $0x0  }
0x10c: {  	s14 =	rddreg [dreg:$0x1e];
	[sflag:s16] =	ssyncadd.s32 $0xFFFFE800  }
0x10d: {  	[spmem:s14] =	stream.linear.scatter [tilespmem:s15], [sflag:$0x7], $0x1800, $0x38;
	[tilespmem:$0x1D180] =	vst v63  }
0x10e: {  	_ =	swait.ge [sflag:s16], $0x1800  }
0x10f: {  	[sflag:s16] =	ssyncset.done $0x0  }
0x110: {  	s12 =	rddreg [dreg:$0x1f];
	[sflag:s16] =	ssyncadd.s32 $0xFFFFE800  }
0x111: {  	[spmem:s12] =	stream.linear.scatter [tilespmem:s15], [sflag:$0x7], $0x1800, $0x38;
	[tilespmem:$0x1D180] =	vst v63  }
0x112: {  	_ =	swait.ge [sflag:s16], $0x1800  }
0x113: {  	[sflag:s16] =	ssyncset.done $0x0  }
0x114: {  	s11 =	simm.s32 @!p0 $0x8100;
	[sflag:s16] =	ssyncadd.s32 $0xFFFFE800  }
0x115: {  	[spmem:s5] =	stream.linear.scatter @!p0 [tilespmem:s11], [sflag:$0x7], $0x800, $0x38;
	[tilespmem:$0x1D180] =	vst v63  }
0x116: {  	_ =	swait.ge @!p0 [sflag:s9], $0x800  }
0x117: {  	[sflag:s9] =	ssyncset.done @!p0 $0x0  }
0x118: {  	[sflag:s9] =	ssyncadd.s32 @!p0 $0xFFFFF800  }
0x119: {  	[bflag:$0x0] =	sbarrier.arrive $0xFFFF  }
0x11a: {  	s9 =	simm.s32 $0x0;
	s13 =	rddreg [dreg:$0x4]  }
0x11b: {  	[tilespmem:s9], [sflag:$0x1] =	stream.linear.gather [hbm4b:s13+s9], $0x80, $0x38;
	[tilespmem:$0x1D180] =	vst v63  }
0x11c: {  	s14 =	rddreg [dreg:$0xc]  }
0x11d: {  	[tilespmem:s19], [sflag:$0x3] =	stream.strided.gather [hbm4b:s14+s17], $0x4000, s18, s17, $0x38;
	[tilespmem:$0x1D180] =	vst v63  }
0x11e: {  	s12 =	smov.u32 s5;
	s5 =	rddreg [dreg:$0x6]  }
0x11f: {  	[tilespmem:s20], [sflag:$0x2] =	stream.linear.gather [hbm4b:s5+s9], $0x80, $0x38;
	[tilespmem:$0x1D180] =	vst v63  }
0x120: {  	s13 =	rddreg [dreg:$0xd]  }
0x121: {  	[tilespmem:s6], [sflag:$0x4] =	stream.strided.gather [hbm4b:s13+s17], $0x4000, s18, s17, $0x38;
	[tilespmem:$0x1D180] =	vst v63  }
0x122: {  	_ =	swait.ge [sflag:s8], $0x80  }
0x123: {  	[sflag:s8] =	ssyncset.done $0x0  }
0x124: {  	[sflag:s8] =	ssyncadd.s32 $0xFFFFFF80  }
0x125: {  	_ =	swait.ge [sflag:s10], $0x4000  }
0x126: {  	[sflag:s10] =	ssyncset.done $0x0  }
0x127: {  	[sflag:s10] =	ssyncadd.s32 $0xFFFFC000  }
0x128: {  	[spmem:s1] =	stream.indirect.scatter.add.f32 [tilespmem:s19], [sflag:$0x5], $0x80, s2, s20, $0xb8;
	[tilespmem:$0x1D180] =	vst v63  }
0x129: {  	_ =	swait.ge [sflag:s23], $0x4000  }
0x12a: {  	[sflag:s23] =	ssyncset.done $0x0  }
0x12b: {  	[sflag:s23] =	ssyncadd.s32 $0xFFFFC000  }
0x12c: {  	[tilespmem:s2], [sflag:$0x1] =	stream.linear.gather [hbm4b:s0+s2], $0x80, $0x38;
	[tilespmem:$0x1D180] =	vst v63  }
0x12d: {  	s14 =	sadd.s32 $0x0, s25  }
0x12e: {  	[tilespmem:s19], [sflag:$0x3] =	stream.strided.gather [hbm4b:s14+s17], $0x4000, s18, s17, $0x38;
	[tilespmem:$0x1D180] =	vst v63  }
0x12f: {  	_ =	swait.ge [sflag:s26], $0x80  }
0x130: {  	[sflag:s26] =	ssyncset.done $0x0  }
0x131: {  	[sflag:s26] =	ssyncadd.s32 $0xFFFFFF80  }
0x132: {  	_ =	swait.ge [sflag:s28], $0x4000  }
0x133: {  	[sflag:s28] =	ssyncset.done $0x0  }
0x134: {  	[sflag:s28] =	ssyncadd.s32 $0xFFFFC000  }
0x135: {  	[spmem:s1] =	stream.indirect.scatter.add.f32 [tilespmem:s6], [sflag:$0x6], $0x80, s20, s20, $0xb8;
	[tilespmem:$0x1D180] =	vst v63  }
0x136: {  	_ =	swait.ge [sflag:s29], $0x4000  }
0x137: {  	s11 =	sadd.s32 $0x0, s24;
	[sflag:s29] =	ssyncset.done $0x0  }
0x138: {  	s9 =	sadd.s32 $0x20, s22;
	s0 =	simm.s32 $0x4000;
	[sflag:s29] =	ssyncadd.s32 $0xFFFFC000  }
0x139: {  	[tilespmem:s20], [sflag:$0x2] =	stream.linear.gather [hbm4b:s22+s2], $0x80, $0x38;
	[tilespmem:$0x1D180] =	vst v63  }
.LBB2_6:
0x13a: {  	[tilespmem:s6], [sflag:$0x4] =	stream.strided.gather [hbm4b:s11+s17], $0x4000, s18, s17, $0x38;
	[tilespmem:$0x1D180] =	vst v63  }
0x13b: {  	s11 =	smov.u32 s0  }
0x13c: {  	p2 =	sne.s32 s0, $0x44000;
	s0 =	sadd.s32 $0x4000, s0;
	_ =	swait.ge [sflag:s8], $0x80  }
0x13d: {  	[sflag:s8] =	ssyncset.done $0x0  }
0x13e: {  	[sflag:s8] =	ssyncadd.s32 $0xFFFFFF80  }
0x13f: {  	_ =	swait.ge [sflag:s10], $0x4000  }
0x140: {  	[sflag:s10] =	ssyncset.done $0x0  }
0x141: {  	[sflag:s10] =	ssyncadd.s32 $0xFFFFC000  }
0x142: {  	[spmem:s1] =	stream.indirect.scatter.add.f32 [tilespmem:s19], [sflag:$0x5], $0x80, s2, s20, $0xb8;
	[tilespmem:$0x1D180] =	vst v63  }
0x143: {  	_ =	swait.ge [sflag:s23], $0x4000  }
0x144: {  	[sflag:s23] =	ssyncset.done $0x0  }
0x145: {  	s13 =	sadd.s32 $0xFFFFFFF0, s9;
	[sflag:s23] =	ssyncadd.s32 $0xFFFFC000  }
0x146: {  	[tilespmem:s2], [sflag:$0x1] =	stream.linear.gather [hbm4b:s13+s2], $0x80, $0x38;
	[tilespmem:$0x1D180] =	vst v63  }
0x147: {  	s13 =	sadd.s32 s11, s25  }
0x148: {  	[tilespmem:s19], [sflag:$0x3] =	stream.strided.gather [hbm4b:s13+s17], $0x4000, s18, s17, $0x38;
	[tilespmem:$0x1D180] =	vst v63  }
0x149: {  	_ =	swait.ge [sflag:s26], $0x80  }
0x14a: {  	[sflag:s26] =	ssyncset.done $0x0  }
0x14b: {  	[sflag:s26] =	ssyncadd.s32 $0xFFFFFF80  }
0x14c: {  	_ =	swait.ge [sflag:s28], $0x4000  }
0x14d: {  	[sflag:s28] =	ssyncset.done $0x0  }
0x14e: {  	[sflag:s28] =	ssyncadd.s32 $0xFFFFC000  }
0x14f: {  	[spmem:s1] =	stream.indirect.scatter.add.f32 [tilespmem:s6], [sflag:$0x6], $0x80, s20, s20, $0xb8;
	[tilespmem:$0x1D180] =	vst v63  }
.Ltmp2:
0x150: {  	_ =	swait.ge [sflag:s29], $0x4000;
	(pc) =	sbr.rel @p2 .LBB2_6-.Ltmp2, $4  }
0x151: {  	[sflag:s29] =	ssyncset.done $0x0  }
0x152: {  	[sflag:s29] =	ssyncadd.s32 $0xFFFFC000  }
0x153: {  	[tilespmem:s20], [sflag:$0x2] =	stream.linear.gather [hbm4b:s9+s2], $0x80, $0x38;
	[tilespmem:$0x1D180] =	vst v63  }
0x154: {  	s11 =	sadd.s32 s11, s24;
	s9 =	sadd.s32 $0x20, s9  }
0x155: {  	[tilespmem:s6], [sflag:$0x4] =	stream.strided.gather [hbm4b:s11+s17], $0x4000, s18, s17, $0x38;
	[tilespmem:$0x1D180] =	vst v63  }
0x156: {  	_ =	swait.ge [sflag:s8], $0x80  }
0x157: {  	[sflag:s8] =	ssyncset.done $0x0  }
0x158: {  	[sflag:s8] =	ssyncadd.s32 $0xFFFFFF80  }
0x159: {  	_ =	swait.ge [sflag:s10], $0x4000  }
0x15a: {  	[sflag:s10] =	ssyncset.done $0x0  }
0x15b: {  	[sflag:s10] =	ssyncadd.s32 $0xFFFFC000  }
0x15c: {  	[spmem:s1] =	stream.indirect.scatter.add.f32 [tilespmem:s19], [sflag:$0x5], $0x80, s2, s20, $0xb8;
	[tilespmem:$0x1D180] =	vst v63  }
0x15d: {  	_ =	swait.ge [sflag:s26], $0x80  }
0x15e: {  	[sflag:s26] =	ssyncset.done $0x0  }
0x15f: {  	[sflag:s26] =	ssyncadd.s32 $0xFFFFFF80  }
0x160: {  	_ =	swait.ge [sflag:s28], $0x4000  }
0x161: {  	[sflag:s28] =	ssyncset.done $0x0  }
0x162: {  	[sflag:s28] =	ssyncadd.s32 $0xFFFFC000  }
0x163: {  	[spmem:s1] =	stream.indirect.scatter.add.f32 [tilespmem:s6], [sflag:$0x6], $0x80, s20, s20, $0xb8;
	[tilespmem:$0x1D180] =	vst v63  }
0x164: {  	_ =	swait.ge [sflag:s23], $0x4000  }
0x165: {  	[sflag:s23] =	ssyncset.done $0x0  }
0x166: {  	[sflag:s23] =	ssyncadd.s32 $0xFFFFC000  }
0x167: {  	_ =	swait.ge [sflag:s29], $0x4000  }
0x168: {  	[sflag:s29] =	ssyncset.done $0x0  }
0x169: {  	s0 =	simm.s32 @!p1 $0x0;
	s9 =	rddreg [dreg:$0x8];
	[sflag:s29] =	ssyncadd.s32 $0xFFFFC000  }
0x16a: {  	[tilespmem:s0], [sflag:$0x7] =	stream.linear.gather @!p1 [hbm4b:s9+s0], $0x80, $0x38;
	[tilespmem:$0x1D180] =	vst v63  }
0x16b: {  	s9 =	simm.s32 @!p1 $0x7  }
0x16c: {  	_ =	swait.ge @!p1 [sflag:s9], $0x80  }
0x16d: {  	s11 =	simm.s32 @!p1 $0x400;
	s13 =	simm.s32 @!p1 $0x1000;
	[sflag:s9] =	ssyncset.done @!p1 $0x0  }
0x16e: {  	s14 =	simm.s32 @!p1 $0x100;
	s5 =	rddreg [dreg:$0xe];
	[sflag:s9] =	ssyncadd.s32 @!p1 $0xFFFFFF80  }
0x16f: {  	[tilespmem:s14], [sflag:$0x7] =	stream.strided.gather @!p1 [hbm4b:s5+s11], $0x4000, s13, s11, $0x38;
	[tilespmem:$0x1D180] =	vst v63  }
0x170: {  	_ =	swait.ge @!p1 [sflag:s9], $0x4000  }
0x171: {  	[sflag:s9] =	ssyncset.done @!p1 $0x0  }
0x172: {  	s11 =	simm.s32 @!p1 $0x80;
	[sflag:s9] =	ssyncadd.s32 @!p1 $0xFFFFC000  }
0x173: {  	[spmem:s1] =	stream.indirect.scatter.add.f32 @!p1 [tilespmem:s14], [sflag:$0x7], $0x80, s0, s11, $0xb8;
	[tilespmem:$0x1D180] =	vst v63  }
0x174: {  	_ =	swait.ge @!p1 [sflag:s9], $0x4000  }
0x175: {  	[sflag:s9] =	ssyncset.done @!p1 $0x0  }
0x176: {  	[sflag:s9] =	ssyncadd.s32 @!p1 $0xFFFFC000  }
0x177: {  	[bflag:$0x0] =	sbarrier.arrive $0xFFFF  }
0x178: {  	s13 =	simm.s32 $0x8;
	s14 =	simm.s32 $0x200;
	s11 =	rddreg [dreg:$0x10]  }
0x179: {  	[hbm:s11@s14], [sflag:s31] =	dma.strided [spmem:s7@s20], $0x2700, s13, $0x10   }
0x17a: {  	_ =	swait.ge [sflag:s16], $0x2700  }
0x17b: {  	s0 =	simm.s32 @!p0 $0x8;
	s9 =	simm.s32 @!p0 $0x80;
	[sflag:s16] =	ssyncset.done $0x0  }
0x17c: {  	s7 =	simm.s32 @!p0 $0x200;
	s5 =	rddreg [dreg:$0x11];
	[sflag:s16] =	ssyncadd.s32 $0xFFFFD900  }
0x17d: {  	[hbm:s5@s7], [sflag:s31] =	dma.strided @!p0 [spmem:s3@s9], $0x100, s0, $0x10   }
0x17e: {  	s0 =	simm.s32 @!p0 $0x7  }
0x17f: {  	_ =	swait.ge @!p0 [sflag:s0], $0x100  }
0x180: {  	s30 =	sadd.s32 $0x1, s30;
	s31 =	rddreg [dreg:$0x12]  }
0x181: {  	p2 =	sne.s32 s30, s31  }
.Ltmp3:
0x182: {  	_ = 	snop;
	(pc) =	sbr.rel @p2 .LBB2_1-.Ltmp3, $3  }
0x183: {  	_ =	sdelay $0x1  }
0x184: {  	[sflag:s0] =	ssyncset.done @!p0 $0x0  }
0x185: {  	s5 =	smov.u32 s12;
	s12 =	rddreg [dreg:$0xf];
	[sflag:s0] =	ssyncadd.s32 @!p0 $0xFFFFFF00  }
0x186: {  	_ =	sfence.sel $0x180000  }
0x187: {  	[bflag:$0x0] =	sbarrier.arrive $0xFFFF  }
0x188: {  	_ =	strace $0x90000050  }
0x189: {  	[bflag:$0x2] =	sbarrier.arrive $0xFFFF  }
0x18a: {  	s0 =	rddreg [dreg:$0x3]  }
0x18b: {  	s0 =	sadd.s32 @!p0 $0x100000, s0  }
0x18c: {  	[sflag:s0] =	ssyncadd.tile.s32 @!p0 $0x1;
	_ =	shalt  }
.Lfunc_end2:
_tile_overlayer_lowered:
.L_overlay_start_2:
0x18d: {  	(tag) =	ssettag $0x2  }
0x18e: {  	s0 =	rddreg [dreg:$0x0];
	s2 =	stileid.u32  }
0x18f: {  	s1 =	rddreg [dreg:$0x1];
	p0 =	sne.s32 s2, $0x0  }
0x190: {  	s3 =	rddreg [dreg:$0x2];
	[bflag:$0x3] =	sbarrier.arrive $0xFFFF;
	s2 =	simm.s32 @!p0 $0x1C07  }
0x191: {  	[timem:s3], [sflag:s2] =	dma.local @!p0 [hbm:s0], s1  }
0x192: {  	s0 =	simm.s32 @!p0 $0x7  }
0x193: {  	_ =	swait.ge @!p0 [sflag:s0], s1  }
0x194: {  	s1 =	ssub.s32 @!p0 $0x0, s1;
	[sflag:s0] =	ssyncset.done @!p0 $0x0  }
0x195: {  	[sflag:s0] =	ssyncadd.s32 @!p0 s1  }
0x196: {  	[bflag:$0x3] =	sbarrier.arrive $0xFFFF  }
0x197: {  	_ =	shalt  }

// kernel: kernel.9.cloned.1.call-start
scs
__scs_entry_jumppad:
0x0: {  	(pc) =	sbr.rel $0x88, $3  }
0x1: {  	(tag) =	ssettag $0x0;
	lr =	simm.s32 $0x1  }
0x2: {  	[smem:$0x3F98] =	sst lr;
	_ =	strace $0xD0000000  }
0x3: {  	_ = 	snop  }
0x4: {  	_ = 	snop  }
0x5: {  	_ = 	snop  }
0x6: {  	_ = 	snop  }
0x7: {  	_ = 	snop  }
__scs_overlays_trampoline_lowered:
0x8: {  	[smem:$0x3FA7] =	sst s0  }
0x9: {  	[smem:$0x3FA8] =	sst s1  }
0xa: {  	[smem:$0x3FA9] =	sst s2  }
0xb: {  	[smem:$0x3FAA] =	sst s3  }
0xc: {  	[smem:$0x3FAB] =	sst s4  }
0xd: {  	[smem:$0x3FAC] =	sst s5  }
0xe: {  	[smem:$0x3FAD] =	sst s6  }
0xf: {  	[smem:$0x3FAE] =	sst s7  }
0x10: {  	[smem:$0x3FAF] =	sst s8  }
0x11: {  	[smem:$0x3FB0] =	sst s9;
	s0 =	simm.s32 @!p0 $0x0  }
0x12: {  	s1 =	sld [smem:$0x3F96];
	s0 =	simm.s32 @p0 $0x1  }
0x13: {  	[smem:$0x3FB1] =	sst s0;
	s0 =	simm.s32 @!p1 $0x0  }
0x14: {  	s2 =	sld [smem:$0x3F95];
	s0 =	simm.s32 @p1 $0x1  }
0x15: {  	[smem:$0x3FB2] =	sst s0;
	s0 =	simm.s32 @!p2 $0x0  }
0x16: {  	s3 =	sld [smem:$0x3FDB];
	s0 =	simm.s32 @p2 $0x1  }
0x17: {  	s4 =	simm.s32 $0x1BF5;
	[smem:$0x3FB4] =	sst s0  }
0x18: {  	s0 =	sld [smem:$0x3F97];
	_ =	swait.ge [sflag:s4], $0x0  }
0x19: {  	s7 =	sld [smem:$0x3F98]  }
0x1a: {  	s8 =	sadd.s32 $0xFFFFE003, lr  }
0x1b: {  	s9 =	sadd.s32 $0xFFFFFEF7, lr;
	s5 =	simm.s32 $0xFFFFFFFF;
	p2 =	slt.u32 s8, $0xFFFFF086  }
0x1c: {  	p1 =	slt.u32 s9, $0xF7A;
	s5 =	simm.s32 @!p2 $0x0  }
0x1d: {  	s5 =	simm.s32 @p1 $0x1;
	p0 =	seq.s32 s7, s2  }
0x1e: {  	s7 =	smul.u32 @!p0 $0xF7A, s2;
	p2 =	seq.s32 @!p0 s5, $0x0  }
0x1f: {  	s9 =	smul.u32 $0xF7A, s1;
	s8 =	simm.s32 @!p0 $0x1BF5;
	p2 =	por !p2, p0  }
0x20: {  	[sflag:s8] =	ssyncset.s32 @!p0 $0xFFFFF086;
	s6 =	sadd.s32 @!p0 s3, s7;
	s7 =	simm.s32 @!p0 $0x108  }
0x21: {  	s3 =	sadd.s32 s3, s9;
	s6 =	sadd.s32 @!p0 $0x88, s6;
	s7 =	simm.s32 @p2 $0x1082  }
0x22: {  	[simem:s7], [sflag:s8] =	dma.local @!p0 [hbm:s6], $0xF7A  }
0x23: {  	s9 =	sor.u32 $0xD0000000, s2;
	s6 =	simm.s32 $0x108;
	_ =	swait.ge @!p0 [sflag:s8], $0x0  }
0x24: {  	s3 =	sadd.s32 $0x88, s3;
	s6 =	simm.s32 @!p1 $0x1082;
	[sflag:s4] =	ssyncset.s32 $0xFFFFF086  }
0x25: {  	[simem:s6], [sflag:s4] =	dma.local [hbm:s3], $0xF7A  }
0x26: {  	[smem:$0x3F98] =	sst s1;
	(tag) =	ssettag s2;
	_ =	strace s9  }
0x27: {  	s1 =	sld [smem:$0x3FA8]  }
0x28: {  	s2 =	sld [smem:$0x3FA9]  }
0x29: {  	s4 =	sld [smem:$0x3FAB]  }
0x2a: {  	p0 =	seq.s32 s5, $0x0;
	s5 =	sld [smem:$0x3FAC]  }
0x2b: {  	s6 =	sld [smem:$0x3FAD]  }
0x2c: {  	s7 =	sld [smem:$0x3FAE]  }
0x2d: {  	s3 =	simm.s32 $0x108;
	s8 =	sld [smem:$0x3FAF]  }
0x2e: {  	s3 =	simm.s32 @!p0 $0x1082;
	s9 =	sld [smem:$0x3FB0]  }
0x2f: {  	lr =	sadd.s32 s0, s3;
	s0 =	sld [smem:$0x3FA7]  }
0x30: {  	s3 =	sld [smem:$0x3FAA]  }
0x31: {  	[smem:$0x3FB3] =	sst s10  }
0x32: {  	s10 =	sld [smem:$0x3FB1];
	_ =	sdelay $0x3  }
0x33: {  	p0 =	seq.s32 s10, $0x1;
	s10 =	sld [smem:$0x3FB3];
	_ =	sdelay $0x3  }
0x34: {  	[smem:$0x3FB3] =	sst s10  }
0x35: {  	s10 =	sld [smem:$0x3FB2];
	_ =	sdelay $0x3  }
0x36: {  	p1 =	seq.s32 s10, $0x1;
	s10 =	sld [smem:$0x3FB3];
	_ =	sdelay $0x3  }
0x37: {  	[smem:$0x3FB3] =	sst s10  }
0x38: {  	s10 =	sld [smem:$0x3FB4]  }
0x39: {  	_ = 	snop;
	(pc) =	sbr.ind lr, $3  }
0x3a: {  	_ = 	snop  }
0x3b: {  	_ = 	snop  }
0x3c: {  	p2 =	seq.s32 s10, $0x1;
	s10 =	sld [smem:$0x3FB3]  }
0x3d: {  	_ =	shalt  }
0x3e: {  	_ =	shalt  }
0x3f: {  	_ =	shalt  }
0x40: {  	_ =	shalt  }
0x41: {  	_ =	shalt  }
0x42: {  	_ =	shalt  }
0x43: {  	_ =	shalt  }
0x44: {  	_ =	shalt  }
0x45: {  	_ =	shalt  }
0x46: {  	_ =	shalt  }
0x47: {  	_ =	shalt  }
0x48: {  	_ =	shalt  }
0x49: {  	_ =	shalt  }
0x4a: {  	_ =	shalt  }
0x4b: {  	_ =	shalt  }
0x4c: {  	_ =	shalt  }
0x4d: {  	_ =	shalt  }
0x4e: {  	_ =	shalt  }
0x4f: {  	_ =	shalt  }
0x50: {  	_ =	shalt  }
0x51: {  	_ =	shalt  }
0x52: {  	_ =	shalt  }
0x53: {  	_ =	shalt  }
0x54: {  	_ =	shalt  }
0x55: {  	_ =	shalt  }
0x56: {  	_ =	shalt  }
0x57: {  	_ =	shalt  }
0x58: {  	_ =	shalt  }
0x59: {  	_ =	shalt  }
0x5a: {  	_ =	shalt  }
0x5b: {  	_ =	shalt  }
0x5c: {  	_ =	shalt  }
0x5d: {  	_ =	shalt  }
0x5e: {  	_ =	shalt  }
0x5f: {  	_ =	shalt  }
0x60: {  	_ =	shalt  }
0x61: {  	_ =	shalt  }
0x62: {  	_ =	shalt  }
0x63: {  	_ =	shalt  }
0x64: {  	_ =	shalt  }
0x65: {  	_ =	shalt  }
0x66: {  	_ =	shalt  }
0x67: {  	_ =	shalt  }
0x68: {  	_ =	shalt  }
0x69: {  	_ =	shalt  }
0x6a: {  	_ =	shalt  }
0x6b: {  	_ =	shalt  }
0x6c: {  	_ =	shalt  }
0x6d: {  	_ =	shalt  }
0x6e: {  	_ =	shalt  }
0x6f: {  	_ =	shalt  }
0x70: {  	_ =	shalt  }
0x71: {  	_ =	shalt  }
0x72: {  	_ =	shalt  }
0x73: {  	_ =	shalt  }
0x74: {  	_ =	shalt  }
0x75: {  	_ =	shalt  }
0x76: {  	_ =	shalt  }
0x77: {  	_ =	shalt  }
0x78: {  	_ =	shalt  }
0x79: {  	_ =	shalt  }
0x7a: {  	_ =	shalt  }
0x7b: {  	_ =	shalt  }
0x7c: {  	_ =	shalt  }
0x7d: {  	_ =	shalt  }
0x7e: {  	_ =	shalt  }
0x7f: {  	_ =	shalt  }
0x80: {  	_ =	shalt  }
0x81: {  	_ =	shalt  }
0x82: {  	_ =	shalt  }
0x83: {  	_ =	shalt  }
0x84: {  	_ =	shalt  }
0x85: {  	_ =	shalt  }
0x86: {  	_ =	shalt  }
0x87: {  	_ =	shalt  }
.Lfunc_end0:
.L_simem_size_0:
called_computation_lowered:
.L_overlay_start_0:
0x88: {  	s2 =	sld [smem:$0x3FD9]  }
0x89: {  	s3 =	sld [smem:$0x3FFE];
	_ =	sdelay $0x1  }
0x8a: {  	s1 =	srdreg.scid  }
0x8b: {  	s0 =	sand.u32 $0x1, s1  }
0x8c: {  	s17 =	sshll.u32 s0, $0xA;
	s2 =	sadd.s32 s3, s2  }
0x8d: {  	s2 =	sadd.s32 s2, s17  }
0x8e: {  	[smem:$0x3FBF] =	sst s2  }
0x8f: {  	_ = 	snop  }
0x90: {  	s2 =	sld [smem:$0x3FC8]  }
0x91: {  	s18 =	sld [smem:$0x3FC6];
	(tm) =	ssettm $0x1  }
0x92: {  	s4 =	sld [smem:$0x3FFB];
	_ =	sdelay $0x3  }
0x93: {  	_ =	strace s4  }
0x94: {  	s4 =	sld [smem:$0x3FFC];
	_ =	sdelay $0x3  }
0x95: {  	_ =	strace s4  }
0x96: {  	s4 =	sld [smem:$0x3FFD];
	_ =	sdelay $0x3  }
0x97: {  	_ =	strace s4  }
0x98: {  	_ =	strace $0x8FFFFFFF  }
0x99: {  	s19 =	sld [smem:$0x3FDB];
	_ =	sdelay $0x1  }
0x9a: {  	s5 =	simm.s32 $_scs_section_size  }
0x9b: {  	s6 =	simm.s32 $_size__tile_overlayer_lowered;
	s7 =	simm.s32 $_tile_overlayer_lowered  }
0x9c: {  	s22 =	simm.s32 $0x1BFF;
	s21 =	sshll.u32 s7, $0x1;
	s4 =	sadd.s32 s5, s19  }
0x9d: {  	s8 =	simm.s32 $0x0;
	s20 =	sshll.u32 s6, $0x1;
	s6 =	sadd.s32 s21, s4  }
0x9e: {  	[timem:s8], [sflag:s22] =	dma.local [hbm:s6], s20  }
0x9f: {  	_ =	swait.ge [sflag:s22], s20  }
0xa0: {  	s5 =	ssub.s32 $0x0, s20;
	[sflag:s22] =	ssyncset.done $0x0  }
0xa1: {  	[sflag:s22] =	ssyncadd.s32 s5;
	_ =	sdelay $0x1  }
0xa2: {  	s23 =	simm.s32 $0x1B8B  }
0xa3: {  	_ =	swait.ge [sflag:s23], $0x1  }
0xa4: {  	[sflag:s23] =	ssyncset.done $0x0  }
0xa5: {  	s25 =	simm.s32 $0x1B8E;
	s24 =	sld [smem:$0x3FFE];
	[sflag:s23] =	ssyncadd.s32 $0xFFFFFFFF  }
0xa6: {  	s26 =	simm.s32 $execute0_lowered;
	[smem:$0x3FD2] =	sst s25  }
0xa7: {  	s6 =	sshll.u32 s26, $0x1;
	_ =	strace $0x80000046;
	[dreg:$0x1] =	wrdreg $0xFFFFFFFF  }
0xa8: {  	s28 =	simm.s32 $_size_execute0_lowered;
	s4 =	sadd.s32 s4, s6;
	[dreg:$0x0] =	wrdreg $0x0  }
0xa9: {  	s6 =	sshll.u32 s28, $0x1;
	[dreg:$0x2] =	wrdreg s4  }
0xaa: {  	[dreg:$0x3] =	wrdreg s6  }
0xab: {  	[dreg:$0x4] =	wrdreg $0xC0  }
0xac: {  	_ =	task [dreg:s8], $0x5FFFF  }
0xad: {  	[dreg:$0x1] =	wrdreg $0xFFFFFFFF  }
0xae: {  	[dreg:$0x0] =	wrdreg $0x60  }
0xaf: {  	[dreg:$0x2] =	wrdreg s2  }
0xb0: {  	[dreg:$0x3] =	wrdreg s18  }
0xb1: {  	[dreg:$0x4] =	wrdreg s24  }
0xb2: {  	[dreg:$0x5] =	wrdreg $0xA  }
0xb3: {  	_ =	task.clear_ibuf [dreg:s8], $0x6FFFF;
	_ =	strace $0x90000046  }
0xb4: {  	s29 =	simm.s32 $0xA;
	_ =	strace $0x80000048  }
0xb5: {  	_ =	swait.ge [sflag:s29], $0x1  }
0xb6: {  	[sflag:s29] =	ssyncadd.s32 $0xFFFFFFFF  }
0xb7: {  	_ =	strace $0x90000048  }
0xb8: {  	_ =	sfence  }
0xb9: {  	s30 =	sld [smem:$0x0];
	_ =	sdelay $0x2  }
0xba: {  	s31 =	sshll.u32 s1, $0xD;
	s1 =	sshrl.u32 s1, $0x2  }
0xbb: {  	s3 =	sand.u32 $0x4000, s31;
	s1 =	sadd.s32 s1, s30  }
0xbc: {  	s0 =	sor.u32 s3, s0;
	s1 =	sshll.u32 s1, $0x11  }
0xbd: {  	s0 =	sor.u32 s1, s0  }
0xbe: {  	s0 =	sadd.s32 $0x8F2B, s0  }
0xbf: {  	[sflag:s0] =	ssyncadd.remote.s32 $0x1  }
0xc0: {  	_ =	sfence.sel $0xFFFF  }
0xc1: {  	[dreg:$0x0] =	wrdreg $0xFFFFFFFF;
	(pc) =	sbr.abs _section_cstart, $3  }
0xc2: {  	[dreg:$0x1] =	wrdreg $0xFFFFFFFF  }
0xc3: {  	_ =	task.clear_ibuf [dreg:s8], $0x2FFFF;
	_ =	strace $0x9FFFFFFF  }
0xc4: {  	(tm) =	ssettm $0x7FFFFFFF  }
0xc5: {  	_ =	shalt  }
tec
execute0_lowered:
.L_overlay_start_1:
0x0: {  	(tag) =	ssettag $0x1  }
0x1: {  	s1 =	rddreg [dreg:$0x0];
	s0 =	stileid.u32  }
0x2: {  	s12 =	rddreg [dreg:$0x1];
	s13 =	smul.u32 $0xA0000, s0  }
0x3: {  	s2 =	srdreg.scid;
	s15 =	smul.u32 $0x1400, s0  }
0x4: {  	s4 =	rddreg [dreg:$0x2];
	s10 =	sand.u32 $0x1, s2;
	s28 =	smul.u32 $0x14000, s0  }
0x5: {  	s3 =	simm.s32 $0x0;
	s17 =	simm.s32 $0x2;
	s14 =	smul.u32 $0x50000, s10  }
0x6: {  	s18 =	simm.s32 $0x4100;
	s5 =	sshll.u32 s0, $0x1;
	s25 =	smul.u32 $0xA00, s10  }
0x7: {  	s2 =	rddreg [dreg:$0x3];
	s5 =	sor.u32 s10, s5;
	s16 =	smul.u32 $0xA000, s10  }
0x8: {  	s19 =	simm.s32 $0x0;
	[smem:$0x7FF] =	sst s3;
	s6 =	smul.u32 $0xA00, s5  }
0x9: {  	s11 =	sadd.s32 $0x2C00, s4;
	s8 =	ssub.s32 $0x2, s10;
	s7 =	smul.u32 $0x50000, s5  }
0xa: {  	_ =	strace $0x80000047;
	s9 =	smul.u32 $0xA000, s5;
	s22 =	sshrl.u32 s8, $0x1  }
0xb: {  	s23 =	ssub.s32 s8, s22;
	s13 =	sadd.s32 s14, s13;
	s26 =	sadd.s32 s25, s15  }
0xc: {  	s14 =	simm.s32 $0x1;
	s15 =	simm.s32 $0x100;
	s21 =	sshrl.u32 s6, $0x3  }
0xd: {  	s6 =	smax.u32 s23, $0x1;
	s7 =	sshrl.u32 s7, $0x3;
	s24 =	sadd.s32 s11, s9  }
0xe: {  	s13 =	sshrl.u32 s13, $0x3;
	s29 =	sor.u32 $0x180, s26;
	s31 =	sor.u32 $0x100, s26  }
0xf: {  	s4 =	sadd.s32 s12, s21;
	s7 =	sadd.s32 s11, s7;
	s8 =	sadd.s32 $0x9800, s24  }
0x10: {  	s9 =	sadd.s32 s13, s11;
	s30 =	sshrl.u32 s29, $0x3;
	s11 =	sadd.s32 s28, s11  }
0x11: {  	s13 =	sshrl.u32 s31, $0x3;
	s5 =	sadd.s32 $0x10, s4;
	s7 =	sadd.s32 $0x9000, s7  }
0x12: {  	s10 =	sadd.s32 s30, s12;
	s11 =	sadd.s32 s16, s11;
	s12 =	sadd.s32 s13, s12  }
0x13: {  	s13 =	simm.s32 $0x80;
	s16 =	simm.s32 $0x3;
	s11 =	sadd.s32 $0x800, s11  }
.LBB2_1:
0x14: {  	[tilespmem:s3], [sflag:$0x1] =	stream.linear.gather [hbm4b:s4+s3], $0x80, $0x38;
	[tilespmem:$0x8100] =	vst v63  }
0x15: {  	_ = 	snop  }
0x16: {  	[tilespmem:s13], [sflag:$0x2] =	stream.linear.gather [hbm4b:s5+s3], $0x80, $0x38;
	[tilespmem:$0x8100] =	vst v63  }
0x17: {  	_ =	swait.ge [sflag:s14], $0x80  }
0x18: {  	[sflag:s14] =	ssyncset.done $0x0  }
0x19: {  	[sflag:s14] =	ssyncadd.s32 $0xFFFFFF80  }
0x1a: {  	[tilespmem:s15], [sflag:$0x3] =	stream.indirect.gather [hbm4b:s1+s13], $0x80, s3, s13, $0xb8;
	[tilespmem:$0x8100] =	vst v63  }
0x1b: {  	_ =	swait.ge [sflag:s16], $0x4000  }
0x1c: {  	[sflag:s16] =	ssyncset.done $0x0  }
0x1d: {  	[sflag:s16] =	ssyncadd.s32 $0xFFFFC000  }
0x1e: {  	[hbm4b:s9+s3] =	stream.linear.scatter [tilespmem:s15], [sflag:$0x3], $0x4000, $0x38;
	[tilespmem:$0x8100] =	vst v63  }
0x1f: {  	_ =	swait.ge [sflag:s16], $0x4000  }
0x20: {  	[sflag:s16] =	ssyncset.done $0x0  }
0x21: {  	s20 =	sadd.s32 $0x0, s12;
	[sflag:s16] =	ssyncadd.s32 $0xFFFFC000  }
0x22: {  	[tilespmem:s3], [sflag:$0x1] =	stream.linear.gather [hbm4b:s20+s3], $0x80, $0x38;
	[tilespmem:$0x8100] =	vst v63  }
0x23: {  	_ =	swait.ge [sflag:s17], $0x80  }
0x24: {  	[sflag:s17] =	ssyncset.done $0x0  }
0x25: {  	[sflag:s17] =	ssyncadd.s32 $0xFFFFFF80  }
0x26: {  	[tilespmem:s18], [sflag:$0x3] =	stream.indirect.gather [hbm4b:s1+s13], $0x80, s13, s13, $0xb8;
	[tilespmem:$0x8100] =	vst v63  }
0x27: {  	_ =	swait.ge [sflag:s16], $0x4000  }
0x28: {  	[sflag:s16] =	ssyncset.done $0x0  }
0x29: {  	[sflag:s16] =	ssyncadd.s32 $0xFFFFC000  }
0x2a: {  	[hbm4b:s11+s3] =	stream.linear.scatter [tilespmem:s18], [sflag:$0x3], $0x4000, $0x38;
	[tilespmem:$0x8100] =	vst v63  }
0x2b: {  	_ =	swait.ge [sflag:s16], $0x4000  }
0x2c: {  	s21 =	sadd.s32 $0x1000, s11;
	s23 =	sadd.s32 $0x0, s10;
	[sflag:s16] =	ssyncset.done $0x0  }
0x2d: {  	s22 =	sadd.s32 $0x1000, s9;
	s20 =	simm.s32 $0x20;
	[sflag:s16] =	ssyncadd.s32 $0xFFFFC000  }
.LBB2_2:
0x2e: {  	[tilespmem:s13], [sflag:$0x2] =	stream.linear.gather [hbm4b:s23+s3], $0x80, $0x38;
	[tilespmem:$0x8100] =	vst v63  }
0x2f: {  	s23 =	smov.u32 s20  }
0x30: {  	p0 =	sne.s32 s20, $0x100;
	s20 =	sadd.s32 $0x20, s20;
	_ =	swait.ge [sflag:s14], $0x80  }
0x31: {  	[sflag:s14] =	ssyncset.done $0x0  }
0x32: {  	[sflag:s14] =	ssyncadd.s32 $0xFFFFFF80  }
0x33: {  	[tilespmem:s15], [sflag:$0x3] =	stream.indirect.gather [hbm4b:s1+s13], $0x80, s3, s13, $0xb8;
	[tilespmem:$0x8100] =	vst v63  }
0x34: {  	_ =	swait.ge [sflag:s16], $0x4000  }
0x35: {  	[sflag:s16] =	ssyncset.done $0x0  }
0x36: {  	[sflag:s16] =	ssyncadd.s32 $0xFFFFC000  }
0x37: {  	[hbm4b:s22+s3] =	stream.linear.scatter [tilespmem:s15], [sflag:$0x3], $0x4000, $0x38;
	[tilespmem:$0x8100] =	vst v63  }
0x38: {  	_ =	swait.ge [sflag:s16], $0x4000  }
0x39: {  	[sflag:s16] =	ssyncset.done $0x0  }
0x3a: {  	s24 =	sadd.s32 s23, s12;
	[sflag:s16] =	ssyncadd.s32 $0xFFFFC000  }
0x3b: {  	[tilespmem:s3], [sflag:$0x1] =	stream.linear.gather [hbm4b:s24+s3], $0x80, $0x38;
	[tilespmem:$0x8100] =	vst v63  }
0x3c: {  	_ =	swait.ge [sflag:s17], $0x80  }
0x3d: {  	[sflag:s17] =	ssyncset.done $0x0  }
0x3e: {  	[sflag:s17] =	ssyncadd.s32 $0xFFFFFF80  }
0x3f: {  	[tilespmem:s18], [sflag:$0x3] =	stream.indirect.gather [hbm4b:s1+s13], $0x80, s13, s13, $0xb8;
	[tilespmem:$0x8100] =	vst v63  }
0x40: {  	_ =	swait.ge [sflag:s16], $0x4000  }
0x41: {  	[sflag:s16] =	ssyncset.done $0x0  }
.Ltmp0:
0x42: {  	[sflag:s16] =	ssyncadd.s32 $0xFFFFC000;
	(pc) =	sbr.rel @p0 .LBB2_2-.Ltmp0, $4  }
0x43: {  	[hbm4b:s21+s3] =	stream.linear.scatter [tilespmem:s18], [sflag:$0x3], $0x4000, $0x38;
	[tilespmem:$0x8100] =	vst v63  }
0x44: {  	_ =	swait.ge [sflag:s16], $0x4000  }
0x45: {  	s21 =	sadd.s32 $0x1000, s21;
	[sflag:s16] =	ssyncset.done $0x0  }
0x46: {  	s23 =	sadd.s32 s23, s10;
	s22 =	sadd.s32 $0x1000, s22;
	[sflag:s16] =	ssyncadd.s32 $0xFFFFC000  }
0x47: {  	[tilespmem:s13], [sflag:$0x2] =	stream.linear.gather [hbm4b:s23+s3], $0x80, $0x38;
	[tilespmem:$0x8100] =	vst v63  }
0x48: {  	_ =	swait.ge [sflag:s14], $0x80  }
0x49: {  	[sflag:s14] =	ssyncset.done $0x0  }
0x4a: {  	[sflag:s14] =	ssyncadd.s32 $0xFFFFFF80  }
0x4b: {  	[tilespmem:s15], [sflag:$0x3] =	stream.indirect.gather [hbm4b:s1+s13], $0x80, s3, s13, $0xb8;
	[tilespmem:$0x8100] =	vst v63  }
0x4c: {  	_ =	swait.ge [sflag:s16], $0x4000  }
0x4d: {  	[sflag:s16] =	ssyncset.done $0x0  }
0x4e: {  	[sflag:s16] =	ssyncadd.s32 $0xFFFFC000  }
0x4f: {  	[hbm4b:s7+s3] =	stream.linear.scatter [tilespmem:s15], [sflag:$0x3], $0x4000, $0x38;
	[tilespmem:$0x8100] =	vst v63  }
0x50: {  	_ =	swait.ge [sflag:s16], $0x4000  }
0x51: {  	[sflag:s16] =	ssyncset.done $0x0  }
0x52: {  	[sflag:s16] =	ssyncadd.s32 $0xFFFFC000  }
0x53: {  	_ =	swait.ge [sflag:s17], $0x80  }
0x54: {  	[sflag:s17] =	ssyncset.done $0x0  }
0x55: {  	[sflag:s17] =	ssyncadd.s32 $0xFFFFFF80  }
0x56: {  	[tilespmem:s18], [sflag:$0x3] =	stream.indirect.gather [hbm4b:s1+s13], $0x80, s13, s13, $0xb8;
	[tilespmem:$0x8100] =	vst v63  }
0x57: {  	s19 =	sadd.s32 $0x1, s19;
	_ =	swait.ge [sflag:s16], $0x4000  }
0x58: {  	p0 =	sne.s32 s19, s6;
	[sflag:s16] =	ssyncset.done $0x0  }
.Ltmp1:
0x59: {  	[sflag:s16] =	ssyncadd.s32 $0xFFFFC000;
	(pc) =	sbr.rel @p0 .LBB2_1-.Ltmp1, $4  }
0x5a: {  	[hbm4b:s8+s3] =	stream.linear.scatter [tilespmem:s18], [sflag:$0x3], $0x4000, $0x38;
	[tilespmem:$0x8100] =	vst v63  }
0x5b: {  	_ =	swait.ge [sflag:s16], $0x4000  }
0x5c: {  	[sflag:s16] =	ssyncset.done $0x0  }
0x5d: {  	[sflag:s16] =	ssyncadd.s32 $0xFFFFC000  }
0x5e: {  	_ =	sfence.sel $0x180000  }
0x5f: {  	[bflag:$0x0] =	sbarrier.arrive $0xFFFF  }
0x60: {  	p0 =	sne.s32 s0, $0x0;
	_ =	strace $0x90000047  }
0x61: {  	s0 =	sadd.s32 @!p0 $0x100000, s2;
	[bflag:$0x2] =	sbarrier.arrive $0xFFFF  }
0x62: {  	[sflag:s0] =	ssyncadd.tile.s32 @!p0 $0x1;
	_ =	shalt  }
.Lfunc_end2:
_tile_overlayer_lowered:
.L_overlay_start_2:
0x63: {  	(tag) =	ssettag $0x2  }
0x64: {  	s0 =	rddreg [dreg:$0x0];
	s2 =	stileid.u32  }
0x65: {  	s1 =	rddreg [dreg:$0x1];
	p0 =	sne.s32 s2, $0x0  }
0x66: {  	s3 =	rddreg [dreg:$0x2];
	[bflag:$0x3] =	sbarrier.arrive $0xFFFF;
	s2 =	simm.s32 @!p0 $0x1C03  }
0x67: {  	[timem:s3], [sflag:s2] =	dma.local @!p0 [hbm:s0], s1  }
0x68: {  	s0 =	simm.s32 @!p0 $0x3  }
0x69: {  	_ =	swait.ge @!p0 [sflag:s0], s1  }
0x6a: {  	s1 =	ssub.s32 @!p0 $0x0, s1;
	[sflag:s0] =	ssyncset.done @!p0 $0x0  }
0x6b: {  	[sflag:s0] =	ssyncadd.s32 @!p0 s1  }
0x6c: {  	[bflag:$0x3] =	sbarrier.arrive $0xFFFF  }
0x6d: {  	_ =	shalt  }

</sc_bundles>
